<compile_context>
chip_gen: v7x
topology: tpu7x:2x2x1
jax: 0.10.2.dev20260603
libtpu: 0.0.44.dev20260713+nightly
codegen_flags: <defaults>
</compile_context>

<pallas_src>
import jax
import jax.numpy as jnp
from jax import lax
from jax.experimental import pallas as pl
from jax.experimental.pallas import tpu as pltpu
from jax.experimental.pallas import tpu_sc as plsc

NN = 10000
NPAD = 10240
DD = 128
SS = 256
EE = 320000
NCORE = 2
NSUB = 16
NW = NCORE * NSUB
DEG_CH = 79
AGG_CW = 64
AGG_CH = 320
AGG_IB = 32
AGG_RG = 4
BLK = 2048
NB = NPAD // BLK
_PREC = lax.Precision.HIGHEST

import functools


@functools.cache
def _sc_mesh():
    return plsc.VectorSubcoreMesh(core_axis_name="c", subcore_axis_name="s",
                                  num_cores=NCORE, num_subcores=NSUB)



def _deg_body(dsti_hbm, out_hbm, idx_v, ones_v, zbuf, hist_sh):
    c = lax.axis_index("c")
    s = lax.axis_index("s")
    w = c * NSUB + s
    pltpu.sync_copy(dsti_hbm.at[w], idx_v)

    def fill_ones(i, carry):
        ones_v[pl.ds(i * 16, 16)] = jnp.ones((16,), jnp.float32)
        return carry
    lax.fori_loop(0, 128 // 16, fill_ones, 0)

    def zero_z(i, carry):
        zbuf[pl.ds(i * 16, 16)] = jnp.zeros((16,), jnp.float32)
        return carry
    lax.fori_loop(0, NPAD // NSUB // 16, zero_z, 0)

    seg = NPAD // NSUB
    pltpu.sync_copy(zbuf, hist_sh.at[pl.ds(s * seg, seg)])
    plsc.subcore_barrier()

    def scat(j, carry):
        pltpu.sync_copy(ones_v, hist_sh.at[idx_v.at[j]], add=True)
        return carry
    lax.fori_loop(0, DEG_CH, scat, 0)
    plsc.subcore_barrier()

    pltpu.sync_copy(hist_sh.at[pl.ds(s * seg, seg)], zbuf)
    pltpu.sync_copy(zbuf, out_hbm.at[pl.ds(c * NPAD + s * seg, seg)])


@functools.cache
def _deg_kernel():
    return pl.kernel(
        _deg_body,
        out_type=jax.ShapeDtypeStruct((NCORE * NPAD,), jnp.float32),
        mesh=_sc_mesh(),
        scratch_types=[
            pltpu.VMEM((DEG_CH, 128), jnp.int32),
            pltpu.VMEM((128,), jnp.float32),
            pltpu.VMEM((NPAD // NSUB,), jnp.float32),
            pltpu.VMEM_SHARED((NPAD,), jnp.float32),
        ],
    )


def _deg_call(dstw):
    return _deg_kernel()(dstw)



def _enc_body(f2_ref, w_ref, degp_ref, tt_ref, dinv_ref):
    x = f2_ref[0]
    h = lax.dot_general(x, w_ref[...], (((1,), (0,)), ((), ())),
                        preferred_element_type=jnp.float32, precision=_PREC)
    deg = jnp.sum(degp_ref[...], axis=0) + 1.0
    dinv = lax.rsqrt(deg)
    tt_ref[0] = h * dinv[:, None]
    dinv_ref[...] = dinv


def _enc_call(f2, w, degp):
    return pl.pallas_call(
        _enc_body,
        grid=(NCORE, NB),
        in_specs=[
            pl.BlockSpec((1, BLK, DD), lambda c, i: (c, i, 0)),
            pl.BlockSpec((DD, DD), lambda c, i: (0, 0)),
            pl.BlockSpec((NCORE, BLK), lambda c, i: (0, i)),
        ],
        out_specs=[
            pl.BlockSpec((1, BLK, DD), lambda c, i: (c, i, 0)),
            pl.BlockSpec((BLK,), lambda c, i: (i,)),
        ],
        out_shape=[
            jax.ShapeDtypeStruct((NCORE, NPAD, DD), jnp.float32),
            jax.ShapeDtypeStruct((NPAD,), jnp.float32),
        ],
    )(f2, w, degp)



def _agg_body(tt_hbm, zi_hbm, zz_hbm, out_hbm,
              ib0, ib1, gb0, gb1, gb2, gb3, acc_sh,
              isem0, isem1, gsem0, gsem1, gsem2, gsem3,
              ssem0, ssem1, ssem2, ssem3):
    c = lax.axis_index("c")
    s = lax.axis_index("s")
    w = c * NSUB + s
    ibufs = (ib0, ib1)
    isems = (isem0, isem1)
    gbufs = (gb0, gb1, gb2, gb3)
    gsems = (gsem0, gsem1, gsem2, gsem3)
    ssems = (ssem0, ssem1, ssem2, ssem3)
    nblk = AGG_CH // AGG_IB
    ibr = 2 * AGG_IB

    pltpu.sync_copy(zz_hbm.at[pl.ds(0, AGG_CW)], gb0)
    base = s * (NPAD // NSUB)
    zd = []
    for k in range(NPAD // NSUB // AGG_CW):
        zd.append(pltpu.async_copy(
            gb0, acc_sh.at[pl.ds(base + k * AGG_CW, AGG_CW)], ssem0))
    for d in zd:
        d.wait()

    row0 = w * nblk * ibr
    pltpu.sync_copy(zi_hbm.at[pl.ds(row0, ibr)], ib0)
    pltpu.async_copy(zi_hbm.at[pl.ds(row0 + ibr, ibr)], ib1, isems[1])
    plsc.subcore_barrier()

    def blockbody(tb, ibuf, isem):
        gd = [None] * AGG_IB
        sd = [None] * AGG_IB
        for p in range(AGG_RG - 1):
            gd[p] = pltpu.async_copy(tt_hbm.at[ibuf.at[p]], gbufs[p], gsems[p])
        for jj in range(AGG_IB):
            b = jj % AGG_RG
            gd[jj].wait()
            sd[jj] = pltpu.async_copy(gbufs[b], acc_sh.at[ibuf.at[AGG_IB + jj]],
                                      ssems[b], add=True)
            nj = jj + AGG_RG - 1
            if nj < AGG_IB:
                nb = nj % AGG_RG
                if jj >= 1:
                    sd[jj - 1].wait()
                gd[nj] = pltpu.async_copy(tt_hbm.at[ibuf.at[nj]],
                                          gbufs[nb], gsems[nb])

        for p in range(AGG_RG):
            sd[AGG_IB - AGG_RG + p].wait()

        @pl.when(tb + 2 < nblk)
        def _pf():
            pltpu.async_copy(zi_hbm.at[pl.ds(row0 + (tb + 2) * ibr, ibr)],
                             ibuf, isem)

    def step2(t2, carry):
        for p in range(2):
            tb = t2 * 2 + p
            @pl.when(tb > 0)
            def _wt():
                pltpu.make_async_copy(
                    zi_hbm.at[pl.ds(row0 + tb * ibr, ibr)],
                    ibufs[p], isems[p]).wait()
            blockbody(tb, ibufs[p], isems[p])
        return carry
    lax.fori_loop(0, AGG_CH // AGG_IB // 2, step2, 0)
    plsc.subcore_barrier()

    nwo = NPAD // NSUB // AGG_CW
    rd = [None] * nwo
    wd = [None] * nwo
    for k in range(nwo):
        b = k % AGG_RG
        if k >= AGG_RG:
            wd[k - AGG_RG].wait()
        rd[k] = pltpu.async_copy(acc_sh.at[pl.ds(base + k * AGG_CW, AGG_CW)],
                                 gbufs[b], gsems[b])
        rd[k].wait()
        wd[k] = pltpu.async_copy(
            gbufs[b], out_hbm.at[pl.ds(c * NPAD + base + k * AGG_CW, AGG_CW)],
            ssems[b])
    for k in range(nwo - AGG_RG, nwo):
        wd[k].wait()


@functools.cache
def _agg_kernel():
    return pl.kernel(
        _agg_body,
        out_type=jax.ShapeDtypeStruct((NCORE * NPAD, DD), jnp.float32),
        mesh=_sc_mesh(),
        scratch_types=(
            [pltpu.VMEM((2 * AGG_IB, AGG_CW), jnp.int32)] * 2
            + [pltpu.VMEM((AGG_CW, DD), jnp.float32)] * AGG_RG
            + [pltpu.VMEM_SHARED((NPAD, DD), jnp.float32)]
            + [pltpu.SemaphoreType.DMA] * (2 + 2 * AGG_RG)
        ),
    )


def _agg_call(tt_flat, zi, zz):
    return _agg_kernel()(tt_flat, zi, zz)



def _tail_body(hs_ref, g_ref, p_ref, q_ref, dinv_ref, ids_ref, b_ref, norm_ref,
               plo_ref, nlo_ref, posv, negv, gsumv):
    i = pl.program_id(0)
    blk = lax.rem(i, NB)
    oh = (ids_ref[...][:, None]
          == lax.broadcasted_iota(jnp.int32, (BLK, SS), 1)).astype(jnp.float32)

    @pl.when(i < NB)
    def _phase0():
        dv = dinv_ref[...][:, None]
        bb = b_ref[...][None, :]
        pos = jnp.maximum(dv * (p_ref[...] + hs_ref[0]) + bb, 0.0)
        neg = jnp.maximum(dv * (q_ref[...] + g_ref[0]) + bb, 0.0)
        posv[pl.ds(blk * BLK, BLK), :] = pos
        negv[pl.ds(blk * BLK, BLK), :] = neg
        contrib = lax.dot_general(oh, pos, (((0,), (0,)), ((), ())),
                                  preferred_element_type=jnp.float32,
                                  precision=_PREC)

        @pl.when(i == 0)
        def _init():
            gsumv[...] = contrib

        @pl.when(i > 0)
        def _acc():
            gsumv[...] = gsumv[...] + contrib

        plo_ref[...] = jnp.zeros((BLK,), jnp.float32)
        nlo_ref[...] = jnp.zeros((BLK,), jnp.float32)

    @pl.when(i >= NB)
    def _phase1():
        act = jax.nn.sigmoid(gsumv[...] / norm_ref[...])
        summ = lax.dot_general(oh, act, (((1,), (0,)), ((), ())),
                               preferred_element_type=jnp.float32,
                               precision=_PREC)
        ps = jnp.sum(posv[pl.ds(blk * BLK, BLK), :] * summ, axis=1)
        ns = jnp.sum(negv[pl.ds(blk * BLK, BLK), :] * summ, axis=1)
        plo_ref[...] = jnp.maximum(-ps, 0.0) + jnp.log1p(jnp.exp(-jnp.abs(ps)))
        nlo_ref[...] = jnp.maximum(ns, 0.0) + jnp.log1p(jnp.exp(-jnp.abs(ns)))


def _tail_call(tt, acc, dinv, ids_pad, b, norm):
    return pl.pallas_call(
        _tail_body,
        grid=(2 * NB,),
        in_specs=[
            pl.BlockSpec((1, BLK, DD), lambda i: (0, i % NB, 0)),
            pl.BlockSpec((1, BLK, DD), lambda i: (1, i % NB, 0)),
            pl.BlockSpec((BLK, DD), lambda i: (i % NB, 0)),
            pl.BlockSpec((BLK, DD), lambda i: (NB + i % NB, 0)),
            pl.BlockSpec((BLK,), lambda i: (i % NB,)),
            pl.BlockSpec((BLK,), lambda i: (i % NB,)),
            pl.BlockSpec((DD,), lambda i: (0,)),
            pl.BlockSpec((SS, 1), lambda i: (0, 0)),
        ],
        out_specs=[
            pl.BlockSpec((BLK,), lambda i: (i % NB,)),
            pl.BlockSpec((BLK,), lambda i: (i % NB,)),
        ],
        out_shape=[
            jax.ShapeDtypeStruct((NPAD,), jnp.float32),
            jax.ShapeDtypeStruct((NPAD,), jnp.float32),
        ],
        scratch_shapes=[
            pltpu.VMEM((NPAD, DD), jnp.float32),
            pltpu.VMEM((NPAD, DD), jnp.float32),
            pltpu.VMEM((SS, DD), jnp.float32),
        ],
    )(tt, tt, acc, acc, dinv, ids_pad, b, norm)



def kernel(features, edge_index, nodeSubGraph, subGraphNorm, nodeList, W, b):
    del nodeList
    src = edge_index[0].astype(jnp.int32)
    dst = edge_index[1].astype(jnp.int32)
    ids = nodeSubGraph.astype(jnp.int32)

    perm = jax.random.permutation(jax.random.key(1), NN)

    epw = EE // NW
    dstw = jnp.pad(dst.reshape(NW, epw), ((0, 0), (0, DEG_CH * 128 - epw)),
                   constant_values=NN)
    degp = _deg_call(dstw.reshape(NW, DEG_CH, 128)).reshape(NCORE, NPAD)

    f2 = jnp.zeros((NCORE, NPAD, DD), jnp.float32)
    f2 = f2.at[0, :NN].set(features).at[1, :NN].set(features[perm])
    tt, dinv = _enc_call(f2, W.astype(jnp.float32), degp)

    ept = EE // NSUB
    epad = AGG_CH * AGG_CW - ept
    srcp = jnp.pad(src.reshape(NSUB, ept), ((0, 0), (0, epad)),
                   constant_values=NN)
    dstp = jnp.pad(dst.reshape(NSUB, ept), ((0, 0), (0, epad)),
                   constant_values=NN)
    nblk = AGG_CH // AGG_IB
    srci = jnp.concatenate([srcp, srcp + NPAD], axis=0).reshape(
        NW, nblk, AGG_IB, AGG_CW)
    dsti = jnp.concatenate([dstp, dstp], axis=0).reshape(
        NW, nblk, AGG_IB, AGG_CW)
    zi = jnp.concatenate([srci, dsti], axis=2).reshape(-1, AGG_CW)
    zz = jnp.zeros((128, DD), jnp.float32)
    acc = _agg_call(tt.reshape(NCORE * NPAD, DD), zi, zz)

    ids_pad = jnp.pad(ids, (0, NPAD - NN), constant_values=SS)
    plo, nlo = _tail_call(tt, acc, dinv, ids_pad, b.astype(jnp.float32),
                          subGraphNorm.astype(jnp.float32))
    return plo[:NN], nlo[:NN]

# --- scband reference (transcript-rebuilt; emitter-appended) ---
"""Pipeline reference for scband-dgi-82755429859804 (READ-ONLY COPY).

The authoritative reference and input builder live on the scoring server;
editing this copy changes nothing except your own understanding.
"""

import jax, jax.numpy as jnp
import numpy as np

N_NODES = 10000
N_EDGES = 320000
D_FEAT = 128
N_HIDDEN = 128
N_SUBG = 256


def setup_inputs(seed: int = 0) -> dict:
    key = jax.random.key(seed)
    k1, k2, k3, k4 = jax.random.split(key, 4)
    features = jax.random.normal(k1, (N_NODES, D_FEAT), dtype=jnp.float32)
    edge_index = jax.random.randint(k2, (2, N_EDGES), 0, N_NODES, dtype=jnp.int64)
    nodeSubGraph = jax.random.randint(k3, (N_NODES,), 0, N_SUBG, dtype=jnp.int64)
    # subGraphNorm = number of nodes in each subgraph (denominator for mean pooling)
    counts = jnp.bincount(nodeSubGraph, length=N_SUBG).astype(jnp.float32)
    subGraphNorm = jnp.clip(counts, 1.0, None).reshape(N_SUBG, 1)
    nodeList = jnp.arange(N_NODES, dtype=jnp.int64)
    # GCN parameters (xavier uniform weight, zero bias)
    bound = float(np.sqrt(6.0 / (D_FEAT + N_HIDDEN)))
    W = jax.random.uniform(k4, (D_FEAT, N_HIDDEN), dtype=jnp.float32, minval=-bound, maxval=bound)
    b = jnp.zeros((N_HIDDEN,), dtype=jnp.float32)
    return {
        "features": features,
        "edge_index": edge_index,
        "nodeSubGraph": nodeSubGraph,
        "subGraphNorm": subGraphNorm,
        "nodeList": nodeList,
        "W": W,
        "b": b,
    }


def reference(features, edge_index, nodeSubGraph, subGraphNorm, nodeList, W, b):
    N = features.shape[0]
    S = subGraphNorm.shape[0]
    src = edge_index[0]
    dst = edge_index[1]

    def gcn(x):
        # one-layer GCN with symmetric normalization and self-loops
        h = x @ W
        deg = jnp.zeros((N,), dtype=jnp.float32).at[dst].add(1.0) + 1.0
        dinv = jax.lax.rsqrt(deg)
        coef = (dinv[src] * dinv[dst])[:, None]
        agg = jnp.zeros_like(h).at[dst].add(h[src] * coef)
        agg = agg + h * (dinv * dinv)[:, None]  # self-loop term
        return jax.nn.relu(agg + b)

    # positive: encoder on clean features; negative: row-permuted (corrupted) features
    perm = jax.random.permutation(jax.random.key(1), N)
    positive = gcn(features)
    negative = gcn(features[perm])

    # graphEmbeddings = sparse.mm(subGraphAdj, positive) / subGraphNorm
    # subGraphAdj is the {0,1} membership matrix [S, N] -> equivalent segment_sum
    graphEmb = jax.ops.segment_sum(positive, nodeSubGraph, num_segments=S) / subGraphNorm
    graphEmb = jax.nn.sigmoid(graphEmb)  # graphAct

    summary = graphEmb[nodeSubGraph]
    positive_score = jnp.sum(positive * summary, axis=1)
    negative_score = jnp.sum(negative * summary, axis=1)

    # BCEWithLogitsLoss(reduction='none'): target=1 -> softplus(-x); target=0 -> softplus(x)
    pos_loss = jax.nn.softplus(-positive_score)
    neg_loss = jax.nn.softplus(negative_score)
    return (pos_loss, neg_loss)

if __name__ == "__main__":
    import jax
    _d = setup_inputs()
    print(jax.jit(kernel)(*tuple(_d.values())))

</pallas_src>

<mosaic_0001>
#map = affine_map<(d0, d1) -> (0, 0)>
module attributes {stable_mosaic.version = 14 : i64} {
  func.func @_agg_body(%arg0: i32, %arg1: i32, %arg2: memref<20480x128xf32, #tpu.memory_space<hbm>>, %arg3: memref<20480x64xi32, #tpu.memory_space<hbm>>, %arg4: memref<128x128xf32, #tpu.memory_space<hbm>>, %arg5: memref<20480x128xf32, #tpu.memory_space<hbm>>, %arg6: memref<64x64xi32, #tpu.memory_space<vmem>>, %arg7: memref<64x64xi32, #tpu.memory_space<vmem>>, %arg8: memref<64x128xf32, #tpu.memory_space<vmem>>, %arg9: memref<64x128xf32, #tpu.memory_space<vmem>>, %arg10: memref<64x128xf32, #tpu.memory_space<vmem>>, %arg11: memref<64x128xf32, #tpu.memory_space<vmem>>, %arg12: memref<10240x128xf32, #tpu.memory_space<vmem_shared>>, %arg13: memref<!tpu.dma_semaphore, #tpu.memory_space<semaphore_mem>>, %arg14: memref<!tpu.dma_semaphore, #tpu.memory_space<semaphore_mem>>, %arg15: memref<!tpu.dma_semaphore, #tpu.memory_space<semaphore_mem>>, %arg16: memref<!tpu.dma_semaphore, #tpu.memory_space<semaphore_mem>>, %arg17: memref<!tpu.dma_semaphore, #tpu.memory_space<semaphore_mem>>, %arg18: memref<!tpu.dma_semaphore, #tpu.memory_space<semaphore_mem>>, %arg19: memref<!tpu.dma_semaphore, #tpu.memory_space<semaphore_mem>>, %arg20: memref<!tpu.dma_semaphore, #tpu.memory_space<semaphore_mem>>, %arg21: memref<!tpu.dma_semaphore, #tpu.memory_space<semaphore_mem>>, %arg22: memref<!tpu.dma_semaphore, #tpu.memory_space<semaphore_mem>>) attributes {dimension_semantics = [#tpu.dimension_semantics<core_parallel>, #tpu.dimension_semantics<subcore_parallel>], iteration_bounds = array<i64: 2, 16>, scalar_prefetch = 0 : i64, scratch_operands = 17 : i64, tpu.core_type = #tpu.core_type<sc_vector_subcore>, window_params = [{transform_indices = #map}, {transform_indices = #map}, {transform_indices = #map}, {transform_indices = #map}]} {
    %mul3A = arith.constant 16 : i32
    %mul3A_0 = arith.muli %arg0, %mul3A : i32
    %add3A = arith.addi %mul3A_0, %arg1 : i32
    "tpu.region"() ({
      %run_scoped3A = tpu.sem_alloc : memref<!tpu.dma_semaphore, #tpu.memory_space<semaphore_mem>>
      %dma_start3A_347 = arith.constant 0 : i32
      %dma_start3A_348 = arith.constant 0 : i32
      %dma_start3A_349 = tpu.memref_slice %arg4[%dma_start3A_347, %dma_start3A_348] : memref<128x128xf32, #tpu.memory_space<hbm>> -> memref<64x128xf32, #tpu.memory_space<hbm>>
      %dma_start3A_350 = arith.constant 0 : i32
      %dma_start3A_351 = arith.constant 0 : i32
      %dma_start3A_352 = tpu.memref_slice %arg4[%dma_start3A_350, %dma_start3A_351] : memref<128x128xf32, #tpu.memory_space<hbm>> -> memref<64x128xf32, #tpu.memory_space<hbm>>
      tpu.enqueue_dma source(%dma_start3A_352 : memref<64x128xf32, #tpu.memory_space<hbm>>) target(%arg8 : memref<64x128xf32, #tpu.memory_space<vmem>>) target_semaphore(%run_scoped3A : memref<!tpu.dma_semaphore, #tpu.memory_space<semaphore_mem>>)
      %dma_wait3A_353 = arith.constant 0 : i32
      %dma_wait3A_354 = arith.constant 0 : i32
      %dma_wait3A_355 = tpu.memref_slice %arg4[%dma_wait3A_353, %dma_wait3A_354] : memref<128x128xf32, #tpu.memory_space<hbm>> -> memref<64x128xf32, #tpu.memory_space<hbm>>
      %dma_wait3A_356 = arith.constant 0 : i32
      %dma_wait3A_357 = arith.constant 0 : i32
      %dma_wait3A_358 = tpu.memref_slice %arg4[%dma_wait3A_356, %dma_wait3A_357] : memref<128x128xf32, #tpu.memory_space<hbm>> -> memref<64x128xf32, #tpu.memory_space<hbm>>
      tpu.wait_dma2 semaphore(%run_scoped3A : memref<!tpu.dma_semaphore, #tpu.memory_space<semaphore_mem>>) src(%dma_wait3A_358 : memref<64x128xf32, #tpu.memory_space<hbm>>) dst(%arg8 : memref<64x128xf32, #tpu.memory_space<vmem>>)
      tpu.yield
    }) : () -> ()
    %mul3A_1 = arith.constant 640 : i32
    %mul3A_2 = arith.muli %arg1, %mul3A_1 : i32
    %add3A_3 = arith.constant 0 : i32
    %add3A_4 = arith.addi %mul3A_2, %add3A_3 : i32
    %dma_start3A = arith.constant 0 : i32
    %dma_start3A_5 = tpu.memref_slice %arg12[%add3A_4, %dma_start3A] : memref<10240x128xf32, #tpu.memory_space<vmem_shared>> -> memref<64x128xf32, #tpu.memory_space<vmem_shared>>
    %dma_start3A_6 = arith.constant 0 : i32
    %dma_start3A_7 = tpu.memref_slice %arg12[%add3A_4, %dma_start3A_6] : memref<10240x128xf32, #tpu.memory_space<vmem_shared>> -> memref<64x128xf32, #tpu.memory_space<vmem_shared>>
    tpu.enqueue_dma source(%arg8 : memref<64x128xf32, #tpu.memory_space<vmem>>) target(%dma_start3A_7 : memref<64x128xf32, #tpu.memory_space<vmem_shared>>) target_semaphore(%arg19 : memref<!tpu.dma_semaphore, #tpu.memory_space<semaphore_mem>>)
    %add3A_8 = arith.constant 64 : i32
    %add3A_9 = arith.addi %mul3A_2, %add3A_8 : i32
    %dma_start3A_10 = arith.constant 0 : i32
    %dma_start3A_11 = tpu.memref_slice %arg12[%add3A_9, %dma_start3A_10] : memref<10240x128xf32, #tpu.memory_space<vmem_shared>> -> memref<64x128xf32, #tpu.memory_space<vmem_shared>>
    %dma_start3A_12 = arith.constant 0 : i32
    %dma_start3A_13 = tpu.memref_slice %arg12[%add3A_9, %dma_start3A_12] : memref<10240x128xf32, #tpu.memory_space<vmem_shared>> -> memref<64x128xf32, #tpu.memory_space<vmem_shared>>
    tpu.enqueue_dma source(%arg8 : memref<64x128xf32, #tpu.memory_space<vmem>>) target(%dma_start3A_13 : memref<64x128xf32, #tpu.memory_space<vmem_shared>>) target_semaphore(%arg19 : memref<!tpu.dma_semaphore, #tpu.memory_space<semaphore_mem>>)
    %add3A_14 = arith.constant 128 : i32
    %add3A_15 = arith.addi %mul3A_2, %add3A_14 : i32
    %dma_start3A_16 = arith.constant 0 : i32
    %dma_start3A_17 = tpu.memref_slice %arg12[%add3A_15, %dma_start3A_16] : memref<10240x128xf32, #tpu.memory_space<vmem_shared>> -> memref<64x128xf32, #tpu.memory_space<vmem_shared>>
    %dma_start3A_18 = arith.constant 0 : i32
    %dma_start3A_19 = tpu.memref_slice %arg12[%add3A_15, %dma_start3A_18] : memref<10240x128xf32, #tpu.memory_space<vmem_shared>> -> memref<64x128xf32, #tpu.memory_space<vmem_shared>>
    tpu.enqueue_dma source(%arg8 : memref<64x128xf32, #tpu.memory_space<vmem>>) target(%dma_start3A_19 : memref<64x128xf32, #tpu.memory_space<vmem_shared>>) target_semaphore(%arg19 : memref<!tpu.dma_semaphore, #tpu.memory_space<semaphore_mem>>)
    %add3A_20 = arith.constant 192 : i32
    %add3A_21 = arith.addi %mul3A_2, %add3A_20 : i32
    %dma_start3A_22 = arith.constant 0 : i32
    %dma_start3A_23 = tpu.memref_slice %arg12[%add3A_21, %dma_start3A_22] : memref<10240x128xf32, #tpu.memory_space<vmem_shared>> -> memref<64x128xf32, #tpu.memory_space<vmem_shared>>
    %dma_start3A_24 = arith.constant 0 : i32
    %dma_start3A_25 = tpu.memref_slice %arg12[%add3A_21, %dma_start3A_24] : memref<10240x128xf32, #tpu.memory_space<vmem_shared>> -> memref<64x128xf32, #tpu.memory_space<vmem_shared>>
    tpu.enqueue_dma source(%arg8 : memref<64x128xf32, #tpu.memory_space<vmem>>) target(%dma_start3A_25 : memref<64x128xf32, #tpu.memory_space<vmem_shared>>) target_semaphore(%arg19 : memref<!tpu.dma_semaphore, #tpu.memory_space<semaphore_mem>>)
    %add3A_26 = arith.constant 256 : i32
    %add3A_27 = arith.addi %mul3A_2, %add3A_26 : i32
    %dma_start3A_28 = arith.constant 0 : i32
    %dma_start3A_29 = tpu.memref_slice %arg12[%add3A_27, %dma_start3A_28] : memref<10240x128xf32, #tpu.memory_space<vmem_shared>> -> memref<64x128xf32, #tpu.memory_space<vmem_shared>>
    %dma_start3A_30 = arith.constant 0 : i32
    %dma_start3A_31 = tpu.memref_slice %arg12[%add3A_27, %dma_start3A_30] : memref<10240x128xf32, #tpu.memory_space<vmem_shared>> -> memref<64x128xf32, #tpu.memory_space<vmem_shared>>
    tpu.enqueue_dma source(%arg8 : memref<64x128xf32, #tpu.memory_space<vmem>>) target(%dma_start3A_31 : memref<64x128xf32, #tpu.memory_space<vmem_shared>>) target_semaphore(%arg19 : memref<!tpu.dma_semaphore, #tpu.memory_space<semaphore_mem>>)
    %add3A_32 = arith.constant 320 : i32
    %add3A_33 = arith.addi %mul3A_2, %add3A_32 : i32
    %dma_start3A_34 = arith.constant 0 : i32
    %dma_start3A_35 = tpu.memref_slice %arg12[%add3A_33, %dma_start3A_34] : memref<10240x128xf32, #tpu.memory_space<vmem_shared>> -> memref<64x128xf32, #tpu.memory_space<vmem_shared>>
    %dma_start3A_36 = arith.constant 0 : i32
    %dma_start3A_37 = tpu.memref_slice %arg12[%add3A_33, %dma_start3A_36] : memref<10240x128xf32, #tpu.memory_space<vmem_shared>> -> memref<64x128xf32, #tpu.memory_space<vmem_shared>>
    tpu.enqueue_dma source(%arg8 : memref<64x128xf32, #tpu.memory_space<vmem>>) target(%dma_start3A_37 : memref<64x128xf32, #tpu.memory_space<vmem_shared>>) target_semaphore(%arg19 : memref<!tpu.dma_semaphore, #tpu.memory_space<semaphore_mem>>)
    %add3A_38 = arith.constant 384 : i32
    %add3A_39 = arith.addi %mul3A_2, %add3A_38 : i32
    %dma_start3A_40 = arith.constant 0 : i32
    %dma_start3A_41 = tpu.memref_slice %arg12[%add3A_39, %dma_start3A_40] : memref<10240x128xf32, #tpu.memory_space<vmem_shared>> -> memref<64x128xf32, #tpu.memory_space<vmem_shared>>
    %dma_start3A_42 = arith.constant 0 : i32
    %dma_start3A_43 = tpu.memref_slice %arg12[%add3A_39, %dma_start3A_42] : memref<10240x128xf32, #tpu.memory_space<vmem_shared>> -> memref<64x128xf32, #tpu.memory_space<vmem_shared>>
    tpu.enqueue_dma source(%arg8 : memref<64x128xf32, #tpu.memory_space<vmem>>) target(%dma_start3A_43 : memref<64x128xf32, #tpu.memory_space<vmem_shared>>) target_semaphore(%arg19 : memref<!tpu.dma_semaphore, #tpu.memory_space<semaphore_mem>>)
    %add3A_44 = arith.constant 448 : i32
    %add3A_45 = arith.addi %mul3A_2, %add3A_44 : i32
    %dma_start3A_46 = arith.constant 0 : i32
    %dma_start3A_47 = tpu.memref_slice %arg12[%add3A_45, %dma_start3A_46] : memref<10240x128xf32, #tpu.memory_space<vmem_shared>> -> memref<64x128xf32, #tpu.memory_space<vmem_shared>>
    %dma_start3A_48 = arith.constant 0 : i32
    %dma_start3A_49 = tpu.memref_slice %arg12[%add3A_45, %dma_start3A_48] : memref<10240x128xf32, #tpu.memory_space<vmem_shared>> -> memref<64x128xf32, #tpu.memory_space<vmem_shared>>
    tpu.enqueue_dma source(%arg8 : memref<64x128xf32, #tpu.memory_space<vmem>>) target(%dma_start3A_49 : memref<64x128xf32, #tpu.memory_space<vmem_shared>>) target_semaphore(%arg19 : memref<!tpu.dma_semaphore, #tpu.memory_space<semaphore_mem>>)
    %add3A_50 = arith.constant 512 : i32
    %add3A_51 = arith.addi %mul3A_2, %add3A_50 : i32
    %dma_start3A_52 = arith.constant 0 : i32
    %dma_start3A_53 = tpu.memref_slice %arg12[%add3A_51, %dma_start3A_52] : memref<10240x128xf32, #tpu.memory_space<vmem_shared>> -> memref<64x128xf32, #tpu.memory_space<vmem_shared>>
    %dma_start3A_54 = arith.constant 0 : i32
    %dma_start3A_55 = tpu.memref_slice %arg12[%add3A_51, %dma_start3A_54] : memref<10240x128xf32, #tpu.memory_space<vmem_shared>> -> memref<64x128xf32, #tpu.memory_space<vmem_shared>>
    tpu.enqueue_dma source(%arg8 : memref<64x128xf32, #tpu.memory_space<vmem>>) target(%dma_start3A_55 : memref<64x128xf32, #tpu.memory_space<vmem_shared>>) target_semaphore(%arg19 : memref<!tpu.dma_semaphore, #tpu.memory_space<semaphore_mem>>)
    %add3A_56 = arith.constant 576 : i32
    %add3A_57 = arith.addi %mul3A_2, %add3A_56 : i32
    %dma_start3A_58 = arith.constant 0 : i32
    %dma_start3A_59 = tpu.memref_slice %arg12[%add3A_57, %dma_start3A_58] : memref<10240x128xf32, #tpu.memory_space<vmem_shared>> -> memref<64x128xf32, #tpu.memory_space<vmem_shared>>
    %dma_start3A_60 = arith.constant 0 : i32
    %dma_start3A_61 = tpu.memref_slice %arg12[%add3A_57, %dma_start3A_60] : memref<10240x128xf32, #tpu.memory_space<vmem_shared>> -> memref<64x128xf32, #tpu.memory_space<vmem_shared>>
    tpu.enqueue_dma source(%arg8 : memref<64x128xf32, #tpu.memory_space<vmem>>) target(%dma_start3A_61 : memref<64x128xf32, #tpu.memory_space<vmem_shared>>) target_semaphore(%arg19 : memref<!tpu.dma_semaphore, #tpu.memory_space<semaphore_mem>>)
    %dma_wait3A = arith.constant 0 : i32
    %dma_wait3A_62 = tpu.memref_slice %arg12[%add3A_4, %dma_wait3A] : memref<10240x128xf32, #tpu.memory_space<vmem_shared>> -> memref<64x128xf32, #tpu.memory_space<vmem_shared>>
    %dma_wait3A_63 = arith.constant 0 : i32
    %dma_wait3A_64 = tpu.memref_slice %arg12[%add3A_4, %dma_wait3A_63] : memref<10240x128xf32, #tpu.memory_space<vmem_shared>> -> memref<64x128xf32, #tpu.memory_space<vmem_shared>>
    tpu.wait_dma2 semaphore(%arg19 : memref<!tpu.dma_semaphore, #tpu.memory_space<semaphore_mem>>) src(%arg8 : memref<64x128xf32, #tpu.memory_space<vmem>>) dst(%dma_wait3A_64 : memref<64x128xf32, #tpu.memory_space<vmem_shared>>)
    %dma_wait3A_65 = arith.constant 0 : i32
    %dma_wait3A_66 = tpu.memref_slice %arg12[%add3A_9, %dma_wait3A_65] : memref<10240x128xf32, #tpu.memory_space<vmem_shared>> -> memref<64x128xf32, #tpu.memory_space<vmem_shared>>
    %dma_wait3A_67 = arith.constant 0 : i32
    %dma_wait3A_68 = tpu.memref_slice %arg12[%add3A_9, %dma_wait3A_67] : memref<10240x128xf32, #tpu.memory_space<vmem_shared>> -> memref<64x128xf32, #tpu.memory_space<vmem_shared>>
    tpu.wait_dma2 semaphore(%arg19 : memref<!tpu.dma_semaphore, #tpu.memory_space<semaphore_mem>>) src(%arg8 : memref<64x128xf32, #tpu.memory_space<vmem>>) dst(%dma_wait3A_68 : memref<64x128xf32, #tpu.memory_space<vmem_shared>>)
    %dma_wait3A_69 = arith.constant 0 : i32
    %dma_wait3A_70 = tpu.memref_slice %arg12[%add3A_15, %dma_wait3A_69] : memref<10240x128xf32, #tpu.memory_space<vmem_shared>> -> memref<64x128xf32, #tpu.memory_space<vmem_shared>>
    %dma_wait3A_71 = arith.constant 0 : i32
    %dma_wait3A_72 = tpu.memref_slice %arg12[%add3A_15, %dma_wait3A_71] : memref<10240x128xf32, #tpu.memory_space<vmem_shared>> -> memref<64x128xf32, #tpu.memory_space<vmem_shared>>
    tpu.wait_dma2 semaphore(%arg19 : memref<!tpu.dma_semaphore, #tpu.memory_space<semaphore_mem>>) src(%arg8 : memref<64x128xf32, #tpu.memory_space<vmem>>) dst(%dma_wait3A_72 : memref<64x128xf32, #tpu.memory_space<vmem_shared>>)
    %dma_wait3A_73 = arith.constant 0 : i32
    %dma_wait3A_74 = tpu.memref_slice %arg12[%add3A_21, %dma_wait3A_73] : memref<10240x128xf32, #tpu.memory_space<vmem_shared>> -> memref<64x128xf32, #tpu.memory_space<vmem_shared>>
    %dma_wait3A_75 = arith.constant 0 : i32
    %dma_wait3A_76 = tpu.memref_slice %arg12[%add3A_21, %dma_wait3A_75] : memref<10240x128xf32, #tpu.memory_space<vmem_shared>> -> memref<64x128xf32, #tpu.memory_space<vmem_shared>>
    tpu.wait_dma2 semaphore(%arg19 : memref<!tpu.dma_semaphore, #tpu.memory_space<semaphore_mem>>) src(%arg8 : memref<64x128xf32, #tpu.memory_space<vmem>>) dst(%dma_wait3A_76 : memref<64x128xf32, #tpu.memory_space<vmem_shared>>)
    %dma_wait3A_77 = arith.constant 0 : i32
    %dma_wait3A_78 = tpu.memref_slice %arg12[%add3A_27, %dma_wait3A_77] : memref<10240x128xf32, #tpu.memory_space<vmem_shared>> -> memref<64x128xf32, #tpu.memory_space<vmem_shared>>
    %dma_wait3A_79 = arith.constant 0 : i32
    %dma_wait3A_80 = tpu.memref_slice %arg12[%add3A_27, %dma_wait3A_79] : memref<10240x128xf32, #tpu.memory_space<vmem_shared>> -> memref<64x128xf32, #tpu.memory_space<vmem_shared>>
    tpu.wait_dma2 semaphore(%arg19 : memref<!tpu.dma_semaphore, #tpu.memory_space<semaphore_mem>>) src(%arg8 : memref<64x128xf32, #tpu.memory_space<vmem>>) dst(%dma_wait3A_80 : memref<64x128xf32, #tpu.memory_space<vmem_shared>>)
    %dma_wait3A_81 = arith.constant 0 : i32
    %dma_wait3A_82 = tpu.memref_slice %arg12[%add3A_33, %dma_wait3A_81] : memref<10240x128xf32, #tpu.memory_space<vmem_shared>> -> memref<64x128xf32, #tpu.memory_space<vmem_shared>>
    %dma_wait3A_83 = arith.constant 0 : i32
    %dma_wait3A_84 = tpu.memref_slice %arg12[%add3A_33, %dma_wait3A_83] : memref<10240x128xf32, #tpu.memory_space<vmem_shared>> -> memref<64x128xf32, #tpu.memory_space<vmem_shared>>
    tpu.wait_dma2 semaphore(%arg19 : memref<!tpu.dma_semaphore, #tpu.memory_space<semaphore_mem>>) src(%arg8 : memref<64x128xf32, #tpu.memory_space<vmem>>) dst(%dma_wait3A_84 : memref<64x128xf32, #tpu.memory_space<vmem_shared>>)
    %dma_wait3A_85 = arith.constant 0 : i32
    %dma_wait3A_86 = tpu.memref_slice %arg12[%add3A_39, %dma_wait3A_85] : memref<10240x128xf32, #tpu.memory_space<vmem_shared>> -> memref<64x128xf32, #tpu.memory_space<vmem_shared>>
    %dma_wait3A_87 = arith.constant 0 : i32
    %dma_wait3A_88 = tpu.memref_slice %arg12[%add3A_39, %dma_wait3A_87] : memref<10240x128xf32, #tpu.memory_space<vmem_shared>> -> memref<64x128xf32, #tpu.memory_space<vmem_shared>>
    tpu.wait_dma2 semaphore(%arg19 : memref<!tpu.dma_semaphore, #tpu.memory_space<semaphore_mem>>) src(%arg8 : memref<64x128xf32, #tpu.memory_space<vmem>>) dst(%dma_wait3A_88 : memref<64x128xf32, #tpu.memory_space<vmem_shared>>)
    %dma_wait3A_89 = arith.constant 0 : i32
    %dma_wait3A_90 = tpu.memref_slice %arg12[%add3A_45, %dma_wait3A_89] : memref<10240x128xf32, #tpu.memory_space<vmem_shared>> -> memref<64x128xf32, #tpu.memory_space<vmem_shared>>
    %dma_wait3A_91 = arith.constant 0 : i32
    %dma_wait3A_92 = tpu.memref_slice %arg12[%add3A_45, %dma_wait3A_91] : memref<10240x128xf32, #tpu.memory_space<vmem_shared>> -> memref<64x128xf32, #tpu.memory_space<vmem_shared>>
    tpu.wait_dma2 semaphore(%arg19 : memref<!tpu.dma_semaphore, #tpu.memory_space<semaphore_mem>>) src(%arg8 : memref<64x128xf32, #tpu.memory_space<vmem>>) dst(%dma_wait3A_92 : memref<64x128xf32, #tpu.memory_space<vmem_shared>>)
    %dma_wait3A_93 = arith.constant 0 : i32
    %dma_wait3A_94 = tpu.memref_slice %arg12[%add3A_51, %dma_wait3A_93] : memref<10240x128xf32, #tpu.memory_space<vmem_shared>> -> memref<64x128xf32, #tpu.memory_space<vmem_shared>>
    %dma_wait3A_95 = arith.constant 0 : i32
    %dma_wait3A_96 = tpu.memref_slice %arg12[%add3A_51, %dma_wait3A_95] : memref<10240x128xf32, #tpu.memory_space<vmem_shared>> -> memref<64x128xf32, #tpu.memory_space<vmem_shared>>
    tpu.wait_dma2 semaphore(%arg19 : memref<!tpu.dma_semaphore, #tpu.memory_space<semaphore_mem>>) src(%arg8 : memref<64x128xf32, #tpu.memory_space<vmem>>) dst(%dma_wait3A_96 : memref<64x128xf32, #tpu.memory_space<vmem_shared>>)
    %dma_wait3A_97 = arith.constant 0 : i32
    %dma_wait3A_98 = tpu.memref_slice %arg12[%add3A_57, %dma_wait3A_97] : memref<10240x128xf32, #tpu.memory_space<vmem_shared>> -> memref<64x128xf32, #tpu.memory_space<vmem_shared>>
    %dma_wait3A_99 = arith.constant 0 : i32
    %dma_wait3A_100 = tpu.memref_slice %arg12[%add3A_57, %dma_wait3A_99] : memref<10240x128xf32, #tpu.memory_space<vmem_shared>> -> memref<64x128xf32, #tpu.memory_space<vmem_shared>>
    tpu.wait_dma2 semaphore(%arg19 : memref<!tpu.dma_semaphore, #tpu.memory_space<semaphore_mem>>) src(%arg8 : memref<64x128xf32, #tpu.memory_space<vmem>>) dst(%dma_wait3A_100 : memref<64x128xf32, #tpu.memory_space<vmem_shared>>)
    %mul3A_101 = arith.constant 10 : i32
    %mul3A_102 = arith.muli %add3A, %mul3A_101 : i32
    %mul3A_103 = arith.constant 64 : i32
    %mul3A_104 = arith.muli %mul3A_102, %mul3A_103 : i32
    "tpu.region"() ({
      %run_scoped3A = tpu.sem_alloc : memref<!tpu.dma_semaphore, #tpu.memory_space<semaphore_mem>>
      %dma_start3A_347 = arith.constant 0 : i32
      %dma_start3A_348 = tpu.memref_slice %arg3[%mul3A_104, %dma_start3A_347] : memref<20480x64xi32, #tpu.memory_space<hbm>> -> memref<64x64xi32, #tpu.memory_space<hbm>>
      %dma_start3A_349 = arith.constant 0 : i32
      %dma_start3A_350 = tpu.memref_slice %arg3[%mul3A_104, %dma_start3A_349] : memref<20480x64xi32, #tpu.memory_space<hbm>> -> memref<64x64xi32, #tpu.memory_space<hbm>>
      tpu.enqueue_dma source(%dma_start3A_350 : memref<64x64xi32, #tpu.memory_space<hbm>>) target(%arg6 : memref<64x64xi32, #tpu.memory_space<vmem>>) target_semaphore(%run_scoped3A : memref<!tpu.dma_semaphore, #tpu.memory_space<semaphore_mem>>)
      %dma_wait3A_351 = arith.constant 0 : i32
      %dma_wait3A_352 = tpu.memref_slice %arg3[%mul3A_104, %dma_wait3A_351] : memref<20480x64xi32, #tpu.memory_space<hbm>> -> memref<64x64xi32, #tpu.memory_space<hbm>>
      %dma_wait3A_353 = arith.constant 0 : i32
      %dma_wait3A_354 = tpu.memref_slice %arg3[%mul3A_104, %dma_wait3A_353] : memref<20480x64xi32, #tpu.memory_space<hbm>> -> memref<64x64xi32, #tpu.memory_space<hbm>>
      tpu.wait_dma2 semaphore(%run_scoped3A : memref<!tpu.dma_semaphore, #tpu.memory_space<semaphore_mem>>) src(%dma_wait3A_354 : memref<64x64xi32, #tpu.memory_space<hbm>>) dst(%arg6 : memref<64x64xi32, #tpu.memory_space<vmem>>)
      tpu.yield
    }) : () -> ()
    %add3A_105 = arith.constant 64 : i32
    %add3A_106 = arith.addi %mul3A_104, %add3A_105 : i32
    %dma_start3A_107 = arith.constant 0 : i32
    %dma_start3A_108 = tpu.memref_slice %arg3[%add3A_106, %dma_start3A_107] : memref<20480x64xi32, #tpu.memory_space<hbm>> -> memref<64x64xi32, #tpu.memory_space<hbm>>
    %dma_start3A_109 = arith.constant 0 : i32
    %dma_start3A_110 = tpu.memref_slice %arg3[%add3A_106, %dma_start3A_109] : memref<20480x64xi32, #tpu.memory_space<hbm>> -> memref<64x64xi32, #tpu.memory_space<hbm>>
    tpu.enqueue_dma source(%dma_start3A_110 : memref<64x64xi32, #tpu.memory_space<hbm>>) target(%arg7 : memref<64x64xi32, #tpu.memory_space<vmem>>) target_semaphore(%arg14 : memref<!tpu.dma_semaphore, #tpu.memory_space<semaphore_mem>>)
    %barrier3A = arith.constant 0 : index
    tpu.barrier barrier_id(%barrier3A)
    %scan3A = arith.constant 0 : i32
    %scan3A_111 = arith.constant 0 : i32
    %scan3A_112 = arith.constant 5 : i32
    %scan3A_113 = arith.addi %scan3A_111, %scan3A_112 : i32
    %scan3A_114 = arith.constant 1 : i32
    scf.for %scan3A_347 = %scan3A_111 to %scan3A_113 step %scan3A_114  : i32 {
      %mul3A_348 = arith.constant 2 : i32
      %mul3A_349 = arith.muli %scan3A_347, %mul3A_348 : i32
      %add3A_350 = arith.constant 0 : i32
      %add3A_351 = arith.addi %mul3A_349, %add3A_350 : i32
      %gt3A = arith.constant 0 : i32
      %gt3A_352 = arith.cmpi sgt, %add3A_351, %gt3A : i32
      %convert_element_type3A = arith.extui %gt3A_352 : i1 to i32
      %cond3A = arith.constant 0 : i32
      %cond3A_353 = arith.cmpi ne, %convert_element_type3A, %cond3A : i32
      scf.if %cond3A_353 {
        %mul3A_2168 = arith.constant 64 : i32
        %mul3A_2169 = arith.muli %add3A_351, %mul3A_2168 : i32
        %add3A_2170 = arith.addi %mul3A_104, %mul3A_2169 : i32
        %dma_wait3A_2171 = arith.constant 0 : i32
        %dma_wait3A_2172 = tpu.memref_slice %arg3[%add3A_2170, %dma_wait3A_2171] : memref<20480x64xi32, #tpu.memory_space<hbm>> -> memref<64x64xi32, #tpu.memory_space<hbm>>
        %dma_wait3A_2173 = arith.constant 0 : i32
        %dma_wait3A_2174 = tpu.memref_slice %arg3[%add3A_2170, %dma_wait3A_2173] : memref<20480x64xi32, #tpu.memory_space<hbm>> -> memref<64x64xi32, #tpu.memory_space<hbm>>
        tpu.wait_dma2 semaphore(%arg13 : memref<!tpu.dma_semaphore, #tpu.memory_space<semaphore_mem>>) src(%dma_wait3A_2174 : memref<64x64xi32, #tpu.memory_space<hbm>>) dst(%arg6 : memref<64x64xi32, #tpu.memory_space<vmem>>)
      } else {
      }
      %dma_start3A_354 = arith.constant 0 : i32
      %dma_start3A_355 = arith.constant 0 : i32
      %dma_start3A_356 = tpu.memref_slice %arg6[%dma_start3A_354, %dma_start3A_355] : memref<64x64xi32, #tpu.memory_space<vmem>> -> memref<1x64xi32, #tpu.memory_space<vmem>>
      %dma_start3A_357 = tpu.memref_squeeze %dma_start3A_356 : memref<1x64xi32, #tpu.memory_space<vmem>> -> memref<64xi32, #tpu.memory_space<vmem>>
      %dma_start3A_358 = arith.constant 0 : i32
      %dma_start3A_359 = arith.constant 0 : i32
      %dma_start3A_360 = tpu.memref_slice %arg2[%dma_start3A_358, %dma_start3A_359] : memref<20480x128xf32, #tpu.memory_space<hbm>> -> memref<20480x128xf32, #tpu.memory_space<hbm>>
      tpu.enqueue_indirect_dma source(%dma_start3A_360 : memref<20480x128xf32, #tpu.memory_space<hbm>>) target(%arg8 : memref<64x128xf32, #tpu.memory_space<vmem>>) offsets(%dma_start3A_357 : memref<64xi32, #tpu.memory_space<vmem>>) semaphore(%arg15 : memref<!tpu.dma_semaphore, #tpu.memory_space<semaphore_mem>>)
      %dma_start3A_361 = arith.constant 1 : i32
      %dma_start3A_362 = arith.constant 0 : i32
      %dma_start3A_363 = tpu.memref_slice %arg6[%dma_start3A_361, %dma_start3A_362] : memref<64x64xi32, #tpu.memory_space<vmem>> -> memref<1x64xi32, #tpu.memory_space<vmem>>
      %dma_start3A_364 = tpu.memref_squeeze %dma_start3A_363 : memref<1x64xi32, #tpu.memory_space<vmem>> -> memref<64xi32, #tpu.memory_space<vmem>>
      %dma_start3A_365 = arith.constant 0 : i32
      %dma_start3A_366 = arith.constant 0 : i32
      %dma_start3A_367 = tpu.memref_slice %arg2[%dma_start3A_365, %dma_start3A_366] : memref<20480x128xf32, #tpu.memory_space<hbm>> -> memref<20480x128xf32, #tpu.memory_space<hbm>>
      tpu.enqueue_indirect_dma source(%dma_start3A_367 : memref<20480x128xf32, #tpu.memory_space<hbm>>) target(%arg9 : memref<64x128xf32, #tpu.memory_space<vmem>>) offsets(%dma_start3A_364 : memref<64xi32, #tpu.memory_space<vmem>>) semaphore(%arg16 : memref<!tpu.dma_semaphore, #tpu.memory_space<semaphore_mem>>)
      %dma_start3A_368 = arith.constant 2 : i32
      %dma_start3A_369 = arith.constant 0 : i32
      %dma_start3A_370 = tpu.memref_slice %arg6[%dma_start3A_368, %dma_start3A_369] : memref<64x64xi32, #tpu.memory_space<vmem>> -> memref<1x64xi32, #tpu.memory_space<vmem>>
      %dma_start3A_371 = tpu.memref_squeeze %dma_start3A_370 : memref<1x64xi32, #tpu.memory_space<vmem>> -> memref<64xi32, #tpu.memory_space<vmem>>
      %dma_start3A_372 = arith.constant 0 : i32
      %dma_start3A_373 = arith.constant 0 : i32
      %dma_start3A_374 = tpu.memref_slice %arg2[%dma_start3A_372, %dma_start3A_373] : memref<20480x128xf32, #tpu.memory_space<hbm>> -> memref<20480x128xf32, #tpu.memory_space<hbm>>
      tpu.enqueue_indirect_dma source(%dma_start3A_374 : memref<20480x128xf32, #tpu.memory_space<hbm>>) target(%arg10 : memref<64x128xf32, #tpu.memory_space<vmem>>) offsets(%dma_start3A_371 : memref<64xi32, #tpu.memory_space<vmem>>) semaphore(%arg17 : memref<!tpu.dma_semaphore, #tpu.memory_space<semaphore_mem>>)
      %dma_wait3A_375 = arith.constant 0 : i32
      %dma_wait3A_376 = arith.constant 0 : i32
      %dma_wait3A_377 = tpu.memref_slice %arg6[%dma_wait3A_375, %dma_wait3A_376] : memref<64x64xi32, #tpu.memory_space<vmem>> -> memref<1x64xi32, #tpu.memory_space<vmem>>
      %dma_wait3A_378 = tpu.memref_squeeze %dma_wait3A_377 : memref<1x64xi32, #tpu.memory_space<vmem>> -> memref<64xi32, #tpu.memory_space<vmem>>
      %dma_wait3A_379 = arith.constant 0 : i32
      %dma_wait3A_380 = arith.constant 0 : i32
      %dma_wait3A_381 = tpu.memref_slice %arg2[%dma_wait3A_379, %dma_wait3A_380] : memref<20480x128xf32, #tpu.memory_space<hbm>> -> memref<20480x128xf32, #tpu.memory_space<hbm>>
      tpu.wait_indirect_dma semaphore(%arg15 : memref<!tpu.dma_semaphore, #tpu.memory_space<semaphore_mem>>) src(%dma_wait3A_381 : memref<20480x128xf32, #tpu.memory_space<hbm>>) dst(%arg8 : memref<64x128xf32, #tpu.memory_space<vmem>>)
      %dma_start3A_382 = arith.constant 32 : i32
      %dma_start3A_383 = arith.constant 0 : i32
      %dma_start3A_384 = tpu.memref_slice %arg6[%dma_start3A_382, %dma_start3A_383] : memref<64x64xi32, #tpu.memory_space<vmem>> -> memref<1x64xi32, #tpu.memory_space<vmem>>
      %dma_start3A_385 = tpu.memref_squeeze %dma_start3A_384 : memref<1x64xi32, #tpu.memory_space<vmem>> -> memref<64xi32, #tpu.memory_space<vmem>>
      %dma_start3A_386 = arith.constant 0 : i32
      %dma_start3A_387 = arith.constant 0 : i32
      %dma_start3A_388 = tpu.memref_slice %arg12[%dma_start3A_386, %dma_start3A_387] : memref<10240x128xf32, #tpu.memory_space<vmem_shared>> -> memref<10240x128xf32, #tpu.memory_space<vmem_shared>>
      tpu.enqueue_indirect_dma source(%arg8 : memref<64x128xf32, #tpu.memory_space<vmem>>) target(%dma_start3A_388 : memref<10240x128xf32, #tpu.memory_space<vmem_shared>>) offsets(%dma_start3A_385 : memref<64xi32, #tpu.memory_space<vmem>>) semaphore(%arg19 : memref<!tpu.dma_semaphore, #tpu.memory_space<semaphore_mem>>) {add = true}
      %dma_start3A_389 = arith.constant 3 : i32
      %dma_start3A_390 = arith.constant 0 : i32
      %dma_start3A_391 = tpu.memref_slice %arg6[%dma_start3A_389, %dma_start3A_390] : memref<64x64xi32, #tpu.memory_space<vmem>> -> memref<1x64xi32, #tpu.memory_space<vmem>>
      %dma_start3A_392 = tpu.memref_squeeze %dma_start3A_391 : memref<1x64xi32, #tpu.memory_space<vmem>> -> memref<64xi32, #tpu.memory_space<vmem>>
      %dma_start3A_393 = arith.constant 0 : i32
      %dma_start3A_394 = arith.constant 0 : i32
      %dma_start3A_395 = tpu.memref_slice %arg2[%dma_start3A_393, %dma_start3A_394] : memref<20480x128xf32, #tpu.memory_space<hbm>> -> memref<20480x128xf32, #tpu.memory_space<hbm>>
      tpu.enqueue_indirect_dma source(%dma_start3A_395 : memref<20480x128xf32, #tpu.memory_space<hbm>>) target(%arg11 : memref<64x128xf32, #tpu.memory_space<vmem>>) offsets(%dma_start3A_392 : memref<64xi32, #tpu.memory_space<vmem>>) semaphore(%arg18 : memref<!tpu.dma_semaphore, #tpu.memory_space<semaphore_mem>>)
      %dma_wait3A_396 = arith.constant 1 : i32
      %dma_wait3A_397 = arith.constant 0 : i32
      %dma_wait3A_398 = tpu.memref_slice %arg6[%dma_wait3A_396, %dma_wait3A_397] : memref<64x64xi32, #tpu.memory_space<vmem>> -> memref<1x64xi32, #tpu.memory_space<vmem>>
      %dma_wait3A_399 = tpu.memref_squeeze %dma_wait3A_398 : memref<1x64xi32, #tpu.memory_space<vmem>> -> memref<64xi32, #tpu.memory_space<vmem>>
      %dma_wait3A_400 = arith.constant 0 : i32
      %dma_wait3A_401 = arith.constant 0 : i32
      %dma_wait3A_402 = tpu.memref_slice %arg2[%dma_wait3A_400, %dma_wait3A_401] : memref<20480x128xf32, #tpu.memory_space<hbm>> -> memref<20480x128xf32, #tpu.memory_space<hbm>>
      tpu.wait_indirect_dma semaphore(%arg16 : memref<!tpu.dma_semaphore, #tpu.memory_space<semaphore_mem>>) src(%dma_wait3A_402 : memref<20480x128xf32, #tpu.memory_space<hbm>>) dst(%arg9 : memref<64x128xf32, #tpu.memory_space<vmem>>)
      %dma_start3A_403 = arith.constant 33 : i32
      %dma_start3A_404 = arith.constant 0 : i32
      %dma_start3A_405 = tpu.memref_slice %arg6[%dma_start3A_403, %dma_start3A_404] : memref<64x64xi32, #tpu.memory_space<vmem>> -> memref<1x64xi32, #tpu.memory_space<vmem>>
      %dma_start3A_406 = tpu.memref_squeeze %dma_start3A_405 : memref<1x64xi32, #tpu.memory_space<vmem>> -> memref<64xi32, #tpu.memory_space<vmem>>
      %dma_start3A_407 = arith.constant 0 : i32
      %dma_start3A_408 = arith.constant 0 : i32
      %dma_start3A_409 = tpu.memref_slice %arg12[%dma_start3A_407, %dma_start3A_408] : memref<10240x128xf32, #tpu.memory_space<vmem_shared>> -> memref<10240x128xf32, #tpu.memory_space<vmem_shared>>
      tpu.enqueue_indirect_dma source(%arg9 : memref<64x128xf32, #tpu.memory_space<vmem>>) target(%dma_start3A_409 : memref<10240x128xf32, #tpu.memory_space<vmem_shared>>) offsets(%dma_start3A_406 : memref<64xi32, #tpu.memory_space<vmem>>) semaphore(%arg20 : memref<!tpu.dma_semaphore, #tpu.memory_space<semaphore_mem>>) {add = true}
      %dma_wait3A_410 = arith.constant 32 : i32
      %dma_wait3A_411 = arith.constant 0 : i32
      %dma_wait3A_412 = tpu.memref_slice %arg6[%dma_wait3A_410, %dma_wait3A_411] : memref<64x64xi32, #tpu.memory_space<vmem>> -> memref<1x64xi32, #tpu.memory_space<vmem>>
      %dma_wait3A_413 = tpu.memref_squeeze %dma_wait3A_412 : memref<1x64xi32, #tpu.memory_space<vmem>> -> memref<64xi32, #tpu.memory_space<vmem>>
      %dma_wait3A_414 = arith.constant 0 : i32
      %dma_wait3A_415 = arith.constant 0 : i32
      %dma_wait3A_416 = tpu.memref_slice %arg12[%dma_wait3A_414, %dma_wait3A_415] : memref<10240x128xf32, #tpu.memory_space<vmem_shared>> -> memref<10240x128xf32, #tpu.memory_space<vmem_shared>>
      tpu.wait_indirect_dma semaphore(%arg19 : memref<!tpu.dma_semaphore, #tpu.memory_space<semaphore_mem>>) src(%arg8 : memref<64x128xf32, #tpu.memory_space<vmem>>) dst(%dma_wait3A_416 : memref<10240x128xf32, #tpu.memory_space<vmem_shared>>)
      %dma_start3A_417 = arith.constant 4 : i32
      %dma_start3A_418 = arith.constant 0 : i32
      %dma_start3A_419 = tpu.memref_slice %arg6[%dma_start3A_417, %dma_start3A_418] : memref<64x64xi32, #tpu.memory_space<vmem>> -> memref<1x64xi32, #tpu.memory_space<vmem>>
      %dma_start3A_420 = tpu.memref_squeeze %dma_start3A_419 : memref<1x64xi32, #tpu.memory_space<vmem>> -> memref<64xi32, #tpu.memory_space<vmem>>
      %dma_start3A_421 = arith.constant 0 : i32
      %dma_start3A_422 = arith.constant 0 : i32
      %dma_start3A_423 = tpu.memref_slice %arg2[%dma_start3A_421, %dma_start3A_422] : memref<20480x128xf32, #tpu.memory_space<hbm>> -> memref<20480x128xf32, #tpu.memory_space<hbm>>
      tpu.enqueue_indirect_dma source(%dma_start3A_423 : memref<20480x128xf32, #tpu.memory_space<hbm>>) target(%arg8 : memref<64x128xf32, #tpu.memory_space<vmem>>) offsets(%dma_start3A_420 : memref<64xi32, #tpu.memory_space<vmem>>) semaphore(%arg15 : memref<!tpu.dma_semaphore, #tpu.memory_space<semaphore_mem>>)
      %dma_wait3A_424 = arith.constant 2 : i32
      %dma_wait3A_425 = arith.constant 0 : i32
      %dma_wait3A_426 = tpu.memref_slice %arg6[%dma_wait3A_424, %dma_wait3A_425] : memref<64x64xi32, #tpu.memory_space<vmem>> -> memref<1x64xi32, #tpu.memory_space<vmem>>
      %dma_wait3A_427 = tpu.memref_squeeze %dma_wait3A_426 : memref<1x64xi32, #tpu.memory_space<vmem>> -> memref<64xi32, #tpu.memory_space<vmem>>
      %dma_wait3A_428 = arith.constant 0 : i32
      %dma_wait3A_429 = arith.constant 0 : i32
      %dma_wait3A_430 = tpu.memref_slice %arg2[%dma_wait3A_428, %dma_wait3A_429] : memref<20480x128xf32, #tpu.memory_space<hbm>> -> memref<20480x128xf32, #tpu.memory_space<hbm>>
      tpu.wait_indirect_dma semaphore(%arg17 : memref<!tpu.dma_semaphore, #tpu.memory_space<semaphore_mem>>) src(%dma_wait3A_430 : memref<20480x128xf32, #tpu.memory_space<hbm>>) dst(%arg10 : memref<64x128xf32, #tpu.memory_space<vmem>>)
      %dma_start3A_431 = arith.constant 34 : i32
      %dma_start3A_432 = arith.constant 0 : i32
      %dma_start3A_433 = tpu.memref_slice %arg6[%dma_start3A_431, %dma_start3A_432] : memref<64x64xi32, #tpu.memory_space<vmem>> -> memref<1x64xi32, #tpu.memory_space<vmem>>
      %dma_start3A_434 = tpu.memref_squeeze %dma_start3A_433 : memref<1x64xi32, #tpu.memory_space<vmem>> -> memref<64xi32, #tpu.memory_space<vmem>>
      %dma_start3A_435 = arith.constant 0 : i32
      %dma_start3A_436 = arith.constant 0 : i32
      %dma_start3A_437 = tpu.memref_slice %arg12[%dma_start3A_435, %dma_start3A_436] : memref<10240x128xf32, #tpu.memory_space<vmem_shared>> -> memref<10240x128xf32, #tpu.memory_space<vmem_shared>>
      tpu.enqueue_indirect_dma source(%arg10 : memref<64x128xf32, #tpu.memory_space<vmem>>) target(%dma_start3A_437 : memref<10240x128xf32, #tpu.memory_space<vmem_shared>>) offsets(%dma_start3A_434 : memref<64xi32, #tpu.memory_space<vmem>>) semaphore(%arg21 : memref<!tpu.dma_semaphore, #tpu.memory_space<semaphore_mem>>) {add = true}
      %dma_wait3A_438 = arith.constant 33 : i32
      %dma_wait3A_439 = arith.constant 0 : i32
      %dma_wait3A_440 = tpu.memref_slice %arg6[%dma_wait3A_438, %dma_wait3A_439] : memref<64x64xi32, #tpu.memory_space<vmem>> -> memref<1x64xi32, #tpu.memory_space<vmem>>
      %dma_wait3A_441 = tpu.memref_squeeze %dma_wait3A_440 : memref<1x64xi32, #tpu.memory_space<vmem>> -> memref<64xi32, #tpu.memory_space<vmem>>
      %dma_wait3A_442 = arith.constant 0 : i32
      %dma_wait3A_443 = arith.constant 0 : i32
      %dma_wait3A_444 = tpu.memref_slice %arg12[%dma_wait3A_442, %dma_wait3A_443] : memref<10240x128xf32, #tpu.memory_space<vmem_shared>> -> memref<10240x128xf32, #tpu.memory_space<vmem_shared>>
      tpu.wait_indirect_dma semaphore(%arg20 : memref<!tpu.dma_semaphore, #tpu.memory_space<semaphore_mem>>) src(%arg9 : memref<64x128xf32, #tpu.memory_space<vmem>>) dst(%dma_wait3A_444 : memref<10240x128xf32, #tpu.memory_space<vmem_shared>>)
      %dma_start3A_445 = arith.constant 5 : i32
      %dma_start3A_446 = arith.constant 0 : i32
      %dma_start3A_447 = tpu.memref_slice %arg6[%dma_start3A_445, %dma_start3A_446] : memref<64x64xi32, #tpu.memory_space<vmem>> -> memref<1x64xi32, #tpu.memory_space<vmem>>
      %dma_start3A_448 = tpu.memref_squeeze %dma_start3A_447 : memref<1x64xi32, #tpu.memory_space<vmem>> -> memref<64xi32, #tpu.memory_space<vmem>>
      %dma_start3A_449 = arith.constant 0 : i32
      %dma_start3A_450 = arith.constant 0 : i32
      %dma_start3A_451 = tpu.memref_slice %arg2[%dma_start3A_449, %dma_start3A_450] : memref<20480x128xf32, #tpu.memory_space<hbm>> -> memref<20480x128xf32, #tpu.memory_space<hbm>>
      tpu.enqueue_indirect_dma source(%dma_start3A_451 : memref<20480x128xf32, #tpu.memory_space<hbm>>) target(%arg9 : memref<64x128xf32, #tpu.memory_space<vmem>>) offsets(%dma_start3A_448 : memref<64xi32, #tpu.memory_space<vmem>>) semaphore(%arg16 : memref<!tpu.dma_semaphore, #tpu.memory_space<semaphore_mem>>)
      %dma_wait3A_452 = arith.constant 3 : i32
      %dma_wait3A_453 = arith.constant 0 : i32
      %dma_wait3A_454 = tpu.memref_slice %arg6[%dma_wait3A_452, %dma_wait3A_453] : memref<64x64xi32, #tpu.memory_space<vmem>> -> memref<1x64xi32, #tpu.memory_space<vmem>>
      %dma_wait3A_455 = tpu.memref_squeeze %dma_wait3A_454 : memref<1x64xi32, #tpu.memory_space<vmem>> -> memref<64xi32, #tpu.memory_space<vmem>>
      %dma_wait3A_456 = arith.constant 0 : i32
      %dma_wait3A_457 = arith.constant 0 : i32
      %dma_wait3A_458 = tpu.memref_slice %arg2[%dma_wait3A_456, %dma_wait3A_457] : memref<20480x128xf32, #tpu.memory_space<hbm>> -> memref<20480x128xf32, #tpu.memory_space<hbm>>
      tpu.wait_indirect_dma semaphore(%arg18 : memref<!tpu.dma_semaphore, #tpu.memory_space<semaphore_mem>>) src(%dma_wait3A_458 : memref<20480x128xf32, #tpu.memory_space<hbm>>) dst(%arg11 : memref<64x128xf32, #tpu.memory_space<vmem>>)
      %dma_start3A_459 = arith.constant 35 : i32
      %dma_start3A_460 = arith.constant 0 : i32
      %dma_start3A_461 = tpu.memref_slice %arg6[%dma_start3A_459, %dma_start3A_460] : memref<64x64xi32, #tpu.memory_space<vmem>> -> memref<1x64xi32, #tpu.memory_space<vmem>>
      %dma_start3A_462 = tpu.memref_squeeze %dma_start3A_461 : memref<1x64xi32, #tpu.memory_space<vmem>> -> memref<64xi32, #tpu.memory_space<vmem>>
      %dma_start3A_463 = arith.constant 0 : i32
      %dma_start3A_464 = arith.constant 0 : i32
      %dma_start3A_465 = tpu.memref_slice %arg12[%dma_start3A_463, %dma_start3A_464] : memref<10240x128xf32, #tpu.memory_space<vmem_shared>> -> memref<10240x128xf32, #tpu.memory_space<vmem_shared>>
      tpu.enqueue_indirect_dma source(%arg11 : memref<64x128xf32, #tpu.memory_space<vmem>>) target(%dma_start3A_465 : memref<10240x128xf32, #tpu.memory_space<vmem_shared>>) offsets(%dma_start3A_462 : memref<64xi32, #tpu.memory_space<vmem>>) semaphore(%arg22 : memref<!tpu.dma_semaphore, #tpu.memory_space<semaphore_mem>>) {add = true}
      %dma_wait3A_466 = arith.constant 34 : i32
      %dma_wait3A_467 = arith.constant 0 : i32
      %dma_wait3A_468 = tpu.memref_slice %arg6[%dma_wait3A_466, %dma_wait3A_467] : memref<64x64xi32, #tpu.memory_space<vmem>> -> memref<1x64xi32, #tpu.memory_space<vmem>>
      %dma_wait3A_469 = tpu.memref_squeeze %dma_wait3A_468 : memref<1x64xi32, #tpu.memory_space<vmem>> -> memref<64xi32, #tpu.memory_space<vmem>>
      %dma_wait3A_470 = arith.constant 0 : i32
      %dma_wait3A_471 = arith.constant 0 : i32
      %dma_wait3A_472 = tpu.memref_slice %arg12[%dma_wait3A_470, %dma_wait3A_471] : memref<10240x128xf32, #tpu.memory_space<vmem_shared>> -> memref<10240x128xf32, #tpu.memory_space<vmem_shared>>
      tpu.wait_indirect_dma semaphore(%arg21 : memref<!tpu.dma_semaphore, #tpu.memory_space<semaphore_mem>>) src(%arg10 : memref<64x128xf32, #tpu.memory_space<vmem>>) dst(%dma_wait3A_472 : memref<10240x128xf32, #tpu.memory_space<vmem_shared>>)
      %dma_start3A_473 = arith.constant 6 : i32
      %dma_start3A_474 = arith.constant 0 : i32
      %dma_start3A_475 = tpu.memref_slice %arg6[%dma_start3A_473, %dma_start3A_474] : memref<64x64xi32, #tpu.memory_space<vmem>> -> memref<1x64xi32, #tpu.memory_space<vmem>>
      %dma_start3A_476 = tpu.memref_squeeze %dma_start3A_475 : memref<1x64xi32, #tpu.memory_space<vmem>> -> memref<64xi32, #tpu.memory_space<vmem>>
      %dma_start3A_477 = arith.constant 0 : i32
      %dma_start3A_478 = arith.constant 0 : i32
      %dma_start3A_479 = tpu.memref_slice %arg2[%dma_start3A_477, %dma_start3A_478] : memref<20480x128xf32, #tpu.memory_space<hbm>> -> memref<20480x128xf32, #tpu.memory_space<hbm>>
      tpu.enqueue_indirect_dma source(%dma_start3A_479 : memref<20480x128xf32, #tpu.memory_space<hbm>>) target(%arg10 : memref<64x128xf32, #tpu.memory_space<vmem>>) offsets(%dma_start3A_476 : memref<64xi32, #tpu.memory_space<vmem>>) semaphore(%arg17 : memref<!tpu.dma_semaphore, #tpu.memory_space<semaphore_mem>>)
      %dma_wait3A_480 = arith.constant 4 : i32
      %dma_wait3A_481 = arith.constant 0 : i32
      %dma_wait3A_482 = tpu.memref_slice %arg6[%dma_wait3A_480, %dma_wait3A_481] : memref<64x64xi32, #tpu.memory_space<vmem>> -> memref<1x64xi32, #tpu.memory_space<vmem>>
      %dma_wait3A_483 = tpu.memref_squeeze %dma_wait3A_482 : memref<1x64xi32, #tpu.memory_space<vmem>> -> memref<64xi32, #tpu.memory_space<vmem>>
      %dma_wait3A_484 = arith.constant 0 : i32
      %dma_wait3A_485 = arith.constant 0 : i32
      %dma_wait3A_486 = tpu.memref_slice %arg2[%dma_wait3A_484, %dma_wait3A_485] : memref<20480x128xf32, #tpu.memory_space<hbm>> -> memref<20480x128xf32, #tpu.memory_space<hbm>>
      tpu.wait_indirect_dma semaphore(%arg15 : memref<!tpu.dma_semaphore, #tpu.memory_space<semaphore_mem>>) src(%dma_wait3A_486 : memref<20480x128xf32, #tpu.memory_space<hbm>>) dst(%arg8 : memref<64x128xf32, #tpu.memory_space<vmem>>)
      %dma_start3A_487 = arith.constant 36 : i32
      %dma_start3A_488 = arith.constant 0 : i32
      %dma_start3A_489 = tpu.memref_slice %arg6[%dma_start3A_487, %dma_start3A_488] : memref<64x64xi32, #tpu.memory_space<vmem>> -> memref<1x64xi32, #tpu.memory_space<vmem>>
      %dma_start3A_490 = tpu.memref_squeeze %dma_start3A_489 : memref<1x64xi32, #tpu.memory_space<vmem>> -> memref<64xi32, #tpu.memory_space<vmem>>
      %dma_start3A_491 = arith.constant 0 : i32
      %dma_start3A_492 = arith.constant 0 : i32
      %dma_start3A_493 = tpu.memref_slice %arg12[%dma_start3A_491, %dma_start3A_492] : memref<10240x128xf32, #tpu.memory_space<vmem_shared>> -> memref<10240x128xf32, #tpu.memory_space<vmem_shared>>
      tpu.enqueue_indirect_dma source(%arg8 : memref<64x128xf32, #tpu.memory_space<vmem>>) target(%dma_start3A_493 : memref<10240x128xf32, #tpu.memory_space<vmem_shared>>) offsets(%dma_start3A_490 : memref<64xi32, #tpu.memory_space<vmem>>) semaphore(%arg19 : memref<!tpu.dma_semaphore, #tpu.memory_space<semaphore_mem>>) {add = true}
      %dma_wait3A_494 = arith.constant 35 : i32
      %dma_wait3A_495 = arith.constant 0 : i32
      %dma_wait3A_496 = tpu.memref_slice %arg6[%dma_wait3A_494, %dma_wait3A_495] : memref<64x64xi32, #tpu.memory_space<vmem>> -> memref<1x64xi32, #tpu.memory_space<vmem>>
      %dma_wait3A_497 = tpu.memref_squeeze %dma_wait3A_496 : memref<1x64xi32, #tpu.memory_space<vmem>> -> memref<64xi32, #tpu.memory_space<vmem>>
      %dma_wait3A_498 = arith.constant 0 : i32
      %dma_wait3A_499 = arith.constant 0 : i32
      %dma_wait3A_500 = tpu.memref_slice %arg12[%dma_wait3A_498, %dma_wait3A_499] : memref<10240x128xf32, #tpu.memory_space<vmem_shared>> -> memref<10240x128xf32, #tpu.memory_space<vmem_shared>>
      tpu.wait_indirect_dma semaphore(%arg22 : memref<!tpu.dma_semaphore, #tpu.memory_space<semaphore_mem>>) src(%arg11 : memref<64x128xf32, #tpu.memory_space<vmem>>) dst(%dma_wait3A_500 : memref<10240x128xf32, #tpu.memory_space<vmem_shared>>)
      %dma_start3A_501 = arith.constant 7 : i32
      %dma_start3A_502 = arith.constant 0 : i32
      %dma_start3A_503 = tpu.memref_slice %arg6[%dma_start3A_501, %dma_start3A_502] : memref<64x64xi32, #tpu.memory_space<vmem>> -> memref<1x64xi32, #tpu.memory_space<vmem>>
      %dma_start3A_504 = tpu.memref_squeeze %dma_start3A_503 : memref<1x64xi32, #tpu.memory_space<vmem>> -> memref<64xi32, #tpu.memory_space<vmem>>
      %dma_start3A_505 = arith.constant 0 : i32
      %dma_start3A_506 = arith.constant 0 : i32
      %dma_start3A_507 = tpu.memref_slice %arg2[%dma_start3A_505, %dma_start3A_506] : memref<20480x128xf32, #tpu.memory_space<hbm>> -> memref<20480x128xf32, #tpu.memory_space<hbm>>
      tpu.enqueue_indirect_dma source(%dma_start3A_507 : memref<20480x128xf32, #tpu.memory_space<hbm>>) target(%arg11 : memref<64x128xf32, #tpu.memory_space<vmem>>) offsets(%dma_start3A_504 : memref<64xi32, #tpu.memory_space<vmem>>) semaphore(%arg18 : memref<!tpu.dma_semaphore, #tpu.memory_space<semaphore_mem>>)
      %dma_wait3A_508 = arith.constant 5 : i32
      %dma_wait3A_509 = arith.constant 0 : i32
      %dma_wait3A_510 = tpu.memref_slice %arg6[%dma_wait3A_508, %dma_wait3A_509] : memref<64x64xi32, #tpu.memory_space<vmem>> -> memref<1x64xi32, #tpu.memory_space<vmem>>
      %dma_wait3A_511 = tpu.memref_squeeze %dma_wait3A_510 : memref<1x64xi32, #tpu.memory_space<vmem>> -> memref<64xi32, #tpu.memory_space<vmem>>
      %dma_wait3A_512 = arith.constant 0 : i32
      %dma_wait3A_513 = arith.constant 0 : i32
      %dma_wait3A_514 = tpu.memref_slice %arg2[%dma_wait3A_512, %dma_wait3A_513] : memref<20480x128xf32, #tpu.memory_space<hbm>> -> memref<20480x128xf32, #tpu.memory_space<hbm>>
      tpu.wait_indirect_dma semaphore(%arg16 : memref<!tpu.dma_semaphore, #tpu.memory_space<semaphore_mem>>) src(%dma_wait3A_514 : memref<20480x128xf32, #tpu.memory_space<hbm>>) dst(%arg9 : memref<64x128xf32, #tpu.memory_space<vmem>>)
      %dma_start3A_515 = arith.constant 37 : i32
      %dma_start3A_516 = arith.constant 0 : i32
      %dma_start3A_517 = tpu.memref_slice %arg6[%dma_start3A_515, %dma_start3A_516] : memref<64x64xi32, #tpu.memory_space<vmem>> -> memref<1x64xi32, #tpu.memory_space<vmem>>
      %dma_start3A_518 = tpu.memref_squeeze %dma_start3A_517 : memref<1x64xi32, #tpu.memory_space<vmem>> -> memref<64xi32, #tpu.memory_space<vmem>>
      %dma_start3A_519 = arith.constant 0 : i32
      %dma_start3A_520 = arith.constant 0 : i32
      %dma_start3A_521 = tpu.memref_slice %arg12[%dma_start3A_519, %dma_start3A_520] : memref<10240x128xf32, #tpu.memory_space<vmem_shared>> -> memref<10240x128xf32, #tpu.memory_space<vmem_shared>>
      tpu.enqueue_indirect_dma source(%arg9 : memref<64x128xf32, #tpu.memory_space<vmem>>) target(%dma_start3A_521 : memref<10240x128xf32, #tpu.memory_space<vmem_shared>>) offsets(%dma_start3A_518 : memref<64xi32, #tpu.memory_space<vmem>>) semaphore(%arg20 : memref<!tpu.dma_semaphore, #tpu.memory_space<semaphore_mem>>) {add = true}
      %dma_wait3A_522 = arith.constant 36 : i32
      %dma_wait3A_523 = arith.constant 0 : i32
      %dma_wait3A_524 = tpu.memref_slice %arg6[%dma_wait3A_522, %dma_wait3A_523] : memref<64x64xi32, #tpu.memory_space<vmem>> -> memref<1x64xi32, #tpu.memory_space<vmem>>
      %dma_wait3A_525 = tpu.memref_squeeze %dma_wait3A_524 : memref<1x64xi32, #tpu.memory_space<vmem>> -> memref<64xi32, #tpu.memory_space<vmem>>
      %dma_wait3A_526 = arith.constant 0 : i32
      %dma_wait3A_527 = arith.constant 0 : i32
      %dma_wait3A_528 = tpu.memref_slice %arg12[%dma_wait3A_526, %dma_wait3A_527] : memref<10240x128xf32, #tpu.memory_space<vmem_shared>> -> memref<10240x128xf32, #tpu.memory_space<vmem_shared>>
      tpu.wait_indirect_dma semaphore(%arg19 : memref<!tpu.dma_semaphore, #tpu.memory_space<semaphore_mem>>) src(%arg8 : memref<64x128xf32, #tpu.memory_space<vmem>>) dst(%dma_wait3A_528 : memref<10240x128xf32, #tpu.memory_space<vmem_shared>>)
      %dma_start3A_529 = arith.constant 8 : i32
      %dma_start3A_530 = arith.constant 0 : i32
      %dma_start3A_531 = tpu.memref_slice %arg6[%dma_start3A_529, %dma_start3A_530] : memref<64x64xi32, #tpu.memory_space<vmem>> -> memref<1x64xi32, #tpu.memory_space<vmem>>
      %dma_start3A_532 = tpu.memref_squeeze %dma_start3A_531 : memref<1x64xi32, #tpu.memory_space<vmem>> -> memref<64xi32, #tpu.memory_space<vmem>>
      %dma_start3A_533 = arith.constant 0 : i32
      %dma_start3A_534 = arith.constant 0 : i32
      %dma_start3A_535 = tpu.memref_slice %arg2[%dma_start3A_533, %dma_start3A_534] : memref<20480x128xf32, #tpu.memory_space<hbm>> -> memref<20480x128xf32, #tpu.memory_space<hbm>>
      tpu.enqueue_indirect_dma source(%dma_start3A_535 : memref<20480x128xf32, #tpu.memory_space<hbm>>) target(%arg8 : memref<64x128xf32, #tpu.memory_space<vmem>>) offsets(%dma_start3A_532 : memref<64xi32, #tpu.memory_space<vmem>>) semaphore(%arg15 : memref<!tpu.dma_semaphore, #tpu.memory_space<semaphore_mem>>)
      %dma_wait3A_536 = arith.constant 6 : i32
      %dma_wait3A_537 = arith.constant 0 : i32
      %dma_wait3A_538 = tpu.memref_slice %arg6[%dma_wait3A_536, %dma_wait3A_537] : memref<64x64xi32, #tpu.memory_space<vmem>> -> memref<1x64xi32, #tpu.memory_space<vmem>>
      %dma_wait3A_539 = tpu.memref_squeeze %dma_wait3A_538 : memref<1x64xi32, #tpu.memory_space<vmem>> -> memref<64xi32, #tpu.memory_space<vmem>>
      %dma_wait3A_540 = arith.constant 0 : i32
      %dma_wait3A_541 = arith.constant 0 : i32
      %dma_wait3A_542 = tpu.memref_slice %arg2[%dma_wait3A_540, %dma_wait3A_541] : memref<20480x128xf32, #tpu.memory_space<hbm>> -> memref<20480x128xf32, #tpu.memory_space<hbm>>
      tpu.wait_indirect_dma semaphore(%arg17 : memref<!tpu.dma_semaphore, #tpu.memory_space<semaphore_mem>>) src(%dma_wait3A_542 : memref<20480x128xf32, #tpu.memory_space<hbm>>) dst(%arg10 : memref<64x128xf32, #tpu.memory_space<vmem>>)
      %dma_start3A_543 = arith.constant 38 : i32
      %dma_start3A_544 = arith.constant 0 : i32
      %dma_start3A_545 = tpu.memref_slice %arg6[%dma_start3A_543, %dma_start3A_544] : memref<64x64xi32, #tpu.memory_space<vmem>> -> memref<1x64xi32, #tpu.memory_space<vmem>>
      %dma_start3A_546 = tpu.memref_squeeze %dma_start3A_545 : memref<1x64xi32, #tpu.memory_space<vmem>> -> memref<64xi32, #tpu.memory_space<vmem>>
      %dma_start3A_547 = arith.constant 0 : i32
      %dma_start3A_548 = arith.constant 0 : i32
      %dma_start3A_549 = tpu.memref_slice %arg12[%dma_start3A_547, %dma_start3A_548] : memref<10240x128xf32, #tpu.memory_space<vmem_shared>> -> memref<10240x128xf32, #tpu.memory_space<vmem_shared>>
      tpu.enqueue_indirect_dma source(%arg10 : memref<64x128xf32, #tpu.memory_space<vmem>>) target(%dma_start3A_549 : memref<10240x128xf32, #tpu.memory_space<vmem_shared>>) offsets(%dma_start3A_546 : memref<64xi32, #tpu.memory_space<vmem>>) semaphore(%arg21 : memref<!tpu.dma_semaphore, #tpu.memory_space<semaphore_mem>>) {add = true}
      %dma_wait3A_550 = arith.constant 37 : i32
      %dma_wait3A_551 = arith.constant 0 : i32
      %dma_wait3A_552 = tpu.memref_slice %arg6[%dma_wait3A_550, %dma_wait3A_551] : memref<64x64xi32, #tpu.memory_space<vmem>> -> memref<1x64xi32, #tpu.memory_space<vmem>>
      %dma_wait3A_553 = tpu.memref_squeeze %dma_wait3A_552 : memref<1x64xi32, #tpu.memory_space<vmem>> -> memref<64xi32, #tpu.memory_space<vmem>>
      %dma_wait3A_554 = arith.constant 0 : i32
      %dma_wait3A_555 = arith.constant 0 : i32
      %dma_wait3A_556 = tpu.memref_slice %arg12[%dma_wait3A_554, %dma_wait3A_555] : memref<10240x128xf32, #tpu.memory_space<vmem_shared>> -> memref<10240x128xf32, #tpu.memory_space<vmem_shared>>
      tpu.wait_indirect_dma semaphore(%arg20 : memref<!tpu.dma_semaphore, #tpu.memory_space<semaphore_mem>>) src(%arg9 : memref<64x128xf32, #tpu.memory_space<vmem>>) dst(%dma_wait3A_556 : memref<10240x128xf32, #tpu.memory_space<vmem_shared>>)
      %dma_start3A_557 = arith.constant 9 : i32
      %dma_start3A_558 = arith.constant 0 : i32
      %dma_start3A_559 = tpu.memref_slice %arg6[%dma_start3A_557, %dma_start3A_558] : memref<64x64xi32, #tpu.memory_space<vmem>> -> memref<1x64xi32, #tpu.memory_space<vmem>>
      %dma_start3A_560 = tpu.memref_squeeze %dma_start3A_559 : memref<1x64xi32, #tpu.memory_space<vmem>> -> memref<64xi32, #tpu.memory_space<vmem>>
      %dma_start3A_561 = arith.constant 0 : i32
      %dma_start3A_562 = arith.constant 0 : i32
      %dma_start3A_563 = tpu.memref_slice %arg2[%dma_start3A_561, %dma_start3A_562] : memref<20480x128xf32, #tpu.memory_space<hbm>> -> memref<20480x128xf32, #tpu.memory_space<hbm>>
      tpu.enqueue_indirect_dma source(%dma_start3A_563 : memref<20480x128xf32, #tpu.memory_space<hbm>>) target(%arg9 : memref<64x128xf32, #tpu.memory_space<vmem>>) offsets(%dma_start3A_560 : memref<64xi32, #tpu.memory_space<vmem>>) semaphore(%arg16 : memref<!tpu.dma_semaphore, #tpu.memory_space<semaphore_mem>>)
      %dma_wait3A_564 = arith.constant 7 : i32
      %dma_wait3A_565 = arith.constant 0 : i32
      %dma_wait3A_566 = tpu.memref_slice %arg6[%dma_wait3A_564, %dma_wait3A_565] : memref<64x64xi32, #tpu.memory_space<vmem>> -> memref<1x64xi32, #tpu.memory_space<vmem>>
      %dma_wait3A_567 = tpu.memref_squeeze %dma_wait3A_566 : memref<1x64xi32, #tpu.memory_space<vmem>> -> memref<64xi32, #tpu.memory_space<vmem>>
      %dma_wait3A_568 = arith.constant 0 : i32
      %dma_wait3A_569 = arith.constant 0 : i32
      %dma_wait3A_570 = tpu.memref_slice %arg2[%dma_wait3A_568, %dma_wait3A_569] : memref<20480x128xf32, #tpu.memory_space<hbm>> -> memref<20480x128xf32, #tpu.memory_space<hbm>>
      tpu.wait_indirect_dma semaphore(%arg18 : memref<!tpu.dma_semaphore, #tpu.memory_space<semaphore_mem>>) src(%dma_wait3A_570 : memref<20480x128xf32, #tpu.memory_space<hbm>>) dst(%arg11 : memref<64x128xf32, #tpu.memory_space<vmem>>)
      %dma_start3A_571 = arith.constant 39 : i32
      %dma_start3A_572 = arith.constant 0 : i32
      %dma_start3A_573 = tpu.memref_slice %arg6[%dma_start3A_571, %dma_start3A_572] : memref<64x64xi32, #tpu.memory_space<vmem>> -> memref<1x64xi32, #tpu.memory_space<vmem>>
      %dma_start3A_574 = tpu.memref_squeeze %dma_start3A_573 : memref<1x64xi32, #tpu.memory_space<vmem>> -> memref<64xi32, #tpu.memory_space<vmem>>
      %dma_start3A_575 = arith.constant 0 : i32
      %dma_start3A_576 = arith.constant 0 : i32
      %dma_start3A_577 = tpu.memref_slice %arg12[%dma_start3A_575, %dma_start3A_576] : memref<10240x128xf32, #tpu.memory_space<vmem_shared>> -> memref<10240x128xf32, #tpu.memory_space<vmem_shared>>
      tpu.enqueue_indirect_dma source(%arg11 : memref<64x128xf32, #tpu.memory_space<vmem>>) target(%dma_start3A_577 : memref<10240x128xf32, #tpu.memory_space<vmem_shared>>) offsets(%dma_start3A_574 : memref<64xi32, #tpu.memory_space<vmem>>) semaphore(%arg22 : memref<!tpu.dma_semaphore, #tpu.memory_space<semaphore_mem>>) {add = true}
      %dma_wait3A_578 = arith.constant 38 : i32
      %dma_wait3A_579 = arith.constant 0 : i32
      %dma_wait3A_580 = tpu.memref_slice %arg6[%dma_wait3A_578, %dma_wait3A_579] : memref<64x64xi32, #tpu.memory_space<vmem>> -> memref<1x64xi32, #tpu.memory_space<vmem>>
      %dma_wait3A_581 = tpu.memref_squeeze %dma_wait3A_580 : memref<1x64xi32, #tpu.memory_space<vmem>> -> memref<64xi32, #tpu.memory_space<vmem>>
      %dma_wait3A_582 = arith.constant 0 : i32
      %dma_wait3A_583 = arith.constant 0 : i32
      %dma_wait3A_584 = tpu.memref_slice %arg12[%dma_wait3A_582, %dma_wait3A_583] : memref<10240x128xf32, #tpu.memory_space<vmem_shared>> -> memref<10240x128xf32, #tpu.memory_space<vmem_shared>>
      tpu.wait_indirect_dma semaphore(%arg21 : memref<!tpu.dma_semaphore, #tpu.memory_space<semaphore_mem>>) src(%arg10 : memref<64x128xf32, #tpu.memory_space<vmem>>) dst(%dma_wait3A_584 : memref<10240x128xf32, #tpu.memory_space<vmem_shared>>)
      %dma_start3A_585 = arith.constant 10 : i32
      %dma_start3A_586 = arith.constant 0 : i32
      %dma_start3A_587 = tpu.memref_slice %arg6[%dma_start3A_585, %dma_start3A_586] : memref<64x64xi32, #tpu.memory_space<vmem>> -> memref<1x64xi32, #tpu.memory_space<vmem>>
      %dma_start3A_588 = tpu.memref_squeeze %dma_start3A_587 : memref<1x64xi32, #tpu.memory_space<vmem>> -> memref<64xi32, #tpu.memory_space<vmem>>
      %dma_start3A_589 = arith.constant 0 : i32
      %dma_start3A_590 = arith.constant 0 : i32
      %dma_start3A_591 = tpu.memref_slice %arg2[%dma_start3A_589, %dma_start3A_590] : memref<20480x128xf32, #tpu.memory_space<hbm>> -> memref<20480x128xf32, #tpu.memory_space<hbm>>
      tpu.enqueue_indirect_dma source(%dma_start3A_591 : memref<20480x128xf32, #tpu.memory_space<hbm>>) target(%arg10 : memref<64x128xf32, #tpu.memory_space<vmem>>) offsets(%dma_start3A_588 : memref<64xi32, #tpu.memory_space<vmem>>) semaphore(%arg17 : memref<!tpu.dma_semaphore, #tpu.memory_space<semaphore_mem>>)
      %dma_wait3A_592 = arith.constant 8 : i32
      %dma_wait3A_593 = arith.constant 0 : i32
      %dma_wait3A_594 = tpu.memref_slice %arg6[%dma_wait3A_592, %dma_wait3A_593] : memref<64x64xi32, #tpu.memory_space<vmem>> -> memref<1x64xi32, #tpu.memory_space<vmem>>
      %dma_wait3A_595 = tpu.memref_squeeze %dma_wait3A_594 : memref<1x64xi32, #tpu.memory_space<vmem>> -> memref<64xi32, #tpu.memory_space<vmem>>
      %dma_wait3A_596 = arith.constant 0 : i32
      %dma_wait3A_597 = arith.constant 0 : i32
      %dma_wait3A_598 = tpu.memref_slice %arg2[%dma_wait3A_596, %dma_wait3A_597] : memref<20480x128xf32, #tpu.memory_space<hbm>> -> memref<20480x128xf32, #tpu.memory_space<hbm>>
      tpu.wait_indirect_dma semaphore(%arg15 : memref<!tpu.dma_semaphore, #tpu.memory_space<semaphore_mem>>) src(%dma_wait3A_598 : memref<20480x128xf32, #tpu.memory_space<hbm>>) dst(%arg8 : memref<64x128xf32, #tpu.memory_space<vmem>>)
      %dma_start3A_599 = arith.constant 40 : i32
      %dma_start3A_600 = arith.constant 0 : i32
      %dma_start3A_601 = tpu.memref_slice %arg6[%dma_start3A_599, %dma_start3A_600] : memref<64x64xi32, #tpu.memory_space<vmem>> -> memref<1x64xi32, #tpu.memory_space<vmem>>
      %dma_start3A_602 = tpu.memref_squeeze %dma_start3A_601 : memref<1x64xi32, #tpu.memory_space<vmem>> -> memref<64xi32, #tpu.memory_space<vmem>>
      %dma_start3A_603 = arith.constant 0 : i32
      %dma_start3A_604 = arith.constant 0 : i32
      %dma_start3A_605 = tpu.memref_slice %arg12[%dma_start3A_603, %dma_start3A_604] : memref<10240x128xf32, #tpu.memory_space<vmem_shared>> -> memref<10240x128xf32, #tpu.memory_space<vmem_shared>>
      tpu.enqueue_indirect_dma source(%arg8 : memref<64x128xf32, #tpu.memory_space<vmem>>) target(%dma_start3A_605 : memref<10240x128xf32, #tpu.memory_space<vmem_shared>>) offsets(%dma_start3A_602 : memref<64xi32, #tpu.memory_space<vmem>>) semaphore(%arg19 : memref<!tpu.dma_semaphore, #tpu.memory_space<semaphore_mem>>) {add = true}
      %dma_wait3A_606 = arith.constant 39 : i32
      %dma_wait3A_607 = arith.constant 0 : i32
      %dma_wait3A_608 = tpu.memref_slice %arg6[%dma_wait3A_606, %dma_wait3A_607] : memref<64x64xi32, #tpu.memory_space<vmem>> -> memref<1x64xi32, #tpu.memory_space<vmem>>
      %dma_wait3A_609 = tpu.memref_squeeze %dma_wait3A_608 : memref<1x64xi32, #tpu.memory_space<vmem>> -> memref<64xi32, #tpu.memory_space<vmem>>
      %dma_wait3A_610 = arith.constant 0 : i32
      %dma_wait3A_611 = arith.constant 0 : i32
      %dma_wait3A_612 = tpu.memref_slice %arg12[%dma_wait3A_610, %dma_wait3A_611] : memref<10240x128xf32, #tpu.memory_space<vmem_shared>> -> memref<10240x128xf32, #tpu.memory_space<vmem_shared>>
      tpu.wait_indirect_dma semaphore(%arg22 : memref<!tpu.dma_semaphore, #tpu.memory_space<semaphore_mem>>) src(%arg11 : memref<64x128xf32, #tpu.memory_space<vmem>>) dst(%dma_wait3A_612 : memref<10240x128xf32, #tpu.memory_space<vmem_shared>>)
      %dma_start3A_613 = arith.constant 11 : i32
      %dma_start3A_614 = arith.constant 0 : i32
      %dma_start3A_615 = tpu.memref_slice %arg6[%dma_start3A_613, %dma_start3A_614] : memref<64x64xi32, #tpu.memory_space<vmem>> -> memref<1x64xi32, #tpu.memory_space<vmem>>
      %dma_start3A_616 = tpu.memref_squeeze %dma_start3A_615 : memref<1x64xi32, #tpu.memory_space<vmem>> -> memref<64xi32, #tpu.memory_space<vmem>>
      %dma_start3A_617 = arith.constant 0 : i32
      %dma_start3A_618 = arith.constant 0 : i32
      %dma_start3A_619 = tpu.memref_slice %arg2[%dma_start3A_617, %dma_start3A_618] : memref<20480x128xf32, #tpu.memory_space<hbm>> -> memref<20480x128xf32, #tpu.memory_space<hbm>>
      tpu.enqueue_indirect_dma source(%dma_start3A_619 : memref<20480x128xf32, #tpu.memory_space<hbm>>) target(%arg11 : memref<64x128xf32, #tpu.memory_space<vmem>>) offsets(%dma_start3A_616 : memref<64xi32, #tpu.memory_space<vmem>>) semaphore(%arg18 : memref<!tpu.dma_semaphore, #tpu.memory_space<semaphore_mem>>)
      %dma_wait3A_620 = arith.constant 9 : i32
      %dma_wait3A_621 = arith.constant 0 : i32
      %dma_wait3A_622 = tpu.memref_slice %arg6[%dma_wait3A_620, %dma_wait3A_621] : memref<64x64xi32, #tpu.memory_space<vmem>> -> memref<1x64xi32, #tpu.memory_space<vmem>>
      %dma_wait3A_623 = tpu.memref_squeeze %dma_wait3A_622 : memref<1x64xi32, #tpu.memory_space<vmem>> -> memref<64xi32, #tpu.memory_space<vmem>>
      %dma_wait3A_624 = arith.constant 0 : i32
      %dma_wait3A_625 = arith.constant 0 : i32
      %dma_wait3A_626 = tpu.memref_slice %arg2[%dma_wait3A_624, %dma_wait3A_625] : memref<20480x128xf32, #tpu.memory_space<hbm>> -> memref<20480x128xf32, #tpu.memory_space<hbm>>
      tpu.wait_indirect_dma semaphore(%arg16 : memref<!tpu.dma_semaphore, #tpu.memory_space<semaphore_mem>>) src(%dma_wait3A_626 : memref<20480x128xf32, #tpu.memory_space<hbm>>) dst(%arg9 : memref<64x128xf32, #tpu.memory_space<vmem>>)
      %dma_start3A_627 = arith.constant 41 : i32
      %dma_start3A_628 = arith.constant 0 : i32
      %dma_start3A_629 = tpu.memref_slice %arg6[%dma_start3A_627, %dma_start3A_628] : memref<64x64xi32, #tpu.memory_space<vmem>> -> memref<1x64xi32, #tpu.memory_space<vmem>>
      %dma_start3A_630 = tpu.memref_squeeze %dma_start3A_629 : memref<1x64xi32, #tpu.memory_space<vmem>> -> memref<64xi32, #tpu.memory_space<vmem>>
      %dma_start3A_631 = arith.constant 0 : i32
      %dma_start3A_632 = arith.constant 0 : i32
      %dma_start3A_633 = tpu.memref_slice %arg12[%dma_start3A_631, %dma_start3A_632] : memref<10240x128xf32, #tpu.memory_space<vmem_shared>> -> memref<10240x128xf32, #tpu.memory_space<vmem_shared>>
      tpu.enqueue_indirect_dma source(%arg9 : memref<64x128xf32, #tpu.memory_space<vmem>>) target(%dma_start3A_633 : memref<10240x128xf32, #tpu.memory_space<vmem_shared>>) offsets(%dma_start3A_630 : memref<64xi32, #tpu.memory_space<vmem>>) semaphore(%arg20 : memref<!tpu.dma_semaphore, #tpu.memory_space<semaphore_mem>>) {add = true}
      %dma_wait3A_634 = arith.constant 40 : i32
      %dma_wait3A_635 = arith.constant 0 : i32
      %dma_wait3A_636 = tpu.memref_slice %arg6[%dma_wait3A_634, %dma_wait3A_635] : memref<64x64xi32, #tpu.memory_space<vmem>> -> memref<1x64xi32, #tpu.memory_space<vmem>>
      %dma_wait3A_637 = tpu.memref_squeeze %dma_wait3A_636 : memref<1x64xi32, #tpu.memory_space<vmem>> -> memref<64xi32, #tpu.memory_space<vmem>>
      %dma_wait3A_638 = arith.constant 0 : i32
      %dma_wait3A_639 = arith.constant 0 : i32
      %dma_wait3A_640 = tpu.memref_slice %arg12[%dma_wait3A_638, %dma_wait3A_639] : memref<10240x128xf32, #tpu.memory_space<vmem_shared>> -> memref<10240x128xf32, #tpu.memory_space<vmem_shared>>
      tpu.wait_indirect_dma semaphore(%arg19 : memref<!tpu.dma_semaphore, #tpu.memory_space<semaphore_mem>>) src(%arg8 : memref<64x128xf32, #tpu.memory_space<vmem>>) dst(%dma_wait3A_640 : memref<10240x128xf32, #tpu.memory_space<vmem_shared>>)
      %dma_start3A_641 = arith.constant 12 : i32
      %dma_start3A_642 = arith.constant 0 : i32
      %dma_start3A_643 = tpu.memref_slice %arg6[%dma_start3A_641, %dma_start3A_642] : memref<64x64xi32, #tpu.memory_space<vmem>> -> memref<1x64xi32, #tpu.memory_space<vmem>>
      %dma_start3A_644 = tpu.memref_squeeze %dma_start3A_643 : memref<1x64xi32, #tpu.memory_space<vmem>> -> memref<64xi32, #tpu.memory_space<vmem>>
      %dma_start3A_645 = arith.constant 0 : i32
      %dma_start3A_646 = arith.constant 0 : i32
      %dma_start3A_647 = tpu.memref_slice %arg2[%dma_start3A_645, %dma_start3A_646] : memref<20480x128xf32, #tpu.memory_space<hbm>> -> memref<20480x128xf32, #tpu.memory_space<hbm>>
      tpu.enqueue_indirect_dma source(%dma_start3A_647 : memref<20480x128xf32, #tpu.memory_space<hbm>>) target(%arg8 : memref<64x128xf32, #tpu.memory_space<vmem>>) offsets(%dma_start3A_644 : memref<64xi32, #tpu.memory_space<vmem>>) semaphore(%arg15 : memref<!tpu.dma_semaphore, #tpu.memory_space<semaphore_mem>>)
      %dma_wait3A_648 = arith.constant 10 : i32
      %dma_wait3A_649 = arith.constant 0 : i32
      %dma_wait3A_650 = tpu.memref_slice %arg6[%dma_wait3A_648, %dma_wait3A_649] : memref<64x64xi32, #tpu.memory_space<vmem>> -> memref<1x64xi32, #tpu.memory_space<vmem>>
      %dma_wait3A_651 = tpu.memref_squeeze %dma_wait3A_650 : memref<1x64xi32, #tpu.memory_space<vmem>> -> memref<64xi32, #tpu.memory_space<vmem>>
      %dma_wait3A_652 = arith.constant 0 : i32
      %dma_wait3A_653 = arith.constant 0 : i32
      %dma_wait3A_654 = tpu.memref_slice %arg2[%dma_wait3A_652, %dma_wait3A_653] : memref<20480x128xf32, #tpu.memory_space<hbm>> -> memref<20480x128xf32, #tpu.memory_space<hbm>>
      tpu.wait_indirect_dma semaphore(%arg17 : memref<!tpu.dma_semaphore, #tpu.memory_space<semaphore_mem>>) src(%dma_wait3A_654 : memref<20480x128xf32, #tpu.memory_space<hbm>>) dst(%arg10 : memref<64x128xf32, #tpu.memory_space<vmem>>)
      %dma_start3A_655 = arith.constant 42 : i32
      %dma_start3A_656 = arith.constant 0 : i32
      %dma_start3A_657 = tpu.memref_slice %arg6[%dma_start3A_655, %dma_start3A_656] : memref<64x64xi32, #tpu.memory_space<vmem>> -> memref<1x64xi32, #tpu.memory_space<vmem>>
      %dma_start3A_658 = tpu.memref_squeeze %dma_start3A_657 : memref<1x64xi32, #tpu.memory_space<vmem>> -> memref<64xi32, #tpu.memory_space<vmem>>
      %dma_start3A_659 = arith.constant 0 : i32
      %dma_start3A_660 = arith.constant 0 : i32
      %dma_start3A_661 = tpu.memref_slice %arg12[%dma_start3A_659, %dma_start3A_660] : memref<10240x128xf32, #tpu.memory_space<vmem_shared>> -> memref<10240x128xf32, #tpu.memory_space<vmem_shared>>
      tpu.enqueue_indirect_dma source(%arg10 : memref<64x128xf32, #tpu.memory_space<vmem>>) target(%dma_start3A_661 : memref<10240x128xf32, #tpu.memory_space<vmem_shared>>) offsets(%dma_start3A_658 : memref<64xi32, #tpu.memory_space<vmem>>) semaphore(%arg21 : memref<!tpu.dma_semaphore, #tpu.memory_space<semaphore_mem>>) {add = true}
      %dma_wait3A_662 = arith.constant 41 : i32
      %dma_wait3A_663 = arith.constant 0 : i32
      %dma_wait3A_664 = tpu.memref_slice %arg6[%dma_wait3A_662, %dma_wait3A_663] : memref<64x64xi32, #tpu.memory_space<vmem>> -> memref<1x64xi32, #tpu.memory_space<vmem>>
      %dma_wait3A_665 = tpu.memref_squeeze %dma_wait3A_664 : memref<1x64xi32, #tpu.memory_space<vmem>> -> memref<64xi32, #tpu.memory_space<vmem>>
      %dma_wait3A_666 = arith.constant 0 : i32
      %dma_wait3A_667 = arith.constant 0 : i32
      %dma_wait3A_668 = tpu.memref_slice %arg12[%dma_wait3A_666, %dma_wait3A_667] : memref<10240x128xf32, #tpu.memory_space<vmem_shared>> -> memref<10240x128xf32, #tpu.memory_space<vmem_shared>>
      tpu.wait_indirect_dma semaphore(%arg20 : memref<!tpu.dma_semaphore, #tpu.memory_space<semaphore_mem>>) src(%arg9 : memref<64x128xf32, #tpu.memory_space<vmem>>) dst(%dma_wait3A_668 : memref<10240x128xf32, #tpu.memory_space<vmem_shared>>)
      %dma_start3A_669 = arith.constant 13 : i32
      %dma_start3A_670 = arith.constant 0 : i32
      %dma_start3A_671 = tpu.memref_slice %arg6[%dma_start3A_669, %dma_start3A_670] : memref<64x64xi32, #tpu.memory_space<vmem>> -> memref<1x64xi32, #tpu.memory_space<vmem>>
      %dma_start3A_672 = tpu.memref_squeeze %dma_start3A_671 : memref<1x64xi32, #tpu.memory_space<vmem>> -> memref<64xi32, #tpu.memory_space<vmem>>
      %dma_start3A_673 = arith.constant 0 : i32
      %dma_start3A_674 = arith.constant 0 : i32
      %dma_start3A_675 = tpu.memref_slice %arg2[%dma_start3A_673, %dma_start3A_674] : memref<20480x128xf32, #tpu.memory_space<hbm>> -> memref<20480x128xf32, #tpu.memory_space<hbm>>
      tpu.enqueue_indirect_dma source(%dma_start3A_675 : memref<20480x128xf32, #tpu.memory_space<hbm>>) target(%arg9 : memref<64x128xf32, #tpu.memory_space<vmem>>) offsets(%dma_start3A_672 : memref<64xi32, #tpu.memory_space<vmem>>) semaphore(%arg16 : memref<!tpu.dma_semaphore, #tpu.memory_space<semaphore_mem>>)
      %dma_wait3A_676 = arith.constant 11 : i32
      %dma_wait3A_677 = arith.constant 0 : i32
      %dma_wait3A_678 = tpu.memref_slice %arg6[%dma_wait3A_676, %dma_wait3A_677] : memref<64x64xi32, #tpu.memory_space<vmem>> -> memref<1x64xi32, #tpu.memory_space<vmem>>
      %dma_wait3A_679 = tpu.memref_squeeze %dma_wait3A_678 : memref<1x64xi32, #tpu.memory_space<vmem>> -> memref<64xi32, #tpu.memory_space<vmem>>
      %dma_wait3A_680 = arith.constant 0 : i32
      %dma_wait3A_681 = arith.constant 0 : i32
      %dma_wait3A_682 = tpu.memref_slice %arg2[%dma_wait3A_680, %dma_wait3A_681] : memref<20480x128xf32, #tpu.memory_space<hbm>> -> memref<20480x128xf32, #tpu.memory_space<hbm>>
      tpu.wait_indirect_dma semaphore(%arg18 : memref<!tpu.dma_semaphore, #tpu.memory_space<semaphore_mem>>) src(%dma_wait3A_682 : memref<20480x128xf32, #tpu.memory_space<hbm>>) dst(%arg11 : memref<64x128xf32, #tpu.memory_space<vmem>>)
      %dma_start3A_683 = arith.constant 43 : i32
      %dma_start3A_684 = arith.constant 0 : i32
      %dma_start3A_685 = tpu.memref_slice %arg6[%dma_start3A_683, %dma_start3A_684] : memref<64x64xi32, #tpu.memory_space<vmem>> -> memref<1x64xi32, #tpu.memory_space<vmem>>
      %dma_start3A_686 = tpu.memref_squeeze %dma_start3A_685 : memref<1x64xi32, #tpu.memory_space<vmem>> -> memref<64xi32, #tpu.memory_space<vmem>>
      %dma_start3A_687 = arith.constant 0 : i32
      %dma_start3A_688 = arith.constant 0 : i32
      %dma_start3A_689 = tpu.memref_slice %arg12[%dma_start3A_687, %dma_start3A_688] : memref<10240x128xf32, #tpu.memory_space<vmem_shared>> -> memref<10240x128xf32, #tpu.memory_space<vmem_shared>>
      tpu.enqueue_indirect_dma source(%arg11 : memref<64x128xf32, #tpu.memory_space<vmem>>) target(%dma_start3A_689 : memref<10240x128xf32, #tpu.memory_space<vmem_shared>>) offsets(%dma_start3A_686 : memref<64xi32, #tpu.memory_space<vmem>>) semaphore(%arg22 : memref<!tpu.dma_semaphore, #tpu.memory_space<semaphore_mem>>) {add = true}
      %dma_wait3A_690 = arith.constant 42 : i32
      %dma_wait3A_691 = arith.constant 0 : i32
      %dma_wait3A_692 = tpu.memref_slice %arg6[%dma_wait3A_690, %dma_wait3A_691] : memref<64x64xi32, #tpu.memory_space<vmem>> -> memref<1x64xi32, #tpu.memory_space<vmem>>
      %dma_wait3A_693 = tpu.memref_squeeze %dma_wait3A_692 : memref<1x64xi32, #tpu.memory_space<vmem>> -> memref<64xi32, #tpu.memory_space<vmem>>
      %dma_wait3A_694 = arith.constant 0 : i32
      %dma_wait3A_695 = arith.constant 0 : i32
      %dma_wait3A_696 = tpu.memref_slice %arg12[%dma_wait3A_694, %dma_wait3A_695] : memref<10240x128xf32, #tpu.memory_space<vmem_shared>> -> memref<10240x128xf32, #tpu.memory_space<vmem_shared>>
      tpu.wait_indirect_dma semaphore(%arg21 : memref<!tpu.dma_semaphore, #tpu.memory_space<semaphore_mem>>) src(%arg10 : memref<64x128xf32, #tpu.memory_space<vmem>>) dst(%dma_wait3A_696 : memref<10240x128xf32, #tpu.memory_space<vmem_shared>>)
      %dma_start3A_697 = arith.constant 14 : i32
      %dma_start3A_698 = arith.constant 0 : i32
      %dma_start3A_699 = tpu.memref_slice %arg6[%dma_start3A_697, %dma_start3A_698] : memref<64x64xi32, #tpu.memory_space<vmem>> -> memref<1x64xi32, #tpu.memory_space<vmem>>
      %dma_start3A_700 = tpu.memref_squeeze %dma_start3A_699 : memref<1x64xi32, #tpu.memory_space<vmem>> -> memref<64xi32, #tpu.memory_space<vmem>>
      %dma_start3A_701 = arith.constant 0 : i32
      %dma_start3A_702 = arith.constant 0 : i32
      %dma_start3A_703 = tpu.memref_slice %arg2[%dma_start3A_701, %dma_start3A_702] : memref<20480x128xf32, #tpu.memory_space<hbm>> -> memref<20480x128xf32, #tpu.memory_space<hbm>>
      tpu.enqueue_indirect_dma source(%dma_start3A_703 : memref<20480x128xf32, #tpu.memory_space<hbm>>) target(%arg10 : memref<64x128xf32, #tpu.memory_space<vmem>>) offsets(%dma_start3A_700 : memref<64xi32, #tpu.memory_space<vmem>>) semaphore(%arg17 : memref<!tpu.dma_semaphore, #tpu.memory_space<semaphore_mem>>)
      %dma_wait3A_704 = arith.constant 12 : i32
      %dma_wait3A_705 = arith.constant 0 : i32
      %dma_wait3A_706 = tpu.memref_slice %arg6[%dma_wait3A_704, %dma_wait3A_705] : memref<64x64xi32, #tpu.memory_space<vmem>> -> memref<1x64xi32, #tpu.memory_space<vmem>>
      %dma_wait3A_707 = tpu.memref_squeeze %dma_wait3A_706 : memref<1x64xi32, #tpu.memory_space<vmem>> -> memref<64xi32, #tpu.memory_space<vmem>>
      %dma_wait3A_708 = arith.constant 0 : i32
      %dma_wait3A_709 = arith.constant 0 : i32
      %dma_wait3A_710 = tpu.memref_slice %arg2[%dma_wait3A_708, %dma_wait3A_709] : memref<20480x128xf32, #tpu.memory_space<hbm>> -> memref<20480x128xf32, #tpu.memory_space<hbm>>
      tpu.wait_indirect_dma semaphore(%arg15 : memref<!tpu.dma_semaphore, #tpu.memory_space<semaphore_mem>>) src(%dma_wait3A_710 : memref<20480x128xf32, #tpu.memory_space<hbm>>) dst(%arg8 : memref<64x128xf32, #tpu.memory_space<vmem>>)
      %dma_start3A_711 = arith.constant 44 : i32
      %dma_start3A_712 = arith.constant 0 : i32
      %dma_start3A_713 = tpu.memref_slice %arg6[%dma_start3A_711, %dma_start3A_712] : memref<64x64xi32, #tpu.memory_space<vmem>> -> memref<1x64xi32, #tpu.memory_space<vmem>>
      %dma_start3A_714 = tpu.memref_squeeze %dma_start3A_713 : memref<1x64xi32, #tpu.memory_space<vmem>> -> memref<64xi32, #tpu.memory_space<vmem>>
      %dma_start3A_715 = arith.constant 0 : i32
      %dma_start3A_716 = arith.constant 0 : i32
      %dma_start3A_717 = tpu.memref_slice %arg12[%dma_start3A_715, %dma_start3A_716] : memref<10240x128xf32, #tpu.memory_space<vmem_shared>> -> memref<10240x128xf32, #tpu.memory_space<vmem_shared>>
      tpu.enqueue_indirect_dma source(%arg8 : memref<64x128xf32, #tpu.memory_space<vmem>>) target(%dma_start3A_717 : memref<10240x128xf32, #tpu.memory_space<vmem_shared>>) offsets(%dma_start3A_714 : memref<64xi32, #tpu.memory_space<vmem>>) semaphore(%arg19 : memref<!tpu.dma_semaphore, #tpu.memory_space<semaphore_mem>>) {add = true}
      %dma_wait3A_718 = arith.constant 43 : i32
      %dma_wait3A_719 = arith.constant 0 : i32
      %dma_wait3A_720 = tpu.memref_slice %arg6[%dma_wait3A_718, %dma_wait3A_719] : memref<64x64xi32, #tpu.memory_space<vmem>> -> memref<1x64xi32, #tpu.memory_space<vmem>>
      %dma_wait3A_721 = tpu.memref_squeeze %dma_wait3A_720 : memref<1x64xi32, #tpu.memory_space<vmem>> -> memref<64xi32, #tpu.memory_space<vmem>>
      %dma_wait3A_722 = arith.constant 0 : i32
      %dma_wait3A_723 = arith.constant 0 : i32
      %dma_wait3A_724 = tpu.memref_slice %arg12[%dma_wait3A_722, %dma_wait3A_723] : memref<10240x128xf32, #tpu.memory_space<vmem_shared>> -> memref<10240x128xf32, #tpu.memory_space<vmem_shared>>
      tpu.wait_indirect_dma semaphore(%arg22 : memref<!tpu.dma_semaphore, #tpu.memory_space<semaphore_mem>>) src(%arg11 : memref<64x128xf32, #tpu.memory_space<vmem>>) dst(%dma_wait3A_724 : memref<10240x128xf32, #tpu.memory_space<vmem_shared>>)
      %dma_start3A_725 = arith.constant 15 : i32
      %dma_start3A_726 = arith.constant 0 : i32
      %dma_start3A_727 = tpu.memref_slice %arg6[%dma_start3A_725, %dma_start3A_726] : memref<64x64xi32, #tpu.memory_space<vmem>> -> memref<1x64xi32, #tpu.memory_space<vmem>>
      %dma_start3A_728 = tpu.memref_squeeze %dma_start3A_727 : memref<1x64xi32, #tpu.memory_space<vmem>> -> memref<64xi32, #tpu.memory_space<vmem>>
      %dma_start3A_729 = arith.constant 0 : i32
      %dma_start3A_730 = arith.constant 0 : i32
      %dma_start3A_731 = tpu.memref_slice %arg2[%dma_start3A_729, %dma_start3A_730] : memref<20480x128xf32, #tpu.memory_space<hbm>> -> memref<20480x128xf32, #tpu.memory_space<hbm>>
      tpu.enqueue_indirect_dma source(%dma_start3A_731 : memref<20480x128xf32, #tpu.memory_space<hbm>>) target(%arg11 : memref<64x128xf32, #tpu.memory_space<vmem>>) offsets(%dma_start3A_728 : memref<64xi32, #tpu.memory_space<vmem>>) semaphore(%arg18 : memref<!tpu.dma_semaphore, #tpu.memory_space<semaphore_mem>>)
      %dma_wait3A_732 = arith.constant 13 : i32
      %dma_wait3A_733 = arith.constant 0 : i32
      %dma_wait3A_734 = tpu.memref_slice %arg6[%dma_wait3A_732, %dma_wait3A_733] : memref<64x64xi32, #tpu.memory_space<vmem>> -> memref<1x64xi32, #tpu.memory_space<vmem>>
      %dma_wait3A_735 = tpu.memref_squeeze %dma_wait3A_734 : memref<1x64xi32, #tpu.memory_space<vmem>> -> memref<64xi32, #tpu.memory_space<vmem>>
      %dma_wait3A_736 = arith.constant 0 : i32
      %dma_wait3A_737 = arith.constant 0 : i32
      %dma_wait3A_738 = tpu.memref_slice %arg2[%dma_wait3A_736, %dma_wait3A_737] : memref<20480x128xf32, #tpu.memory_space<hbm>> -> memref<20480x128xf32, #tpu.memory_space<hbm>>
      tpu.wait_indirect_dma semaphore(%arg16 : memref<!tpu.dma_semaphore, #tpu.memory_space<semaphore_mem>>) src(%dma_wait3A_738 : memref<20480x128xf32, #tpu.memory_space<hbm>>) dst(%arg9 : memref<64x128xf32, #tpu.memory_space<vmem>>)
      %dma_start3A_739 = arith.constant 45 : i32
      %dma_start3A_740 = arith.constant 0 : i32
      %dma_start3A_741 = tpu.memref_slice %arg6[%dma_start3A_739, %dma_start3A_740] : memref<64x64xi32, #tpu.memory_space<vmem>> -> memref<1x64xi32, #tpu.memory_space<vmem>>
      %dma_start3A_742 = tpu.memref_squeeze %dma_start3A_741 : memref<1x64xi32, #tpu.memory_space<vmem>> -> memref<64xi32, #tpu.memory_space<vmem>>
      %dma_start3A_743 = arith.constant 0 : i32
      %dma_start3A_744 = arith.constant 0 : i32
      %dma_start3A_745 = tpu.memref_slice %arg12[%dma_start3A_743, %dma_start3A_744] : memref<10240x128xf32, #tpu.memory_space<vmem_shared>> -> memref<10240x128xf32, #tpu.memory_space<vmem_shared>>
      tpu.enqueue_indirect_dma source(%arg9 : memref<64x128xf32, #tpu.memory_space<vmem>>) target(%dma_start3A_745 : memref<10240x128xf32, #tpu.memory_space<vmem_shared>>) offsets(%dma_start3A_742 : memref<64xi32, #tpu.memory_space<vmem>>) semaphore(%arg20 : memref<!tpu.dma_semaphore, #tpu.memory_space<semaphore_mem>>) {add = true}
      %dma_wait3A_746 = arith.constant 44 : i32
      %dma_wait3A_747 = arith.constant 0 : i32
      %dma_wait3A_748 = tpu.memref_slice %arg6[%dma_wait3A_746, %dma_wait3A_747] : memref<64x64xi32, #tpu.memory_space<vmem>> -> memref<1x64xi32, #tpu.memory_space<vmem>>
      %dma_wait3A_749 = tpu.memref_squeeze %dma_wait3A_748 : memref<1x64xi32, #tpu.memory_space<vmem>> -> memref<64xi32, #tpu.memory_space<vmem>>
      %dma_wait3A_750 = arith.constant 0 : i32
      %dma_wait3A_751 = arith.constant 0 : i32
      %dma_wait3A_752 = tpu.memref_slice %arg12[%dma_wait3A_750, %dma_wait3A_751] : memref<10240x128xf32, #tpu.memory_space<vmem_shared>> -> memref<10240x128xf32, #tpu.memory_space<vmem_shared>>
      tpu.wait_indirect_dma semaphore(%arg19 : memref<!tpu.dma_semaphore, #tpu.memory_space<semaphore_mem>>) src(%arg8 : memref<64x128xf32, #tpu.memory_space<vmem>>) dst(%dma_wait3A_752 : memref<10240x128xf32, #tpu.memory_space<vmem_shared>>)
      %dma_start3A_753 = arith.constant 16 : i32
      %dma_start3A_754 = arith.constant 0 : i32
      %dma_start3A_755 = tpu.memref_slice %arg6[%dma_start3A_753, %dma_start3A_754] : memref<64x64xi32, #tpu.memory_space<vmem>> -> memref<1x64xi32, #tpu.memory_space<vmem>>
      %dma_start3A_756 = tpu.memref_squeeze %dma_start3A_755 : memref<1x64xi32, #tpu.memory_space<vmem>> -> memref<64xi32, #tpu.memory_space<vmem>>
      %dma_start3A_757 = arith.constant 0 : i32
      %dma_start3A_758 = arith.constant 0 : i32
      %dma_start3A_759 = tpu.memref_slice %arg2[%dma_start3A_757, %dma_start3A_758] : memref<20480x128xf32, #tpu.memory_space<hbm>> -> memref<20480x128xf32, #tpu.memory_space<hbm>>
      tpu.enqueue_indirect_dma source(%dma_start3A_759 : memref<20480x128xf32, #tpu.memory_space<hbm>>) target(%arg8 : memref<64x128xf32, #tpu.memory_space<vmem>>) offsets(%dma_start3A_756 : memref<64xi32, #tpu.memory_space<vmem>>) semaphore(%arg15 : memref<!tpu.dma_semaphore, #tpu.memory_space<semaphore_mem>>)
      %dma_wait3A_760 = arith.constant 14 : i32
      %dma_wait3A_761 = arith.constant 0 : i32
      %dma_wait3A_762 = tpu.memref_slice %arg6[%dma_wait3A_760, %dma_wait3A_761] : memref<64x64xi32, #tpu.memory_space<vmem>> -> memref<1x64xi32, #tpu.memory_space<vmem>>
      %dma_wait3A_763 = tpu.memref_squeeze %dma_wait3A_762 : memref<1x64xi32, #tpu.memory_space<vmem>> -> memref<64xi32, #tpu.memory_space<vmem>>
      %dma_wait3A_764 = arith.constant 0 : i32
      %dma_wait3A_765 = arith.constant 0 : i32
      %dma_wait3A_766 = tpu.memref_slice %arg2[%dma_wait3A_764, %dma_wait3A_765] : memref<20480x128xf32, #tpu.memory_space<hbm>> -> memref<20480x128xf32, #tpu.memory_space<hbm>>
      tpu.wait_indirect_dma semaphore(%arg17 : memref<!tpu.dma_semaphore, #tpu.memory_space<semaphore_mem>>) src(%dma_wait3A_766 : memref<20480x128xf32, #tpu.memory_space<hbm>>) dst(%arg10 : memref<64x128xf32, #tpu.memory_space<vmem>>)
      %dma_start3A_767 = arith.constant 46 : i32
      %dma_start3A_768 = arith.constant 0 : i32
      %dma_start3A_769 = tpu.memref_slice %arg6[%dma_start3A_767, %dma_start3A_768] : memref<64x64xi32, #tpu.memory_space<vmem>> -> memref<1x64xi32, #tpu.memory_space<vmem>>
      %dma_start3A_770 = tpu.memref_squeeze %dma_start3A_769 : memref<1x64xi32, #tpu.memory_space<vmem>> -> memref<64xi32, #tpu.memory_space<vmem>>
      %dma_start3A_771 = arith.constant 0 : i32
      %dma_start3A_772 = arith.constant 0 : i32
      %dma_start3A_773 = tpu.memref_slice %arg12[%dma_start3A_771, %dma_start3A_772] : memref<10240x128xf32, #tpu.memory_space<vmem_shared>> -> memref<10240x128xf32, #tpu.memory_space<vmem_shared>>
      tpu.enqueue_indirect_dma source(%arg10 : memref<64x128xf32, #tpu.memory_space<vmem>>) target(%dma_start3A_773 : memref<10240x128xf32, #tpu.memory_space<vmem_shared>>) offsets(%dma_start3A_770 : memref<64xi32, #tpu.memory_space<vmem>>) semaphore(%arg21 : memref<!tpu.dma_semaphore, #tpu.memory_space<semaphore_mem>>) {add = true}
      %dma_wait3A_774 = arith.constant 45 : i32
      %dma_wait3A_775 = arith.constant 0 : i32
      %dma_wait3A_776 = tpu.memref_slice %arg6[%dma_wait3A_774, %dma_wait3A_775] : memref<64x64xi32, #tpu.memory_space<vmem>> -> memref<1x64xi32, #tpu.memory_space<vmem>>
      %dma_wait3A_777 = tpu.memref_squeeze %dma_wait3A_776 : memref<1x64xi32, #tpu.memory_space<vmem>> -> memref<64xi32, #tpu.memory_space<vmem>>
      %dma_wait3A_778 = arith.constant 0 : i32
      %dma_wait3A_779 = arith.constant 0 : i32
      %dma_wait3A_780 = tpu.memref_slice %arg12[%dma_wait3A_778, %dma_wait3A_779] : memref<10240x128xf32, #tpu.memory_space<vmem_shared>> -> memref<10240x128xf32, #tpu.memory_space<vmem_shared>>
      tpu.wait_indirect_dma semaphore(%arg20 : memref<!tpu.dma_semaphore, #tpu.memory_space<semaphore_mem>>) src(%arg9 : memref<64x128xf32, #tpu.memory_space<vmem>>) dst(%dma_wait3A_780 : memref<10240x128xf32, #tpu.memory_space<vmem_shared>>)
      %dma_start3A_781 = arith.constant 17 : i32
      %dma_start3A_782 = arith.constant 0 : i32
      %dma_start3A_783 = tpu.memref_slice %arg6[%dma_start3A_781, %dma_start3A_782] : memref<64x64xi32, #tpu.memory_space<vmem>> -> memref<1x64xi32, #tpu.memory_space<vmem>>
      %dma_start3A_784 = tpu.memref_squeeze %dma_start3A_783 : memref<1x64xi32, #tpu.memory_space<vmem>> -> memref<64xi32, #tpu.memory_space<vmem>>
      %dma_start3A_785 = arith.constant 0 : i32
      %dma_start3A_786 = arith.constant 0 : i32
      %dma_start3A_787 = tpu.memref_slice %arg2[%dma_start3A_785, %dma_start3A_786] : memref<20480x128xf32, #tpu.memory_space<hbm>> -> memref<20480x128xf32, #tpu.memory_space<hbm>>
      tpu.enqueue_indirect_dma source(%dma_start3A_787 : memref<20480x128xf32, #tpu.memory_space<hbm>>) target(%arg9 : memref<64x128xf32, #tpu.memory_space<vmem>>) offsets(%dma_start3A_784 : memref<64xi32, #tpu.memory_space<vmem>>) semaphore(%arg16 : memref<!tpu.dma_semaphore, #tpu.memory_space<semaphore_mem>>)
      %dma_wait3A_788 = arith.constant 15 : i32
      %dma_wait3A_789 = arith.constant 0 : i32
      %dma_wait3A_790 = tpu.memref_slice %arg6[%dma_wait3A_788, %dma_wait3A_789] : memref<64x64xi32, #tpu.memory_space<vmem>> -> memref<1x64xi32, #tpu.memory_space<vmem>>
      %dma_wait3A_791 = tpu.memref_squeeze %dma_wait3A_790 : memref<1x64xi32, #tpu.memory_space<vmem>> -> memref<64xi32, #tpu.memory_space<vmem>>
      %dma_wait3A_792 = arith.constant 0 : i32
      %dma_wait3A_793 = arith.constant 0 : i32
      %dma_wait3A_794 = tpu.memref_slice %arg2[%dma_wait3A_792, %dma_wait3A_793] : memref<20480x128xf32, #tpu.memory_space<hbm>> -> memref<20480x128xf32, #tpu.memory_space<hbm>>
      tpu.wait_indirect_dma semaphore(%arg18 : memref<!tpu.dma_semaphore, #tpu.memory_space<semaphore_mem>>) src(%dma_wait3A_794 : memref<20480x128xf32, #tpu.memory_space<hbm>>) dst(%arg11 : memref<64x128xf32, #tpu.memory_space<vmem>>)
      %dma_start3A_795 = arith.constant 47 : i32
      %dma_start3A_796 = arith.constant 0 : i32
      %dma_start3A_797 = tpu.memref_slice %arg6[%dma_start3A_795, %dma_start3A_796] : memref<64x64xi32, #tpu.memory_space<vmem>> -> memref<1x64xi32, #tpu.memory_space<vmem>>
      %dma_start3A_798 = tpu.memref_squeeze %dma_start3A_797 : memref<1x64xi32, #tpu.memory_space<vmem>> -> memref<64xi32, #tpu.memory_space<vmem>>
      %dma_start3A_799 = arith.constant 0 : i32
      %dma_start3A_800 = arith.constant 0 : i32
      %dma_start3A_801 = tpu.memref_slice %arg12[%dma_start3A_799, %dma_start3A_800] : memref<10240x128xf32, #tpu.memory_space<vmem_shared>> -> memref<10240x128xf32, #tpu.memory_space<vmem_shared>>
      tpu.enqueue_indirect_dma source(%arg11 : memref<64x128xf32, #tpu.memory_space<vmem>>) target(%dma_start3A_801 : memref<10240x128xf32, #tpu.memory_space<vmem_shared>>) offsets(%dma_start3A_798 : memref<64xi32, #tpu.memory_space<vmem>>) semaphore(%arg22 : memref<!tpu.dma_semaphore, #tpu.memory_space<semaphore_mem>>) {add = true}
      %dma_wait3A_802 = arith.constant 46 : i32
      %dma_wait3A_803 = arith.constant 0 : i32
      %dma_wait3A_804 = tpu.memref_slice %arg6[%dma_wait3A_802, %dma_wait3A_803] : memref<64x64xi32, #tpu.memory_space<vmem>> -> memref<1x64xi32, #tpu.memory_space<vmem>>
      %dma_wait3A_805 = tpu.memref_squeeze %dma_wait3A_804 : memref<1x64xi32, #tpu.memory_space<vmem>> -> memref<64xi32, #tpu.memory_space<vmem>>
      %dma_wait3A_806 = arith.constant 0 : i32
      %dma_wait3A_807 = arith.constant 0 : i32
      %dma_wait3A_808 = tpu.memref_slice %arg12[%dma_wait3A_806, %dma_wait3A_807] : memref<10240x128xf32, #tpu.memory_space<vmem_shared>> -> memref<10240x128xf32, #tpu.memory_space<vmem_shared>>
      tpu.wait_indirect_dma semaphore(%arg21 : memref<!tpu.dma_semaphore, #tpu.memory_space<semaphore_mem>>) src(%arg10 : memref<64x128xf32, #tpu.memory_space<vmem>>) dst(%dma_wait3A_808 : memref<10240x128xf32, #tpu.memory_space<vmem_shared>>)
      %dma_start3A_809 = arith.constant 18 : i32
      %dma_start3A_810 = arith.constant 0 : i32
      %dma_start3A_811 = tpu.memref_slice %arg6[%dma_start3A_809, %dma_start3A_810] : memref<64x64xi32, #tpu.memory_space<vmem>> -> memref<1x64xi32, #tpu.memory_space<vmem>>
      %dma_start3A_812 = tpu.memref_squeeze %dma_start3A_811 : memref<1x64xi32, #tpu.memory_space<vmem>> -> memref<64xi32, #tpu.memory_space<vmem>>
      %dma_start3A_813 = arith.constant 0 : i32
      %dma_start3A_814 = arith.constant 0 : i32
      %dma_start3A_815 = tpu.memref_slice %arg2[%dma_start3A_813, %dma_start3A_814] : memref<20480x128xf32, #tpu.memory_space<hbm>> -> memref<20480x128xf32, #tpu.memory_space<hbm>>
      tpu.enqueue_indirect_dma source(%dma_start3A_815 : memref<20480x128xf32, #tpu.memory_space<hbm>>) target(%arg10 : memref<64x128xf32, #tpu.memory_space<vmem>>) offsets(%dma_start3A_812 : memref<64xi32, #tpu.memory_space<vmem>>) semaphore(%arg17 : memref<!tpu.dma_semaphore, #tpu.memory_space<semaphore_mem>>)
      %dma_wait3A_816 = arith.constant 16 : i32
      %dma_wait3A_817 = arith.constant 0 : i32
      %dma_wait3A_818 = tpu.memref_slice %arg6[%dma_wait3A_816, %dma_wait3A_817] : memref<64x64xi32, #tpu.memory_space<vmem>> -> memref<1x64xi32, #tpu.memory_space<vmem>>
      %dma_wait3A_819 = tpu.memref_squeeze %dma_wait3A_818 : memref<1x64xi32, #tpu.memory_space<vmem>> -> memref<64xi32, #tpu.memory_space<vmem>>
      %dma_wait3A_820 = arith.constant 0 : i32
      %dma_wait3A_821 = arith.constant 0 : i32
      %dma_wait3A_822 = tpu.memref_slice %arg2[%dma_wait3A_820, %dma_wait3A_821] : memref<20480x128xf32, #tpu.memory_space<hbm>> -> memref<20480x128xf32, #tpu.memory_space<hbm>>
      tpu.wait_indirect_dma semaphore(%arg15 : memref<!tpu.dma_semaphore, #tpu.memory_space<semaphore_mem>>) src(%dma_wait3A_822 : memref<20480x128xf32, #tpu.memory_space<hbm>>) dst(%arg8 : memref<64x128xf32, #tpu.memory_space<vmem>>)
      %dma_start3A_823 = arith.constant 48 : i32
      %dma_start3A_824 = arith.constant 0 : i32
      %dma_start3A_825 = tpu.memref_slice %arg6[%dma_start3A_823, %dma_start3A_824] : memref<64x64xi32, #tpu.memory_space<vmem>> -> memref<1x64xi32, #tpu.memory_space<vmem>>
      %dma_start3A_826 = tpu.memref_squeeze %dma_start3A_825 : memref<1x64xi32, #tpu.memory_space<vmem>> -> memref<64xi32, #tpu.memory_space<vmem>>
      %dma_start3A_827 = arith.constant 0 : i32
      %dma_start3A_828 = arith.constant 0 : i32
      %dma_start3A_829 = tpu.memref_slice %arg12[%dma_start3A_827, %dma_start3A_828] : memref<10240x128xf32, #tpu.memory_space<vmem_shared>> -> memref<10240x128xf32, #tpu.memory_space<vmem_shared>>
      tpu.enqueue_indirect_dma source(%arg8 : memref<64x128xf32, #tpu.memory_space<vmem>>) target(%dma_start3A_829 : memref<10240x128xf32, #tpu.memory_space<vmem_shared>>) offsets(%dma_start3A_826 : memref<64xi32, #tpu.memory_space<vmem>>) semaphore(%arg19 : memref<!tpu.dma_semaphore, #tpu.memory_space<semaphore_mem>>) {add = true}
      %dma_wait3A_830 = arith.constant 47 : i32
      %dma_wait3A_831 = arith.constant 0 : i32
      %dma_wait3A_832 = tpu.memref_slice %arg6[%dma_wait3A_830, %dma_wait3A_831] : memref<64x64xi32, #tpu.memory_space<vmem>> -> memref<1x64xi32, #tpu.memory_space<vmem>>
      %dma_wait3A_833 = tpu.memref_squeeze %dma_wait3A_832 : memref<1x64xi32, #tpu.memory_space<vmem>> -> memref<64xi32, #tpu.memory_space<vmem>>
      %dma_wait3A_834 = arith.constant 0 : i32
      %dma_wait3A_835 = arith.constant 0 : i32
      %dma_wait3A_836 = tpu.memref_slice %arg12[%dma_wait3A_834, %dma_wait3A_835] : memref<10240x128xf32, #tpu.memory_space<vmem_shared>> -> memref<10240x128xf32, #tpu.memory_space<vmem_shared>>
      tpu.wait_indirect_dma semaphore(%arg22 : memref<!tpu.dma_semaphore, #tpu.memory_space<semaphore_mem>>) src(%arg11 : memref<64x128xf32, #tpu.memory_space<vmem>>) dst(%dma_wait3A_836 : memref<10240x128xf32, #tpu.memory_space<vmem_shared>>)
      %dma_start3A_837 = arith.constant 19 : i32
      %dma_start3A_838 = arith.constant 0 : i32
      %dma_start3A_839 = tpu.memref_slice %arg6[%dma_start3A_837, %dma_start3A_838] : memref<64x64xi32, #tpu.memory_space<vmem>> -> memref<1x64xi32, #tpu.memory_space<vmem>>
      %dma_start3A_840 = tpu.memref_squeeze %dma_start3A_839 : memref<1x64xi32, #tpu.memory_space<vmem>> -> memref<64xi32, #tpu.memory_space<vmem>>
      %dma_start3A_841 = arith.constant 0 : i32
      %dma_start3A_842 = arith.constant 0 : i32
      %dma_start3A_843 = tpu.memref_slice %arg2[%dma_start3A_841, %dma_start3A_842] : memref<20480x128xf32, #tpu.memory_space<hbm>> -> memref<20480x128xf32, #tpu.memory_space<hbm>>
      tpu.enqueue_indirect_dma source(%dma_start3A_843 : memref<20480x128xf32, #tpu.memory_space<hbm>>) target(%arg11 : memref<64x128xf32, #tpu.memory_space<vmem>>) offsets(%dma_start3A_840 : memref<64xi32, #tpu.memory_space<vmem>>) semaphore(%arg18 : memref<!tpu.dma_semaphore, #tpu.memory_space<semaphore_mem>>)
      %dma_wait3A_844 = arith.constant 17 : i32
      %dma_wait3A_845 = arith.constant 0 : i32
      %dma_wait3A_846 = tpu.memref_slice %arg6[%dma_wait3A_844, %dma_wait3A_845] : memref<64x64xi32, #tpu.memory_space<vmem>> -> memref<1x64xi32, #tpu.memory_space<vmem>>
      %dma_wait3A_847 = tpu.memref_squeeze %dma_wait3A_846 : memref<1x64xi32, #tpu.memory_space<vmem>> -> memref<64xi32, #tpu.memory_space<vmem>>
      %dma_wait3A_848 = arith.constant 0 : i32
      %dma_wait3A_849 = arith.constant 0 : i32
      %dma_wait3A_850 = tpu.memref_slice %arg2[%dma_wait3A_848, %dma_wait3A_849] : memref<20480x128xf32, #tpu.memory_space<hbm>> -> memref<20480x128xf32, #tpu.memory_space<hbm>>
      tpu.wait_indirect_dma semaphore(%arg16 : memref<!tpu.dma_semaphore, #tpu.memory_space<semaphore_mem>>) src(%dma_wait3A_850 : memref<20480x128xf32, #tpu.memory_space<hbm>>) dst(%arg9 : memref<64x128xf32, #tpu.memory_space<vmem>>)
      %dma_start3A_851 = arith.constant 49 : i32
      %dma_start3A_852 = arith.constant 0 : i32
      %dma_start3A_853 = tpu.memref_slice %arg6[%dma_start3A_851, %dma_start3A_852] : memref<64x64xi32, #tpu.memory_space<vmem>> -> memref<1x64xi32, #tpu.memory_space<vmem>>
      %dma_start3A_854 = tpu.memref_squeeze %dma_start3A_853 : memref<1x64xi32, #tpu.memory_space<vmem>> -> memref<64xi32, #tpu.memory_space<vmem>>
      %dma_start3A_855 = arith.constant 0 : i32
      %dma_start3A_856 = arith.constant 0 : i32
      %dma_start3A_857 = tpu.memref_slice %arg12[%dma_start3A_855, %dma_start3A_856] : memref<10240x128xf32, #tpu.memory_space<vmem_shared>> -> memref<10240x128xf32, #tpu.memory_space<vmem_shared>>
      tpu.enqueue_indirect_dma source(%arg9 : memref<64x128xf32, #tpu.memory_space<vmem>>) target(%dma_start3A_857 : memref<10240x128xf32, #tpu.memory_space<vmem_shared>>) offsets(%dma_start3A_854 : memref<64xi32, #tpu.memory_space<vmem>>) semaphore(%arg20 : memref<!tpu.dma_semaphore, #tpu.memory_space<semaphore_mem>>) {add = true}
      %dma_wait3A_858 = arith.constant 48 : i32
      %dma_wait3A_859 = arith.constant 0 : i32
      %dma_wait3A_860 = tpu.memref_slice %arg6[%dma_wait3A_858, %dma_wait3A_859] : memref<64x64xi32, #tpu.memory_space<vmem>> -> memref<1x64xi32, #tpu.memory_space<vmem>>
      %dma_wait3A_861 = tpu.memref_squeeze %dma_wait3A_860 : memref<1x64xi32, #tpu.memory_space<vmem>> -> memref<64xi32, #tpu.memory_space<vmem>>
      %dma_wait3A_862 = arith.constant 0 : i32
      %dma_wait3A_863 = arith.constant 0 : i32
      %dma_wait3A_864 = tpu.memref_slice %arg12[%dma_wait3A_862, %dma_wait3A_863] : memref<10240x128xf32, #tpu.memory_space<vmem_shared>> -> memref<10240x128xf32, #tpu.memory_space<vmem_shared>>
      tpu.wait_indirect_dma semaphore(%arg19 : memref<!tpu.dma_semaphore, #tpu.memory_space<semaphore_mem>>) src(%arg8 : memref<64x128xf32, #tpu.memory_space<vmem>>) dst(%dma_wait3A_864 : memref<10240x128xf32, #tpu.memory_space<vmem_shared>>)
      %dma_start3A_865 = arith.constant 20 : i32
      %dma_start3A_866 = arith.constant 0 : i32
      %dma_start3A_867 = tpu.memref_slice %arg6[%dma_start3A_865, %dma_start3A_866] : memref<64x64xi32, #tpu.memory_space<vmem>> -> memref<1x64xi32, #tpu.memory_space<vmem>>
      %dma_start3A_868 = tpu.memref_squeeze %dma_start3A_867 : memref<1x64xi32, #tpu.memory_space<vmem>> -> memref<64xi32, #tpu.memory_space<vmem>>
      %dma_start3A_869 = arith.constant 0 : i32
      %dma_start3A_870 = arith.constant 0 : i32
      %dma_start3A_871 = tpu.memref_slice %arg2[%dma_start3A_869, %dma_start3A_870] : memref<20480x128xf32, #tpu.memory_space<hbm>> -> memref<20480x128xf32, #tpu.memory_space<hbm>>
      tpu.enqueue_indirect_dma source(%dma_start3A_871 : memref<20480x128xf32, #tpu.memory_space<hbm>>) target(%arg8 : memref<64x128xf32, #tpu.memory_space<vmem>>) offsets(%dma_start3A_868 : memref<64xi32, #tpu.memory_space<vmem>>) semaphore(%arg15 : memref<!tpu.dma_semaphore, #tpu.memory_space<semaphore_mem>>)
      %dma_wait3A_872 = arith.constant 18 : i32
      %dma_wait3A_873 = arith.constant 0 : i32
      %dma_wait3A_874 = tpu.memref_slice %arg6[%dma_wait3A_872, %dma_wait3A_873] : memref<64x64xi32, #tpu.memory_space<vmem>> -> memref<1x64xi32, #tpu.memory_space<vmem>>
      %dma_wait3A_875 = tpu.memref_squeeze %dma_wait3A_874 : memref<1x64xi32, #tpu.memory_space<vmem>> -> memref<64xi32, #tpu.memory_space<vmem>>
      %dma_wait3A_876 = arith.constant 0 : i32
      %dma_wait3A_877 = arith.constant 0 : i32
      %dma_wait3A_878 = tpu.memref_slice %arg2[%dma_wait3A_876, %dma_wait3A_877] : memref<20480x128xf32, #tpu.memory_space<hbm>> -> memref<20480x128xf32, #tpu.memory_space<hbm>>
      tpu.wait_indirect_dma semaphore(%arg17 : memref<!tpu.dma_semaphore, #tpu.memory_space<semaphore_mem>>) src(%dma_wait3A_878 : memref<20480x128xf32, #tpu.memory_space<hbm>>) dst(%arg10 : memref<64x128xf32, #tpu.memory_space<vmem>>)
      %dma_start3A_879 = arith.constant 50 : i32
      %dma_start3A_880 = arith.constant 0 : i32
      %dma_start3A_881 = tpu.memref_slice %arg6[%dma_start3A_879, %dma_start3A_880] : memref<64x64xi32, #tpu.memory_space<vmem>> -> memref<1x64xi32, #tpu.memory_space<vmem>>
      %dma_start3A_882 = tpu.memref_squeeze %dma_start3A_881 : memref<1x64xi32, #tpu.memory_space<vmem>> -> memref<64xi32, #tpu.memory_space<vmem>>
      %dma_start3A_883 = arith.constant 0 : i32
      %dma_start3A_884 = arith.constant 0 : i32
      %dma_start3A_885 = tpu.memref_slice %arg12[%dma_start3A_883, %dma_start3A_884] : memref<10240x128xf32, #tpu.memory_space<vmem_shared>> -> memref<10240x128xf32, #tpu.memory_space<vmem_shared>>
      tpu.enqueue_indirect_dma source(%arg10 : memref<64x128xf32, #tpu.memory_space<vmem>>) target(%dma_start3A_885 : memref<10240x128xf32, #tpu.memory_space<vmem_shared>>) offsets(%dma_start3A_882 : memref<64xi32, #tpu.memory_space<vmem>>) semaphore(%arg21 : memref<!tpu.dma_semaphore, #tpu.memory_space<semaphore_mem>>) {add = true}
      %dma_wait3A_886 = arith.constant 49 : i32
      %dma_wait3A_887 = arith.constant 0 : i32
      %dma_wait3A_888 = tpu.memref_slice %arg6[%dma_wait3A_886, %dma_wait3A_887] : memref<64x64xi32, #tpu.memory_space<vmem>> -> memref<1x64xi32, #tpu.memory_space<vmem>>
      %dma_wait3A_889 = tpu.memref_squeeze %dma_wait3A_888 : memref<1x64xi32, #tpu.memory_space<vmem>> -> memref<64xi32, #tpu.memory_space<vmem>>
      %dma_wait3A_890 = arith.constant 0 : i32
      %dma_wait3A_891 = arith.constant 0 : i32
      %dma_wait3A_892 = tpu.memref_slice %arg12[%dma_wait3A_890, %dma_wait3A_891] : memref<10240x128xf32, #tpu.memory_space<vmem_shared>> -> memref<10240x128xf32, #tpu.memory_space<vmem_shared>>
      tpu.wait_indirect_dma semaphore(%arg20 : memref<!tpu.dma_semaphore, #tpu.memory_space<semaphore_mem>>) src(%arg9 : memref<64x128xf32, #tpu.memory_space<vmem>>) dst(%dma_wait3A_892 : memref<10240x128xf32, #tpu.memory_space<vmem_shared>>)
      %dma_start3A_893 = arith.constant 21 : i32
      %dma_start3A_894 = arith.constant 0 : i32
      %dma_start3A_895 = tpu.memref_slice %arg6[%dma_start3A_893, %dma_start3A_894] : memref<64x64xi32, #tpu.memory_space<vmem>> -> memref<1x64xi32, #tpu.memory_space<vmem>>
      %dma_start3A_896 = tpu.memref_squeeze %dma_start3A_895 : memref<1x64xi32, #tpu.memory_space<vmem>> -> memref<64xi32, #tpu.memory_space<vmem>>
      %dma_start3A_897 = arith.constant 0 : i32
      %dma_start3A_898 = arith.constant 0 : i32
      %dma_start3A_899 = tpu.memref_slice %arg2[%dma_start3A_897, %dma_start3A_898] : memref<20480x128xf32, #tpu.memory_space<hbm>> -> memref<20480x128xf32, #tpu.memory_space<hbm>>
      tpu.enqueue_indirect_dma source(%dma_start3A_899 : memref<20480x128xf32, #tpu.memory_space<hbm>>) target(%arg9 : memref<64x128xf32, #tpu.memory_space<vmem>>) offsets(%dma_start3A_896 : memref<64xi32, #tpu.memory_space<vmem>>) semaphore(%arg16 : memref<!tpu.dma_semaphore, #tpu.memory_space<semaphore_mem>>)
      %dma_wait3A_900 = arith.constant 19 : i32
      %dma_wait3A_901 = arith.constant 0 : i32
      %dma_wait3A_902 = tpu.memref_slice %arg6[%dma_wait3A_900, %dma_wait3A_901] : memref<64x64xi32, #tpu.memory_space<vmem>> -> memref<1x64xi32, #tpu.memory_space<vmem>>
      %dma_wait3A_903 = tpu.memref_squeeze %dma_wait3A_902 : memref<1x64xi32, #tpu.memory_space<vmem>> -> memref<64xi32, #tpu.memory_space<vmem>>
      %dma_wait3A_904 = arith.constant 0 : i32
      %dma_wait3A_905 = arith.constant 0 : i32
      %dma_wait3A_906 = tpu.memref_slice %arg2[%dma_wait3A_904, %dma_wait3A_905] : memref<20480x128xf32, #tpu.memory_space<hbm>> -> memref<20480x128xf32, #tpu.memory_space<hbm>>
      tpu.wait_indirect_dma semaphore(%arg18 : memref<!tpu.dma_semaphore, #tpu.memory_space<semaphore_mem>>) src(%dma_wait3A_906 : memref<20480x128xf32, #tpu.memory_space<hbm>>) dst(%arg11 : memref<64x128xf32, #tpu.memory_space<vmem>>)
      %dma_start3A_907 = arith.constant 51 : i32
      %dma_start3A_908 = arith.constant 0 : i32
      %dma_start3A_909 = tpu.memref_slice %arg6[%dma_start3A_907, %dma_start3A_908] : memref<64x64xi32, #tpu.memory_space<vmem>> -> memref<1x64xi32, #tpu.memory_space<vmem>>
      %dma_start3A_910 = tpu.memref_squeeze %dma_start3A_909 : memref<1x64xi32, #tpu.memory_space<vmem>> -> memref<64xi32, #tpu.memory_space<vmem>>
      %dma_start3A_911 = arith.constant 0 : i32
      %dma_start3A_912 = arith.constant 0 : i32
      %dma_start3A_913 = tpu.memref_slice %arg12[%dma_start3A_911, %dma_start3A_912] : memref<10240x128xf32, #tpu.memory_space<vmem_shared>> -> memref<10240x128xf32, #tpu.memory_space<vmem_shared>>
      tpu.enqueue_indirect_dma source(%arg11 : memref<64x128xf32, #tpu.memory_space<vmem>>) target(%dma_start3A_913 : memref<10240x128xf32, #tpu.memory_space<vmem_shared>>) offsets(%dma_start3A_910 : memref<64xi32, #tpu.memory_space<vmem>>) semaphore(%arg22 : memref<!tpu.dma_semaphore, #tpu.memory_space<semaphore_mem>>) {add = true}
      %dma_wait3A_914 = arith.constant 50 : i32
      %dma_wait3A_915 = arith.constant 0 : i32
      %dma_wait3A_916 = tpu.memref_slice %arg6[%dma_wait3A_914, %dma_wait3A_915] : memref<64x64xi32, #tpu.memory_space<vmem>> -> memref<1x64xi32, #tpu.memory_space<vmem>>
      %dma_wait3A_917 = tpu.memref_squeeze %dma_wait3A_916 : memref<1x64xi32, #tpu.memory_space<vmem>> -> memref<64xi32, #tpu.memory_space<vmem>>
      %dma_wait3A_918 = arith.constant 0 : i32
      %dma_wait3A_919 = arith.constant 0 : i32
      %dma_wait3A_920 = tpu.memref_slice %arg12[%dma_wait3A_918, %dma_wait3A_919] : memref<10240x128xf32, #tpu.memory_space<vmem_shared>> -> memref<10240x128xf32, #tpu.memory_space<vmem_shared>>
      tpu.wait_indirect_dma semaphore(%arg21 : memref<!tpu.dma_semaphore, #tpu.memory_space<semaphore_mem>>) src(%arg10 : memref<64x128xf32, #tpu.memory_space<vmem>>) dst(%dma_wait3A_920 : memref<10240x128xf32, #tpu.memory_space<vmem_shared>>)
      %dma_start3A_921 = arith.constant 22 : i32
      %dma_start3A_922 = arith.constant 0 : i32
      %dma_start3A_923 = tpu.memref_slice %arg6[%dma_start3A_921, %dma_start3A_922] : memref<64x64xi32, #tpu.memory_space<vmem>> -> memref<1x64xi32, #tpu.memory_space<vmem>>
      %dma_start3A_924 = tpu.memref_squeeze %dma_start3A_923 : memref<1x64xi32, #tpu.memory_space<vmem>> -> memref<64xi32, #tpu.memory_space<vmem>>
      %dma_start3A_925 = arith.constant 0 : i32
      %dma_start3A_926 = arith.constant 0 : i32
      %dma_start3A_927 = tpu.memref_slice %arg2[%dma_start3A_925, %dma_start3A_926] : memref<20480x128xf32, #tpu.memory_space<hbm>> -> memref<20480x128xf32, #tpu.memory_space<hbm>>
      tpu.enqueue_indirect_dma source(%dma_start3A_927 : memref<20480x128xf32, #tpu.memory_space<hbm>>) target(%arg10 : memref<64x128xf32, #tpu.memory_space<vmem>>) offsets(%dma_start3A_924 : memref<64xi32, #tpu.memory_space<vmem>>) semaphore(%arg17 : memref<!tpu.dma_semaphore, #tpu.memory_space<semaphore_mem>>)
      %dma_wait3A_928 = arith.constant 20 : i32
      %dma_wait3A_929 = arith.constant 0 : i32
      %dma_wait3A_930 = tpu.memref_slice %arg6[%dma_wait3A_928, %dma_wait3A_929] : memref<64x64xi32, #tpu.memory_space<vmem>> -> memref<1x64xi32, #tpu.memory_space<vmem>>
      %dma_wait3A_931 = tpu.memref_squeeze %dma_wait3A_930 : memref<1x64xi32, #tpu.memory_space<vmem>> -> memref<64xi32, #tpu.memory_space<vmem>>
      %dma_wait3A_932 = arith.constant 0 : i32
      %dma_wait3A_933 = arith.constant 0 : i32
      %dma_wait3A_934 = tpu.memref_slice %arg2[%dma_wait3A_932, %dma_wait3A_933] : memref<20480x128xf32, #tpu.memory_space<hbm>> -> memref<20480x128xf32, #tpu.memory_space<hbm>>
      tpu.wait_indirect_dma semaphore(%arg15 : memref<!tpu.dma_semaphore, #tpu.memory_space<semaphore_mem>>) src(%dma_wait3A_934 : memref<20480x128xf32, #tpu.memory_space<hbm>>) dst(%arg8 : memref<64x128xf32, #tpu.memory_space<vmem>>)
      %dma_start3A_935 = arith.constant 52 : i32
      %dma_start3A_936 = arith.constant 0 : i32
      %dma_start3A_937 = tpu.memref_slice %arg6[%dma_start3A_935, %dma_start3A_936] : memref<64x64xi32, #tpu.memory_space<vmem>> -> memref<1x64xi32, #tpu.memory_space<vmem>>
      %dma_start3A_938 = tpu.memref_squeeze %dma_start3A_937 : memref<1x64xi32, #tpu.memory_space<vmem>> -> memref<64xi32, #tpu.memory_space<vmem>>
      %dma_start3A_939 = arith.constant 0 : i32
      %dma_start3A_940 = arith.constant 0 : i32
      %dma_start3A_941 = tpu.memref_slice %arg12[%dma_start3A_939, %dma_start3A_940] : memref<10240x128xf32, #tpu.memory_space<vmem_shared>> -> memref<10240x128xf32, #tpu.memory_space<vmem_shared>>
      tpu.enqueue_indirect_dma source(%arg8 : memref<64x128xf32, #tpu.memory_space<vmem>>) target(%dma_start3A_941 : memref<10240x128xf32, #tpu.memory_space<vmem_shared>>) offsets(%dma_start3A_938 : memref<64xi32, #tpu.memory_space<vmem>>) semaphore(%arg19 : memref<!tpu.dma_semaphore, #tpu.memory_space<semaphore_mem>>) {add = true}
      %dma_wait3A_942 = arith.constant 51 : i32
      %dma_wait3A_943 = arith.constant 0 : i32
      %dma_wait3A_944 = tpu.memref_slice %arg6[%dma_wait3A_942, %dma_wait3A_943] : memref<64x64xi32, #tpu.memory_space<vmem>> -> memref<1x64xi32, #tpu.memory_space<vmem>>
      %dma_wait3A_945 = tpu.memref_squeeze %dma_wait3A_944 : memref<1x64xi32, #tpu.memory_space<vmem>> -> memref<64xi32, #tpu.memory_space<vmem>>
      %dma_wait3A_946 = arith.constant 0 : i32
      %dma_wait3A_947 = arith.constant 0 : i32
      %dma_wait3A_948 = tpu.memref_slice %arg12[%dma_wait3A_946, %dma_wait3A_947] : memref<10240x128xf32, #tpu.memory_space<vmem_shared>> -> memref<10240x128xf32, #tpu.memory_space<vmem_shared>>
      tpu.wait_indirect_dma semaphore(%arg22 : memref<!tpu.dma_semaphore, #tpu.memory_space<semaphore_mem>>) src(%arg11 : memref<64x128xf32, #tpu.memory_space<vmem>>) dst(%dma_wait3A_948 : memref<10240x128xf32, #tpu.memory_space<vmem_shared>>)
      %dma_start3A_949 = arith.constant 23 : i32
      %dma_start3A_950 = arith.constant 0 : i32
      %dma_start3A_951 = tpu.memref_slice %arg6[%dma_start3A_949, %dma_start3A_950] : memref<64x64xi32, #tpu.memory_space<vmem>> -> memref<1x64xi32, #tpu.memory_space<vmem>>
      %dma_start3A_952 = tpu.memref_squeeze %dma_start3A_951 : memref<1x64xi32, #tpu.memory_space<vmem>> -> memref<64xi32, #tpu.memory_space<vmem>>
      %dma_start3A_953 = arith.constant 0 : i32
      %dma_start3A_954 = arith.constant 0 : i32
      %dma_start3A_955 = tpu.memref_slice %arg2[%dma_start3A_953, %dma_start3A_954] : memref<20480x128xf32, #tpu.memory_space<hbm>> -> memref<20480x128xf32, #tpu.memory_space<hbm>>
      tpu.enqueue_indirect_dma source(%dma_start3A_955 : memref<20480x128xf32, #tpu.memory_space<hbm>>) target(%arg11 : memref<64x128xf32, #tpu.memory_space<vmem>>) offsets(%dma_start3A_952 : memref<64xi32, #tpu.memory_space<vmem>>) semaphore(%arg18 : memref<!tpu.dma_semaphore, #tpu.memory_space<semaphore_mem>>)
      %dma_wait3A_956 = arith.constant 21 : i32
      %dma_wait3A_957 = arith.constant 0 : i32
      %dma_wait3A_958 = tpu.memref_slice %arg6[%dma_wait3A_956, %dma_wait3A_957] : memref<64x64xi32, #tpu.memory_space<vmem>> -> memref<1x64xi32, #tpu.memory_space<vmem>>
      %dma_wait3A_959 = tpu.memref_squeeze %dma_wait3A_958 : memref<1x64xi32, #tpu.memory_space<vmem>> -> memref<64xi32, #tpu.memory_space<vmem>>
      %dma_wait3A_960 = arith.constant 0 : i32
      %dma_wait3A_961 = arith.constant 0 : i32
      %dma_wait3A_962 = tpu.memref_slice %arg2[%dma_wait3A_960, %dma_wait3A_961] : memref<20480x128xf32, #tpu.memory_space<hbm>> -> memref<20480x128xf32, #tpu.memory_space<hbm>>
      tpu.wait_indirect_dma semaphore(%arg16 : memref<!tpu.dma_semaphore, #tpu.memory_space<semaphore_mem>>) src(%dma_wait3A_962 : memref<20480x128xf32, #tpu.memory_space<hbm>>) dst(%arg9 : memref<64x128xf32, #tpu.memory_space<vmem>>)
      %dma_start3A_963 = arith.constant 53 : i32
      %dma_start3A_964 = arith.constant 0 : i32
      %dma_start3A_965 = tpu.memref_slice %arg6[%dma_start3A_963, %dma_start3A_964] : memref<64x64xi32, #tpu.memory_space<vmem>> -> memref<1x64xi32, #tpu.memory_space<vmem>>
      %dma_start3A_966 = tpu.memref_squeeze %dma_start3A_965 : memref<1x64xi32, #tpu.memory_space<vmem>> -> memref<64xi32, #tpu.memory_space<vmem>>
      %dma_start3A_967 = arith.constant 0 : i32
      %dma_start3A_968 = arith.constant 0 : i32
      %dma_start3A_969 = tpu.memref_slice %arg12[%dma_start3A_967, %dma_start3A_968] : memref<10240x128xf32, #tpu.memory_space<vmem_shared>> -> memref<10240x128xf32, #tpu.memory_space<vmem_shared>>
      tpu.enqueue_indirect_dma source(%arg9 : memref<64x128xf32, #tpu.memory_space<vmem>>) target(%dma_start3A_969 : memref<10240x128xf32, #tpu.memory_space<vmem_shared>>) offsets(%dma_start3A_966 : memref<64xi32, #tpu.memory_space<vmem>>) semaphore(%arg20 : memref<!tpu.dma_semaphore, #tpu.memory_space<semaphore_mem>>) {add = true}
      %dma_wait3A_970 = arith.constant 52 : i32
      %dma_wait3A_971 = arith.constant 0 : i32
      %dma_wait3A_972 = tpu.memref_slice %arg6[%dma_wait3A_970, %dma_wait3A_971] : memref<64x64xi32, #tpu.memory_space<vmem>> -> memref<1x64xi32, #tpu.memory_space<vmem>>
      %dma_wait3A_973 = tpu.memref_squeeze %dma_wait3A_972 : memref<1x64xi32, #tpu.memory_space<vmem>> -> memref<64xi32, #tpu.memory_space<vmem>>
      %dma_wait3A_974 = arith.constant 0 : i32
      %dma_wait3A_975 = arith.constant 0 : i32
      %dma_wait3A_976 = tpu.memref_slice %arg12[%dma_wait3A_974, %dma_wait3A_975] : memref<10240x128xf32, #tpu.memory_space<vmem_shared>> -> memref<10240x128xf32, #tpu.memory_space<vmem_shared>>
      tpu.wait_indirect_dma semaphore(%arg19 : memref<!tpu.dma_semaphore, #tpu.memory_space<semaphore_mem>>) src(%arg8 : memref<64x128xf32, #tpu.memory_space<vmem>>) dst(%dma_wait3A_976 : memref<10240x128xf32, #tpu.memory_space<vmem_shared>>)
      %dma_start3A_977 = arith.constant 24 : i32
      %dma_start3A_978 = arith.constant 0 : i32
      %dma_start3A_979 = tpu.memref_slice %arg6[%dma_start3A_977, %dma_start3A_978] : memref<64x64xi32, #tpu.memory_space<vmem>> -> memref<1x64xi32, #tpu.memory_space<vmem>>
      %dma_start3A_980 = tpu.memref_squeeze %dma_start3A_979 : memref<1x64xi32, #tpu.memory_space<vmem>> -> memref<64xi32, #tpu.memory_space<vmem>>
      %dma_start3A_981 = arith.constant 0 : i32
      %dma_start3A_982 = arith.constant 0 : i32
      %dma_start3A_983 = tpu.memref_slice %arg2[%dma_start3A_981, %dma_start3A_982] : memref<20480x128xf32, #tpu.memory_space<hbm>> -> memref<20480x128xf32, #tpu.memory_space<hbm>>
      tpu.enqueue_indirect_dma source(%dma_start3A_983 : memref<20480x128xf32, #tpu.memory_space<hbm>>) target(%arg8 : memref<64x128xf32, #tpu.memory_space<vmem>>) offsets(%dma_start3A_980 : memref<64xi32, #tpu.memory_space<vmem>>) semaphore(%arg15 : memref<!tpu.dma_semaphore, #tpu.memory_space<semaphore_mem>>)
      %dma_wait3A_984 = arith.constant 22 : i32
      %dma_wait3A_985 = arith.constant 0 : i32
      %dma_wait3A_986 = tpu.memref_slice %arg6[%dma_wait3A_984, %dma_wait3A_985] : memref<64x64xi32, #tpu.memory_space<vmem>> -> memref<1x64xi32, #tpu.memory_space<vmem>>
      %dma_wait3A_987 = tpu.memref_squeeze %dma_wait3A_986 : memref<1x64xi32, #tpu.memory_space<vmem>> -> memref<64xi32, #tpu.memory_space<vmem>>
      %dma_wait3A_988 = arith.constant 0 : i32
      %dma_wait3A_989 = arith.constant 0 : i32
      %dma_wait3A_990 = tpu.memref_slice %arg2[%dma_wait3A_988, %dma_wait3A_989] : memref<20480x128xf32, #tpu.memory_space<hbm>> -> memref<20480x128xf32, #tpu.memory_space<hbm>>
      tpu.wait_indirect_dma semaphore(%arg17 : memref<!tpu.dma_semaphore, #tpu.memory_space<semaphore_mem>>) src(%dma_wait3A_990 : memref<20480x128xf32, #tpu.memory_space<hbm>>) dst(%arg10 : memref<64x128xf32, #tpu.memory_space<vmem>>)
      %dma_start3A_991 = arith.constant 54 : i32
      %dma_start3A_992 = arith.constant 0 : i32
      %dma_start3A_993 = tpu.memref_slice %arg6[%dma_start3A_991, %dma_start3A_992] : memref<64x64xi32, #tpu.memory_space<vmem>> -> memref<1x64xi32, #tpu.memory_space<vmem>>
      %dma_start3A_994 = tpu.memref_squeeze %dma_start3A_993 : memref<1x64xi32, #tpu.memory_space<vmem>> -> memref<64xi32, #tpu.memory_space<vmem>>
      %dma_start3A_995 = arith.constant 0 : i32
      %dma_start3A_996 = arith.constant 0 : i32
      %dma_start3A_997 = tpu.memref_slice %arg12[%dma_start3A_995, %dma_start3A_996] : memref<10240x128xf32, #tpu.memory_space<vmem_shared>> -> memref<10240x128xf32, #tpu.memory_space<vmem_shared>>
      tpu.enqueue_indirect_dma source(%arg10 : memref<64x128xf32, #tpu.memory_space<vmem>>) target(%dma_start3A_997 : memref<10240x128xf32, #tpu.memory_space<vmem_shared>>) offsets(%dma_start3A_994 : memref<64xi32, #tpu.memory_space<vmem>>) semaphore(%arg21 : memref<!tpu.dma_semaphore, #tpu.memory_space<semaphore_mem>>) {add = true}
      %dma_wait3A_998 = arith.constant 53 : i32
      %dma_wait3A_999 = arith.constant 0 : i32
      %dma_wait3A_1000 = tpu.memref_slice %arg6[%dma_wait3A_998, %dma_wait3A_999] : memref<64x64xi32, #tpu.memory_space<vmem>> -> memref<1x64xi32, #tpu.memory_space<vmem>>
      %dma_wait3A_1001 = tpu.memref_squeeze %dma_wait3A_1000 : memref<1x64xi32, #tpu.memory_space<vmem>> -> memref<64xi32, #tpu.memory_space<vmem>>
      %dma_wait3A_1002 = arith.constant 0 : i32
      %dma_wait3A_1003 = arith.constant 0 : i32
      %dma_wait3A_1004 = tpu.memref_slice %arg12[%dma_wait3A_1002, %dma_wait3A_1003] : memref<10240x128xf32, #tpu.memory_space<vmem_shared>> -> memref<10240x128xf32, #tpu.memory_space<vmem_shared>>
      tpu.wait_indirect_dma semaphore(%arg20 : memref<!tpu.dma_semaphore, #tpu.memory_space<semaphore_mem>>) src(%arg9 : memref<64x128xf32, #tpu.memory_space<vmem>>) dst(%dma_wait3A_1004 : memref<10240x128xf32, #tpu.memory_space<vmem_shared>>)
      %dma_start3A_1005 = arith.constant 25 : i32
      %dma_start3A_1006 = arith.constant 0 : i32
      %dma_start3A_1007 = tpu.memref_slice %arg6[%dma_start3A_1005, %dma_start3A_1006] : memref<64x64xi32, #tpu.memory_space<vmem>> -> memref<1x64xi32, #tpu.memory_space<vmem>>
      %dma_start3A_1008 = tpu.memref_squeeze %dma_start3A_1007 : memref<1x64xi32, #tpu.memory_space<vmem>> -> memref<64xi32, #tpu.memory_space<vmem>>
      %dma_start3A_1009 = arith.constant 0 : i32
      %dma_start3A_1010 = arith.constant 0 : i32
      %dma_start3A_1011 = tpu.memref_slice %arg2[%dma_start3A_1009, %dma_start3A_1010] : memref<20480x128xf32, #tpu.memory_space<hbm>> -> memref<20480x128xf32, #tpu.memory_space<hbm>>
      tpu.enqueue_indirect_dma source(%dma_start3A_1011 : memref<20480x128xf32, #tpu.memory_space<hbm>>) target(%arg9 : memref<64x128xf32, #tpu.memory_space<vmem>>) offsets(%dma_start3A_1008 : memref<64xi32, #tpu.memory_space<vmem>>) semaphore(%arg16 : memref<!tpu.dma_semaphore, #tpu.memory_space<semaphore_mem>>)
      %dma_wait3A_1012 = arith.constant 23 : i32
      %dma_wait3A_1013 = arith.constant 0 : i32
      %dma_wait3A_1014 = tpu.memref_slice %arg6[%dma_wait3A_1012, %dma_wait3A_1013] : memref<64x64xi32, #tpu.memory_space<vmem>> -> memref<1x64xi32, #tpu.memory_space<vmem>>
      %dma_wait3A_1015 = tpu.memref_squeeze %dma_wait3A_1014 : memref<1x64xi32, #tpu.memory_space<vmem>> -> memref<64xi32, #tpu.memory_space<vmem>>
      %dma_wait3A_1016 = arith.constant 0 : i32
      %dma_wait3A_1017 = arith.constant 0 : i32
      %dma_wait3A_1018 = tpu.memref_slice %arg2[%dma_wait3A_1016, %dma_wait3A_1017] : memref<20480x128xf32, #tpu.memory_space<hbm>> -> memref<20480x128xf32, #tpu.memory_space<hbm>>
      tpu.wait_indirect_dma semaphore(%arg18 : memref<!tpu.dma_semaphore, #tpu.memory_space<semaphore_mem>>) src(%dma_wait3A_1018 : memref<20480x128xf32, #tpu.memory_space<hbm>>) dst(%arg11 : memref<64x128xf32, #tpu.memory_space<vmem>>)
      %dma_start3A_1019 = arith.constant 55 : i32
      %dma_start3A_1020 = arith.constant 0 : i32
      %dma_start3A_1021 = tpu.memref_slice %arg6[%dma_start3A_1019, %dma_start3A_1020] : memref<64x64xi32, #tpu.memory_space<vmem>> -> memref<1x64xi32, #tpu.memory_space<vmem>>
      %dma_start3A_1022 = tpu.memref_squeeze %dma_start3A_1021 : memref<1x64xi32, #tpu.memory_space<vmem>> -> memref<64xi32, #tpu.memory_space<vmem>>
      %dma_start3A_1023 = arith.constant 0 : i32
      %dma_start3A_1024 = arith.constant 0 : i32
      %dma_start3A_1025 = tpu.memref_slice %arg12[%dma_start3A_1023, %dma_start3A_1024] : memref<10240x128xf32, #tpu.memory_space<vmem_shared>> -> memref<10240x128xf32, #tpu.memory_space<vmem_shared>>
      tpu.enqueue_indirect_dma source(%arg11 : memref<64x128xf32, #tpu.memory_space<vmem>>) target(%dma_start3A_1025 : memref<10240x128xf32, #tpu.memory_space<vmem_shared>>) offsets(%dma_start3A_1022 : memref<64xi32, #tpu.memory_space<vmem>>) semaphore(%arg22 : memref<!tpu.dma_semaphore, #tpu.memory_space<semaphore_mem>>) {add = true}
      %dma_wait3A_1026 = arith.constant 54 : i32
      %dma_wait3A_1027 = arith.constant 0 : i32
      %dma_wait3A_1028 = tpu.memref_slice %arg6[%dma_wait3A_1026, %dma_wait3A_1027] : memref<64x64xi32, #tpu.memory_space<vmem>> -> memref<1x64xi32, #tpu.memory_space<vmem>>
      %dma_wait3A_1029 = tpu.memref_squeeze %dma_wait3A_1028 : memref<1x64xi32, #tpu.memory_space<vmem>> -> memref<64xi32, #tpu.memory_space<vmem>>
      %dma_wait3A_1030 = arith.constant 0 : i32
      %dma_wait3A_1031 = arith.constant 0 : i32
      %dma_wait3A_1032 = tpu.memref_slice %arg12[%dma_wait3A_1030, %dma_wait3A_1031] : memref<10240x128xf32, #tpu.memory_space<vmem_shared>> -> memref<10240x128xf32, #tpu.memory_space<vmem_shared>>
      tpu.wait_indirect_dma semaphore(%arg21 : memref<!tpu.dma_semaphore, #tpu.memory_space<semaphore_mem>>) src(%arg10 : memref<64x128xf32, #tpu.memory_space<vmem>>) dst(%dma_wait3A_1032 : memref<10240x128xf32, #tpu.memory_space<vmem_shared>>)
      %dma_start3A_1033 = arith.constant 26 : i32
      %dma_start3A_1034 = arith.constant 0 : i32
      %dma_start3A_1035 = tpu.memref_slice %arg6[%dma_start3A_1033, %dma_start3A_1034] : memref<64x64xi32, #tpu.memory_space<vmem>> -> memref<1x64xi32, #tpu.memory_space<vmem>>
      %dma_start3A_1036 = tpu.memref_squeeze %dma_start3A_1035 : memref<1x64xi32, #tpu.memory_space<vmem>> -> memref<64xi32, #tpu.memory_space<vmem>>
      %dma_start3A_1037 = arith.constant 0 : i32
      %dma_start3A_1038 = arith.constant 0 : i32
      %dma_start3A_1039 = tpu.memref_slice %arg2[%dma_start3A_1037, %dma_start3A_1038] : memref<20480x128xf32, #tpu.memory_space<hbm>> -> memref<20480x128xf32, #tpu.memory_space<hbm>>
      tpu.enqueue_indirect_dma source(%dma_start3A_1039 : memref<20480x128xf32, #tpu.memory_space<hbm>>) target(%arg10 : memref<64x128xf32, #tpu.memory_space<vmem>>) offsets(%dma_start3A_1036 : memref<64xi32, #tpu.memory_space<vmem>>) semaphore(%arg17 : memref<!tpu.dma_semaphore, #tpu.memory_space<semaphore_mem>>)
      %dma_wait3A_1040 = arith.constant 24 : i32
      %dma_wait3A_1041 = arith.constant 0 : i32
      %dma_wait3A_1042 = tpu.memref_slice %arg6[%dma_wait3A_1040, %dma_wait3A_1041] : memref<64x64xi32, #tpu.memory_space<vmem>> -> memref<1x64xi32, #tpu.memory_space<vmem>>
      %dma_wait3A_1043 = tpu.memref_squeeze %dma_wait3A_1042 : memref<1x64xi32, #tpu.memory_space<vmem>> -> memref<64xi32, #tpu.memory_space<vmem>>
      %dma_wait3A_1044 = arith.constant 0 : i32
      %dma_wait3A_1045 = arith.constant 0 : i32
      %dma_wait3A_1046 = tpu.memref_slice %arg2[%dma_wait3A_1044, %dma_wait3A_1045] : memref<20480x128xf32, #tpu.memory_space<hbm>> -> memref<20480x128xf32, #tpu.memory_space<hbm>>
      tpu.wait_indirect_dma semaphore(%arg15 : memref<!tpu.dma_semaphore, #tpu.memory_space<semaphore_mem>>) src(%dma_wait3A_1046 : memref<20480x128xf32, #tpu.memory_space<hbm>>) dst(%arg8 : memref<64x128xf32, #tpu.memory_space<vmem>>)
      %dma_start3A_1047 = arith.constant 56 : i32
      %dma_start3A_1048 = arith.constant 0 : i32
      %dma_start3A_1049 = tpu.memref_slice %arg6[%dma_start3A_1047, %dma_start3A_1048] : memref<64x64xi32, #tpu.memory_space<vmem>> -> memref<1x64xi32, #tpu.memory_space<vmem>>
      %dma_start3A_1050 = tpu.memref_squeeze %dma_start3A_1049 : memref<1x64xi32, #tpu.memory_space<vmem>> -> memref<64xi32, #tpu.memory_space<vmem>>
      %dma_start3A_1051 = arith.constant 0 : i32
      %dma_start3A_1052 = arith.constant 0 : i32
      %dma_start3A_1053 = tpu.memref_slice %arg12[%dma_start3A_1051, %dma_start3A_1052] : memref<10240x128xf32, #tpu.memory_space<vmem_shared>> -> memref<10240x128xf32, #tpu.memory_space<vmem_shared>>
      tpu.enqueue_indirect_dma source(%arg8 : memref<64x128xf32, #tpu.memory_space<vmem>>) target(%dma_start3A_1053 : memref<10240x128xf32, #tpu.memory_space<vmem_shared>>) offsets(%dma_start3A_1050 : memref<64xi32, #tpu.memory_space<vmem>>) semaphore(%arg19 : memref<!tpu.dma_semaphore, #tpu.memory_space<semaphore_mem>>) {add = true}
      %dma_wait3A_1054 = arith.constant 55 : i32
      %dma_wait3A_1055 = arith.constant 0 : i32
      %dma_wait3A_1056 = tpu.memref_slice %arg6[%dma_wait3A_1054, %dma_wait3A_1055] : memref<64x64xi32, #tpu.memory_space<vmem>> -> memref<1x64xi32, #tpu.memory_space<vmem>>
      %dma_wait3A_1057 = tpu.memref_squeeze %dma_wait3A_1056 : memref<1x64xi32, #tpu.memory_space<vmem>> -> memref<64xi32, #tpu.memory_space<vmem>>
      %dma_wait3A_1058 = arith.constant 0 : i32
      %dma_wait3A_1059 = arith.constant 0 : i32
      %dma_wait3A_1060 = tpu.memref_slice %arg12[%dma_wait3A_1058, %dma_wait3A_1059] : memref<10240x128xf32, #tpu.memory_space<vmem_shared>> -> memref<10240x128xf32, #tpu.memory_space<vmem_shared>>
      tpu.wait_indirect_dma semaphore(%arg22 : memref<!tpu.dma_semaphore, #tpu.memory_space<semaphore_mem>>) src(%arg11 : memref<64x128xf32, #tpu.memory_space<vmem>>) dst(%dma_wait3A_1060 : memref<10240x128xf32, #tpu.memory_space<vmem_shared>>)
      %dma_start3A_1061 = arith.constant 27 : i32
      %dma_start3A_1062 = arith.constant 0 : i32
      %dma_start3A_1063 = tpu.memref_slice %arg6[%dma_start3A_1061, %dma_start3A_1062] : memref<64x64xi32, #tpu.memory_space<vmem>> -> memref<1x64xi32, #tpu.memory_space<vmem>>
      %dma_start3A_1064 = tpu.memref_squeeze %dma_start3A_1063 : memref<1x64xi32, #tpu.memory_space<vmem>> -> memref<64xi32, #tpu.memory_space<vmem>>
      %dma_start3A_1065 = arith.constant 0 : i32
      %dma_start3A_1066 = arith.constant 0 : i32
      %dma_start3A_1067 = tpu.memref_slice %arg2[%dma_start3A_1065, %dma_start3A_1066] : memref<20480x128xf32, #tpu.memory_space<hbm>> -> memref<20480x128xf32, #tpu.memory_space<hbm>>
      tpu.enqueue_indirect_dma source(%dma_start3A_1067 : memref<20480x128xf32, #tpu.memory_space<hbm>>) target(%arg11 : memref<64x128xf32, #tpu.memory_space<vmem>>) offsets(%dma_start3A_1064 : memref<64xi32, #tpu.memory_space<vmem>>) semaphore(%arg18 : memref<!tpu.dma_semaphore, #tpu.memory_space<semaphore_mem>>)
      %dma_wait3A_1068 = arith.constant 25 : i32
      %dma_wait3A_1069 = arith.constant 0 : i32
      %dma_wait3A_1070 = tpu.memref_slice %arg6[%dma_wait3A_1068, %dma_wait3A_1069] : memref<64x64xi32, #tpu.memory_space<vmem>> -> memref<1x64xi32, #tpu.memory_space<vmem>>
      %dma_wait3A_1071 = tpu.memref_squeeze %dma_wait3A_1070 : memref<1x64xi32, #tpu.memory_space<vmem>> -> memref<64xi32, #tpu.memory_space<vmem>>
      %dma_wait3A_1072 = arith.constant 0 : i32
      %dma_wait3A_1073 = arith.constant 0 : i32
      %dma_wait3A_1074 = tpu.memref_slice %arg2[%dma_wait3A_1072, %dma_wait3A_1073] : memref<20480x128xf32, #tpu.memory_space<hbm>> -> memref<20480x128xf32, #tpu.memory_space<hbm>>
      tpu.wait_indirect_dma semaphore(%arg16 : memref<!tpu.dma_semaphore, #tpu.memory_space<semaphore_mem>>) src(%dma_wait3A_1074 : memref<20480x128xf32, #tpu.memory_space<hbm>>) dst(%arg9 : memref<64x128xf32, #tpu.memory_space<vmem>>)
      %dma_start3A_1075 = arith.constant 57 : i32
      %dma_start3A_1076 = arith.constant 0 : i32
      %dma_start3A_1077 = tpu.memref_slice %arg6[%dma_start3A_1075, %dma_start3A_1076] : memref<64x64xi32, #tpu.memory_space<vmem>> -> memref<1x64xi32, #tpu.memory_space<vmem>>
      %dma_start3A_1078 = tpu.memref_squeeze %dma_start3A_1077 : memref<1x64xi32, #tpu.memory_space<vmem>> -> memref<64xi32, #tpu.memory_space<vmem>>
      %dma_start3A_1079 = arith.constant 0 : i32
      %dma_start3A_1080 = arith.constant 0 : i32
      %dma_start3A_1081 = tpu.memref_slice %arg12[%dma_start3A_1079, %dma_start3A_1080] : memref<10240x128xf32, #tpu.memory_space<vmem_shared>> -> memref<10240x128xf32, #tpu.memory_space<vmem_shared>>
      tpu.enqueue_indirect_dma source(%arg9 : memref<64x128xf32, #tpu.memory_space<vmem>>) target(%dma_start3A_1081 : memref<10240x128xf32, #tpu.memory_space<vmem_shared>>) offsets(%dma_start3A_1078 : memref<64xi32, #tpu.memory_space<vmem>>) semaphore(%arg20 : memref<!tpu.dma_semaphore, #tpu.memory_space<semaphore_mem>>) {add = true}
      %dma_wait3A_1082 = arith.constant 56 : i32
      %dma_wait3A_1083 = arith.constant 0 : i32
      %dma_wait3A_1084 = tpu.memref_slice %arg6[%dma_wait3A_1082, %dma_wait3A_1083] : memref<64x64xi32, #tpu.memory_space<vmem>> -> memref<1x64xi32, #tpu.memory_space<vmem>>
      %dma_wait3A_1085 = tpu.memref_squeeze %dma_wait3A_1084 : memref<1x64xi32, #tpu.memory_space<vmem>> -> memref<64xi32, #tpu.memory_space<vmem>>
      %dma_wait3A_1086 = arith.constant 0 : i32
      %dma_wait3A_1087 = arith.constant 0 : i32
      %dma_wait3A_1088 = tpu.memref_slice %arg12[%dma_wait3A_1086, %dma_wait3A_1087] : memref<10240x128xf32, #tpu.memory_space<vmem_shared>> -> memref<10240x128xf32, #tpu.memory_space<vmem_shared>>
      tpu.wait_indirect_dma semaphore(%arg19 : memref<!tpu.dma_semaphore, #tpu.memory_space<semaphore_mem>>) src(%arg8 : memref<64x128xf32, #tpu.memory_space<vmem>>) dst(%dma_wait3A_1088 : memref<10240x128xf32, #tpu.memory_space<vmem_shared>>)
      %dma_start3A_1089 = arith.constant 28 : i32
      %dma_start3A_1090 = arith.constant 0 : i32
      %dma_start3A_1091 = tpu.memref_slice %arg6[%dma_start3A_1089, %dma_start3A_1090] : memref<64x64xi32, #tpu.memory_space<vmem>> -> memref<1x64xi32, #tpu.memory_space<vmem>>
      %dma_start3A_1092 = tpu.memref_squeeze %dma_start3A_1091 : memref<1x64xi32, #tpu.memory_space<vmem>> -> memref<64xi32, #tpu.memory_space<vmem>>
      %dma_start3A_1093 = arith.constant 0 : i32
      %dma_start3A_1094 = arith.constant 0 : i32
      %dma_start3A_1095 = tpu.memref_slice %arg2[%dma_start3A_1093, %dma_start3A_1094] : memref<20480x128xf32, #tpu.memory_space<hbm>> -> memref<20480x128xf32, #tpu.memory_space<hbm>>
      tpu.enqueue_indirect_dma source(%dma_start3A_1095 : memref<20480x128xf32, #tpu.memory_space<hbm>>) target(%arg8 : memref<64x128xf32, #tpu.memory_space<vmem>>) offsets(%dma_start3A_1092 : memref<64xi32, #tpu.memory_space<vmem>>) semaphore(%arg15 : memref<!tpu.dma_semaphore, #tpu.memory_space<semaphore_mem>>)
      %dma_wait3A_1096 = arith.constant 26 : i32
      %dma_wait3A_1097 = arith.constant 0 : i32
      %dma_wait3A_1098 = tpu.memref_slice %arg6[%dma_wait3A_1096, %dma_wait3A_1097] : memref<64x64xi32, #tpu.memory_space<vmem>> -> memref<1x64xi32, #tpu.memory_space<vmem>>
      %dma_wait3A_1099 = tpu.memref_squeeze %dma_wait3A_1098 : memref<1x64xi32, #tpu.memory_space<vmem>> -> memref<64xi32, #tpu.memory_space<vmem>>
      %dma_wait3A_1100 = arith.constant 0 : i32
      %dma_wait3A_1101 = arith.constant 0 : i32
      %dma_wait3A_1102 = tpu.memref_slice %arg2[%dma_wait3A_1100, %dma_wait3A_1101] : memref<20480x128xf32, #tpu.memory_space<hbm>> -> memref<20480x128xf32, #tpu.memory_space<hbm>>
      tpu.wait_indirect_dma semaphore(%arg17 : memref<!tpu.dma_semaphore, #tpu.memory_space<semaphore_mem>>) src(%dma_wait3A_1102 : memref<20480x128xf32, #tpu.memory_space<hbm>>) dst(%arg10 : memref<64x128xf32, #tpu.memory_space<vmem>>)
      %dma_start3A_1103 = arith.constant 58 : i32
      %dma_start3A_1104 = arith.constant 0 : i32
      %dma_start3A_1105 = tpu.memref_slice %arg6[%dma_start3A_1103, %dma_start3A_1104] : memref<64x64xi32, #tpu.memory_space<vmem>> -> memref<1x64xi32, #tpu.memory_space<vmem>>
      %dma_start3A_1106 = tpu.memref_squeeze %dma_start3A_1105 : memref<1x64xi32, #tpu.memory_space<vmem>> -> memref<64xi32, #tpu.memory_space<vmem>>
      %dma_start3A_1107 = arith.constant 0 : i32
      %dma_start3A_1108 = arith.constant 0 : i32
      %dma_start3A_1109 = tpu.memref_slice %arg12[%dma_start3A_1107, %dma_start3A_1108] : memref<10240x128xf32, #tpu.memory_space<vmem_shared>> -> memref<10240x128xf32, #tpu.memory_space<vmem_shared>>
      tpu.enqueue_indirect_dma source(%arg10 : memref<64x128xf32, #tpu.memory_space<vmem>>) target(%dma_start3A_1109 : memref<10240x128xf32, #tpu.memory_space<vmem_shared>>) offsets(%dma_start3A_1106 : memref<64xi32, #tpu.memory_space<vmem>>) semaphore(%arg21 : memref<!tpu.dma_semaphore, #tpu.memory_space<semaphore_mem>>) {add = true}
      %dma_wait3A_1110 = arith.constant 57 : i32
      %dma_wait3A_1111 = arith.constant 0 : i32
      %dma_wait3A_1112 = tpu.memref_slice %arg6[%dma_wait3A_1110, %dma_wait3A_1111] : memref<64x64xi32, #tpu.memory_space<vmem>> -> memref<1x64xi32, #tpu.memory_space<vmem>>
      %dma_wait3A_1113 = tpu.memref_squeeze %dma_wait3A_1112 : memref<1x64xi32, #tpu.memory_space<vmem>> -> memref<64xi32, #tpu.memory_space<vmem>>
      %dma_wait3A_1114 = arith.constant 0 : i32
      %dma_wait3A_1115 = arith.constant 0 : i32
      %dma_wait3A_1116 = tpu.memref_slice %arg12[%dma_wait3A_1114, %dma_wait3A_1115] : memref<10240x128xf32, #tpu.memory_space<vmem_shared>> -> memref<10240x128xf32, #tpu.memory_space<vmem_shared>>
      tpu.wait_indirect_dma semaphore(%arg20 : memref<!tpu.dma_semaphore, #tpu.memory_space<semaphore_mem>>) src(%arg9 : memref<64x128xf32, #tpu.memory_space<vmem>>) dst(%dma_wait3A_1116 : memref<10240x128xf32, #tpu.memory_space<vmem_shared>>)
      %dma_start3A_1117 = arith.constant 29 : i32
      %dma_start3A_1118 = arith.constant 0 : i32
      %dma_start3A_1119 = tpu.memref_slice %arg6[%dma_start3A_1117, %dma_start3A_1118] : memref<64x64xi32, #tpu.memory_space<vmem>> -> memref<1x64xi32, #tpu.memory_space<vmem>>
      %dma_start3A_1120 = tpu.memref_squeeze %dma_start3A_1119 : memref<1x64xi32, #tpu.memory_space<vmem>> -> memref<64xi32, #tpu.memory_space<vmem>>
      %dma_start3A_1121 = arith.constant 0 : i32
      %dma_start3A_1122 = arith.constant 0 : i32
      %dma_start3A_1123 = tpu.memref_slice %arg2[%dma_start3A_1121, %dma_start3A_1122] : memref<20480x128xf32, #tpu.memory_space<hbm>> -> memref<20480x128xf32, #tpu.memory_space<hbm>>
      tpu.enqueue_indirect_dma source(%dma_start3A_1123 : memref<20480x128xf32, #tpu.memory_space<hbm>>) target(%arg9 : memref<64x128xf32, #tpu.memory_space<vmem>>) offsets(%dma_start3A_1120 : memref<64xi32, #tpu.memory_space<vmem>>) semaphore(%arg16 : memref<!tpu.dma_semaphore, #tpu.memory_space<semaphore_mem>>)
      %dma_wait3A_1124 = arith.constant 27 : i32
      %dma_wait3A_1125 = arith.constant 0 : i32
      %dma_wait3A_1126 = tpu.memref_slice %arg6[%dma_wait3A_1124, %dma_wait3A_1125] : memref<64x64xi32, #tpu.memory_space<vmem>> -> memref<1x64xi32, #tpu.memory_space<vmem>>
      %dma_wait3A_1127 = tpu.memref_squeeze %dma_wait3A_1126 : memref<1x64xi32, #tpu.memory_space<vmem>> -> memref<64xi32, #tpu.memory_space<vmem>>
      %dma_wait3A_1128 = arith.constant 0 : i32
      %dma_wait3A_1129 = arith.constant 0 : i32
      %dma_wait3A_1130 = tpu.memref_slice %arg2[%dma_wait3A_1128, %dma_wait3A_1129] : memref<20480x128xf32, #tpu.memory_space<hbm>> -> memref<20480x128xf32, #tpu.memory_space<hbm>>
      tpu.wait_indirect_dma semaphore(%arg18 : memref<!tpu.dma_semaphore, #tpu.memory_space<semaphore_mem>>) src(%dma_wait3A_1130 : memref<20480x128xf32, #tpu.memory_space<hbm>>) dst(%arg11 : memref<64x128xf32, #tpu.memory_space<vmem>>)
      %dma_start3A_1131 = arith.constant 59 : i32
      %dma_start3A_1132 = arith.constant 0 : i32
      %dma_start3A_1133 = tpu.memref_slice %arg6[%dma_start3A_1131, %dma_start3A_1132] : memref<64x64xi32, #tpu.memory_space<vmem>> -> memref<1x64xi32, #tpu.memory_space<vmem>>
      %dma_start3A_1134 = tpu.memref_squeeze %dma_start3A_1133 : memref<1x64xi32, #tpu.memory_space<vmem>> -> memref<64xi32, #tpu.memory_space<vmem>>
      %dma_start3A_1135 = arith.constant 0 : i32
      %dma_start3A_1136 = arith.constant 0 : i32
      %dma_start3A_1137 = tpu.memref_slice %arg12[%dma_start3A_1135, %dma_start3A_1136] : memref<10240x128xf32, #tpu.memory_space<vmem_shared>> -> memref<10240x128xf32, #tpu.memory_space<vmem_shared>>
      tpu.enqueue_indirect_dma source(%arg11 : memref<64x128xf32, #tpu.memory_space<vmem>>) target(%dma_start3A_1137 : memref<10240x128xf32, #tpu.memory_space<vmem_shared>>) offsets(%dma_start3A_1134 : memref<64xi32, #tpu.memory_space<vmem>>) semaphore(%arg22 : memref<!tpu.dma_semaphore, #tpu.memory_space<semaphore_mem>>) {add = true}
      %dma_wait3A_1138 = arith.constant 58 : i32
      %dma_wait3A_1139 = arith.constant 0 : i32
      %dma_wait3A_1140 = tpu.memref_slice %arg6[%dma_wait3A_1138, %dma_wait3A_1139] : memref<64x64xi32, #tpu.memory_space<vmem>> -> memref<1x64xi32, #tpu.memory_space<vmem>>
      %dma_wait3A_1141 = tpu.memref_squeeze %dma_wait3A_1140 : memref<1x64xi32, #tpu.memory_space<vmem>> -> memref<64xi32, #tpu.memory_space<vmem>>
      %dma_wait3A_1142 = arith.constant 0 : i32
      %dma_wait3A_1143 = arith.constant 0 : i32
      %dma_wait3A_1144 = tpu.memref_slice %arg12[%dma_wait3A_1142, %dma_wait3A_1143] : memref<10240x128xf32, #tpu.memory_space<vmem_shared>> -> memref<10240x128xf32, #tpu.memory_space<vmem_shared>>
      tpu.wait_indirect_dma semaphore(%arg21 : memref<!tpu.dma_semaphore, #tpu.memory_space<semaphore_mem>>) src(%arg10 : memref<64x128xf32, #tpu.memory_space<vmem>>) dst(%dma_wait3A_1144 : memref<10240x128xf32, #tpu.memory_space<vmem_shared>>)
      %dma_start3A_1145 = arith.constant 30 : i32
      %dma_start3A_1146 = arith.constant 0 : i32
      %dma_start3A_1147 = tpu.memref_slice %arg6[%dma_start3A_1145, %dma_start3A_1146] : memref<64x64xi32, #tpu.memory_space<vmem>> -> memref<1x64xi32, #tpu.memory_space<vmem>>
      %dma_start3A_1148 = tpu.memref_squeeze %dma_start3A_1147 : memref<1x64xi32, #tpu.memory_space<vmem>> -> memref<64xi32, #tpu.memory_space<vmem>>
      %dma_start3A_1149 = arith.constant 0 : i32
      %dma_start3A_1150 = arith.constant 0 : i32
      %dma_start3A_1151 = tpu.memref_slice %arg2[%dma_start3A_1149, %dma_start3A_1150] : memref<20480x128xf32, #tpu.memory_space<hbm>> -> memref<20480x128xf32, #tpu.memory_space<hbm>>
      tpu.enqueue_indirect_dma source(%dma_start3A_1151 : memref<20480x128xf32, #tpu.memory_space<hbm>>) target(%arg10 : memref<64x128xf32, #tpu.memory_space<vmem>>) offsets(%dma_start3A_1148 : memref<64xi32, #tpu.memory_space<vmem>>) semaphore(%arg17 : memref<!tpu.dma_semaphore, #tpu.memory_space<semaphore_mem>>)
      %dma_wait3A_1152 = arith.constant 28 : i32
      %dma_wait3A_1153 = arith.constant 0 : i32
      %dma_wait3A_1154 = tpu.memref_slice %arg6[%dma_wait3A_1152, %dma_wait3A_1153] : memref<64x64xi32, #tpu.memory_space<vmem>> -> memref<1x64xi32, #tpu.memory_space<vmem>>
      %dma_wait3A_1155 = tpu.memref_squeeze %dma_wait3A_1154 : memref<1x64xi32, #tpu.memory_space<vmem>> -> memref<64xi32, #tpu.memory_space<vmem>>
      %dma_wait3A_1156 = arith.constant 0 : i32
      %dma_wait3A_1157 = arith.constant 0 : i32
      %dma_wait3A_1158 = tpu.memref_slice %arg2[%dma_wait3A_1156, %dma_wait3A_1157] : memref<20480x128xf32, #tpu.memory_space<hbm>> -> memref<20480x128xf32, #tpu.memory_space<hbm>>
      tpu.wait_indirect_dma semaphore(%arg15 : memref<!tpu.dma_semaphore, #tpu.memory_space<semaphore_mem>>) src(%dma_wait3A_1158 : memref<20480x128xf32, #tpu.memory_space<hbm>>) dst(%arg8 : memref<64x128xf32, #tpu.memory_space<vmem>>)
      %dma_start3A_1159 = arith.constant 60 : i32
      %dma_start3A_1160 = arith.constant 0 : i32
      %dma_start3A_1161 = tpu.memref_slice %arg6[%dma_start3A_1159, %dma_start3A_1160] : memref<64x64xi32, #tpu.memory_space<vmem>> -> memref<1x64xi32, #tpu.memory_space<vmem>>
      %dma_start3A_1162 = tpu.memref_squeeze %dma_start3A_1161 : memref<1x64xi32, #tpu.memory_space<vmem>> -> memref<64xi32, #tpu.memory_space<vmem>>
      %dma_start3A_1163 = arith.constant 0 : i32
      %dma_start3A_1164 = arith.constant 0 : i32
      %dma_start3A_1165 = tpu.memref_slice %arg12[%dma_start3A_1163, %dma_start3A_1164] : memref<10240x128xf32, #tpu.memory_space<vmem_shared>> -> memref<10240x128xf32, #tpu.memory_space<vmem_shared>>
      tpu.enqueue_indirect_dma source(%arg8 : memref<64x128xf32, #tpu.memory_space<vmem>>) target(%dma_start3A_1165 : memref<10240x128xf32, #tpu.memory_space<vmem_shared>>) offsets(%dma_start3A_1162 : memref<64xi32, #tpu.memory_space<vmem>>) semaphore(%arg19 : memref<!tpu.dma_semaphore, #tpu.memory_space<semaphore_mem>>) {add = true}
      %dma_wait3A_1166 = arith.constant 59 : i32
      %dma_wait3A_1167 = arith.constant 0 : i32
      %dma_wait3A_1168 = tpu.memref_slice %arg6[%dma_wait3A_1166, %dma_wait3A_1167] : memref<64x64xi32, #tpu.memory_space<vmem>> -> memref<1x64xi32, #tpu.memory_space<vmem>>
      %dma_wait3A_1169 = tpu.memref_squeeze %dma_wait3A_1168 : memref<1x64xi32, #tpu.memory_space<vmem>> -> memref<64xi32, #tpu.memory_space<vmem>>
      %dma_wait3A_1170 = arith.constant 0 : i32
      %dma_wait3A_1171 = arith.constant 0 : i32
      %dma_wait3A_1172 = tpu.memref_slice %arg12[%dma_wait3A_1170, %dma_wait3A_1171] : memref<10240x128xf32, #tpu.memory_space<vmem_shared>> -> memref<10240x128xf32, #tpu.memory_space<vmem_shared>>
      tpu.wait_indirect_dma semaphore(%arg22 : memref<!tpu.dma_semaphore, #tpu.memory_space<semaphore_mem>>) src(%arg11 : memref<64x128xf32, #tpu.memory_space<vmem>>) dst(%dma_wait3A_1172 : memref<10240x128xf32, #tpu.memory_space<vmem_shared>>)
      %dma_start3A_1173 = arith.constant 31 : i32
      %dma_start3A_1174 = arith.constant 0 : i32
      %dma_start3A_1175 = tpu.memref_slice %arg6[%dma_start3A_1173, %dma_start3A_1174] : memref<64x64xi32, #tpu.memory_space<vmem>> -> memref<1x64xi32, #tpu.memory_space<vmem>>
      %dma_start3A_1176 = tpu.memref_squeeze %dma_start3A_1175 : memref<1x64xi32, #tpu.memory_space<vmem>> -> memref<64xi32, #tpu.memory_space<vmem>>
      %dma_start3A_1177 = arith.constant 0 : i32
      %dma_start3A_1178 = arith.constant 0 : i32
      %dma_start3A_1179 = tpu.memref_slice %arg2[%dma_start3A_1177, %dma_start3A_1178] : memref<20480x128xf32, #tpu.memory_space<hbm>> -> memref<20480x128xf32, #tpu.memory_space<hbm>>
      tpu.enqueue_indirect_dma source(%dma_start3A_1179 : memref<20480x128xf32, #tpu.memory_space<hbm>>) target(%arg11 : memref<64x128xf32, #tpu.memory_space<vmem>>) offsets(%dma_start3A_1176 : memref<64xi32, #tpu.memory_space<vmem>>) semaphore(%arg18 : memref<!tpu.dma_semaphore, #tpu.memory_space<semaphore_mem>>)
      %dma_wait3A_1180 = arith.constant 29 : i32
      %dma_wait3A_1181 = arith.constant 0 : i32
      %dma_wait3A_1182 = tpu.memref_slice %arg6[%dma_wait3A_1180, %dma_wait3A_1181] : memref<64x64xi32, #tpu.memory_space<vmem>> -> memref<1x64xi32, #tpu.memory_space<vmem>>
      %dma_wait3A_1183 = tpu.memref_squeeze %dma_wait3A_1182 : memref<1x64xi32, #tpu.memory_space<vmem>> -> memref<64xi32, #tpu.memory_space<vmem>>
      %dma_wait3A_1184 = arith.constant 0 : i32
      %dma_wait3A_1185 = arith.constant 0 : i32
      %dma_wait3A_1186 = tpu.memref_slice %arg2[%dma_wait3A_1184, %dma_wait3A_1185] : memref<20480x128xf32, #tpu.memory_space<hbm>> -> memref<20480x128xf32, #tpu.memory_space<hbm>>
      tpu.wait_indirect_dma semaphore(%arg16 : memref<!tpu.dma_semaphore, #tpu.memory_space<semaphore_mem>>) src(%dma_wait3A_1186 : memref<20480x128xf32, #tpu.memory_space<hbm>>) dst(%arg9 : memref<64x128xf32, #tpu.memory_space<vmem>>)
      %dma_start3A_1187 = arith.constant 61 : i32
      %dma_start3A_1188 = arith.constant 0 : i32
      %dma_start3A_1189 = tpu.memref_slice %arg6[%dma_start3A_1187, %dma_start3A_1188] : memref<64x64xi32, #tpu.memory_space<vmem>> -> memref<1x64xi32, #tpu.memory_space<vmem>>
      %dma_start3A_1190 = tpu.memref_squeeze %dma_start3A_1189 : memref<1x64xi32, #tpu.memory_space<vmem>> -> memref<64xi32, #tpu.memory_space<vmem>>
      %dma_start3A_1191 = arith.constant 0 : i32
      %dma_start3A_1192 = arith.constant 0 : i32
      %dma_start3A_1193 = tpu.memref_slice %arg12[%dma_start3A_1191, %dma_start3A_1192] : memref<10240x128xf32, #tpu.memory_space<vmem_shared>> -> memref<10240x128xf32, #tpu.memory_space<vmem_shared>>
      tpu.enqueue_indirect_dma source(%arg9 : memref<64x128xf32, #tpu.memory_space<vmem>>) target(%dma_start3A_1193 : memref<10240x128xf32, #tpu.memory_space<vmem_shared>>) offsets(%dma_start3A_1190 : memref<64xi32, #tpu.memory_space<vmem>>) semaphore(%arg20 : memref<!tpu.dma_semaphore, #tpu.memory_space<semaphore_mem>>) {add = true}
      %dma_wait3A_1194 = arith.constant 30 : i32
      %dma_wait3A_1195 = arith.constant 0 : i32
      %dma_wait3A_1196 = tpu.memref_slice %arg6[%dma_wait3A_1194, %dma_wait3A_1195] : memref<64x64xi32, #tpu.memory_space<vmem>> -> memref<1x64xi32, #tpu.memory_space<vmem>>
      %dma_wait3A_1197 = tpu.memref_squeeze %dma_wait3A_1196 : memref<1x64xi32, #tpu.memory_space<vmem>> -> memref<64xi32, #tpu.memory_space<vmem>>
      %dma_wait3A_1198 = arith.constant 0 : i32
      %dma_wait3A_1199 = arith.constant 0 : i32
      %dma_wait3A_1200 = tpu.memref_slice %arg2[%dma_wait3A_1198, %dma_wait3A_1199] : memref<20480x128xf32, #tpu.memory_space<hbm>> -> memref<20480x128xf32, #tpu.memory_space<hbm>>
      tpu.wait_indirect_dma semaphore(%arg17 : memref<!tpu.dma_semaphore, #tpu.memory_space<semaphore_mem>>) src(%dma_wait3A_1200 : memref<20480x128xf32, #tpu.memory_space<hbm>>) dst(%arg10 : memref<64x128xf32, #tpu.memory_space<vmem>>)
      %dma_start3A_1201 = arith.constant 62 : i32
      %dma_start3A_1202 = arith.constant 0 : i32
      %dma_start3A_1203 = tpu.memref_slice %arg6[%dma_start3A_1201, %dma_start3A_1202] : memref<64x64xi32, #tpu.memory_space<vmem>> -> memref<1x64xi32, #tpu.memory_space<vmem>>
      %dma_start3A_1204 = tpu.memref_squeeze %dma_start3A_1203 : memref<1x64xi32, #tpu.memory_space<vmem>> -> memref<64xi32, #tpu.memory_space<vmem>>
      %dma_start3A_1205 = arith.constant 0 : i32
      %dma_start3A_1206 = arith.constant 0 : i32
      %dma_start3A_1207 = tpu.memref_slice %arg12[%dma_start3A_1205, %dma_start3A_1206] : memref<10240x128xf32, #tpu.memory_space<vmem_shared>> -> memref<10240x128xf32, #tpu.memory_space<vmem_shared>>
      tpu.enqueue_indirect_dma source(%arg10 : memref<64x128xf32, #tpu.memory_space<vmem>>) target(%dma_start3A_1207 : memref<10240x128xf32, #tpu.memory_space<vmem_shared>>) offsets(%dma_start3A_1204 : memref<64xi32, #tpu.memory_space<vmem>>) semaphore(%arg21 : memref<!tpu.dma_semaphore, #tpu.memory_space<semaphore_mem>>) {add = true}
      %dma_wait3A_1208 = arith.constant 31 : i32
      %dma_wait3A_1209 = arith.constant 0 : i32
      %dma_wait3A_1210 = tpu.memref_slice %arg6[%dma_wait3A_1208, %dma_wait3A_1209] : memref<64x64xi32, #tpu.memory_space<vmem>> -> memref<1x64xi32, #tpu.memory_space<vmem>>
      %dma_wait3A_1211 = tpu.memref_squeeze %dma_wait3A_1210 : memref<1x64xi32, #tpu.memory_space<vmem>> -> memref<64xi32, #tpu.memory_space<vmem>>
      %dma_wait3A_1212 = arith.constant 0 : i32
      %dma_wait3A_1213 = arith.constant 0 : i32
      %dma_wait3A_1214 = tpu.memref_slice %arg2[%dma_wait3A_1212, %dma_wait3A_1213] : memref<20480x128xf32, #tpu.memory_space<hbm>> -> memref<20480x128xf32, #tpu.memory_space<hbm>>
      tpu.wait_indirect_dma semaphore(%arg18 : memref<!tpu.dma_semaphore, #tpu.memory_space<semaphore_mem>>) src(%dma_wait3A_1214 : memref<20480x128xf32, #tpu.memory_space<hbm>>) dst(%arg11 : memref<64x128xf32, #tpu.memory_space<vmem>>)
      %dma_start3A_1215 = arith.constant 63 : i32
      %dma_start3A_1216 = arith.constant 0 : i32
      %dma_start3A_1217 = tpu.memref_slice %arg6[%dma_start3A_1215, %dma_start3A_1216] : memref<64x64xi32, #tpu.memory_space<vmem>> -> memref<1x64xi32, #tpu.memory_space<vmem>>
      %dma_start3A_1218 = tpu.memref_squeeze %dma_start3A_1217 : memref<1x64xi32, #tpu.memory_space<vmem>> -> memref<64xi32, #tpu.memory_space<vmem>>
      %dma_start3A_1219 = arith.constant 0 : i32
      %dma_start3A_1220 = arith.constant 0 : i32
      %dma_start3A_1221 = tpu.memref_slice %arg12[%dma_start3A_1219, %dma_start3A_1220] : memref<10240x128xf32, #tpu.memory_space<vmem_shared>> -> memref<10240x128xf32, #tpu.memory_space<vmem_shared>>
      tpu.enqueue_indirect_dma source(%arg11 : memref<64x128xf32, #tpu.memory_space<vmem>>) target(%dma_start3A_1221 : memref<10240x128xf32, #tpu.memory_space<vmem_shared>>) offsets(%dma_start3A_1218 : memref<64xi32, #tpu.memory_space<vmem>>) semaphore(%arg22 : memref<!tpu.dma_semaphore, #tpu.memory_space<semaphore_mem>>) {add = true}
      %dma_wait3A_1222 = arith.constant 60 : i32
      %dma_wait3A_1223 = arith.constant 0 : i32
      %dma_wait3A_1224 = tpu.memref_slice %arg6[%dma_wait3A_1222, %dma_wait3A_1223] : memref<64x64xi32, #tpu.memory_space<vmem>> -> memref<1x64xi32, #tpu.memory_space<vmem>>
      %dma_wait3A_1225 = tpu.memref_squeeze %dma_wait3A_1224 : memref<1x64xi32, #tpu.memory_space<vmem>> -> memref<64xi32, #tpu.memory_space<vmem>>
      %dma_wait3A_1226 = arith.constant 0 : i32
      %dma_wait3A_1227 = arith.constant 0 : i32
      %dma_wait3A_1228 = tpu.memref_slice %arg12[%dma_wait3A_1226, %dma_wait3A_1227] : memref<10240x128xf32, #tpu.memory_space<vmem_shared>> -> memref<10240x128xf32, #tpu.memory_space<vmem_shared>>
      tpu.wait_indirect_dma semaphore(%arg19 : memref<!tpu.dma_semaphore, #tpu.memory_space<semaphore_mem>>) src(%arg8 : memref<64x128xf32, #tpu.memory_space<vmem>>) dst(%dma_wait3A_1228 : memref<10240x128xf32, #tpu.memory_space<vmem_shared>>)
      %dma_wait3A_1229 = arith.constant 61 : i32
      %dma_wait3A_1230 = arith.constant 0 : i32
      %dma_wait3A_1231 = tpu.memref_slice %arg6[%dma_wait3A_1229, %dma_wait3A_1230] : memref<64x64xi32, #tpu.memory_space<vmem>> -> memref<1x64xi32, #tpu.memory_space<vmem>>
      %dma_wait3A_1232 = tpu.memref_squeeze %dma_wait3A_1231 : memref<1x64xi32, #tpu.memory_space<vmem>> -> memref<64xi32, #tpu.memory_space<vmem>>
      %dma_wait3A_1233 = arith.constant 0 : i32
      %dma_wait3A_1234 = arith.constant 0 : i32
      %dma_wait3A_1235 = tpu.memref_slice %arg12[%dma_wait3A_1233, %dma_wait3A_1234] : memref<10240x128xf32, #tpu.memory_space<vmem_shared>> -> memref<10240x128xf32, #tpu.memory_space<vmem_shared>>
      tpu.wait_indirect_dma semaphore(%arg20 : memref<!tpu.dma_semaphore, #tpu.memory_space<semaphore_mem>>) src(%arg9 : memref<64x128xf32, #tpu.memory_space<vmem>>) dst(%dma_wait3A_1235 : memref<10240x128xf32, #tpu.memory_space<vmem_shared>>)
      %dma_wait3A_1236 = arith.constant 62 : i32
      %dma_wait3A_1237 = arith.constant 0 : i32
      %dma_wait3A_1238 = tpu.memref_slice %arg6[%dma_wait3A_1236, %dma_wait3A_1237] : memref<64x64xi32, #tpu.memory_space<vmem>> -> memref<1x64xi32, #tpu.memory_space<vmem>>
      %dma_wait3A_1239 = tpu.memref_squeeze %dma_wait3A_1238 : memref<1x64xi32, #tpu.memory_space<vmem>> -> memref<64xi32, #tpu.memory_space<vmem>>
      %dma_wait3A_1240 = arith.constant 0 : i32
      %dma_wait3A_1241 = arith.constant 0 : i32
      %dma_wait3A_1242 = tpu.memref_slice %arg12[%dma_wait3A_1240, %dma_wait3A_1241] : memref<10240x128xf32, #tpu.memory_space<vmem_shared>> -> memref<10240x128xf32, #tpu.memory_space<vmem_shared>>
      tpu.wait_indirect_dma semaphore(%arg21 : memref<!tpu.dma_semaphore, #tpu.memory_space<semaphore_mem>>) src(%arg10 : memref<64x128xf32, #tpu.memory_space<vmem>>) dst(%dma_wait3A_1242 : memref<10240x128xf32, #tpu.memory_space<vmem_shared>>)
      %dma_wait3A_1243 = arith.constant 63 : i32
      %dma_wait3A_1244 = arith.constant 0 : i32
      %dma_wait3A_1245 = tpu.memref_slice %arg6[%dma_wait3A_1243, %dma_wait3A_1244] : memref<64x64xi32, #tpu.memory_space<vmem>> -> memref<1x64xi32, #tpu.memory_space<vmem>>
      %dma_wait3A_1246 = tpu.memref_squeeze %dma_wait3A_1245 : memref<1x64xi32, #tpu.memory_space<vmem>> -> memref<64xi32, #tpu.memory_space<vmem>>
      %dma_wait3A_1247 = arith.constant 0 : i32
      %dma_wait3A_1248 = arith.constant 0 : i32
      %dma_wait3A_1249 = tpu.memref_slice %arg12[%dma_wait3A_1247, %dma_wait3A_1248] : memref<10240x128xf32, #tpu.memory_space<vmem_shared>> -> memref<10240x128xf32, #tpu.memory_space<vmem_shared>>
      tpu.wait_indirect_dma semaphore(%arg22 : memref<!tpu.dma_semaphore, #tpu.memory_space<semaphore_mem>>) src(%arg11 : memref<64x128xf32, #tpu.memory_space<vmem>>) dst(%dma_wait3A_1249 : memref<10240x128xf32, #tpu.memory_space<vmem_shared>>)
      %add3A_1250 = arith.constant 2 : i32
      %add3A_1251 = arith.addi %add3A_351, %add3A_1250 : i32
      %lt3A = arith.constant 10 : i32
      %lt3A_1252 = arith.cmpi slt, %add3A_1251, %lt3A : i32
      %convert_element_type3A_1253 = arith.extui %lt3A_1252 : i1 to i32
      %cond3A_1254 = arith.constant 0 : i32
      %cond3A_1255 = arith.cmpi ne, %convert_element_type3A_1253, %cond3A_1254 : i32
      scf.if %cond3A_1255 {
        %add3A_2168 = arith.constant 2 : i32
        %add3A_2169 = arith.addi %add3A_351, %add3A_2168 : i32
        %mul3A_2170 = arith.constant 64 : i32
        %mul3A_2171 = arith.muli %add3A_2169, %mul3A_2170 : i32
        %add3A_2172 = arith.addi %mul3A_104, %mul3A_2171 : i32
        %dma_start3A_2173 = arith.constant 0 : i32
        %dma_start3A_2174 = tpu.memref_slice %arg3[%add3A_2172, %dma_start3A_2173] : memref<20480x64xi32, #tpu.memory_space<hbm>> -> memref<64x64xi32, #tpu.memory_space<hbm>>
        %dma_start3A_2175 = arith.constant 0 : i32
        %dma_start3A_2176 = tpu.memref_slice %arg3[%add3A_2172, %dma_start3A_2175] : memref<20480x64xi32, #tpu.memory_space<hbm>> -> memref<64x64xi32, #tpu.memory_space<hbm>>
        tpu.enqueue_dma source(%dma_start3A_2176 : memref<64x64xi32, #tpu.memory_space<hbm>>) target(%arg6 : memref<64x64xi32, #tpu.memory_space<vmem>>) target_semaphore(%arg13 : memref<!tpu.dma_semaphore, #tpu.memory_space<semaphore_mem>>)
      } else {
      }
      %mul3A_1256 = arith.constant 2 : i32
      %mul3A_1257 = arith.muli %scan3A_347, %mul3A_1256 : i32
      %add3A_1258 = arith.constant 1 : i32
      %add3A_1259 = arith.addi %mul3A_1257, %add3A_1258 : i32
      %gt3A_1260 = arith.constant 0 : i32
      %gt3A_1261 = arith.cmpi sgt, %add3A_1259, %gt3A_1260 : i32
      %convert_element_type3A_1262 = arith.extui %gt3A_1261 : i1 to i32
      %cond3A_1263 = arith.constant 0 : i32
      %cond3A_1264 = arith.cmpi ne, %convert_element_type3A_1262, %cond3A_1263 : i32
      scf.if %cond3A_1264 {
        %mul3A_2168 = arith.constant 64 : i32
        %mul3A_2169 = arith.muli %add3A_1259, %mul3A_2168 : i32
        %add3A_2170 = arith.addi %mul3A_104, %mul3A_2169 : i32
        %dma_wait3A_2171 = arith.constant 0 : i32
        %dma_wait3A_2172 = tpu.memref_slice %arg3[%add3A_2170, %dma_wait3A_2171] : memref<20480x64xi32, #tpu.memory_space<hbm>> -> memref<64x64xi32, #tpu.memory_space<hbm>>
        %dma_wait3A_2173 = arith.constant 0 : i32
        %dma_wait3A_2174 = tpu.memref_slice %arg3[%add3A_2170, %dma_wait3A_2173] : memref<20480x64xi32, #tpu.memory_space<hbm>> -> memref<64x64xi32, #tpu.memory_space<hbm>>
        tpu.wait_dma2 semaphore(%arg14 : memref<!tpu.dma_semaphore, #tpu.memory_space<semaphore_mem>>) src(%dma_wait3A_2174 : memref<64x64xi32, #tpu.memory_space<hbm>>) dst(%arg7 : memref<64x64xi32, #tpu.memory_space<vmem>>)
      } else {
      }
      %dma_start3A_1265 = arith.constant 0 : i32
      %dma_start3A_1266 = arith.constant 0 : i32
      %dma_start3A_1267 = tpu.memref_slice %arg7[%dma_start3A_1265, %dma_start3A_1266] : memref<64x64xi32, #tpu.memory_space<vmem>> -> memref<1x64xi32, #tpu.memory_space<vmem>>
      %dma_start3A_1268 = tpu.memref_squeeze %dma_start3A_1267 : memref<1x64xi32, #tpu.memory_space<vmem>> -> memref<64xi32, #tpu.memory_space<vmem>>
      %dma_start3A_1269 = arith.constant 0 : i32
      %dma_start3A_1270 = arith.constant 0 : i32
      %dma_start3A_1271 = tpu.memref_slice %arg2[%dma_start3A_1269, %dma_start3A_1270] : memref<20480x128xf32, #tpu.memory_space<hbm>> -> memref<20480x128xf32, #tpu.memory_space<hbm>>
      tpu.enqueue_indirect_dma source(%dma_start3A_1271 : memref<20480x128xf32, #tpu.memory_space<hbm>>) target(%arg8 : memref<64x128xf32, #tpu.memory_space<vmem>>) offsets(%dma_start3A_1268 : memref<64xi32, #tpu.memory_space<vmem>>) semaphore(%arg15 : memref<!tpu.dma_semaphore, #tpu.memory_space<semaphore_mem>>)
      %dma_start3A_1272 = arith.constant 1 : i32
      %dma_start3A_1273 = arith.constant 0 : i32
      %dma_start3A_1274 = tpu.memref_slice %arg7[%dma_start3A_1272, %dma_start3A_1273] : memref<64x64xi32, #tpu.memory_space<vmem>> -> memref<1x64xi32, #tpu.memory_space<vmem>>
      %dma_start3A_1275 = tpu.memref_squeeze %dma_start3A_1274 : memref<1x64xi32, #tpu.memory_space<vmem>> -> memref<64xi32, #tpu.memory_space<vmem>>
      %dma_start3A_1276 = arith.constant 0 : i32
      %dma_start3A_1277 = arith.constant 0 : i32
      %dma_start3A_1278 = tpu.memref_slice %arg2[%dma_start3A_1276, %dma_start3A_1277] : memref<20480x128xf32, #tpu.memory_space<hbm>> -> memref<20480x128xf32, #tpu.memory_space<hbm>>
      tpu.enqueue_indirect_dma source(%dma_start3A_1278 : memref<20480x128xf32, #tpu.memory_space<hbm>>) target(%arg9 : memref<64x128xf32, #tpu.memory_space<vmem>>) offsets(%dma_start3A_1275 : memref<64xi32, #tpu.memory_space<vmem>>) semaphore(%arg16 : memref<!tpu.dma_semaphore, #tpu.memory_space<semaphore_mem>>)
      %dma_start3A_1279 = arith.constant 2 : i32
      %dma_start3A_1280 = arith.constant 0 : i32
      %dma_start3A_1281 = tpu.memref_slice %arg7[%dma_start3A_1279, %dma_start3A_1280] : memref<64x64xi32, #tpu.memory_space<vmem>> -> memref<1x64xi32, #tpu.memory_space<vmem>>
      %dma_start3A_1282 = tpu.memref_squeeze %dma_start3A_1281 : memref<1x64xi32, #tpu.memory_space<vmem>> -> memref<64xi32, #tpu.memory_space<vmem>>
      %dma_start3A_1283 = arith.constant 0 : i32
      %dma_start3A_1284 = arith.constant 0 : i32
      %dma_start3A_1285 = tpu.memref_slice %arg2[%dma_start3A_1283, %dma_start3A_1284] : memref<20480x128xf32, #tpu.memory_space<hbm>> -> memref<20480x128xf32, #tpu.memory_space<hbm>>
      tpu.enqueue_indirect_dma source(%dma_start3A_1285 : memref<20480x128xf32, #tpu.memory_space<hbm>>) target(%arg10 : memref<64x128xf32, #tpu.memory_space<vmem>>) offsets(%dma_start3A_1282 : memref<64xi32, #tpu.memory_space<vmem>>) semaphore(%arg17 : memref<!tpu.dma_semaphore, #tpu.memory_space<semaphore_mem>>)
      %dma_wait3A_1286 = arith.constant 0 : i32
      %dma_wait3A_1287 = arith.constant 0 : i32
      %dma_wait3A_1288 = tpu.memref_slice %arg7[%dma_wait3A_1286, %dma_wait3A_1287] : memref<64x64xi32, #tpu.memory_space<vmem>> -> memref<1x64xi32, #tpu.memory_space<vmem>>
      %dma_wait3A_1289 = tpu.memref_squeeze %dma_wait3A_1288 : memref<1x64xi32, #tpu.memory_space<vmem>> -> memref<64xi32, #tpu.memory_space<vmem>>
      %dma_wait3A_1290 = arith.constant 0 : i32
      %dma_wait3A_1291 = arith.constant 0 : i32
      %dma_wait3A_1292 = tpu.memref_slice %arg2[%dma_wait3A_1290, %dma_wait3A_1291] : memref<20480x128xf32, #tpu.memory_space<hbm>> -> memref<20480x128xf32, #tpu.memory_space<hbm>>
      tpu.wait_indirect_dma semaphore(%arg15 : memref<!tpu.dma_semaphore, #tpu.memory_space<semaphore_mem>>) src(%dma_wait3A_1292 : memref<20480x128xf32, #tpu.memory_space<hbm>>) dst(%arg8 : memref<64x128xf32, #tpu.memory_space<vmem>>)
      %dma_start3A_1293 = arith.constant 32 : i32
      %dma_start3A_1294 = arith.constant 0 : i32
      %dma_start3A_1295 = tpu.memref_slice %arg7[%dma_start3A_1293, %dma_start3A_1294] : memref<64x64xi32, #tpu.memory_space<vmem>> -> memref<1x64xi32, #tpu.memory_space<vmem>>
      %dma_start3A_1296 = tpu.memref_squeeze %dma_start3A_1295 : memref<1x64xi32, #tpu.memory_space<vmem>> -> memref<64xi32, #tpu.memory_space<vmem>>
      %dma_start3A_1297 = arith.constant 0 : i32
      %dma_start3A_1298 = arith.constant 0 : i32
      %dma_start3A_1299 = tpu.memref_slice %arg12[%dma_start3A_1297, %dma_start3A_1298] : memref<10240x128xf32, #tpu.memory_space<vmem_shared>> -> memref<10240x128xf32, #tpu.memory_space<vmem_shared>>
      tpu.enqueue_indirect_dma source(%arg8 : memref<64x128xf32, #tpu.memory_space<vmem>>) target(%dma_start3A_1299 : memref<10240x128xf32, #tpu.memory_space<vmem_shared>>) offsets(%dma_start3A_1296 : memref<64xi32, #tpu.memory_space<vmem>>) semaphore(%arg19 : memref<!tpu.dma_semaphore, #tpu.memory_space<semaphore_mem>>) {add = true}
      %dma_start3A_1300 = arith.constant 3 : i32
      %dma_start3A_1301 = arith.constant 0 : i32
      %dma_start3A_1302 = tpu.memref_slice %arg7[%dma_start3A_1300, %dma_start3A_1301] : memref<64x64xi32, #tpu.memory_space<vmem>> -> memref<1x64xi32, #tpu.memory_space<vmem>>
      %dma_start3A_1303 = tpu.memref_squeeze %dma_start3A_1302 : memref<1x64xi32, #tpu.memory_space<vmem>> -> memref<64xi32, #tpu.memory_space<vmem>>
      %dma_start3A_1304 = arith.constant 0 : i32
      %dma_start3A_1305 = arith.constant 0 : i32
      %dma_start3A_1306 = tpu.memref_slice %arg2[%dma_start3A_1304, %dma_start3A_1305] : memref<20480x128xf32, #tpu.memory_space<hbm>> -> memref<20480x128xf32, #tpu.memory_space<hbm>>
      tpu.enqueue_indirect_dma source(%dma_start3A_1306 : memref<20480x128xf32, #tpu.memory_space<hbm>>) target(%arg11 : memref<64x128xf32, #tpu.memory_space<vmem>>) offsets(%dma_start3A_1303 : memref<64xi32, #tpu.memory_space<vmem>>) semaphore(%arg18 : memref<!tpu.dma_semaphore, #tpu.memory_space<semaphore_mem>>)
      %dma_wait3A_1307 = arith.constant 1 : i32
      %dma_wait3A_1308 = arith.constant 0 : i32
      %dma_wait3A_1309 = tpu.memref_slice %arg7[%dma_wait3A_1307, %dma_wait3A_1308] : memref<64x64xi32, #tpu.memory_space<vmem>> -> memref<1x64xi32, #tpu.memory_space<vmem>>
      %dma_wait3A_1310 = tpu.memref_squeeze %dma_wait3A_1309 : memref<1x64xi32, #tpu.memory_space<vmem>> -> memref<64xi32, #tpu.memory_space<vmem>>
      %dma_wait3A_1311 = arith.constant 0 : i32
      %dma_wait3A_1312 = arith.constant 0 : i32
      %dma_wait3A_1313 = tpu.memref_slice %arg2[%dma_wait3A_1311, %dma_wait3A_1312] : memref<20480x128xf32, #tpu.memory_space<hbm>> -> memref<20480x128xf32, #tpu.memory_space<hbm>>
      tpu.wait_indirect_dma semaphore(%arg16 : memref<!tpu.dma_semaphore, #tpu.memory_space<semaphore_mem>>) src(%dma_wait3A_1313 : memref<20480x128xf32, #tpu.memory_space<hbm>>) dst(%arg9 : memref<64x128xf32, #tpu.memory_space<vmem>>)
      %dma_start3A_1314 = arith.constant 33 : i32
      %dma_start3A_1315 = arith.constant 0 : i32
      %dma_start3A_1316 = tpu.memref_slice %arg7[%dma_start3A_1314, %dma_start3A_1315] : memref<64x64xi32, #tpu.memory_space<vmem>> -> memref<1x64xi32, #tpu.memory_space<vmem>>
      %dma_start3A_1317 = tpu.memref_squeeze %dma_start3A_1316 : memref<1x64xi32, #tpu.memory_space<vmem>> -> memref<64xi32, #tpu.memory_space<vmem>>
      %dma_start3A_1318 = arith.constant 0 : i32
      %dma_start3A_1319 = arith.constant 0 : i32
      %dma_start3A_1320 = tpu.memref_slice %arg12[%dma_start3A_1318, %dma_start3A_1319] : memref<10240x128xf32, #tpu.memory_space<vmem_shared>> -> memref<10240x128xf32, #tpu.memory_space<vmem_shared>>
      tpu.enqueue_indirect_dma source(%arg9 : memref<64x128xf32, #tpu.memory_space<vmem>>) target(%dma_start3A_1320 : memref<10240x128xf32, #tpu.memory_space<vmem_shared>>) offsets(%dma_start3A_1317 : memref<64xi32, #tpu.memory_space<vmem>>) semaphore(%arg20 : memref<!tpu.dma_semaphore, #tpu.memory_space<semaphore_mem>>) {add = true}
      %dma_wait3A_1321 = arith.constant 32 : i32
      %dma_wait3A_1322 = arith.constant 0 : i32
      %dma_wait3A_1323 = tpu.memref_slice %arg7[%dma_wait3A_1321, %dma_wait3A_1322] : memref<64x64xi32, #tpu.memory_space<vmem>> -> memref<1x64xi32, #tpu.memory_space<vmem>>
      %dma_wait3A_1324 = tpu.memref_squeeze %dma_wait3A_1323 : memref<1x64xi32, #tpu.memory_space<vmem>> -> memref<64xi32, #tpu.memory_space<vmem>>
      %dma_wait3A_1325 = arith.constant 0 : i32
      %dma_wait3A_1326 = arith.constant 0 : i32
      %dma_wait3A_1327 = tpu.memref_slice %arg12[%dma_wait3A_1325, %dma_wait3A_1326] : memref<10240x128xf32, #tpu.memory_space<vmem_shared>> -> memref<10240x128xf32, #tpu.memory_space<vmem_shared>>
      tpu.wait_indirect_dma semaphore(%arg19 : memref<!tpu.dma_semaphore, #tpu.memory_space<semaphore_mem>>) src(%arg8 : memref<64x128xf32, #tpu.memory_space<vmem>>) dst(%dma_wait3A_1327 : memref<10240x128xf32, #tpu.memory_space<vmem_shared>>)
      %dma_start3A_1328 = arith.constant 4 : i32
      %dma_start3A_1329 = arith.constant 0 : i32
      %dma_start3A_1330 = tpu.memref_slice %arg7[%dma_start3A_1328, %dma_start3A_1329] : memref<64x64xi32, #tpu.memory_space<vmem>> -> memref<1x64xi32, #tpu.memory_space<vmem>>
      %dma_start3A_1331 = tpu.memref_squeeze %dma_start3A_1330 : memref<1x64xi32, #tpu.memory_space<vmem>> -> memref<64xi32, #tpu.memory_space<vmem>>
      %dma_start3A_1332 = arith.constant 0 : i32
      %dma_start3A_1333 = arith.constant 0 : i32
      %dma_start3A_1334 = tpu.memref_slice %arg2[%dma_start3A_1332, %dma_start3A_1333] : memref<20480x128xf32, #tpu.memory_space<hbm>> -> memref<20480x128xf32, #tpu.memory_space<hbm>>
      tpu.enqueue_indirect_dma source(%dma_start3A_1334 : memref<20480x128xf32, #tpu.memory_space<hbm>>) target(%arg8 : memref<64x128xf32, #tpu.memory_space<vmem>>) offsets(%dma_start3A_1331 : memref<64xi32, #tpu.memory_space<vmem>>) semaphore(%arg15 : memref<!tpu.dma_semaphore, #tpu.memory_space<semaphore_mem>>)
      %dma_wait3A_1335 = arith.constant 2 : i32
      %dma_wait3A_1336 = arith.constant 0 : i32
      %dma_wait3A_1337 = tpu.memref_slice %arg7[%dma_wait3A_1335, %dma_wait3A_1336] : memref<64x64xi32, #tpu.memory_space<vmem>> -> memref<1x64xi32, #tpu.memory_space<vmem>>
      %dma_wait3A_1338 = tpu.memref_squeeze %dma_wait3A_1337 : memref<1x64xi32, #tpu.memory_space<vmem>> -> memref<64xi32, #tpu.memory_space<vmem>>
      %dma_wait3A_1339 = arith.constant 0 : i32
      %dma_wait3A_1340 = arith.constant 0 : i32
      %dma_wait3A_1341 = tpu.memref_slice %arg2[%dma_wait3A_1339, %dma_wait3A_1340] : memref<20480x128xf32, #tpu.memory_space<hbm>> -> memref<20480x128xf32, #tpu.memory_space<hbm>>
      tpu.wait_indirect_dma semaphore(%arg17 : memref<!tpu.dma_semaphore, #tpu.memory_space<semaphore_mem>>) src(%dma_wait3A_1341 : memref<20480x128xf32, #tpu.memory_space<hbm>>) dst(%arg10 : memref<64x128xf32, #tpu.memory_space<vmem>>)
      %dma_start3A_1342 = arith.constant 34 : i32
      %dma_start3A_1343 = arith.constant 0 : i32
      %dma_start3A_1344 = tpu.memref_slice %arg7[%dma_start3A_1342, %dma_start3A_1343] : memref<64x64xi32, #tpu.memory_space<vmem>> -> memref<1x64xi32, #tpu.memory_space<vmem>>
      %dma_start3A_1345 = tpu.memref_squeeze %dma_start3A_1344 : memref<1x64xi32, #tpu.memory_space<vmem>> -> memref<64xi32, #tpu.memory_space<vmem>>
      %dma_start3A_1346 = arith.constant 0 : i32
      %dma_start3A_1347 = arith.constant 0 : i32
      %dma_start3A_1348 = tpu.memref_slice %arg12[%dma_start3A_1346, %dma_start3A_1347] : memref<10240x128xf32, #tpu.memory_space<vmem_shared>> -> memref<10240x128xf32, #tpu.memory_space<vmem_shared>>
      tpu.enqueue_indirect_dma source(%arg10 : memref<64x128xf32, #tpu.memory_space<vmem>>) target(%dma_start3A_1348 : memref<10240x128xf32, #tpu.memory_space<vmem_shared>>) offsets(%dma_start3A_1345 : memref<64xi32, #tpu.memory_space<vmem>>) semaphore(%arg21 : memref<!tpu.dma_semaphore, #tpu.memory_space<semaphore_mem>>) {add = true}
      %dma_wait3A_1349 = arith.constant 33 : i32
      %dma_wait3A_1350 = arith.constant 0 : i32
      %dma_wait3A_1351 = tpu.memref_slice %arg7[%dma_wait3A_1349, %dma_wait3A_1350] : memref<64x64xi32, #tpu.memory_space<vmem>> -> memref<1x64xi32, #tpu.memory_space<vmem>>
      %dma_wait3A_1352 = tpu.memref_squeeze %dma_wait3A_1351 : memref<1x64xi32, #tpu.memory_space<vmem>> -> memref<64xi32, #tpu.memory_space<vmem>>
      %dma_wait3A_1353 = arith.constant 0 : i32
      %dma_wait3A_1354 = arith.constant 0 : i32
      %dma_wait3A_1355 = tpu.memref_slice %arg12[%dma_wait3A_1353, %dma_wait3A_1354] : memref<10240x128xf32, #tpu.memory_space<vmem_shared>> -> memref<10240x128xf32, #tpu.memory_space<vmem_shared>>
      tpu.wait_indirect_dma semaphore(%arg20 : memref<!tpu.dma_semaphore, #tpu.memory_space<semaphore_mem>>) src(%arg9 : memref<64x128xf32, #tpu.memory_space<vmem>>) dst(%dma_wait3A_1355 : memref<10240x128xf32, #tpu.memory_space<vmem_shared>>)
      %dma_start3A_1356 = arith.constant 5 : i32
      %dma_start3A_1357 = arith.constant 0 : i32
      %dma_start3A_1358 = tpu.memref_slice %arg7[%dma_start3A_1356, %dma_start3A_1357] : memref<64x64xi32, #tpu.memory_space<vmem>> -> memref<1x64xi32, #tpu.memory_space<vmem>>
      %dma_start3A_1359 = tpu.memref_squeeze %dma_start3A_1358 : memref<1x64xi32, #tpu.memory_space<vmem>> -> memref<64xi32, #tpu.memory_space<vmem>>
      %dma_start3A_1360 = arith.constant 0 : i32
      %dma_start3A_1361 = arith.constant 0 : i32
      %dma_start3A_1362 = tpu.memref_slice %arg2[%dma_start3A_1360, %dma_start3A_1361] : memref<20480x128xf32, #tpu.memory_space<hbm>> -> memref<20480x128xf32, #tpu.memory_space<hbm>>
      tpu.enqueue_indirect_dma source(%dma_start3A_1362 : memref<20480x128xf32, #tpu.memory_space<hbm>>) target(%arg9 : memref<64x128xf32, #tpu.memory_space<vmem>>) offsets(%dma_start3A_1359 : memref<64xi32, #tpu.memory_space<vmem>>) semaphore(%arg16 : memref<!tpu.dma_semaphore, #tpu.memory_space<semaphore_mem>>)
      %dma_wait3A_1363 = arith.constant 3 : i32
      %dma_wait3A_1364 = arith.constant 0 : i32
      %dma_wait3A_1365 = tpu.memref_slice %arg7[%dma_wait3A_1363, %dma_wait3A_1364] : memref<64x64xi32, #tpu.memory_space<vmem>> -> memref<1x64xi32, #tpu.memory_space<vmem>>
      %dma_wait3A_1366 = tpu.memref_squeeze %dma_wait3A_1365 : memref<1x64xi32, #tpu.memory_space<vmem>> -> memref<64xi32, #tpu.memory_space<vmem>>
      %dma_wait3A_1367 = arith.constant 0 : i32
      %dma_wait3A_1368 = arith.constant 0 : i32
      %dma_wait3A_1369 = tpu.memref_slice %arg2[%dma_wait3A_1367, %dma_wait3A_1368] : memref<20480x128xf32, #tpu.memory_space<hbm>> -> memref<20480x128xf32, #tpu.memory_space<hbm>>
      tpu.wait_indirect_dma semaphore(%arg18 : memref<!tpu.dma_semaphore, #tpu.memory_space<semaphore_mem>>) src(%dma_wait3A_1369 : memref<20480x128xf32, #tpu.memory_space<hbm>>) dst(%arg11 : memref<64x128xf32, #tpu.memory_space<vmem>>)
      %dma_start3A_1370 = arith.constant 35 : i32
      %dma_start3A_1371 = arith.constant 0 : i32
      %dma_start3A_1372 = tpu.memref_slice %arg7[%dma_start3A_1370, %dma_start3A_1371] : memref<64x64xi32, #tpu.memory_space<vmem>> -> memref<1x64xi32, #tpu.memory_space<vmem>>
      %dma_start3A_1373 = tpu.memref_squeeze %dma_start3A_1372 : memref<1x64xi32, #tpu.memory_space<vmem>> -> memref<64xi32, #tpu.memory_space<vmem>>
      %dma_start3A_1374 = arith.constant 0 : i32
      %dma_start3A_1375 = arith.constant 0 : i32
      %dma_start3A_1376 = tpu.memref_slice %arg12[%dma_start3A_1374, %dma_start3A_1375] : memref<10240x128xf32, #tpu.memory_space<vmem_shared>> -> memref<10240x128xf32, #tpu.memory_space<vmem_shared>>
      tpu.enqueue_indirect_dma source(%arg11 : memref<64x128xf32, #tpu.memory_space<vmem>>) target(%dma_start3A_1376 : memref<10240x128xf32, #tpu.memory_space<vmem_shared>>) offsets(%dma_start3A_1373 : memref<64xi32, #tpu.memory_space<vmem>>) semaphore(%arg22 : memref<!tpu.dma_semaphore, #tpu.memory_space<semaphore_mem>>) {add = true}
      %dma_wait3A_1377 = arith.constant 34 : i32
      %dma_wait3A_1378 = arith.constant 0 : i32
      %dma_wait3A_1379 = tpu.memref_slice %arg7[%dma_wait3A_1377, %dma_wait3A_1378] : memref<64x64xi32, #tpu.memory_space<vmem>> -> memref<1x64xi32, #tpu.memory_space<vmem>>
      %dma_wait3A_1380 = tpu.memref_squeeze %dma_wait3A_1379 : memref<1x64xi32, #tpu.memory_space<vmem>> -> memref<64xi32, #tpu.memory_space<vmem>>
      %dma_wait3A_1381 = arith.constant 0 : i32
      %dma_wait3A_1382 = arith.constant 0 : i32
      %dma_wait3A_1383 = tpu.memref_slice %arg12[%dma_wait3A_1381, %dma_wait3A_1382] : memref<10240x128xf32, #tpu.memory_space<vmem_shared>> -> memref<10240x128xf32, #tpu.memory_space<vmem_shared>>
      tpu.wait_indirect_dma semaphore(%arg21 : memref<!tpu.dma_semaphore, #tpu.memory_space<semaphore_mem>>) src(%arg10 : memref<64x128xf32, #tpu.memory_space<vmem>>) dst(%dma_wait3A_1383 : memref<10240x128xf32, #tpu.memory_space<vmem_shared>>)
      %dma_start3A_1384 = arith.constant 6 : i32
      %dma_start3A_1385 = arith.constant 0 : i32
      %dma_start3A_1386 = tpu.memref_slice %arg7[%dma_start3A_1384, %dma_start3A_1385] : memref<64x64xi32, #tpu.memory_space<vmem>> -> memref<1x64xi32, #tpu.memory_space<vmem>>
      %dma_start3A_1387 = tpu.memref_squeeze %dma_start3A_1386 : memref<1x64xi32, #tpu.memory_space<vmem>> -> memref<64xi32, #tpu.memory_space<vmem>>
      %dma_start3A_1388 = arith.constant 0 : i32
      %dma_start3A_1389 = arith.constant 0 : i32
      %dma_start3A_1390 = tpu.memref_slice %arg2[%dma_start3A_1388, %dma_start3A_1389] : memref<20480x128xf32, #tpu.memory_space<hbm>> -> memref<20480x128xf32, #tpu.memory_space<hbm>>
      tpu.enqueue_indirect_dma source(%dma_start3A_1390 : memref<20480x128xf32, #tpu.memory_space<hbm>>) target(%arg10 : memref<64x128xf32, #tpu.memory_space<vmem>>) offsets(%dma_start3A_1387 : memref<64xi32, #tpu.memory_space<vmem>>) semaphore(%arg17 : memref<!tpu.dma_semaphore, #tpu.memory_space<semaphore_mem>>)
      %dma_wait3A_1391 = arith.constant 4 : i32
      %dma_wait3A_1392 = arith.constant 0 : i32
      %dma_wait3A_1393 = tpu.memref_slice %arg7[%dma_wait3A_1391, %dma_wait3A_1392] : memref<64x64xi32, #tpu.memory_space<vmem>> -> memref<1x64xi32, #tpu.memory_space<vmem>>
      %dma_wait3A_1394 = tpu.memref_squeeze %dma_wait3A_1393 : memref<1x64xi32, #tpu.memory_space<vmem>> -> memref<64xi32, #tpu.memory_space<vmem>>
      %dma_wait3A_1395 = arith.constant 0 : i32
      %dma_wait3A_1396 = arith.constant 0 : i32
      %dma_wait3A_1397 = tpu.memref_slice %arg2[%dma_wait3A_1395, %dma_wait3A_1396] : memref<20480x128xf32, #tpu.memory_space<hbm>> -> memref<20480x128xf32, #tpu.memory_space<hbm>>
      tpu.wait_indirect_dma semaphore(%arg15 : memref<!tpu.dma_semaphore, #tpu.memory_space<semaphore_mem>>) src(%dma_wait3A_1397 : memref<20480x128xf32, #tpu.memory_space<hbm>>) dst(%arg8 : memref<64x128xf32, #tpu.memory_space<vmem>>)
      %dma_start3A_1398 = arith.constant 36 : i32
      %dma_start3A_1399 = arith.constant 0 : i32
      %dma_start3A_1400 = tpu.memref_slice %arg7[%dma_start3A_1398, %dma_start3A_1399] : memref<64x64xi32, #tpu.memory_space<vmem>> -> memref<1x64xi32, #tpu.memory_space<vmem>>
      %dma_start3A_1401 = tpu.memref_squeeze %dma_start3A_1400 : memref<1x64xi32, #tpu.memory_space<vmem>> -> memref<64xi32, #tpu.memory_space<vmem>>
      %dma_start3A_1402 = arith.constant 0 : i32
      %dma_start3A_1403 = arith.constant 0 : i32
      %dma_start3A_1404 = tpu.memref_slice %arg12[%dma_start3A_1402, %dma_start3A_1403] : memref<10240x128xf32, #tpu.memory_space<vmem_shared>> -> memref<10240x128xf32, #tpu.memory_space<vmem_shared>>
      tpu.enqueue_indirect_dma source(%arg8 : memref<64x128xf32, #tpu.memory_space<vmem>>) target(%dma_start3A_1404 : memref<10240x128xf32, #tpu.memory_space<vmem_shared>>) offsets(%dma_start3A_1401 : memref<64xi32, #tpu.memory_space<vmem>>) semaphore(%arg19 : memref<!tpu.dma_semaphore, #tpu.memory_space<semaphore_mem>>) {add = true}
      %dma_wait3A_1405 = arith.constant 35 : i32
      %dma_wait3A_1406 = arith.constant 0 : i32
      %dma_wait3A_1407 = tpu.memref_slice %arg7[%dma_wait3A_1405, %dma_wait3A_1406] : memref<64x64xi32, #tpu.memory_space<vmem>> -> memref<1x64xi32, #tpu.memory_space<vmem>>
      %dma_wait3A_1408 = tpu.memref_squeeze %dma_wait3A_1407 : memref<1x64xi32, #tpu.memory_space<vmem>> -> memref<64xi32, #tpu.memory_space<vmem>>
      %dma_wait3A_1409 = arith.constant 0 : i32
      %dma_wait3A_1410 = arith.constant 0 : i32
      %dma_wait3A_1411 = tpu.memref_slice %arg12[%dma_wait3A_1409, %dma_wait3A_1410] : memref<10240x128xf32, #tpu.memory_space<vmem_shared>> -> memref<10240x128xf32, #tpu.memory_space<vmem_shared>>
      tpu.wait_indirect_dma semaphore(%arg22 : memref<!tpu.dma_semaphore, #tpu.memory_space<semaphore_mem>>) src(%arg11 : memref<64x128xf32, #tpu.memory_space<vmem>>) dst(%dma_wait3A_1411 : memref<10240x128xf32, #tpu.memory_space<vmem_shared>>)
      %dma_start3A_1412 = arith.constant 7 : i32
      %dma_start3A_1413 = arith.constant 0 : i32
      %dma_start3A_1414 = tpu.memref_slice %arg7[%dma_start3A_1412, %dma_start3A_1413] : memref<64x64xi32, #tpu.memory_space<vmem>> -> memref<1x64xi32, #tpu.memory_space<vmem>>
      %dma_start3A_1415 = tpu.memref_squeeze %dma_start3A_1414 : memref<1x64xi32, #tpu.memory_space<vmem>> -> memref<64xi32, #tpu.memory_space<vmem>>
      %dma_start3A_1416 = arith.constant 0 : i32
      %dma_start3A_1417 = arith.constant 0 : i32
      %dma_start3A_1418 = tpu.memref_slice %arg2[%dma_start3A_1416, %dma_start3A_1417] : memref<20480x128xf32, #tpu.memory_space<hbm>> -> memref<20480x128xf32, #tpu.memory_space<hbm>>
      tpu.enqueue_indirect_dma source(%dma_start3A_1418 : memref<20480x128xf32, #tpu.memory_space<hbm>>) target(%arg11 : memref<64x128xf32, #tpu.memory_space<vmem>>) offsets(%dma_start3A_1415 : memref<64xi32, #tpu.memory_space<vmem>>) semaphore(%arg18 : memref<!tpu.dma_semaphore, #tpu.memory_space<semaphore_mem>>)
      %dma_wait3A_1419 = arith.constant 5 : i32
      %dma_wait3A_1420 = arith.constant 0 : i32
      %dma_wait3A_1421 = tpu.memref_slice %arg7[%dma_wait3A_1419, %dma_wait3A_1420] : memref<64x64xi32, #tpu.memory_space<vmem>> -> memref<1x64xi32, #tpu.memory_space<vmem>>
      %dma_wait3A_1422 = tpu.memref_squeeze %dma_wait3A_1421 : memref<1x64xi32, #tpu.memory_space<vmem>> -> memref<64xi32, #tpu.memory_space<vmem>>
      %dma_wait3A_1423 = arith.constant 0 : i32
      %dma_wait3A_1424 = arith.constant 0 : i32
      %dma_wait3A_1425 = tpu.memref_slice %arg2[%dma_wait3A_1423, %dma_wait3A_1424] : memref<20480x128xf32, #tpu.memory_space<hbm>> -> memref<20480x128xf32, #tpu.memory_space<hbm>>
      tpu.wait_indirect_dma semaphore(%arg16 : memref<!tpu.dma_semaphore, #tpu.memory_space<semaphore_mem>>) src(%dma_wait3A_1425 : memref<20480x128xf32, #tpu.memory_space<hbm>>) dst(%arg9 : memref<64x128xf32, #tpu.memory_space<vmem>>)
      %dma_start3A_1426 = arith.constant 37 : i32
      %dma_start3A_1427 = arith.constant 0 : i32
      %dma_start3A_1428 = tpu.memref_slice %arg7[%dma_start3A_1426, %dma_start3A_1427] : memref<64x64xi32, #tpu.memory_space<vmem>> -> memref<1x64xi32, #tpu.memory_space<vmem>>
      %dma_start3A_1429 = tpu.memref_squeeze %dma_start3A_1428 : memref<1x64xi32, #tpu.memory_space<vmem>> -> memref<64xi32, #tpu.memory_space<vmem>>
      %dma_start3A_1430 = arith.constant 0 : i32
      %dma_start3A_1431 = arith.constant 0 : i32
      %dma_start3A_1432 = tpu.memref_slice %arg12[%dma_start3A_1430, %dma_start3A_1431] : memref<10240x128xf32, #tpu.memory_space<vmem_shared>> -> memref<10240x128xf32, #tpu.memory_space<vmem_shared>>
      tpu.enqueue_indirect_dma source(%arg9 : memref<64x128xf32, #tpu.memory_space<vmem>>) target(%dma_start3A_1432 : memref<10240x128xf32, #tpu.memory_space<vmem_shared>>) offsets(%dma_start3A_1429 : memref<64xi32, #tpu.memory_space<vmem>>) semaphore(%arg20 : memref<!tpu.dma_semaphore, #tpu.memory_space<semaphore_mem>>) {add = true}
      %dma_wait3A_1433 = arith.constant 36 : i32
      %dma_wait3A_1434 = arith.constant 0 : i32
      %dma_wait3A_1435 = tpu.memref_slice %arg7[%dma_wait3A_1433, %dma_wait3A_1434] : memref<64x64xi32, #tpu.memory_space<vmem>> -> memref<1x64xi32, #tpu.memory_space<vmem>>
      %dma_wait3A_1436 = tpu.memref_squeeze %dma_wait3A_1435 : memref<1x64xi32, #tpu.memory_space<vmem>> -> memref<64xi32, #tpu.memory_space<vmem>>
      %dma_wait3A_1437 = arith.constant 0 : i32
      %dma_wait3A_1438 = arith.constant 0 : i32
      %dma_wait3A_1439 = tpu.memref_slice %arg12[%dma_wait3A_1437, %dma_wait3A_1438] : memref<10240x128xf32, #tpu.memory_space<vmem_shared>> -> memref<10240x128xf32, #tpu.memory_space<vmem_shared>>
      tpu.wait_indirect_dma semaphore(%arg19 : memref<!tpu.dma_semaphore, #tpu.memory_space<semaphore_mem>>) src(%arg8 : memref<64x128xf32, #tpu.memory_space<vmem>>) dst(%dma_wait3A_1439 : memref<10240x128xf32, #tpu.memory_space<vmem_shared>>)
      %dma_start3A_1440 = arith.constant 8 : i32
      %dma_start3A_1441 = arith.constant 0 : i32
      %dma_start3A_1442 = tpu.memref_slice %arg7[%dma_start3A_1440, %dma_start3A_1441] : memref<64x64xi32, #tpu.memory_space<vmem>> -> memref<1x64xi32, #tpu.memory_space<vmem>>
      %dma_start3A_1443 = tpu.memref_squeeze %dma_start3A_1442 : memref<1x64xi32, #tpu.memory_space<vmem>> -> memref<64xi32, #tpu.memory_space<vmem>>
      %dma_start3A_1444 = arith.constant 0 : i32
      %dma_start3A_1445 = arith.constant 0 : i32
      %dma_start3A_1446 = tpu.memref_slice %arg2[%dma_start3A_1444, %dma_start3A_1445] : memref<20480x128xf32, #tpu.memory_space<hbm>> -> memref<20480x128xf32, #tpu.memory_space<hbm>>
      tpu.enqueue_indirect_dma source(%dma_start3A_1446 : memref<20480x128xf32, #tpu.memory_space<hbm>>) target(%arg8 : memref<64x128xf32, #tpu.memory_space<vmem>>) offsets(%dma_start3A_1443 : memref<64xi32, #tpu.memory_space<vmem>>) semaphore(%arg15 : memref<!tpu.dma_semaphore, #tpu.memory_space<semaphore_mem>>)
      %dma_wait3A_1447 = arith.constant 6 : i32
      %dma_wait3A_1448 = arith.constant 0 : i32
      %dma_wait3A_1449 = tpu.memref_slice %arg7[%dma_wait3A_1447, %dma_wait3A_1448] : memref<64x64xi32, #tpu.memory_space<vmem>> -> memref<1x64xi32, #tpu.memory_space<vmem>>
      %dma_wait3A_1450 = tpu.memref_squeeze %dma_wait3A_1449 : memref<1x64xi32, #tpu.memory_space<vmem>> -> memref<64xi32, #tpu.memory_space<vmem>>
      %dma_wait3A_1451 = arith.constant 0 : i32
      %dma_wait3A_1452 = arith.constant 0 : i32
      %dma_wait3A_1453 = tpu.memref_slice %arg2[%dma_wait3A_1451, %dma_wait3A_1452] : memref<20480x128xf32, #tpu.memory_space<hbm>> -> memref<20480x128xf32, #tpu.memory_space<hbm>>
      tpu.wait_indirect_dma semaphore(%arg17 : memref<!tpu.dma_semaphore, #tpu.memory_space<semaphore_mem>>) src(%dma_wait3A_1453 : memref<20480x128xf32, #tpu.memory_space<hbm>>) dst(%arg10 : memref<64x128xf32, #tpu.memory_space<vmem>>)
      %dma_start3A_1454 = arith.constant 38 : i32
      %dma_start3A_1455 = arith.constant 0 : i32
      %dma_start3A_1456 = tpu.memref_slice %arg7[%dma_start3A_1454, %dma_start3A_1455] : memref<64x64xi32, #tpu.memory_space<vmem>> -> memref<1x64xi32, #tpu.memory_space<vmem>>
      %dma_start3A_1457 = tpu.memref_squeeze %dma_start3A_1456 : memref<1x64xi32, #tpu.memory_space<vmem>> -> memref<64xi32, #tpu.memory_space<vmem>>
      %dma_start3A_1458 = arith.constant 0 : i32
      %dma_start3A_1459 = arith.constant 0 : i32
      %dma_start3A_1460 = tpu.memref_slice %arg12[%dma_start3A_1458, %dma_start3A_1459] : memref<10240x128xf32, #tpu.memory_space<vmem_shared>> -> memref<10240x128xf32, #tpu.memory_space<vmem_shared>>
      tpu.enqueue_indirect_dma source(%arg10 : memref<64x128xf32, #tpu.memory_space<vmem>>) target(%dma_start3A_1460 : memref<10240x128xf32, #tpu.memory_space<vmem_shared>>) offsets(%dma_start3A_1457 : memref<64xi32, #tpu.memory_space<vmem>>) semaphore(%arg21 : memref<!tpu.dma_semaphore, #tpu.memory_space<semaphore_mem>>) {add = true}
      %dma_wait3A_1461 = arith.constant 37 : i32
      %dma_wait3A_1462 = arith.constant 0 : i32
      %dma_wait3A_1463 = tpu.memref_slice %arg7[%dma_wait3A_1461, %dma_wait3A_1462] : memref<64x64xi32, #tpu.memory_space<vmem>> -> memref<1x64xi32, #tpu.memory_space<vmem>>
      %dma_wait3A_1464 = tpu.memref_squeeze %dma_wait3A_1463 : memref<1x64xi32, #tpu.memory_space<vmem>> -> memref<64xi32, #tpu.memory_space<vmem>>
      %dma_wait3A_1465 = arith.constant 0 : i32
      %dma_wait3A_1466 = arith.constant 0 : i32
      %dma_wait3A_1467 = tpu.memref_slice %arg12[%dma_wait3A_1465, %dma_wait3A_1466] : memref<10240x128xf32, #tpu.memory_space<vmem_shared>> -> memref<10240x128xf32, #tpu.memory_space<vmem_shared>>
      tpu.wait_indirect_dma semaphore(%arg20 : memref<!tpu.dma_semaphore, #tpu.memory_space<semaphore_mem>>) src(%arg9 : memref<64x128xf32, #tpu.memory_space<vmem>>) dst(%dma_wait3A_1467 : memref<10240x128xf32, #tpu.memory_space<vmem_shared>>)
      %dma_start3A_1468 = arith.constant 9 : i32
      %dma_start3A_1469 = arith.constant 0 : i32
      %dma_start3A_1470 = tpu.memref_slice %arg7[%dma_start3A_1468, %dma_start3A_1469] : memref<64x64xi32, #tpu.memory_space<vmem>> -> memref<1x64xi32, #tpu.memory_space<vmem>>
      %dma_start3A_1471 = tpu.memref_squeeze %dma_start3A_1470 : memref<1x64xi32, #tpu.memory_space<vmem>> -> memref<64xi32, #tpu.memory_space<vmem>>
      %dma_start3A_1472 = arith.constant 0 : i32
      %dma_start3A_1473 = arith.constant 0 : i32
      %dma_start3A_1474 = tpu.memref_slice %arg2[%dma_start3A_1472, %dma_start3A_1473] : memref<20480x128xf32, #tpu.memory_space<hbm>> -> memref<20480x128xf32, #tpu.memory_space<hbm>>
      tpu.enqueue_indirect_dma source(%dma_start3A_1474 : memref<20480x128xf32, #tpu.memory_space<hbm>>) target(%arg9 : memref<64x128xf32, #tpu.memory_space<vmem>>) offsets(%dma_start3A_1471 : memref<64xi32, #tpu.memory_space<vmem>>) semaphore(%arg16 : memref<!tpu.dma_semaphore, #tpu.memory_space<semaphore_mem>>)
      %dma_wait3A_1475 = arith.constant 7 : i32
      %dma_wait3A_1476 = arith.constant 0 : i32
      %dma_wait3A_1477 = tpu.memref_slice %arg7[%dma_wait3A_1475, %dma_wait3A_1476] : memref<64x64xi32, #tpu.memory_space<vmem>> -> memref<1x64xi32, #tpu.memory_space<vmem>>
      %dma_wait3A_1478 = tpu.memref_squeeze %dma_wait3A_1477 : memref<1x64xi32, #tpu.memory_space<vmem>> -> memref<64xi32, #tpu.memory_space<vmem>>
      %dma_wait3A_1479 = arith.constant 0 : i32
      %dma_wait3A_1480 = arith.constant 0 : i32
      %dma_wait3A_1481 = tpu.memref_slice %arg2[%dma_wait3A_1479, %dma_wait3A_1480] : memref<20480x128xf32, #tpu.memory_space<hbm>> -> memref<20480x128xf32, #tpu.memory_space<hbm>>
      tpu.wait_indirect_dma semaphore(%arg18 : memref<!tpu.dma_semaphore, #tpu.memory_space<semaphore_mem>>) src(%dma_wait3A_1481 : memref<20480x128xf32, #tpu.memory_space<hbm>>) dst(%arg11 : memref<64x128xf32, #tpu.memory_space<vmem>>)
      %dma_start3A_1482 = arith.constant 39 : i32
      %dma_start3A_1483 = arith.constant 0 : i32
      %dma_start3A_1484 = tpu.memref_slice %arg7[%dma_start3A_1482, %dma_start3A_1483] : memref<64x64xi32, #tpu.memory_space<vmem>> -> memref<1x64xi32, #tpu.memory_space<vmem>>
      %dma_start3A_1485 = tpu.memref_squeeze %dma_start3A_1484 : memref<1x64xi32, #tpu.memory_space<vmem>> -> memref<64xi32, #tpu.memory_space<vmem>>
      %dma_start3A_1486 = arith.constant 0 : i32
      %dma_start3A_1487 = arith.constant 0 : i32
      %dma_start3A_1488 = tpu.memref_slice %arg12[%dma_start3A_1486, %dma_start3A_1487] : memref<10240x128xf32, #tpu.memory_space<vmem_shared>> -> memref<10240x128xf32, #tpu.memory_space<vmem_shared>>
      tpu.enqueue_indirect_dma source(%arg11 : memref<64x128xf32, #tpu.memory_space<vmem>>) target(%dma_start3A_1488 : memref<10240x128xf32, #tpu.memory_space<vmem_shared>>) offsets(%dma_start3A_1485 : memref<64xi32, #tpu.memory_space<vmem>>) semaphore(%arg22 : memref<!tpu.dma_semaphore, #tpu.memory_space<semaphore_mem>>) {add = true}
      %dma_wait3A_1489 = arith.constant 38 : i32
      %dma_wait3A_1490 = arith.constant 0 : i32
      %dma_wait3A_1491 = tpu.memref_slice %arg7[%dma_wait3A_1489, %dma_wait3A_1490] : memref<64x64xi32, #tpu.memory_space<vmem>> -> memref<1x64xi32, #tpu.memory_space<vmem>>
      %dma_wait3A_1492 = tpu.memref_squeeze %dma_wait3A_1491 : memref<1x64xi32, #tpu.memory_space<vmem>> -> memref<64xi32, #tpu.memory_space<vmem>>
      %dma_wait3A_1493 = arith.constant 0 : i32
      %dma_wait3A_1494 = arith.constant 0 : i32
      %dma_wait3A_1495 = tpu.memref_slice %arg12[%dma_wait3A_1493, %dma_wait3A_1494] : memref<10240x128xf32, #tpu.memory_space<vmem_shared>> -> memref<10240x128xf32, #tpu.memory_space<vmem_shared>>
      tpu.wait_indirect_dma semaphore(%arg21 : memref<!tpu.dma_semaphore, #tpu.memory_space<semaphore_mem>>) src(%arg10 : memref<64x128xf32, #tpu.memory_space<vmem>>) dst(%dma_wait3A_1495 : memref<10240x128xf32, #tpu.memory_space<vmem_shared>>)
      %dma_start3A_1496 = arith.constant 10 : i32
      %dma_start3A_1497 = arith.constant 0 : i32
      %dma_start3A_1498 = tpu.memref_slice %arg7[%dma_start3A_1496, %dma_start3A_1497] : memref<64x64xi32, #tpu.memory_space<vmem>> -> memref<1x64xi32, #tpu.memory_space<vmem>>
      %dma_start3A_1499 = tpu.memref_squeeze %dma_start3A_1498 : memref<1x64xi32, #tpu.memory_space<vmem>> -> memref<64xi32, #tpu.memory_space<vmem>>
      %dma_start3A_1500 = arith.constant 0 : i32
      %dma_start3A_1501 = arith.constant 0 : i32
      %dma_start3A_1502 = tpu.memref_slice %arg2[%dma_start3A_1500, %dma_start3A_1501] : memref<20480x128xf32, #tpu.memory_space<hbm>> -> memref<20480x128xf32, #tpu.memory_space<hbm>>
      tpu.enqueue_indirect_dma source(%dma_start3A_1502 : memref<20480x128xf32, #tpu.memory_space<hbm>>) target(%arg10 : memref<64x128xf32, #tpu.memory_space<vmem>>) offsets(%dma_start3A_1499 : memref<64xi32, #tpu.memory_space<vmem>>) semaphore(%arg17 : memref<!tpu.dma_semaphore, #tpu.memory_space<semaphore_mem>>)
      %dma_wait3A_1503 = arith.constant 8 : i32
      %dma_wait3A_1504 = arith.constant 0 : i32
      %dma_wait3A_1505 = tpu.memref_slice %arg7[%dma_wait3A_1503, %dma_wait3A_1504] : memref<64x64xi32, #tpu.memory_space<vmem>> -> memref<1x64xi32, #tpu.memory_space<vmem>>
      %dma_wait3A_1506 = tpu.memref_squeeze %dma_wait3A_1505 : memref<1x64xi32, #tpu.memory_space<vmem>> -> memref<64xi32, #tpu.memory_space<vmem>>
      %dma_wait3A_1507 = arith.constant 0 : i32
      %dma_wait3A_1508 = arith.constant 0 : i32
      %dma_wait3A_1509 = tpu.memref_slice %arg2[%dma_wait3A_1507, %dma_wait3A_1508] : memref<20480x128xf32, #tpu.memory_space<hbm>> -> memref<20480x128xf32, #tpu.memory_space<hbm>>
      tpu.wait_indirect_dma semaphore(%arg15 : memref<!tpu.dma_semaphore, #tpu.memory_space<semaphore_mem>>) src(%dma_wait3A_1509 : memref<20480x128xf32, #tpu.memory_space<hbm>>) dst(%arg8 : memref<64x128xf32, #tpu.memory_space<vmem>>)
      %dma_start3A_1510 = arith.constant 40 : i32
      %dma_start3A_1511 = arith.constant 0 : i32
      %dma_start3A_1512 = tpu.memref_slice %arg7[%dma_start3A_1510, %dma_start3A_1511] : memref<64x64xi32, #tpu.memory_space<vmem>> -> memref<1x64xi32, #tpu.memory_space<vmem>>
      %dma_start3A_1513 = tpu.memref_squeeze %dma_start3A_1512 : memref<1x64xi32, #tpu.memory_space<vmem>> -> memref<64xi32, #tpu.memory_space<vmem>>
      %dma_start3A_1514 = arith.constant 0 : i32
      %dma_start3A_1515 = arith.constant 0 : i32
      %dma_start3A_1516 = tpu.memref_slice %arg12[%dma_start3A_1514, %dma_start3A_1515] : memref<10240x128xf32, #tpu.memory_space<vmem_shared>> -> memref<10240x128xf32, #tpu.memory_space<vmem_shared>>
      tpu.enqueue_indirect_dma source(%arg8 : memref<64x128xf32, #tpu.memory_space<vmem>>) target(%dma_start3A_1516 : memref<10240x128xf32, #tpu.memory_space<vmem_shared>>) offsets(%dma_start3A_1513 : memref<64xi32, #tpu.memory_space<vmem>>) semaphore(%arg19 : memref<!tpu.dma_semaphore, #tpu.memory_space<semaphore_mem>>) {add = true}
      %dma_wait3A_1517 = arith.constant 39 : i32
      %dma_wait3A_1518 = arith.constant 0 : i32
      %dma_wait3A_1519 = tpu.memref_slice %arg7[%dma_wait3A_1517, %dma_wait3A_1518] : memref<64x64xi32, #tpu.memory_space<vmem>> -> memref<1x64xi32, #tpu.memory_space<vmem>>
      %dma_wait3A_1520 = tpu.memref_squeeze %dma_wait3A_1519 : memref<1x64xi32, #tpu.memory_space<vmem>> -> memref<64xi32, #tpu.memory_space<vmem>>
      %dma_wait3A_1521 = arith.constant 0 : i32
      %dma_wait3A_1522 = arith.constant 0 : i32
      %dma_wait3A_1523 = tpu.memref_slice %arg12[%dma_wait3A_1521, %dma_wait3A_1522] : memref<10240x128xf32, #tpu.memory_space<vmem_shared>> -> memref<10240x128xf32, #tpu.memory_space<vmem_shared>>
      tpu.wait_indirect_dma semaphore(%arg22 : memref<!tpu.dma_semaphore, #tpu.memory_space<semaphore_mem>>) src(%arg11 : memref<64x128xf32, #tpu.memory_space<vmem>>) dst(%dma_wait3A_1523 : memref<10240x128xf32, #tpu.memory_space<vmem_shared>>)
      %dma_start3A_1524 = arith.constant 11 : i32
      %dma_start3A_1525 = arith.constant 0 : i32
      %dma_start3A_1526 = tpu.memref_slice %arg7[%dma_start3A_1524, %dma_start3A_1525] : memref<64x64xi32, #tpu.memory_space<vmem>> -> memref<1x64xi32, #tpu.memory_space<vmem>>
      %dma_start3A_1527 = tpu.memref_squeeze %dma_start3A_1526 : memref<1x64xi32, #tpu.memory_space<vmem>> -> memref<64xi32, #tpu.memory_space<vmem>>
      %dma_start3A_1528 = arith.constant 0 : i32
      %dma_start3A_1529 = arith.constant 0 : i32
      %dma_start3A_1530 = tpu.memref_slice %arg2[%dma_start3A_1528, %dma_start3A_1529] : memref<20480x128xf32, #tpu.memory_space<hbm>> -> memref<20480x128xf32, #tpu.memory_space<hbm>>
      tpu.enqueue_indirect_dma source(%dma_start3A_1530 : memref<20480x128xf32, #tpu.memory_space<hbm>>) target(%arg11 : memref<64x128xf32, #tpu.memory_space<vmem>>) offsets(%dma_start3A_1527 : memref<64xi32, #tpu.memory_space<vmem>>) semaphore(%arg18 : memref<!tpu.dma_semaphore, #tpu.memory_space<semaphore_mem>>)
      %dma_wait3A_1531 = arith.constant 9 : i32
      %dma_wait3A_1532 = arith.constant 0 : i32
      %dma_wait3A_1533 = tpu.memref_slice %arg7[%dma_wait3A_1531, %dma_wait3A_1532] : memref<64x64xi32, #tpu.memory_space<vmem>> -> memref<1x64xi32, #tpu.memory_space<vmem>>
      %dma_wait3A_1534 = tpu.memref_squeeze %dma_wait3A_1533 : memref<1x64xi32, #tpu.memory_space<vmem>> -> memref<64xi32, #tpu.memory_space<vmem>>
      %dma_wait3A_1535 = arith.constant 0 : i32
      %dma_wait3A_1536 = arith.constant 0 : i32
      %dma_wait3A_1537 = tpu.memref_slice %arg2[%dma_wait3A_1535, %dma_wait3A_1536] : memref<20480x128xf32, #tpu.memory_space<hbm>> -> memref<20480x128xf32, #tpu.memory_space<hbm>>
      tpu.wait_indirect_dma semaphore(%arg16 : memref<!tpu.dma_semaphore, #tpu.memory_space<semaphore_mem>>) src(%dma_wait3A_1537 : memref<20480x128xf32, #tpu.memory_space<hbm>>) dst(%arg9 : memref<64x128xf32, #tpu.memory_space<vmem>>)
      %dma_start3A_1538 = arith.constant 41 : i32
      %dma_start3A_1539 = arith.constant 0 : i32
      %dma_start3A_1540 = tpu.memref_slice %arg7[%dma_start3A_1538, %dma_start3A_1539] : memref<64x64xi32, #tpu.memory_space<vmem>> -> memref<1x64xi32, #tpu.memory_space<vmem>>
      %dma_start3A_1541 = tpu.memref_squeeze %dma_start3A_1540 : memref<1x64xi32, #tpu.memory_space<vmem>> -> memref<64xi32, #tpu.memory_space<vmem>>
      %dma_start3A_1542 = arith.constant 0 : i32
      %dma_start3A_1543 = arith.constant 0 : i32
      %dma_start3A_1544 = tpu.memref_slice %arg12[%dma_start3A_1542, %dma_start3A_1543] : memref<10240x128xf32, #tpu.memory_space<vmem_shared>> -> memref<10240x128xf32, #tpu.memory_space<vmem_shared>>
      tpu.enqueue_indirect_dma source(%arg9 : memref<64x128xf32, #tpu.memory_space<vmem>>) target(%dma_start3A_1544 : memref<10240x128xf32, #tpu.memory_space<vmem_shared>>) offsets(%dma_start3A_1541 : memref<64xi32, #tpu.memory_space<vmem>>) semaphore(%arg20 : memref<!tpu.dma_semaphore, #tpu.memory_space<semaphore_mem>>) {add = true}
      %dma_wait3A_1545 = arith.constant 40 : i32
      %dma_wait3A_1546 = arith.constant 0 : i32
      %dma_wait3A_1547 = tpu.memref_slice %arg7[%dma_wait3A_1545, %dma_wait3A_1546] : memref<64x64xi32, #tpu.memory_space<vmem>> -> memref<1x64xi32, #tpu.memory_space<vmem>>
      %dma_wait3A_1548 = tpu.memref_squeeze %dma_wait3A_1547 : memref<1x64xi32, #tpu.memory_space<vmem>> -> memref<64xi32, #tpu.memory_space<vmem>>
      %dma_wait3A_1549 = arith.constant 0 : i32
      %dma_wait3A_1550 = arith.constant 0 : i32
      %dma_wait3A_1551 = tpu.memref_slice %arg12[%dma_wait3A_1549, %dma_wait3A_1550] : memref<10240x128xf32, #tpu.memory_space<vmem_shared>> -> memref<10240x128xf32, #tpu.memory_space<vmem_shared>>
      tpu.wait_indirect_dma semaphore(%arg19 : memref<!tpu.dma_semaphore, #tpu.memory_space<semaphore_mem>>) src(%arg8 : memref<64x128xf32, #tpu.memory_space<vmem>>) dst(%dma_wait3A_1551 : memref<10240x128xf32, #tpu.memory_space<vmem_shared>>)
      %dma_start3A_1552 = arith.constant 12 : i32
      %dma_start3A_1553 = arith.constant 0 : i32
      %dma_start3A_1554 = tpu.memref_slice %arg7[%dma_start3A_1552, %dma_start3A_1553] : memref<64x64xi32, #tpu.memory_space<vmem>> -> memref<1x64xi32, #tpu.memory_space<vmem>>
      %dma_start3A_1555 = tpu.memref_squeeze %dma_start3A_1554 : memref<1x64xi32, #tpu.memory_space<vmem>> -> memref<64xi32, #tpu.memory_space<vmem>>
      %dma_start3A_1556 = arith.constant 0 : i32
      %dma_start3A_1557 = arith.constant 0 : i32
      %dma_start3A_1558 = tpu.memref_slice %arg2[%dma_start3A_1556, %dma_start3A_1557] : memref<20480x128xf32, #tpu.memory_space<hbm>> -> memref<20480x128xf32, #tpu.memory_space<hbm>>
      tpu.enqueue_indirect_dma source(%dma_start3A_1558 : memref<20480x128xf32, #tpu.memory_space<hbm>>) target(%arg8 : memref<64x128xf32, #tpu.memory_space<vmem>>) offsets(%dma_start3A_1555 : memref<64xi32, #tpu.memory_space<vmem>>) semaphore(%arg15 : memref<!tpu.dma_semaphore, #tpu.memory_space<semaphore_mem>>)
      %dma_wait3A_1559 = arith.constant 10 : i32
      %dma_wait3A_1560 = arith.constant 0 : i32
      %dma_wait3A_1561 = tpu.memref_slice %arg7[%dma_wait3A_1559, %dma_wait3A_1560] : memref<64x64xi32, #tpu.memory_space<vmem>> -> memref<1x64xi32, #tpu.memory_space<vmem>>
      %dma_wait3A_1562 = tpu.memref_squeeze %dma_wait3A_1561 : memref<1x64xi32, #tpu.memory_space<vmem>> -> memref<64xi32, #tpu.memory_space<vmem>>
      %dma_wait3A_1563 = arith.constant 0 : i32
      %dma_wait3A_1564 = arith.constant 0 : i32
      %dma_wait3A_1565 = tpu.memref_slice %arg2[%dma_wait3A_1563, %dma_wait3A_1564] : memref<20480x128xf32, #tpu.memory_space<hbm>> -> memref<20480x128xf32, #tpu.memory_space<hbm>>
      tpu.wait_indirect_dma semaphore(%arg17 : memref<!tpu.dma_semaphore, #tpu.memory_space<semaphore_mem>>) src(%dma_wait3A_1565 : memref<20480x128xf32, #tpu.memory_space<hbm>>) dst(%arg10 : memref<64x128xf32, #tpu.memory_space<vmem>>)
      %dma_start3A_1566 = arith.constant 42 : i32
      %dma_start3A_1567 = arith.constant 0 : i32
      %dma_start3A_1568 = tpu.memref_slice %arg7[%dma_start3A_1566, %dma_start3A_1567] : memref<64x64xi32, #tpu.memory_space<vmem>> -> memref<1x64xi32, #tpu.memory_space<vmem>>
      %dma_start3A_1569 = tpu.memref_squeeze %dma_start3A_1568 : memref<1x64xi32, #tpu.memory_space<vmem>> -> memref<64xi32, #tpu.memory_space<vmem>>
      %dma_start3A_1570 = arith.constant 0 : i32
      %dma_start3A_1571 = arith.constant 0 : i32
      %dma_start3A_1572 = tpu.memref_slice %arg12[%dma_start3A_1570, %dma_start3A_1571] : memref<10240x128xf32, #tpu.memory_space<vmem_shared>> -> memref<10240x128xf32, #tpu.memory_space<vmem_shared>>
      tpu.enqueue_indirect_dma source(%arg10 : memref<64x128xf32, #tpu.memory_space<vmem>>) target(%dma_start3A_1572 : memref<10240x128xf32, #tpu.memory_space<vmem_shared>>) offsets(%dma_start3A_1569 : memref<64xi32, #tpu.memory_space<vmem>>) semaphore(%arg21 : memref<!tpu.dma_semaphore, #tpu.memory_space<semaphore_mem>>) {add = true}
      %dma_wait3A_1573 = arith.constant 41 : i32
      %dma_wait3A_1574 = arith.constant 0 : i32
      %dma_wait3A_1575 = tpu.memref_slice %arg7[%dma_wait3A_1573, %dma_wait3A_1574] : memref<64x64xi32, #tpu.memory_space<vmem>> -> memref<1x64xi32, #tpu.memory_space<vmem>>
      %dma_wait3A_1576 = tpu.memref_squeeze %dma_wait3A_1575 : memref<1x64xi32, #tpu.memory_space<vmem>> -> memref<64xi32, #tpu.memory_space<vmem>>
      %dma_wait3A_1577 = arith.constant 0 : i32
      %dma_wait3A_1578 = arith.constant 0 : i32
      %dma_wait3A_1579 = tpu.memref_slice %arg12[%dma_wait3A_1577, %dma_wait3A_1578] : memref<10240x128xf32, #tpu.memory_space<vmem_shared>> -> memref<10240x128xf32, #tpu.memory_space<vmem_shared>>
      tpu.wait_indirect_dma semaphore(%arg20 : memref<!tpu.dma_semaphore, #tpu.memory_space<semaphore_mem>>) src(%arg9 : memref<64x128xf32, #tpu.memory_space<vmem>>) dst(%dma_wait3A_1579 : memref<10240x128xf32, #tpu.memory_space<vmem_shared>>)
      %dma_start3A_1580 = arith.constant 13 : i32
      %dma_start3A_1581 = arith.constant 0 : i32
      %dma_start3A_1582 = tpu.memref_slice %arg7[%dma_start3A_1580, %dma_start3A_1581] : memref<64x64xi32, #tpu.memory_space<vmem>> -> memref<1x64xi32, #tpu.memory_space<vmem>>
      %dma_start3A_1583 = tpu.memref_squeeze %dma_start3A_1582 : memref<1x64xi32, #tpu.memory_space<vmem>> -> memref<64xi32, #tpu.memory_space<vmem>>
      %dma_start3A_1584 = arith.constant 0 : i32
      %dma_start3A_1585 = arith.constant 0 : i32
      %dma_start3A_1586 = tpu.memref_slice %arg2[%dma_start3A_1584, %dma_start3A_1585] : memref<20480x128xf32, #tpu.memory_space<hbm>> -> memref<20480x128xf32, #tpu.memory_space<hbm>>
      tpu.enqueue_indirect_dma source(%dma_start3A_1586 : memref<20480x128xf32, #tpu.memory_space<hbm>>) target(%arg9 : memref<64x128xf32, #tpu.memory_space<vmem>>) offsets(%dma_start3A_1583 : memref<64xi32, #tpu.memory_space<vmem>>) semaphore(%arg16 : memref<!tpu.dma_semaphore, #tpu.memory_space<semaphore_mem>>)
      %dma_wait3A_1587 = arith.constant 11 : i32
      %dma_wait3A_1588 = arith.constant 0 : i32
      %dma_wait3A_1589 = tpu.memref_slice %arg7[%dma_wait3A_1587, %dma_wait3A_1588] : memref<64x64xi32, #tpu.memory_space<vmem>> -> memref<1x64xi32, #tpu.memory_space<vmem>>
      %dma_wait3A_1590 = tpu.memref_squeeze %dma_wait3A_1589 : memref<1x64xi32, #tpu.memory_space<vmem>> -> memref<64xi32, #tpu.memory_space<vmem>>
      %dma_wait3A_1591 = arith.constant 0 : i32
      %dma_wait3A_1592 = arith.constant 0 : i32
      %dma_wait3A_1593 = tpu.memref_slice %arg2[%dma_wait3A_1591, %dma_wait3A_1592] : memref<20480x128xf32, #tpu.memory_space<hbm>> -> memref<20480x128xf32, #tpu.memory_space<hbm>>
      tpu.wait_indirect_dma semaphore(%arg18 : memref<!tpu.dma_semaphore, #tpu.memory_space<semaphore_mem>>) src(%dma_wait3A_1593 : memref<20480x128xf32, #tpu.memory_space<hbm>>) dst(%arg11 : memref<64x128xf32, #tpu.memory_space<vmem>>)
      %dma_start3A_1594 = arith.constant 43 : i32
      %dma_start3A_1595 = arith.constant 0 : i32
      %dma_start3A_1596 = tpu.memref_slice %arg7[%dma_start3A_1594, %dma_start3A_1595] : memref<64x64xi32, #tpu.memory_space<vmem>> -> memref<1x64xi32, #tpu.memory_space<vmem>>
      %dma_start3A_1597 = tpu.memref_squeeze %dma_start3A_1596 : memref<1x64xi32, #tpu.memory_space<vmem>> -> memref<64xi32, #tpu.memory_space<vmem>>
      %dma_start3A_1598 = arith.constant 0 : i32
      %dma_start3A_1599 = arith.constant 0 : i32
      %dma_start3A_1600 = tpu.memref_slice %arg12[%dma_start3A_1598, %dma_start3A_1599] : memref<10240x128xf32, #tpu.memory_space<vmem_shared>> -> memref<10240x128xf32, #tpu.memory_space<vmem_shared>>
      tpu.enqueue_indirect_dma source(%arg11 : memref<64x128xf32, #tpu.memory_space<vmem>>) target(%dma_start3A_1600 : memref<10240x128xf32, #tpu.memory_space<vmem_shared>>) offsets(%dma_start3A_1597 : memref<64xi32, #tpu.memory_space<vmem>>) semaphore(%arg22 : memref<!tpu.dma_semaphore, #tpu.memory_space<semaphore_mem>>) {add = true}
      %dma_wait3A_1601 = arith.constant 42 : i32
      %dma_wait3A_1602 = arith.constant 0 : i32
      %dma_wait3A_1603 = tpu.memref_slice %arg7[%dma_wait3A_1601, %dma_wait3A_1602] : memref<64x64xi32, #tpu.memory_space<vmem>> -> memref<1x64xi32, #tpu.memory_space<vmem>>
      %dma_wait3A_1604 = tpu.memref_squeeze %dma_wait3A_1603 : memref<1x64xi32, #tpu.memory_space<vmem>> -> memref<64xi32, #tpu.memory_space<vmem>>
      %dma_wait3A_1605 = arith.constant 0 : i32
      %dma_wait3A_1606 = arith.constant 0 : i32
      %dma_wait3A_1607 = tpu.memref_slice %arg12[%dma_wait3A_1605, %dma_wait3A_1606] : memref<10240x128xf32, #tpu.memory_space<vmem_shared>> -> memref<10240x128xf32, #tpu.memory_space<vmem_shared>>
      tpu.wait_indirect_dma semaphore(%arg21 : memref<!tpu.dma_semaphore, #tpu.memory_space<semaphore_mem>>) src(%arg10 : memref<64x128xf32, #tpu.memory_space<vmem>>) dst(%dma_wait3A_1607 : memref<10240x128xf32, #tpu.memory_space<vmem_shared>>)
      %dma_start3A_1608 = arith.constant 14 : i32
      %dma_start3A_1609 = arith.constant 0 : i32
      %dma_start3A_1610 = tpu.memref_slice %arg7[%dma_start3A_1608, %dma_start3A_1609] : memref<64x64xi32, #tpu.memory_space<vmem>> -> memref<1x64xi32, #tpu.memory_space<vmem>>
      %dma_start3A_1611 = tpu.memref_squeeze %dma_start3A_1610 : memref<1x64xi32, #tpu.memory_space<vmem>> -> memref<64xi32, #tpu.memory_space<vmem>>
      %dma_start3A_1612 = arith.constant 0 : i32
      %dma_start3A_1613 = arith.constant 0 : i32
      %dma_start3A_1614 = tpu.memref_slice %arg2[%dma_start3A_1612, %dma_start3A_1613] : memref<20480x128xf32, #tpu.memory_space<hbm>> -> memref<20480x128xf32, #tpu.memory_space<hbm>>
      tpu.enqueue_indirect_dma source(%dma_start3A_1614 : memref<20480x128xf32, #tpu.memory_space<hbm>>) target(%arg10 : memref<64x128xf32, #tpu.memory_space<vmem>>) offsets(%dma_start3A_1611 : memref<64xi32, #tpu.memory_space<vmem>>) semaphore(%arg17 : memref<!tpu.dma_semaphore, #tpu.memory_space<semaphore_mem>>)
      %dma_wait3A_1615 = arith.constant 12 : i32
      %dma_wait3A_1616 = arith.constant 0 : i32
      %dma_wait3A_1617 = tpu.memref_slice %arg7[%dma_wait3A_1615, %dma_wait3A_1616] : memref<64x64xi32, #tpu.memory_space<vmem>> -> memref<1x64xi32, #tpu.memory_space<vmem>>
      %dma_wait3A_1618 = tpu.memref_squeeze %dma_wait3A_1617 : memref<1x64xi32, #tpu.memory_space<vmem>> -> memref<64xi32, #tpu.memory_space<vmem>>
      %dma_wait3A_1619 = arith.constant 0 : i32
      %dma_wait3A_1620 = arith.constant 0 : i32
      %dma_wait3A_1621 = tpu.memref_slice %arg2[%dma_wait3A_1619, %dma_wait3A_1620] : memref<20480x128xf32, #tpu.memory_space<hbm>> -> memref<20480x128xf32, #tpu.memory_space<hbm>>
      tpu.wait_indirect_dma semaphore(%arg15 : memref<!tpu.dma_semaphore, #tpu.memory_space<semaphore_mem>>) src(%dma_wait3A_1621 : memref<20480x128xf32, #tpu.memory_space<hbm>>) dst(%arg8 : memref<64x128xf32, #tpu.memory_space<vmem>>)
      %dma_start3A_1622 = arith.constant 44 : i32
      %dma_start3A_1623 = arith.constant 0 : i32
      %dma_start3A_1624 = tpu.memref_slice %arg7[%dma_start3A_1622, %dma_start3A_1623] : memref<64x64xi32, #tpu.memory_space<vmem>> -> memref<1x64xi32, #tpu.memory_space<vmem>>
      %dma_start3A_1625 = tpu.memref_squeeze %dma_start3A_1624 : memref<1x64xi32, #tpu.memory_space<vmem>> -> memref<64xi32, #tpu.memory_space<vmem>>
      %dma_start3A_1626 = arith.constant 0 : i32
      %dma_start3A_1627 = arith.constant 0 : i32
      %dma_start3A_1628 = tpu.memref_slice %arg12[%dma_start3A_1626, %dma_start3A_1627] : memref<10240x128xf32, #tpu.memory_space<vmem_shared>> -> memref<10240x128xf32, #tpu.memory_space<vmem_shared>>
      tpu.enqueue_indirect_dma source(%arg8 : memref<64x128xf32, #tpu.memory_space<vmem>>) target(%dma_start3A_1628 : memref<10240x128xf32, #tpu.memory_space<vmem_shared>>) offsets(%dma_start3A_1625 : memref<64xi32, #tpu.memory_space<vmem>>) semaphore(%arg19 : memref<!tpu.dma_semaphore, #tpu.memory_space<semaphore_mem>>) {add = true}
      %dma_wait3A_1629 = arith.constant 43 : i32
      %dma_wait3A_1630 = arith.constant 0 : i32
      %dma_wait3A_1631 = tpu.memref_slice %arg7[%dma_wait3A_1629, %dma_wait3A_1630] : memref<64x64xi32, #tpu.memory_space<vmem>> -> memref<1x64xi32, #tpu.memory_space<vmem>>
      %dma_wait3A_1632 = tpu.memref_squeeze %dma_wait3A_1631 : memref<1x64xi32, #tpu.memory_space<vmem>> -> memref<64xi32, #tpu.memory_space<vmem>>
      %dma_wait3A_1633 = arith.constant 0 : i32
      %dma_wait3A_1634 = arith.constant 0 : i32
      %dma_wait3A_1635 = tpu.memref_slice %arg12[%dma_wait3A_1633, %dma_wait3A_1634] : memref<10240x128xf32, #tpu.memory_space<vmem_shared>> -> memref<10240x128xf32, #tpu.memory_space<vmem_shared>>
      tpu.wait_indirect_dma semaphore(%arg22 : memref<!tpu.dma_semaphore, #tpu.memory_space<semaphore_mem>>) src(%arg11 : memref<64x128xf32, #tpu.memory_space<vmem>>) dst(%dma_wait3A_1635 : memref<10240x128xf32, #tpu.memory_space<vmem_shared>>)
      %dma_start3A_1636 = arith.constant 15 : i32
      %dma_start3A_1637 = arith.constant 0 : i32
      %dma_start3A_1638 = tpu.memref_slice %arg7[%dma_start3A_1636, %dma_start3A_1637] : memref<64x64xi32, #tpu.memory_space<vmem>> -> memref<1x64xi32, #tpu.memory_space<vmem>>
      %dma_start3A_1639 = tpu.memref_squeeze %dma_start3A_1638 : memref<1x64xi32, #tpu.memory_space<vmem>> -> memref<64xi32, #tpu.memory_space<vmem>>
      %dma_start3A_1640 = arith.constant 0 : i32
      %dma_start3A_1641 = arith.constant 0 : i32
      %dma_start3A_1642 = tpu.memref_slice %arg2[%dma_start3A_1640, %dma_start3A_1641] : memref<20480x128xf32, #tpu.memory_space<hbm>> -> memref<20480x128xf32, #tpu.memory_space<hbm>>
      tpu.enqueue_indirect_dma source(%dma_start3A_1642 : memref<20480x128xf32, #tpu.memory_space<hbm>>) target(%arg11 : memref<64x128xf32, #tpu.memory_space<vmem>>) offsets(%dma_start3A_1639 : memref<64xi32, #tpu.memory_space<vmem>>) semaphore(%arg18 : memref<!tpu.dma_semaphore, #tpu.memory_space<semaphore_mem>>)
      %dma_wait3A_1643 = arith.constant 13 : i32
      %dma_wait3A_1644 = arith.constant 0 : i32
      %dma_wait3A_1645 = tpu.memref_slice %arg7[%dma_wait3A_1643, %dma_wait3A_1644] : memref<64x64xi32, #tpu.memory_space<vmem>> -> memref<1x64xi32, #tpu.memory_space<vmem>>
      %dma_wait3A_1646 = tpu.memref_squeeze %dma_wait3A_1645 : memref<1x64xi32, #tpu.memory_space<vmem>> -> memref<64xi32, #tpu.memory_space<vmem>>
      %dma_wait3A_1647 = arith.constant 0 : i32
      %dma_wait3A_1648 = arith.constant 0 : i32
      %dma_wait3A_1649 = tpu.memref_slice %arg2[%dma_wait3A_1647, %dma_wait3A_1648] : memref<20480x128xf32, #tpu.memory_space<hbm>> -> memref<20480x128xf32, #tpu.memory_space<hbm>>
      tpu.wait_indirect_dma semaphore(%arg16 : memref<!tpu.dma_semaphore, #tpu.memory_space<semaphore_mem>>) src(%dma_wait3A_1649 : memref<20480x128xf32, #tpu.memory_space<hbm>>) dst(%arg9 : memref<64x128xf32, #tpu.memory_space<vmem>>)
      %dma_start3A_1650 = arith.constant 45 : i32
      %dma_start3A_1651 = arith.constant 0 : i32
      %dma_start3A_1652 = tpu.memref_slice %arg7[%dma_start3A_1650, %dma_start3A_1651] : memref<64x64xi32, #tpu.memory_space<vmem>> -> memref<1x64xi32, #tpu.memory_space<vmem>>
      %dma_start3A_1653 = tpu.memref_squeeze %dma_start3A_1652 : memref<1x64xi32, #tpu.memory_space<vmem>> -> memref<64xi32, #tpu.memory_space<vmem>>
      %dma_start3A_1654 = arith.constant 0 : i32
      %dma_start3A_1655 = arith.constant 0 : i32
      %dma_start3A_1656 = tpu.memref_slice %arg12[%dma_start3A_1654, %dma_start3A_1655] : memref<10240x128xf32, #tpu.memory_space<vmem_shared>> -> memref<10240x128xf32, #tpu.memory_space<vmem_shared>>
      tpu.enqueue_indirect_dma source(%arg9 : memref<64x128xf32, #tpu.memory_space<vmem>>) target(%dma_start3A_1656 : memref<10240x128xf32, #tpu.memory_space<vmem_shared>>) offsets(%dma_start3A_1653 : memref<64xi32, #tpu.memory_space<vmem>>) semaphore(%arg20 : memref<!tpu.dma_semaphore, #tpu.memory_space<semaphore_mem>>) {add = true}
      %dma_wait3A_1657 = arith.constant 44 : i32
      %dma_wait3A_1658 = arith.constant 0 : i32
      %dma_wait3A_1659 = tpu.memref_slice %arg7[%dma_wait3A_1657, %dma_wait3A_1658] : memref<64x64xi32, #tpu.memory_space<vmem>> -> memref<1x64xi32, #tpu.memory_space<vmem>>
      %dma_wait3A_1660 = tpu.memref_squeeze %dma_wait3A_1659 : memref<1x64xi32, #tpu.memory_space<vmem>> -> memref<64xi32, #tpu.memory_space<vmem>>
      %dma_wait3A_1661 = arith.constant 0 : i32
      %dma_wait3A_1662 = arith.constant 0 : i32
      %dma_wait3A_1663 = tpu.memref_slice %arg12[%dma_wait3A_1661, %dma_wait3A_1662] : memref<10240x128xf32, #tpu.memory_space<vmem_shared>> -> memref<10240x128xf32, #tpu.memory_space<vmem_shared>>
      tpu.wait_indirect_dma semaphore(%arg19 : memref<!tpu.dma_semaphore, #tpu.memory_space<semaphore_mem>>) src(%arg8 : memref<64x128xf32, #tpu.memory_space<vmem>>) dst(%dma_wait3A_1663 : memref<10240x128xf32, #tpu.memory_space<vmem_shared>>)
      %dma_start3A_1664 = arith.constant 16 : i32
      %dma_start3A_1665 = arith.constant 0 : i32
      %dma_start3A_1666 = tpu.memref_slice %arg7[%dma_start3A_1664, %dma_start3A_1665] : memref<64x64xi32, #tpu.memory_space<vmem>> -> memref<1x64xi32, #tpu.memory_space<vmem>>
      %dma_start3A_1667 = tpu.memref_squeeze %dma_start3A_1666 : memref<1x64xi32, #tpu.memory_space<vmem>> -> memref<64xi32, #tpu.memory_space<vmem>>
      %dma_start3A_1668 = arith.constant 0 : i32
      %dma_start3A_1669 = arith.constant 0 : i32
      %dma_start3A_1670 = tpu.memref_slice %arg2[%dma_start3A_1668, %dma_start3A_1669] : memref<20480x128xf32, #tpu.memory_space<hbm>> -> memref<20480x128xf32, #tpu.memory_space<hbm>>
      tpu.enqueue_indirect_dma source(%dma_start3A_1670 : memref<20480x128xf32, #tpu.memory_space<hbm>>) target(%arg8 : memref<64x128xf32, #tpu.memory_space<vmem>>) offsets(%dma_start3A_1667 : memref<64xi32, #tpu.memory_space<vmem>>) semaphore(%arg15 : memref<!tpu.dma_semaphore, #tpu.memory_space<semaphore_mem>>)
      %dma_wait3A_1671 = arith.constant 14 : i32
      %dma_wait3A_1672 = arith.constant 0 : i32
      %dma_wait3A_1673 = tpu.memref_slice %arg7[%dma_wait3A_1671, %dma_wait3A_1672] : memref<64x64xi32, #tpu.memory_space<vmem>> -> memref<1x64xi32, #tpu.memory_space<vmem>>
      %dma_wait3A_1674 = tpu.memref_squeeze %dma_wait3A_1673 : memref<1x64xi32, #tpu.memory_space<vmem>> -> memref<64xi32, #tpu.memory_space<vmem>>
      %dma_wait3A_1675 = arith.constant 0 : i32
      %dma_wait3A_1676 = arith.constant 0 : i32
      %dma_wait3A_1677 = tpu.memref_slice %arg2[%dma_wait3A_1675, %dma_wait3A_1676] : memref<20480x128xf32, #tpu.memory_space<hbm>> -> memref<20480x128xf32, #tpu.memory_space<hbm>>
      tpu.wait_indirect_dma semaphore(%arg17 : memref<!tpu.dma_semaphore, #tpu.memory_space<semaphore_mem>>) src(%dma_wait3A_1677 : memref<20480x128xf32, #tpu.memory_space<hbm>>) dst(%arg10 : memref<64x128xf32, #tpu.memory_space<vmem>>)
      %dma_start3A_1678 = arith.constant 46 : i32
      %dma_start3A_1679 = arith.constant 0 : i32
      %dma_start3A_1680 = tpu.memref_slice %arg7[%dma_start3A_1678, %dma_start3A_1679] : memref<64x64xi32, #tpu.memory_space<vmem>> -> memref<1x64xi32, #tpu.memory_space<vmem>>
      %dma_start3A_1681 = tpu.memref_squeeze %dma_start3A_1680 : memref<1x64xi32, #tpu.memory_space<vmem>> -> memref<64xi32, #tpu.memory_space<vmem>>
      %dma_start3A_1682 = arith.constant 0 : i32
      %dma_start3A_1683 = arith.constant 0 : i32
      %dma_start3A_1684 = tpu.memref_slice %arg12[%dma_start3A_1682, %dma_start3A_1683] : memref<10240x128xf32, #tpu.memory_space<vmem_shared>> -> memref<10240x128xf32, #tpu.memory_space<vmem_shared>>
      tpu.enqueue_indirect_dma source(%arg10 : memref<64x128xf32, #tpu.memory_space<vmem>>) target(%dma_start3A_1684 : memref<10240x128xf32, #tpu.memory_space<vmem_shared>>) offsets(%dma_start3A_1681 : memref<64xi32, #tpu.memory_space<vmem>>) semaphore(%arg21 : memref<!tpu.dma_semaphore, #tpu.memory_space<semaphore_mem>>) {add = true}
      %dma_wait3A_1685 = arith.constant 45 : i32
      %dma_wait3A_1686 = arith.constant 0 : i32
      %dma_wait3A_1687 = tpu.memref_slice %arg7[%dma_wait3A_1685, %dma_wait3A_1686] : memref<64x64xi32, #tpu.memory_space<vmem>> -> memref<1x64xi32, #tpu.memory_space<vmem>>
      %dma_wait3A_1688 = tpu.memref_squeeze %dma_wait3A_1687 : memref<1x64xi32, #tpu.memory_space<vmem>> -> memref<64xi32, #tpu.memory_space<vmem>>
      %dma_wait3A_1689 = arith.constant 0 : i32
      %dma_wait3A_1690 = arith.constant 0 : i32
      %dma_wait3A_1691 = tpu.memref_slice %arg12[%dma_wait3A_1689, %dma_wait3A_1690] : memref<10240x128xf32, #tpu.memory_space<vmem_shared>> -> memref<10240x128xf32, #tpu.memory_space<vmem_shared>>
      tpu.wait_indirect_dma semaphore(%arg20 : memref<!tpu.dma_semaphore, #tpu.memory_space<semaphore_mem>>) src(%arg9 : memref<64x128xf32, #tpu.memory_space<vmem>>) dst(%dma_wait3A_1691 : memref<10240x128xf32, #tpu.memory_space<vmem_shared>>)
      %dma_start3A_1692 = arith.constant 17 : i32
      %dma_start3A_1693 = arith.constant 0 : i32
      %dma_start3A_1694 = tpu.memref_slice %arg7[%dma_start3A_1692, %dma_start3A_1693] : memref<64x64xi32, #tpu.memory_space<vmem>> -> memref<1x64xi32, #tpu.memory_space<vmem>>
      %dma_start3A_1695 = tpu.memref_squeeze %dma_start3A_1694 : memref<1x64xi32, #tpu.memory_space<vmem>> -> memref<64xi32, #tpu.memory_space<vmem>>
      %dma_start3A_1696 = arith.constant 0 : i32
      %dma_start3A_1697 = arith.constant 0 : i32
      %dma_start3A_1698 = tpu.memref_slice %arg2[%dma_start3A_1696, %dma_start3A_1697] : memref<20480x128xf32, #tpu.memory_space<hbm>> -> memref<20480x128xf32, #tpu.memory_space<hbm>>
      tpu.enqueue_indirect_dma source(%dma_start3A_1698 : memref<20480x128xf32, #tpu.memory_space<hbm>>) target(%arg9 : memref<64x128xf32, #tpu.memory_space<vmem>>) offsets(%dma_start3A_1695 : memref<64xi32, #tpu.memory_space<vmem>>) semaphore(%arg16 : memref<!tpu.dma_semaphore, #tpu.memory_space<semaphore_mem>>)
      %dma_wait3A_1699 = arith.constant 15 : i32
      %dma_wait3A_1700 = arith.constant 0 : i32
      %dma_wait3A_1701 = tpu.memref_slice %arg7[%dma_wait3A_1699, %dma_wait3A_1700] : memref<64x64xi32, #tpu.memory_space<vmem>> -> memref<1x64xi32, #tpu.memory_space<vmem>>
      %dma_wait3A_1702 = tpu.memref_squeeze %dma_wait3A_1701 : memref<1x64xi32, #tpu.memory_space<vmem>> -> memref<64xi32, #tpu.memory_space<vmem>>
      %dma_wait3A_1703 = arith.constant 0 : i32
      %dma_wait3A_1704 = arith.constant 0 : i32
      %dma_wait3A_1705 = tpu.memref_slice %arg2[%dma_wait3A_1703, %dma_wait3A_1704] : memref<20480x128xf32, #tpu.memory_space<hbm>> -> memref<20480x128xf32, #tpu.memory_space<hbm>>
      tpu.wait_indirect_dma semaphore(%arg18 : memref<!tpu.dma_semaphore, #tpu.memory_space<semaphore_mem>>) src(%dma_wait3A_1705 : memref<20480x128xf32, #tpu.memory_space<hbm>>) dst(%arg11 : memref<64x128xf32, #tpu.memory_space<vmem>>)
      %dma_start3A_1706 = arith.constant 47 : i32
      %dma_start3A_1707 = arith.constant 0 : i32
      %dma_start3A_1708 = tpu.memref_slice %arg7[%dma_start3A_1706, %dma_start3A_1707] : memref<64x64xi32, #tpu.memory_space<vmem>> -> memref<1x64xi32, #tpu.memory_space<vmem>>
      %dma_start3A_1709 = tpu.memref_squeeze %dma_start3A_1708 : memref<1x64xi32, #tpu.memory_space<vmem>> -> memref<64xi32, #tpu.memory_space<vmem>>
      %dma_start3A_1710 = arith.constant 0 : i32
      %dma_start3A_1711 = arith.constant 0 : i32
      %dma_start3A_1712 = tpu.memref_slice %arg12[%dma_start3A_1710, %dma_start3A_1711] : memref<10240x128xf32, #tpu.memory_space<vmem_shared>> -> memref<10240x128xf32, #tpu.memory_space<vmem_shared>>
      tpu.enqueue_indirect_dma source(%arg11 : memref<64x128xf32, #tpu.memory_space<vmem>>) target(%dma_start3A_1712 : memref<10240x128xf32, #tpu.memory_space<vmem_shared>>) offsets(%dma_start3A_1709 : memref<64xi32, #tpu.memory_space<vmem>>) semaphore(%arg22 : memref<!tpu.dma_semaphore, #tpu.memory_space<semaphore_mem>>) {add = true}
      %dma_wait3A_1713 = arith.constant 46 : i32
      %dma_wait3A_1714 = arith.constant 0 : i32
      %dma_wait3A_1715 = tpu.memref_slice %arg7[%dma_wait3A_1713, %dma_wait3A_1714] : memref<64x64xi32, #tpu.memory_space<vmem>> -> memref<1x64xi32, #tpu.memory_space<vmem>>
      %dma_wait3A_1716 = tpu.memref_squeeze %dma_wait3A_1715 : memref<1x64xi32, #tpu.memory_space<vmem>> -> memref<64xi32, #tpu.memory_space<vmem>>
      %dma_wait3A_1717 = arith.constant 0 : i32
      %dma_wait3A_1718 = arith.constant 0 : i32
      %dma_wait3A_1719 = tpu.memref_slice %arg12[%dma_wait3A_1717, %dma_wait3A_1718] : memref<10240x128xf32, #tpu.memory_space<vmem_shared>> -> memref<10240x128xf32, #tpu.memory_space<vmem_shared>>
      tpu.wait_indirect_dma semaphore(%arg21 : memref<!tpu.dma_semaphore, #tpu.memory_space<semaphore_mem>>) src(%arg10 : memref<64x128xf32, #tpu.memory_space<vmem>>) dst(%dma_wait3A_1719 : memref<10240x128xf32, #tpu.memory_space<vmem_shared>>)
      %dma_start3A_1720 = arith.constant 18 : i32
      %dma_start3A_1721 = arith.constant 0 : i32
      %dma_start3A_1722 = tpu.memref_slice %arg7[%dma_start3A_1720, %dma_start3A_1721] : memref<64x64xi32, #tpu.memory_space<vmem>> -> memref<1x64xi32, #tpu.memory_space<vmem>>
      %dma_start3A_1723 = tpu.memref_squeeze %dma_start3A_1722 : memref<1x64xi32, #tpu.memory_space<vmem>> -> memref<64xi32, #tpu.memory_space<vmem>>
      %dma_start3A_1724 = arith.constant 0 : i32
      %dma_start3A_1725 = arith.constant 0 : i32
      %dma_start3A_1726 = tpu.memref_slice %arg2[%dma_start3A_1724, %dma_start3A_1725] : memref<20480x128xf32, #tpu.memory_space<hbm>> -> memref<20480x128xf32, #tpu.memory_space<hbm>>
      tpu.enqueue_indirect_dma source(%dma_start3A_1726 : memref<20480x128xf32, #tpu.memory_space<hbm>>) target(%arg10 : memref<64x128xf32, #tpu.memory_space<vmem>>) offsets(%dma_start3A_1723 : memref<64xi32, #tpu.memory_space<vmem>>) semaphore(%arg17 : memref<!tpu.dma_semaphore, #tpu.memory_space<semaphore_mem>>)
      %dma_wait3A_1727 = arith.constant 16 : i32
      %dma_wait3A_1728 = arith.constant 0 : i32
      %dma_wait3A_1729 = tpu.memref_slice %arg7[%dma_wait3A_1727, %dma_wait3A_1728] : memref<64x64xi32, #tpu.memory_space<vmem>> -> memref<1x64xi32, #tpu.memory_space<vmem>>
      %dma_wait3A_1730 = tpu.memref_squeeze %dma_wait3A_1729 : memref<1x64xi32, #tpu.memory_space<vmem>> -> memref<64xi32, #tpu.memory_space<vmem>>
      %dma_wait3A_1731 = arith.constant 0 : i32
      %dma_wait3A_1732 = arith.constant 0 : i32
      %dma_wait3A_1733 = tpu.memref_slice %arg2[%dma_wait3A_1731, %dma_wait3A_1732] : memref<20480x128xf32, #tpu.memory_space<hbm>> -> memref<20480x128xf32, #tpu.memory_space<hbm>>
      tpu.wait_indirect_dma semaphore(%arg15 : memref<!tpu.dma_semaphore, #tpu.memory_space<semaphore_mem>>) src(%dma_wait3A_1733 : memref<20480x128xf32, #tpu.memory_space<hbm>>) dst(%arg8 : memref<64x128xf32, #tpu.memory_space<vmem>>)
      %dma_start3A_1734 = arith.constant 48 : i32
      %dma_start3A_1735 = arith.constant 0 : i32
      %dma_start3A_1736 = tpu.memref_slice %arg7[%dma_start3A_1734, %dma_start3A_1735] : memref<64x64xi32, #tpu.memory_space<vmem>> -> memref<1x64xi32, #tpu.memory_space<vmem>>
      %dma_start3A_1737 = tpu.memref_squeeze %dma_start3A_1736 : memref<1x64xi32, #tpu.memory_space<vmem>> -> memref<64xi32, #tpu.memory_space<vmem>>
      %dma_start3A_1738 = arith.constant 0 : i32
      %dma_start3A_1739 = arith.constant 0 : i32
      %dma_start3A_1740 = tpu.memref_slice %arg12[%dma_start3A_1738, %dma_start3A_1739] : memref<10240x128xf32, #tpu.memory_space<vmem_shared>> -> memref<10240x128xf32, #tpu.memory_space<vmem_shared>>
      tpu.enqueue_indirect_dma source(%arg8 : memref<64x128xf32, #tpu.memory_space<vmem>>) target(%dma_start3A_1740 : memref<10240x128xf32, #tpu.memory_space<vmem_shared>>) offsets(%dma_start3A_1737 : memref<64xi32, #tpu.memory_space<vmem>>) semaphore(%arg19 : memref<!tpu.dma_semaphore, #tpu.memory_space<semaphore_mem>>) {add = true}
      %dma_wait3A_1741 = arith.constant 47 : i32
      %dma_wait3A_1742 = arith.constant 0 : i32
      %dma_wait3A_1743 = tpu.memref_slice %arg7[%dma_wait3A_1741, %dma_wait3A_1742] : memref<64x64xi32, #tpu.memory_space<vmem>> -> memref<1x64xi32, #tpu.memory_space<vmem>>
      %dma_wait3A_1744 = tpu.memref_squeeze %dma_wait3A_1743 : memref<1x64xi32, #tpu.memory_space<vmem>> -> memref<64xi32, #tpu.memory_space<vmem>>
      %dma_wait3A_1745 = arith.constant 0 : i32
      %dma_wait3A_1746 = arith.constant 0 : i32
      %dma_wait3A_1747 = tpu.memref_slice %arg12[%dma_wait3A_1745, %dma_wait3A_1746] : memref<10240x128xf32, #tpu.memory_space<vmem_shared>> -> memref<10240x128xf32, #tpu.memory_space<vmem_shared>>
      tpu.wait_indirect_dma semaphore(%arg22 : memref<!tpu.dma_semaphore, #tpu.memory_space<semaphore_mem>>) src(%arg11 : memref<64x128xf32, #tpu.memory_space<vmem>>) dst(%dma_wait3A_1747 : memref<10240x128xf32, #tpu.memory_space<vmem_shared>>)
      %dma_start3A_1748 = arith.constant 19 : i32
      %dma_start3A_1749 = arith.constant 0 : i32
      %dma_start3A_1750 = tpu.memref_slice %arg7[%dma_start3A_1748, %dma_start3A_1749] : memref<64x64xi32, #tpu.memory_space<vmem>> -> memref<1x64xi32, #tpu.memory_space<vmem>>
      %dma_start3A_1751 = tpu.memref_squeeze %dma_start3A_1750 : memref<1x64xi32, #tpu.memory_space<vmem>> -> memref<64xi32, #tpu.memory_space<vmem>>
      %dma_start3A_1752 = arith.constant 0 : i32
      %dma_start3A_1753 = arith.constant 0 : i32
      %dma_start3A_1754 = tpu.memref_slice %arg2[%dma_start3A_1752, %dma_start3A_1753] : memref<20480x128xf32, #tpu.memory_space<hbm>> -> memref<20480x128xf32, #tpu.memory_space<hbm>>
      tpu.enqueue_indirect_dma source(%dma_start3A_1754 : memref<20480x128xf32, #tpu.memory_space<hbm>>) target(%arg11 : memref<64x128xf32, #tpu.memory_space<vmem>>) offsets(%dma_start3A_1751 : memref<64xi32, #tpu.memory_space<vmem>>) semaphore(%arg18 : memref<!tpu.dma_semaphore, #tpu.memory_space<semaphore_mem>>)
      %dma_wait3A_1755 = arith.constant 17 : i32
      %dma_wait3A_1756 = arith.constant 0 : i32
      %dma_wait3A_1757 = tpu.memref_slice %arg7[%dma_wait3A_1755, %dma_wait3A_1756] : memref<64x64xi32, #tpu.memory_space<vmem>> -> memref<1x64xi32, #tpu.memory_space<vmem>>
      %dma_wait3A_1758 = tpu.memref_squeeze %dma_wait3A_1757 : memref<1x64xi32, #tpu.memory_space<vmem>> -> memref<64xi32, #tpu.memory_space<vmem>>
      %dma_wait3A_1759 = arith.constant 0 : i32
      %dma_wait3A_1760 = arith.constant 0 : i32
      %dma_wait3A_1761 = tpu.memref_slice %arg2[%dma_wait3A_1759, %dma_wait3A_1760] : memref<20480x128xf32, #tpu.memory_space<hbm>> -> memref<20480x128xf32, #tpu.memory_space<hbm>>
      tpu.wait_indirect_dma semaphore(%arg16 : memref<!tpu.dma_semaphore, #tpu.memory_space<semaphore_mem>>) src(%dma_wait3A_1761 : memref<20480x128xf32, #tpu.memory_space<hbm>>) dst(%arg9 : memref<64x128xf32, #tpu.memory_space<vmem>>)
      %dma_start3A_1762 = arith.constant 49 : i32
      %dma_start3A_1763 = arith.constant 0 : i32
      %dma_start3A_1764 = tpu.memref_slice %arg7[%dma_start3A_1762, %dma_start3A_1763] : memref<64x64xi32, #tpu.memory_space<vmem>> -> memref<1x64xi32, #tpu.memory_space<vmem>>
      %dma_start3A_1765 = tpu.memref_squeeze %dma_start3A_1764 : memref<1x64xi32, #tpu.memory_space<vmem>> -> memref<64xi32, #tpu.memory_space<vmem>>
      %dma_start3A_1766 = arith.constant 0 : i32
      %dma_start3A_1767 = arith.constant 0 : i32
      %dma_start3A_1768 = tpu.memref_slice %arg12[%dma_start3A_1766, %dma_start3A_1767] : memref<10240x128xf32, #tpu.memory_space<vmem_shared>> -> memref<10240x128xf32, #tpu.memory_space<vmem_shared>>
      tpu.enqueue_indirect_dma source(%arg9 : memref<64x128xf32, #tpu.memory_space<vmem>>) target(%dma_start3A_1768 : memref<10240x128xf32, #tpu.memory_space<vmem_shared>>) offsets(%dma_start3A_1765 : memref<64xi32, #tpu.memory_space<vmem>>) semaphore(%arg20 : memref<!tpu.dma_semaphore, #tpu.memory_space<semaphore_mem>>) {add = true}
      %dma_wait3A_1769 = arith.constant 48 : i32
      %dma_wait3A_1770 = arith.constant 0 : i32
      %dma_wait3A_1771 = tpu.memref_slice %arg7[%dma_wait3A_1769, %dma_wait3A_1770] : memref<64x64xi32, #tpu.memory_space<vmem>> -> memref<1x64xi32, #tpu.memory_space<vmem>>
      %dma_wait3A_1772 = tpu.memref_squeeze %dma_wait3A_1771 : memref<1x64xi32, #tpu.memory_space<vmem>> -> memref<64xi32, #tpu.memory_space<vmem>>
      %dma_wait3A_1773 = arith.constant 0 : i32
      %dma_wait3A_1774 = arith.constant 0 : i32
      %dma_wait3A_1775 = tpu.memref_slice %arg12[%dma_wait3A_1773, %dma_wait3A_1774] : memref<10240x128xf32, #tpu.memory_space<vmem_shared>> -> memref<10240x128xf32, #tpu.memory_space<vmem_shared>>
      tpu.wait_indirect_dma semaphore(%arg19 : memref<!tpu.dma_semaphore, #tpu.memory_space<semaphore_mem>>) src(%arg8 : memref<64x128xf32, #tpu.memory_space<vmem>>) dst(%dma_wait3A_1775 : memref<10240x128xf32, #tpu.memory_space<vmem_shared>>)
      %dma_start3A_1776 = arith.constant 20 : i32
      %dma_start3A_1777 = arith.constant 0 : i32
      %dma_start3A_1778 = tpu.memref_slice %arg7[%dma_start3A_1776, %dma_start3A_1777] : memref<64x64xi32, #tpu.memory_space<vmem>> -> memref<1x64xi32, #tpu.memory_space<vmem>>
      %dma_start3A_1779 = tpu.memref_squeeze %dma_start3A_1778 : memref<1x64xi32, #tpu.memory_space<vmem>> -> memref<64xi32, #tpu.memory_space<vmem>>
      %dma_start3A_1780 = arith.constant 0 : i32
      %dma_start3A_1781 = arith.constant 0 : i32
      %dma_start3A_1782 = tpu.memref_slice %arg2[%dma_start3A_1780, %dma_start3A_1781] : memref<20480x128xf32, #tpu.memory_space<hbm>> -> memref<20480x128xf32, #tpu.memory_space<hbm>>
      tpu.enqueue_indirect_dma source(%dma_start3A_1782 : memref<20480x128xf32, #tpu.memory_space<hbm>>) target(%arg8 : memref<64x128xf32, #tpu.memory_space<vmem>>) offsets(%dma_start3A_1779 : memref<64xi32, #tpu.memory_space<vmem>>) semaphore(%arg15 : memref<!tpu.dma_semaphore, #tpu.memory_space<semaphore_mem>>)
      %dma_wait3A_1783 = arith.constant 18 : i32
      %dma_wait3A_1784 = arith.constant 0 : i32
      %dma_wait3A_1785 = tpu.memref_slice %arg7[%dma_wait3A_1783, %dma_wait3A_1784] : memref<64x64xi32, #tpu.memory_space<vmem>> -> memref<1x64xi32, #tpu.memory_space<vmem>>
      %dma_wait3A_1786 = tpu.memref_squeeze %dma_wait3A_1785 : memref<1x64xi32, #tpu.memory_space<vmem>> -> memref<64xi32, #tpu.memory_space<vmem>>
      %dma_wait3A_1787 = arith.constant 0 : i32
      %dma_wait3A_1788 = arith.constant 0 : i32
      %dma_wait3A_1789 = tpu.memref_slice %arg2[%dma_wait3A_1787, %dma_wait3A_1788] : memref<20480x128xf32, #tpu.memory_space<hbm>> -> memref<20480x128xf32, #tpu.memory_space<hbm>>
      tpu.wait_indirect_dma semaphore(%arg17 : memref<!tpu.dma_semaphore, #tpu.memory_space<semaphore_mem>>) src(%dma_wait3A_1789 : memref<20480x128xf32, #tpu.memory_space<hbm>>) dst(%arg10 : memref<64x128xf32, #tpu.memory_space<vmem>>)
      %dma_start3A_1790 = arith.constant 50 : i32
      %dma_start3A_1791 = arith.constant 0 : i32
      %dma_start3A_1792 = tpu.memref_slice %arg7[%dma_start3A_1790, %dma_start3A_1791] : memref<64x64xi32, #tpu.memory_space<vmem>> -> memref<1x64xi32, #tpu.memory_space<vmem>>
      %dma_start3A_1793 = tpu.memref_squeeze %dma_start3A_1792 : memref<1x64xi32, #tpu.memory_space<vmem>> -> memref<64xi32, #tpu.memory_space<vmem>>
      %dma_start3A_1794 = arith.constant 0 : i32
      %dma_start3A_1795 = arith.constant 0 : i32
      %dma_start3A_1796 = tpu.memref_slice %arg12[%dma_start3A_1794, %dma_start3A_1795] : memref<10240x128xf32, #tpu.memory_space<vmem_shared>> -> memref<10240x128xf32, #tpu.memory_space<vmem_shared>>
      tpu.enqueue_indirect_dma source(%arg10 : memref<64x128xf32, #tpu.memory_space<vmem>>) target(%dma_start3A_1796 : memref<10240x128xf32, #tpu.memory_space<vmem_shared>>) offsets(%dma_start3A_1793 : memref<64xi32, #tpu.memory_space<vmem>>) semaphore(%arg21 : memref<!tpu.dma_semaphore, #tpu.memory_space<semaphore_mem>>) {add = true}
      %dma_wait3A_1797 = arith.constant 49 : i32
      %dma_wait3A_1798 = arith.constant 0 : i32
      %dma_wait3A_1799 = tpu.memref_slice %arg7[%dma_wait3A_1797, %dma_wait3A_1798] : memref<64x64xi32, #tpu.memory_space<vmem>> -> memref<1x64xi32, #tpu.memory_space<vmem>>
      %dma_wait3A_1800 = tpu.memref_squeeze %dma_wait3A_1799 : memref<1x64xi32, #tpu.memory_space<vmem>> -> memref<64xi32, #tpu.memory_space<vmem>>
      %dma_wait3A_1801 = arith.constant 0 : i32
      %dma_wait3A_1802 = arith.constant 0 : i32
      %dma_wait3A_1803 = tpu.memref_slice %arg12[%dma_wait3A_1801, %dma_wait3A_1802] : memref<10240x128xf32, #tpu.memory_space<vmem_shared>> -> memref<10240x128xf32, #tpu.memory_space<vmem_shared>>
      tpu.wait_indirect_dma semaphore(%arg20 : memref<!tpu.dma_semaphore, #tpu.memory_space<semaphore_mem>>) src(%arg9 : memref<64x128xf32, #tpu.memory_space<vmem>>) dst(%dma_wait3A_1803 : memref<10240x128xf32, #tpu.memory_space<vmem_shared>>)
      %dma_start3A_1804 = arith.constant 21 : i32
      %dma_start3A_1805 = arith.constant 0 : i32
      %dma_start3A_1806 = tpu.memref_slice %arg7[%dma_start3A_1804, %dma_start3A_1805] : memref<64x64xi32, #tpu.memory_space<vmem>> -> memref<1x64xi32, #tpu.memory_space<vmem>>
      %dma_start3A_1807 = tpu.memref_squeeze %dma_start3A_1806 : memref<1x64xi32, #tpu.memory_space<vmem>> -> memref<64xi32, #tpu.memory_space<vmem>>
      %dma_start3A_1808 = arith.constant 0 : i32
      %dma_start3A_1809 = arith.constant 0 : i32
      %dma_start3A_1810 = tpu.memref_slice %arg2[%dma_start3A_1808, %dma_start3A_1809] : memref<20480x128xf32, #tpu.memory_space<hbm>> -> memref<20480x128xf32, #tpu.memory_space<hbm>>
      tpu.enqueue_indirect_dma source(%dma_start3A_1810 : memref<20480x128xf32, #tpu.memory_space<hbm>>) target(%arg9 : memref<64x128xf32, #tpu.memory_space<vmem>>) offsets(%dma_start3A_1807 : memref<64xi32, #tpu.memory_space<vmem>>) semaphore(%arg16 : memref<!tpu.dma_semaphore, #tpu.memory_space<semaphore_mem>>)
      %dma_wait3A_1811 = arith.constant 19 : i32
      %dma_wait3A_1812 = arith.constant 0 : i32
      %dma_wait3A_1813 = tpu.memref_slice %arg7[%dma_wait3A_1811, %dma_wait3A_1812] : memref<64x64xi32, #tpu.memory_space<vmem>> -> memref<1x64xi32, #tpu.memory_space<vmem>>
      %dma_wait3A_1814 = tpu.memref_squeeze %dma_wait3A_1813 : memref<1x64xi32, #tpu.memory_space<vmem>> -> memref<64xi32, #tpu.memory_space<vmem>>
      %dma_wait3A_1815 = arith.constant 0 : i32
      %dma_wait3A_1816 = arith.constant 0 : i32
      %dma_wait3A_1817 = tpu.memref_slice %arg2[%dma_wait3A_1815, %dma_wait3A_1816] : memref<20480x128xf32, #tpu.memory_space<hbm>> -> memref<20480x128xf32, #tpu.memory_space<hbm>>
      tpu.wait_indirect_dma semaphore(%arg18 : memref<!tpu.dma_semaphore, #tpu.memory_space<semaphore_mem>>) src(%dma_wait3A_1817 : memref<20480x128xf32, #tpu.memory_space<hbm>>) dst(%arg11 : memref<64x128xf32, #tpu.memory_space<vmem>>)
      %dma_start3A_1818 = arith.constant 51 : i32
      %dma_start3A_1819 = arith.constant 0 : i32
      %dma_start3A_1820 = tpu.memref_slice %arg7[%dma_start3A_1818, %dma_start3A_1819] : memref<64x64xi32, #tpu.memory_space<vmem>> -> memref<1x64xi32, #tpu.memory_space<vmem>>
      %dma_start3A_1821 = tpu.memref_squeeze %dma_start3A_1820 : memref<1x64xi32, #tpu.memory_space<vmem>> -> memref<64xi32, #tpu.memory_space<vmem>>
      %dma_start3A_1822 = arith.constant 0 : i32
      %dma_start3A_1823 = arith.constant 0 : i32
      %dma_start3A_1824 = tpu.memref_slice %arg12[%dma_start3A_1822, %dma_start3A_1823] : memref<10240x128xf32, #tpu.memory_space<vmem_shared>> -> memref<10240x128xf32, #tpu.memory_space<vmem_shared>>
      tpu.enqueue_indirect_dma source(%arg11 : memref<64x128xf32, #tpu.memory_space<vmem>>) target(%dma_start3A_1824 : memref<10240x128xf32, #tpu.memory_space<vmem_shared>>) offsets(%dma_start3A_1821 : memref<64xi32, #tpu.memory_space<vmem>>) semaphore(%arg22 : memref<!tpu.dma_semaphore, #tpu.memory_space<semaphore_mem>>) {add = true}
      %dma_wait3A_1825 = arith.constant 50 : i32
      %dma_wait3A_1826 = arith.constant 0 : i32
      %dma_wait3A_1827 = tpu.memref_slice %arg7[%dma_wait3A_1825, %dma_wait3A_1826] : memref<64x64xi32, #tpu.memory_space<vmem>> -> memref<1x64xi32, #tpu.memory_space<vmem>>
      %dma_wait3A_1828 = tpu.memref_squeeze %dma_wait3A_1827 : memref<1x64xi32, #tpu.memory_space<vmem>> -> memref<64xi32, #tpu.memory_space<vmem>>
      %dma_wait3A_1829 = arith.constant 0 : i32
      %dma_wait3A_1830 = arith.constant 0 : i32
      %dma_wait3A_1831 = tpu.memref_slice %arg12[%dma_wait3A_1829, %dma_wait3A_1830] : memref<10240x128xf32, #tpu.memory_space<vmem_shared>> -> memref<10240x128xf32, #tpu.memory_space<vmem_shared>>
      tpu.wait_indirect_dma semaphore(%arg21 : memref<!tpu.dma_semaphore, #tpu.memory_space<semaphore_mem>>) src(%arg10 : memref<64x128xf32, #tpu.memory_space<vmem>>) dst(%dma_wait3A_1831 : memref<10240x128xf32, #tpu.memory_space<vmem_shared>>)
      %dma_start3A_1832 = arith.constant 22 : i32
      %dma_start3A_1833 = arith.constant 0 : i32
      %dma_start3A_1834 = tpu.memref_slice %arg7[%dma_start3A_1832, %dma_start3A_1833] : memref<64x64xi32, #tpu.memory_space<vmem>> -> memref<1x64xi32, #tpu.memory_space<vmem>>
      %dma_start3A_1835 = tpu.memref_squeeze %dma_start3A_1834 : memref<1x64xi32, #tpu.memory_space<vmem>> -> memref<64xi32, #tpu.memory_space<vmem>>
      %dma_start3A_1836 = arith.constant 0 : i32
      %dma_start3A_1837 = arith.constant 0 : i32
      %dma_start3A_1838 = tpu.memref_slice %arg2[%dma_start3A_1836, %dma_start3A_1837] : memref<20480x128xf32, #tpu.memory_space<hbm>> -> memref<20480x128xf32, #tpu.memory_space<hbm>>
      tpu.enqueue_indirect_dma source(%dma_start3A_1838 : memref<20480x128xf32, #tpu.memory_space<hbm>>) target(%arg10 : memref<64x128xf32, #tpu.memory_space<vmem>>) offsets(%dma_start3A_1835 : memref<64xi32, #tpu.memory_space<vmem>>) semaphore(%arg17 : memref<!tpu.dma_semaphore, #tpu.memory_space<semaphore_mem>>)
      %dma_wait3A_1839 = arith.constant 20 : i32
      %dma_wait3A_1840 = arith.constant 0 : i32
      %dma_wait3A_1841 = tpu.memref_slice %arg7[%dma_wait3A_1839, %dma_wait3A_1840] : memref<64x64xi32, #tpu.memory_space<vmem>> -> memref<1x64xi32, #tpu.memory_space<vmem>>
      %dma_wait3A_1842 = tpu.memref_squeeze %dma_wait3A_1841 : memref<1x64xi32, #tpu.memory_space<vmem>> -> memref<64xi32, #tpu.memory_space<vmem>>
      %dma_wait3A_1843 = arith.constant 0 : i32
      %dma_wait3A_1844 = arith.constant 0 : i32
      %dma_wait3A_1845 = tpu.memref_slice %arg2[%dma_wait3A_1843, %dma_wait3A_1844] : memref<20480x128xf32, #tpu.memory_space<hbm>> -> memref<20480x128xf32, #tpu.memory_space<hbm>>
      tpu.wait_indirect_dma semaphore(%arg15 : memref<!tpu.dma_semaphore, #tpu.memory_space<semaphore_mem>>) src(%dma_wait3A_1845 : memref<20480x128xf32, #tpu.memory_space<hbm>>) dst(%arg8 : memref<64x128xf32, #tpu.memory_space<vmem>>)
      %dma_start3A_1846 = arith.constant 52 : i32
      %dma_start3A_1847 = arith.constant 0 : i32
      %dma_start3A_1848 = tpu.memref_slice %arg7[%dma_start3A_1846, %dma_start3A_1847] : memref<64x64xi32, #tpu.memory_space<vmem>> -> memref<1x64xi32, #tpu.memory_space<vmem>>
      %dma_start3A_1849 = tpu.memref_squeeze %dma_start3A_1848 : memref<1x64xi32, #tpu.memory_space<vmem>> -> memref<64xi32, #tpu.memory_space<vmem>>
      %dma_start3A_1850 = arith.constant 0 : i32
      %dma_start3A_1851 = arith.constant 0 : i32
      %dma_start3A_1852 = tpu.memref_slice %arg12[%dma_start3A_1850, %dma_start3A_1851] : memref<10240x128xf32, #tpu.memory_space<vmem_shared>> -> memref<10240x128xf32, #tpu.memory_space<vmem_shared>>
      tpu.enqueue_indirect_dma source(%arg8 : memref<64x128xf32, #tpu.memory_space<vmem>>) target(%dma_start3A_1852 : memref<10240x128xf32, #tpu.memory_space<vmem_shared>>) offsets(%dma_start3A_1849 : memref<64xi32, #tpu.memory_space<vmem>>) semaphore(%arg19 : memref<!tpu.dma_semaphore, #tpu.memory_space<semaphore_mem>>) {add = true}
      %dma_wait3A_1853 = arith.constant 51 : i32
      %dma_wait3A_1854 = arith.constant 0 : i32
      %dma_wait3A_1855 = tpu.memref_slice %arg7[%dma_wait3A_1853, %dma_wait3A_1854] : memref<64x64xi32, #tpu.memory_space<vmem>> -> memref<1x64xi32, #tpu.memory_space<vmem>>
      %dma_wait3A_1856 = tpu.memref_squeeze %dma_wait3A_1855 : memref<1x64xi32, #tpu.memory_space<vmem>> -> memref<64xi32, #tpu.memory_space<vmem>>
      %dma_wait3A_1857 = arith.constant 0 : i32
      %dma_wait3A_1858 = arith.constant 0 : i32
      %dma_wait3A_1859 = tpu.memref_slice %arg12[%dma_wait3A_1857, %dma_wait3A_1858] : memref<10240x128xf32, #tpu.memory_space<vmem_shared>> -> memref<10240x128xf32, #tpu.memory_space<vmem_shared>>
      tpu.wait_indirect_dma semaphore(%arg22 : memref<!tpu.dma_semaphore, #tpu.memory_space<semaphore_mem>>) src(%arg11 : memref<64x128xf32, #tpu.memory_space<vmem>>) dst(%dma_wait3A_1859 : memref<10240x128xf32, #tpu.memory_space<vmem_shared>>)
      %dma_start3A_1860 = arith.constant 23 : i32
      %dma_start3A_1861 = arith.constant 0 : i32
      %dma_start3A_1862 = tpu.memref_slice %arg7[%dma_start3A_1860, %dma_start3A_1861] : memref<64x64xi32, #tpu.memory_space<vmem>> -> memref<1x64xi32, #tpu.memory_space<vmem>>
      %dma_start3A_1863 = tpu.memref_squeeze %dma_start3A_1862 : memref<1x64xi32, #tpu.memory_space<vmem>> -> memref<64xi32, #tpu.memory_space<vmem>>
      %dma_start3A_1864 = arith.constant 0 : i32
      %dma_start3A_1865 = arith.constant 0 : i32
      %dma_start3A_1866 = tpu.memref_slice %arg2[%dma_start3A_1864, %dma_start3A_1865] : memref<20480x128xf32, #tpu.memory_space<hbm>> -> memref<20480x128xf32, #tpu.memory_space<hbm>>
      tpu.enqueue_indirect_dma source(%dma_start3A_1866 : memref<20480x128xf32, #tpu.memory_space<hbm>>) target(%arg11 : memref<64x128xf32, #tpu.memory_space<vmem>>) offsets(%dma_start3A_1863 : memref<64xi32, #tpu.memory_space<vmem>>) semaphore(%arg18 : memref<!tpu.dma_semaphore, #tpu.memory_space<semaphore_mem>>)
      %dma_wait3A_1867 = arith.constant 21 : i32
      %dma_wait3A_1868 = arith.constant 0 : i32
      %dma_wait3A_1869 = tpu.memref_slice %arg7[%dma_wait3A_1867, %dma_wait3A_1868] : memref<64x64xi32, #tpu.memory_space<vmem>> -> memref<1x64xi32, #tpu.memory_space<vmem>>
      %dma_wait3A_1870 = tpu.memref_squeeze %dma_wait3A_1869 : memref<1x64xi32, #tpu.memory_space<vmem>> -> memref<64xi32, #tpu.memory_space<vmem>>
      %dma_wait3A_1871 = arith.constant 0 : i32
      %dma_wait3A_1872 = arith.constant 0 : i32
      %dma_wait3A_1873 = tpu.memref_slice %arg2[%dma_wait3A_1871, %dma_wait3A_1872] : memref<20480x128xf32, #tpu.memory_space<hbm>> -> memref<20480x128xf32, #tpu.memory_space<hbm>>
      tpu.wait_indirect_dma semaphore(%arg16 : memref<!tpu.dma_semaphore, #tpu.memory_space<semaphore_mem>>) src(%dma_wait3A_1873 : memref<20480x128xf32, #tpu.memory_space<hbm>>) dst(%arg9 : memref<64x128xf32, #tpu.memory_space<vmem>>)
      %dma_start3A_1874 = arith.constant 53 : i32
      %dma_start3A_1875 = arith.constant 0 : i32
      %dma_start3A_1876 = tpu.memref_slice %arg7[%dma_start3A_1874, %dma_start3A_1875] : memref<64x64xi32, #tpu.memory_space<vmem>> -> memref<1x64xi32, #tpu.memory_space<vmem>>
      %dma_start3A_1877 = tpu.memref_squeeze %dma_start3A_1876 : memref<1x64xi32, #tpu.memory_space<vmem>> -> memref<64xi32, #tpu.memory_space<vmem>>
      %dma_start3A_1878 = arith.constant 0 : i32
      %dma_start3A_1879 = arith.constant 0 : i32
      %dma_start3A_1880 = tpu.memref_slice %arg12[%dma_start3A_1878, %dma_start3A_1879] : memref<10240x128xf32, #tpu.memory_space<vmem_shared>> -> memref<10240x128xf32, #tpu.memory_space<vmem_shared>>
      tpu.enqueue_indirect_dma source(%arg9 : memref<64x128xf32, #tpu.memory_space<vmem>>) target(%dma_start3A_1880 : memref<10240x128xf32, #tpu.memory_space<vmem_shared>>) offsets(%dma_start3A_1877 : memref<64xi32, #tpu.memory_space<vmem>>) semaphore(%arg20 : memref<!tpu.dma_semaphore, #tpu.memory_space<semaphore_mem>>) {add = true}
      %dma_wait3A_1881 = arith.constant 52 : i32
      %dma_wait3A_1882 = arith.constant 0 : i32
      %dma_wait3A_1883 = tpu.memref_slice %arg7[%dma_wait3A_1881, %dma_wait3A_1882] : memref<64x64xi32, #tpu.memory_space<vmem>> -> memref<1x64xi32, #tpu.memory_space<vmem>>
      %dma_wait3A_1884 = tpu.memref_squeeze %dma_wait3A_1883 : memref<1x64xi32, #tpu.memory_space<vmem>> -> memref<64xi32, #tpu.memory_space<vmem>>
      %dma_wait3A_1885 = arith.constant 0 : i32
      %dma_wait3A_1886 = arith.constant 0 : i32
      %dma_wait3A_1887 = tpu.memref_slice %arg12[%dma_wait3A_1885, %dma_wait3A_1886] : memref<10240x128xf32, #tpu.memory_space<vmem_shared>> -> memref<10240x128xf32, #tpu.memory_space<vmem_shared>>
      tpu.wait_indirect_dma semaphore(%arg19 : memref<!tpu.dma_semaphore, #tpu.memory_space<semaphore_mem>>) src(%arg8 : memref<64x128xf32, #tpu.memory_space<vmem>>) dst(%dma_wait3A_1887 : memref<10240x128xf32, #tpu.memory_space<vmem_shared>>)
      %dma_start3A_1888 = arith.constant 24 : i32
      %dma_start3A_1889 = arith.constant 0 : i32
      %dma_start3A_1890 = tpu.memref_slice %arg7[%dma_start3A_1888, %dma_start3A_1889] : memref<64x64xi32, #tpu.memory_space<vmem>> -> memref<1x64xi32, #tpu.memory_space<vmem>>
      %dma_start3A_1891 = tpu.memref_squeeze %dma_start3A_1890 : memref<1x64xi32, #tpu.memory_space<vmem>> -> memref<64xi32, #tpu.memory_space<vmem>>
      %dma_start3A_1892 = arith.constant 0 : i32
      %dma_start3A_1893 = arith.constant 0 : i32
      %dma_start3A_1894 = tpu.memref_slice %arg2[%dma_start3A_1892, %dma_start3A_1893] : memref<20480x128xf32, #tpu.memory_space<hbm>> -> memref<20480x128xf32, #tpu.memory_space<hbm>>
      tpu.enqueue_indirect_dma source(%dma_start3A_1894 : memref<20480x128xf32, #tpu.memory_space<hbm>>) target(%arg8 : memref<64x128xf32, #tpu.memory_space<vmem>>) offsets(%dma_start3A_1891 : memref<64xi32, #tpu.memory_space<vmem>>) semaphore(%arg15 : memref<!tpu.dma_semaphore, #tpu.memory_space<semaphore_mem>>)
      %dma_wait3A_1895 = arith.constant 22 : i32
      %dma_wait3A_1896 = arith.constant 0 : i32
      %dma_wait3A_1897 = tpu.memref_slice %arg7[%dma_wait3A_1895, %dma_wait3A_1896] : memref<64x64xi32, #tpu.memory_space<vmem>> -> memref<1x64xi32, #tpu.memory_space<vmem>>
      %dma_wait3A_1898 = tpu.memref_squeeze %dma_wait3A_1897 : memref<1x64xi32, #tpu.memory_space<vmem>> -> memref<64xi32, #tpu.memory_space<vmem>>
      %dma_wait3A_1899 = arith.constant 0 : i32
      %dma_wait3A_1900 = arith.constant 0 : i32
      %dma_wait3A_1901 = tpu.memref_slice %arg2[%dma_wait3A_1899, %dma_wait3A_1900] : memref<20480x128xf32, #tpu.memory_space<hbm>> -> memref<20480x128xf32, #tpu.memory_space<hbm>>
      tpu.wait_indirect_dma semaphore(%arg17 : memref<!tpu.dma_semaphore, #tpu.memory_space<semaphore_mem>>) src(%dma_wait3A_1901 : memref<20480x128xf32, #tpu.memory_space<hbm>>) dst(%arg10 : memref<64x128xf32, #tpu.memory_space<vmem>>)
      %dma_start3A_1902 = arith.constant 54 : i32
      %dma_start3A_1903 = arith.constant 0 : i32
      %dma_start3A_1904 = tpu.memref_slice %arg7[%dma_start3A_1902, %dma_start3A_1903] : memref<64x64xi32, #tpu.memory_space<vmem>> -> memref<1x64xi32, #tpu.memory_space<vmem>>
      %dma_start3A_1905 = tpu.memref_squeeze %dma_start3A_1904 : memref<1x64xi32, #tpu.memory_space<vmem>> -> memref<64xi32, #tpu.memory_space<vmem>>
      %dma_start3A_1906 = arith.constant 0 : i32
      %dma_start3A_1907 = arith.constant 0 : i32
      %dma_start3A_1908 = tpu.memref_slice %arg12[%dma_start3A_1906, %dma_start3A_1907] : memref<10240x128xf32, #tpu.memory_space<vmem_shared>> -> memref<10240x128xf32, #tpu.memory_space<vmem_shared>>
      tpu.enqueue_indirect_dma source(%arg10 : memref<64x128xf32, #tpu.memory_space<vmem>>) target(%dma_start3A_1908 : memref<10240x128xf32, #tpu.memory_space<vmem_shared>>) offsets(%dma_start3A_1905 : memref<64xi32, #tpu.memory_space<vmem>>) semaphore(%arg21 : memref<!tpu.dma_semaphore, #tpu.memory_space<semaphore_mem>>) {add = true}
      %dma_wait3A_1909 = arith.constant 53 : i32
      %dma_wait3A_1910 = arith.constant 0 : i32
      %dma_wait3A_1911 = tpu.memref_slice %arg7[%dma_wait3A_1909, %dma_wait3A_1910] : memref<64x64xi32, #tpu.memory_space<vmem>> -> memref<1x64xi32, #tpu.memory_space<vmem>>
      %dma_wait3A_1912 = tpu.memref_squeeze %dma_wait3A_1911 : memref<1x64xi32, #tpu.memory_space<vmem>> -> memref<64xi32, #tpu.memory_space<vmem>>
      %dma_wait3A_1913 = arith.constant 0 : i32
      %dma_wait3A_1914 = arith.constant 0 : i32
      %dma_wait3A_1915 = tpu.memref_slice %arg12[%dma_wait3A_1913, %dma_wait3A_1914] : memref<10240x128xf32, #tpu.memory_space<vmem_shared>> -> memref<10240x128xf32, #tpu.memory_space<vmem_shared>>
      tpu.wait_indirect_dma semaphore(%arg20 : memref<!tpu.dma_semaphore, #tpu.memory_space<semaphore_mem>>) src(%arg9 : memref<64x128xf32, #tpu.memory_space<vmem>>) dst(%dma_wait3A_1915 : memref<10240x128xf32, #tpu.memory_space<vmem_shared>>)
      %dma_start3A_1916 = arith.constant 25 : i32
      %dma_start3A_1917 = arith.constant 0 : i32
      %dma_start3A_1918 = tpu.memref_slice %arg7[%dma_start3A_1916, %dma_start3A_1917] : memref<64x64xi32, #tpu.memory_space<vmem>> -> memref<1x64xi32, #tpu.memory_space<vmem>>
      %dma_start3A_1919 = tpu.memref_squeeze %dma_start3A_1918 : memref<1x64xi32, #tpu.memory_space<vmem>> -> memref<64xi32, #tpu.memory_space<vmem>>
      %dma_start3A_1920 = arith.constant 0 : i32
      %dma_start3A_1921 = arith.constant 0 : i32
      %dma_start3A_1922 = tpu.memref_slice %arg2[%dma_start3A_1920, %dma_start3A_1921] : memref<20480x128xf32, #tpu.memory_space<hbm>> -> memref<20480x128xf32, #tpu.memory_space<hbm>>
      tpu.enqueue_indirect_dma source(%dma_start3A_1922 : memref<20480x128xf32, #tpu.memory_space<hbm>>) target(%arg9 : memref<64x128xf32, #tpu.memory_space<vmem>>) offsets(%dma_start3A_1919 : memref<64xi32, #tpu.memory_space<vmem>>) semaphore(%arg16 : memref<!tpu.dma_semaphore, #tpu.memory_space<semaphore_mem>>)
      %dma_wait3A_1923 = arith.constant 23 : i32
      %dma_wait3A_1924 = arith.constant 0 : i32
      %dma_wait3A_1925 = tpu.memref_slice %arg7[%dma_wait3A_1923, %dma_wait3A_1924] : memref<64x64xi32, #tpu.memory_space<vmem>> -> memref<1x64xi32, #tpu.memory_space<vmem>>
      %dma_wait3A_1926 = tpu.memref_squeeze %dma_wait3A_1925 : memref<1x64xi32, #tpu.memory_space<vmem>> -> memref<64xi32, #tpu.memory_space<vmem>>
      %dma_wait3A_1927 = arith.constant 0 : i32
      %dma_wait3A_1928 = arith.constant 0 : i32
      %dma_wait3A_1929 = tpu.memref_slice %arg2[%dma_wait3A_1927, %dma_wait3A_1928] : memref<20480x128xf32, #tpu.memory_space<hbm>> -> memref<20480x128xf32, #tpu.memory_space<hbm>>
      tpu.wait_indirect_dma semaphore(%arg18 : memref<!tpu.dma_semaphore, #tpu.memory_space<semaphore_mem>>) src(%dma_wait3A_1929 : memref<20480x128xf32, #tpu.memory_space<hbm>>) dst(%arg11 : memref<64x128xf32, #tpu.memory_space<vmem>>)
      %dma_start3A_1930 = arith.constant 55 : i32
      %dma_start3A_1931 = arith.constant 0 : i32
      %dma_start3A_1932 = tpu.memref_slice %arg7[%dma_start3A_1930, %dma_start3A_1931] : memref<64x64xi32, #tpu.memory_space<vmem>> -> memref<1x64xi32, #tpu.memory_space<vmem>>
      %dma_start3A_1933 = tpu.memref_squeeze %dma_start3A_1932 : memref<1x64xi32, #tpu.memory_space<vmem>> -> memref<64xi32, #tpu.memory_space<vmem>>
      %dma_start3A_1934 = arith.constant 0 : i32
      %dma_start3A_1935 = arith.constant 0 : i32
      %dma_start3A_1936 = tpu.memref_slice %arg12[%dma_start3A_1934, %dma_start3A_1935] : memref<10240x128xf32, #tpu.memory_space<vmem_shared>> -> memref<10240x128xf32, #tpu.memory_space<vmem_shared>>
      tpu.enqueue_indirect_dma source(%arg11 : memref<64x128xf32, #tpu.memory_space<vmem>>) target(%dma_start3A_1936 : memref<10240x128xf32, #tpu.memory_space<vmem_shared>>) offsets(%dma_start3A_1933 : memref<64xi32, #tpu.memory_space<vmem>>) semaphore(%arg22 : memref<!tpu.dma_semaphore, #tpu.memory_space<semaphore_mem>>) {add = true}
      %dma_wait3A_1937 = arith.constant 54 : i32
      %dma_wait3A_1938 = arith.constant 0 : i32
      %dma_wait3A_1939 = tpu.memref_slice %arg7[%dma_wait3A_1937, %dma_wait3A_1938] : memref<64x64xi32, #tpu.memory_space<vmem>> -> memref<1x64xi32, #tpu.memory_space<vmem>>
      %dma_wait3A_1940 = tpu.memref_squeeze %dma_wait3A_1939 : memref<1x64xi32, #tpu.memory_space<vmem>> -> memref<64xi32, #tpu.memory_space<vmem>>
      %dma_wait3A_1941 = arith.constant 0 : i32
      %dma_wait3A_1942 = arith.constant 0 : i32
      %dma_wait3A_1943 = tpu.memref_slice %arg12[%dma_wait3A_1941, %dma_wait3A_1942] : memref<10240x128xf32, #tpu.memory_space<vmem_shared>> -> memref<10240x128xf32, #tpu.memory_space<vmem_shared>>
      tpu.wait_indirect_dma semaphore(%arg21 : memref<!tpu.dma_semaphore, #tpu.memory_space<semaphore_mem>>) src(%arg10 : memref<64x128xf32, #tpu.memory_space<vmem>>) dst(%dma_wait3A_1943 : memref<10240x128xf32, #tpu.memory_space<vmem_shared>>)
      %dma_start3A_1944 = arith.constant 26 : i32
      %dma_start3A_1945 = arith.constant 0 : i32
      %dma_start3A_1946 = tpu.memref_slice %arg7[%dma_start3A_1944, %dma_start3A_1945] : memref<64x64xi32, #tpu.memory_space<vmem>> -> memref<1x64xi32, #tpu.memory_space<vmem>>
      %dma_start3A_1947 = tpu.memref_squeeze %dma_start3A_1946 : memref<1x64xi32, #tpu.memory_space<vmem>> -> memref<64xi32, #tpu.memory_space<vmem>>
      %dma_start3A_1948 = arith.constant 0 : i32
      %dma_start3A_1949 = arith.constant 0 : i32
      %dma_start3A_1950 = tpu.memref_slice %arg2[%dma_start3A_1948, %dma_start3A_1949] : memref<20480x128xf32, #tpu.memory_space<hbm>> -> memref<20480x128xf32, #tpu.memory_space<hbm>>
      tpu.enqueue_indirect_dma source(%dma_start3A_1950 : memref<20480x128xf32, #tpu.memory_space<hbm>>) target(%arg10 : memref<64x128xf32, #tpu.memory_space<vmem>>) offsets(%dma_start3A_1947 : memref<64xi32, #tpu.memory_space<vmem>>) semaphore(%arg17 : memref<!tpu.dma_semaphore, #tpu.memory_space<semaphore_mem>>)
      %dma_wait3A_1951 = arith.constant 24 : i32
      %dma_wait3A_1952 = arith.constant 0 : i32
      %dma_wait3A_1953 = tpu.memref_slice %arg7[%dma_wait3A_1951, %dma_wait3A_1952] : memref<64x64xi32, #tpu.memory_space<vmem>> -> memref<1x64xi32, #tpu.memory_space<vmem>>
      %dma_wait3A_1954 = tpu.memref_squeeze %dma_wait3A_1953 : memref<1x64xi32, #tpu.memory_space<vmem>> -> memref<64xi32, #tpu.memory_space<vmem>>
      %dma_wait3A_1955 = arith.constant 0 : i32
      %dma_wait3A_1956 = arith.constant 0 : i32
      %dma_wait3A_1957 = tpu.memref_slice %arg2[%dma_wait3A_1955, %dma_wait3A_1956] : memref<20480x128xf32, #tpu.memory_space<hbm>> -> memref<20480x128xf32, #tpu.memory_space<hbm>>
      tpu.wait_indirect_dma semaphore(%arg15 : memref<!tpu.dma_semaphore, #tpu.memory_space<semaphore_mem>>) src(%dma_wait3A_1957 : memref<20480x128xf32, #tpu.memory_space<hbm>>) dst(%arg8 : memref<64x128xf32, #tpu.memory_space<vmem>>)
      %dma_start3A_1958 = arith.constant 56 : i32
      %dma_start3A_1959 = arith.constant 0 : i32
      %dma_start3A_1960 = tpu.memref_slice %arg7[%dma_start3A_1958, %dma_start3A_1959] : memref<64x64xi32, #tpu.memory_space<vmem>> -> memref<1x64xi32, #tpu.memory_space<vmem>>
      %dma_start3A_1961 = tpu.memref_squeeze %dma_start3A_1960 : memref<1x64xi32, #tpu.memory_space<vmem>> -> memref<64xi32, #tpu.memory_space<vmem>>
      %dma_start3A_1962 = arith.constant 0 : i32
      %dma_start3A_1963 = arith.constant 0 : i32
      %dma_start3A_1964 = tpu.memref_slice %arg12[%dma_start3A_1962, %dma_start3A_1963] : memref<10240x128xf32, #tpu.memory_space<vmem_shared>> -> memref<10240x128xf32, #tpu.memory_space<vmem_shared>>
      tpu.enqueue_indirect_dma source(%arg8 : memref<64x128xf32, #tpu.memory_space<vmem>>) target(%dma_start3A_1964 : memref<10240x128xf32, #tpu.memory_space<vmem_shared>>) offsets(%dma_start3A_1961 : memref<64xi32, #tpu.memory_space<vmem>>) semaphore(%arg19 : memref<!tpu.dma_semaphore, #tpu.memory_space<semaphore_mem>>) {add = true}
      %dma_wait3A_1965 = arith.constant 55 : i32
      %dma_wait3A_1966 = arith.constant 0 : i32
      %dma_wait3A_1967 = tpu.memref_slice %arg7[%dma_wait3A_1965, %dma_wait3A_1966] : memref<64x64xi32, #tpu.memory_space<vmem>> -> memref<1x64xi32, #tpu.memory_space<vmem>>
      %dma_wait3A_1968 = tpu.memref_squeeze %dma_wait3A_1967 : memref<1x64xi32, #tpu.memory_space<vmem>> -> memref<64xi32, #tpu.memory_space<vmem>>
      %dma_wait3A_1969 = arith.constant 0 : i32
      %dma_wait3A_1970 = arith.constant 0 : i32
      %dma_wait3A_1971 = tpu.memref_slice %arg12[%dma_wait3A_1969, %dma_wait3A_1970] : memref<10240x128xf32, #tpu.memory_space<vmem_shared>> -> memref<10240x128xf32, #tpu.memory_space<vmem_shared>>
      tpu.wait_indirect_dma semaphore(%arg22 : memref<!tpu.dma_semaphore, #tpu.memory_space<semaphore_mem>>) src(%arg11 : memref<64x128xf32, #tpu.memory_space<vmem>>) dst(%dma_wait3A_1971 : memref<10240x128xf32, #tpu.memory_space<vmem_shared>>)
      %dma_start3A_1972 = arith.constant 27 : i32
      %dma_start3A_1973 = arith.constant 0 : i32
      %dma_start3A_1974 = tpu.memref_slice %arg7[%dma_start3A_1972, %dma_start3A_1973] : memref<64x64xi32, #tpu.memory_space<vmem>> -> memref<1x64xi32, #tpu.memory_space<vmem>>
      %dma_start3A_1975 = tpu.memref_squeeze %dma_start3A_1974 : memref<1x64xi32, #tpu.memory_space<vmem>> -> memref<64xi32, #tpu.memory_space<vmem>>
      %dma_start3A_1976 = arith.constant 0 : i32
      %dma_start3A_1977 = arith.constant 0 : i32
      %dma_start3A_1978 = tpu.memref_slice %arg2[%dma_start3A_1976, %dma_start3A_1977] : memref<20480x128xf32, #tpu.memory_space<hbm>> -> memref<20480x128xf32, #tpu.memory_space<hbm>>
      tpu.enqueue_indirect_dma source(%dma_start3A_1978 : memref<20480x128xf32, #tpu.memory_space<hbm>>) target(%arg11 : memref<64x128xf32, #tpu.memory_space<vmem>>) offsets(%dma_start3A_1975 : memref<64xi32, #tpu.memory_space<vmem>>) semaphore(%arg18 : memref<!tpu.dma_semaphore, #tpu.memory_space<semaphore_mem>>)
      %dma_wait3A_1979 = arith.constant 25 : i32
      %dma_wait3A_1980 = arith.constant 0 : i32
      %dma_wait3A_1981 = tpu.memref_slice %arg7[%dma_wait3A_1979, %dma_wait3A_1980] : memref<64x64xi32, #tpu.memory_space<vmem>> -> memref<1x64xi32, #tpu.memory_space<vmem>>
      %dma_wait3A_1982 = tpu.memref_squeeze %dma_wait3A_1981 : memref<1x64xi32, #tpu.memory_space<vmem>> -> memref<64xi32, #tpu.memory_space<vmem>>
      %dma_wait3A_1983 = arith.constant 0 : i32
      %dma_wait3A_1984 = arith.constant 0 : i32
      %dma_wait3A_1985 = tpu.memref_slice %arg2[%dma_wait3A_1983, %dma_wait3A_1984] : memref<20480x128xf32, #tpu.memory_space<hbm>> -> memref<20480x128xf32, #tpu.memory_space<hbm>>
      tpu.wait_indirect_dma semaphore(%arg16 : memref<!tpu.dma_semaphore, #tpu.memory_space<semaphore_mem>>) src(%dma_wait3A_1985 : memref<20480x128xf32, #tpu.memory_space<hbm>>) dst(%arg9 : memref<64x128xf32, #tpu.memory_space<vmem>>)
      %dma_start3A_1986 = arith.constant 57 : i32
      %dma_start3A_1987 = arith.constant 0 : i32
      %dma_start3A_1988 = tpu.memref_slice %arg7[%dma_start3A_1986, %dma_start3A_1987] : memref<64x64xi32, #tpu.memory_space<vmem>> -> memref<1x64xi32, #tpu.memory_space<vmem>>
      %dma_start3A_1989 = tpu.memref_squeeze %dma_start3A_1988 : memref<1x64xi32, #tpu.memory_space<vmem>> -> memref<64xi32, #tpu.memory_space<vmem>>
      %dma_start3A_1990 = arith.constant 0 : i32
      %dma_start3A_1991 = arith.constant 0 : i32
      %dma_start3A_1992 = tpu.memref_slice %arg12[%dma_start3A_1990, %dma_start3A_1991] : memref<10240x128xf32, #tpu.memory_space<vmem_shared>> -> memref<10240x128xf32, #tpu.memory_space<vmem_shared>>
      tpu.enqueue_indirect_dma source(%arg9 : memref<64x128xf32, #tpu.memory_space<vmem>>) target(%dma_start3A_1992 : memref<10240x128xf32, #tpu.memory_space<vmem_shared>>) offsets(%dma_start3A_1989 : memref<64xi32, #tpu.memory_space<vmem>>) semaphore(%arg20 : memref<!tpu.dma_semaphore, #tpu.memory_space<semaphore_mem>>) {add = true}
      %dma_wait3A_1993 = arith.constant 56 : i32
      %dma_wait3A_1994 = arith.constant 0 : i32
      %dma_wait3A_1995 = tpu.memref_slice %arg7[%dma_wait3A_1993, %dma_wait3A_1994] : memref<64x64xi32, #tpu.memory_space<vmem>> -> memref<1x64xi32, #tpu.memory_space<vmem>>
      %dma_wait3A_1996 = tpu.memref_squeeze %dma_wait3A_1995 : memref<1x64xi32, #tpu.memory_space<vmem>> -> memref<64xi32, #tpu.memory_space<vmem>>
      %dma_wait3A_1997 = arith.constant 0 : i32
      %dma_wait3A_1998 = arith.constant 0 : i32
      %dma_wait3A_1999 = tpu.memref_slice %arg12[%dma_wait3A_1997, %dma_wait3A_1998] : memref<10240x128xf32, #tpu.memory_space<vmem_shared>> -> memref<10240x128xf32, #tpu.memory_space<vmem_shared>>
      tpu.wait_indirect_dma semaphore(%arg19 : memref<!tpu.dma_semaphore, #tpu.memory_space<semaphore_mem>>) src(%arg8 : memref<64x128xf32, #tpu.memory_space<vmem>>) dst(%dma_wait3A_1999 : memref<10240x128xf32, #tpu.memory_space<vmem_shared>>)
      %dma_start3A_2000 = arith.constant 28 : i32
      %dma_start3A_2001 = arith.constant 0 : i32
      %dma_start3A_2002 = tpu.memref_slice %arg7[%dma_start3A_2000, %dma_start3A_2001] : memref<64x64xi32, #tpu.memory_space<vmem>> -> memref<1x64xi32, #tpu.memory_space<vmem>>
      %dma_start3A_2003 = tpu.memref_squeeze %dma_start3A_2002 : memref<1x64xi32, #tpu.memory_space<vmem>> -> memref<64xi32, #tpu.memory_space<vmem>>
      %dma_start3A_2004 = arith.constant 0 : i32
      %dma_start3A_2005 = arith.constant 0 : i32
      %dma_start3A_2006 = tpu.memref_slice %arg2[%dma_start3A_2004, %dma_start3A_2005] : memref<20480x128xf32, #tpu.memory_space<hbm>> -> memref<20480x128xf32, #tpu.memory_space<hbm>>
      tpu.enqueue_indirect_dma source(%dma_start3A_2006 : memref<20480x128xf32, #tpu.memory_space<hbm>>) target(%arg8 : memref<64x128xf32, #tpu.memory_space<vmem>>) offsets(%dma_start3A_2003 : memref<64xi32, #tpu.memory_space<vmem>>) semaphore(%arg15 : memref<!tpu.dma_semaphore, #tpu.memory_space<semaphore_mem>>)
      %dma_wait3A_2007 = arith.constant 26 : i32
      %dma_wait3A_2008 = arith.constant 0 : i32
      %dma_wait3A_2009 = tpu.memref_slice %arg7[%dma_wait3A_2007, %dma_wait3A_2008] : memref<64x64xi32, #tpu.memory_space<vmem>> -> memref<1x64xi32, #tpu.memory_space<vmem>>
      %dma_wait3A_2010 = tpu.memref_squeeze %dma_wait3A_2009 : memref<1x64xi32, #tpu.memory_space<vmem>> -> memref<64xi32, #tpu.memory_space<vmem>>
      %dma_wait3A_2011 = arith.constant 0 : i32
      %dma_wait3A_2012 = arith.constant 0 : i32
      %dma_wait3A_2013 = tpu.memref_slice %arg2[%dma_wait3A_2011, %dma_wait3A_2012] : memref<20480x128xf32, #tpu.memory_space<hbm>> -> memref<20480x128xf32, #tpu.memory_space<hbm>>
      tpu.wait_indirect_dma semaphore(%arg17 : memref<!tpu.dma_semaphore, #tpu.memory_space<semaphore_mem>>) src(%dma_wait3A_2013 : memref<20480x128xf32, #tpu.memory_space<hbm>>) dst(%arg10 : memref<64x128xf32, #tpu.memory_space<vmem>>)
      %dma_start3A_2014 = arith.constant 58 : i32
      %dma_start3A_2015 = arith.constant 0 : i32
      %dma_start3A_2016 = tpu.memref_slice %arg7[%dma_start3A_2014, %dma_start3A_2015] : memref<64x64xi32, #tpu.memory_space<vmem>> -> memref<1x64xi32, #tpu.memory_space<vmem>>
      %dma_start3A_2017 = tpu.memref_squeeze %dma_start3A_2016 : memref<1x64xi32, #tpu.memory_space<vmem>> -> memref<64xi32, #tpu.memory_space<vmem>>
      %dma_start3A_2018 = arith.constant 0 : i32
      %dma_start3A_2019 = arith.constant 0 : i32
      %dma_start3A_2020 = tpu.memref_slice %arg12[%dma_start3A_2018, %dma_start3A_2019] : memref<10240x128xf32, #tpu.memory_space<vmem_shared>> -> memref<10240x128xf32, #tpu.memory_space<vmem_shared>>
      tpu.enqueue_indirect_dma source(%arg10 : memref<64x128xf32, #tpu.memory_space<vmem>>) target(%dma_start3A_2020 : memref<10240x128xf32, #tpu.memory_space<vmem_shared>>) offsets(%dma_start3A_2017 : memref<64xi32, #tpu.memory_space<vmem>>) semaphore(%arg21 : memref<!tpu.dma_semaphore, #tpu.memory_space<semaphore_mem>>) {add = true}
      %dma_wait3A_2021 = arith.constant 57 : i32
      %dma_wait3A_2022 = arith.constant 0 : i32
      %dma_wait3A_2023 = tpu.memref_slice %arg7[%dma_wait3A_2021, %dma_wait3A_2022] : memref<64x64xi32, #tpu.memory_space<vmem>> -> memref<1x64xi32, #tpu.memory_space<vmem>>
      %dma_wait3A_2024 = tpu.memref_squeeze %dma_wait3A_2023 : memref<1x64xi32, #tpu.memory_space<vmem>> -> memref<64xi32, #tpu.memory_space<vmem>>
      %dma_wait3A_2025 = arith.constant 0 : i32
      %dma_wait3A_2026 = arith.constant 0 : i32
      %dma_wait3A_2027 = tpu.memref_slice %arg12[%dma_wait3A_2025, %dma_wait3A_2026] : memref<10240x128xf32, #tpu.memory_space<vmem_shared>> -> memref<10240x128xf32, #tpu.memory_space<vmem_shared>>
      tpu.wait_indirect_dma semaphore(%arg20 : memref<!tpu.dma_semaphore, #tpu.memory_space<semaphore_mem>>) src(%arg9 : memref<64x128xf32, #tpu.memory_space<vmem>>) dst(%dma_wait3A_2027 : memref<10240x128xf32, #tpu.memory_space<vmem_shared>>)
      %dma_start3A_2028 = arith.constant 29 : i32
      %dma_start3A_2029 = arith.constant 0 : i32
      %dma_start3A_2030 = tpu.memref_slice %arg7[%dma_start3A_2028, %dma_start3A_2029] : memref<64x64xi32, #tpu.memory_space<vmem>> -> memref<1x64xi32, #tpu.memory_space<vmem>>
      %dma_start3A_2031 = tpu.memref_squeeze %dma_start3A_2030 : memref<1x64xi32, #tpu.memory_space<vmem>> -> memref<64xi32, #tpu.memory_space<vmem>>
      %dma_start3A_2032 = arith.constant 0 : i32
      %dma_start3A_2033 = arith.constant 0 : i32
      %dma_start3A_2034 = tpu.memref_slice %arg2[%dma_start3A_2032, %dma_start3A_2033] : memref<20480x128xf32, #tpu.memory_space<hbm>> -> memref<20480x128xf32, #tpu.memory_space<hbm>>
      tpu.enqueue_indirect_dma source(%dma_start3A_2034 : memref<20480x128xf32, #tpu.memory_space<hbm>>) target(%arg9 : memref<64x128xf32, #tpu.memory_space<vmem>>) offsets(%dma_start3A_2031 : memref<64xi32, #tpu.memory_space<vmem>>) semaphore(%arg16 : memref<!tpu.dma_semaphore, #tpu.memory_space<semaphore_mem>>)
      %dma_wait3A_2035 = arith.constant 27 : i32
      %dma_wait3A_2036 = arith.constant 0 : i32
      %dma_wait3A_2037 = tpu.memref_slice %arg7[%dma_wait3A_2035, %dma_wait3A_2036] : memref<64x64xi32, #tpu.memory_space<vmem>> -> memref<1x64xi32, #tpu.memory_space<vmem>>
      %dma_wait3A_2038 = tpu.memref_squeeze %dma_wait3A_2037 : memref<1x64xi32, #tpu.memory_space<vmem>> -> memref<64xi32, #tpu.memory_space<vmem>>
      %dma_wait3A_2039 = arith.constant 0 : i32
      %dma_wait3A_2040 = arith.constant 0 : i32
      %dma_wait3A_2041 = tpu.memref_slice %arg2[%dma_wait3A_2039, %dma_wait3A_2040] : memref<20480x128xf32, #tpu.memory_space<hbm>> -> memref<20480x128xf32, #tpu.memory_space<hbm>>
      tpu.wait_indirect_dma semaphore(%arg18 : memref<!tpu.dma_semaphore, #tpu.memory_space<semaphore_mem>>) src(%dma_wait3A_2041 : memref<20480x128xf32, #tpu.memory_space<hbm>>) dst(%arg11 : memref<64x128xf32, #tpu.memory_space<vmem>>)
      %dma_start3A_2042 = arith.constant 59 : i32
      %dma_start3A_2043 = arith.constant 0 : i32
      %dma_start3A_2044 = tpu.memref_slice %arg7[%dma_start3A_2042, %dma_start3A_2043] : memref<64x64xi32, #tpu.memory_space<vmem>> -> memref<1x64xi32, #tpu.memory_space<vmem>>
      %dma_start3A_2045 = tpu.memref_squeeze %dma_start3A_2044 : memref<1x64xi32, #tpu.memory_space<vmem>> -> memref<64xi32, #tpu.memory_space<vmem>>
      %dma_start3A_2046 = arith.constant 0 : i32
      %dma_start3A_2047 = arith.constant 0 : i32
      %dma_start3A_2048 = tpu.memref_slice %arg12[%dma_start3A_2046, %dma_start3A_2047] : memref<10240x128xf32, #tpu.memory_space<vmem_shared>> -> memref<10240x128xf32, #tpu.memory_space<vmem_shared>>
      tpu.enqueue_indirect_dma source(%arg11 : memref<64x128xf32, #tpu.memory_space<vmem>>) target(%dma_start3A_2048 : memref<10240x128xf32, #tpu.memory_space<vmem_shared>>) offsets(%dma_start3A_2045 : memref<64xi32, #tpu.memory_space<vmem>>) semaphore(%arg22 : memref<!tpu.dma_semaphore, #tpu.memory_space<semaphore_mem>>) {add = true}
      %dma_wait3A_2049 = arith.constant 58 : i32
      %dma_wait3A_2050 = arith.constant 0 : i32
      %dma_wait3A_2051 = tpu.memref_slice %arg7[%dma_wait3A_2049, %dma_wait3A_2050] : memref<64x64xi32, #tpu.memory_space<vmem>> -> memref<1x64xi32, #tpu.memory_space<vmem>>
      %dma_wait3A_2052 = tpu.memref_squeeze %dma_wait3A_2051 : memref<1x64xi32, #tpu.memory_space<vmem>> -> memref<64xi32, #tpu.memory_space<vmem>>
      %dma_wait3A_2053 = arith.constant 0 : i32
      %dma_wait3A_2054 = arith.constant 0 : i32
      %dma_wait3A_2055 = tpu.memref_slice %arg12[%dma_wait3A_2053, %dma_wait3A_2054] : memref<10240x128xf32, #tpu.memory_space<vmem_shared>> -> memref<10240x128xf32, #tpu.memory_space<vmem_shared>>
      tpu.wait_indirect_dma semaphore(%arg21 : memref<!tpu.dma_semaphore, #tpu.memory_space<semaphore_mem>>) src(%arg10 : memref<64x128xf32, #tpu.memory_space<vmem>>) dst(%dma_wait3A_2055 : memref<10240x128xf32, #tpu.memory_space<vmem_shared>>)
      %dma_start3A_2056 = arith.constant 30 : i32
      %dma_start3A_2057 = arith.constant 0 : i32
      %dma_start3A_2058 = tpu.memref_slice %arg7[%dma_start3A_2056, %dma_start3A_2057] : memref<64x64xi32, #tpu.memory_space<vmem>> -> memref<1x64xi32, #tpu.memory_space<vmem>>
      %dma_start3A_2059 = tpu.memref_squeeze %dma_start3A_2058 : memref<1x64xi32, #tpu.memory_space<vmem>> -> memref<64xi32, #tpu.memory_space<vmem>>
      %dma_start3A_2060 = arith.constant 0 : i32
      %dma_start3A_2061 = arith.constant 0 : i32
      %dma_start3A_2062 = tpu.memref_slice %arg2[%dma_start3A_2060, %dma_start3A_2061] : memref<20480x128xf32, #tpu.memory_space<hbm>> -> memref<20480x128xf32, #tpu.memory_space<hbm>>
      tpu.enqueue_indirect_dma source(%dma_start3A_2062 : memref<20480x128xf32, #tpu.memory_space<hbm>>) target(%arg10 : memref<64x128xf32, #tpu.memory_space<vmem>>) offsets(%dma_start3A_2059 : memref<64xi32, #tpu.memory_space<vmem>>) semaphore(%arg17 : memref<!tpu.dma_semaphore, #tpu.memory_space<semaphore_mem>>)
      %dma_wait3A_2063 = arith.constant 28 : i32
      %dma_wait3A_2064 = arith.constant 0 : i32
      %dma_wait3A_2065 = tpu.memref_slice %arg7[%dma_wait3A_2063, %dma_wait3A_2064] : memref<64x64xi32, #tpu.memory_space<vmem>> -> memref<1x64xi32, #tpu.memory_space<vmem>>
      %dma_wait3A_2066 = tpu.memref_squeeze %dma_wait3A_2065 : memref<1x64xi32, #tpu.memory_space<vmem>> -> memref<64xi32, #tpu.memory_space<vmem>>
      %dma_wait3A_2067 = arith.constant 0 : i32
      %dma_wait3A_2068 = arith.constant 0 : i32
      %dma_wait3A_2069 = tpu.memref_slice %arg2[%dma_wait3A_2067, %dma_wait3A_2068] : memref<20480x128xf32, #tpu.memory_space<hbm>> -> memref<20480x128xf32, #tpu.memory_space<hbm>>
      tpu.wait_indirect_dma semaphore(%arg15 : memref<!tpu.dma_semaphore, #tpu.memory_space<semaphore_mem>>) src(%dma_wait3A_2069 : memref<20480x128xf32, #tpu.memory_space<hbm>>) dst(%arg8 : memref<64x128xf32, #tpu.memory_space<vmem>>)
      %dma_start3A_2070 = arith.constant 60 : i32
      %dma_start3A_2071 = arith.constant 0 : i32
      %dma_start3A_2072 = tpu.memref_slice %arg7[%dma_start3A_2070, %dma_start3A_2071] : memref<64x64xi32, #tpu.memory_space<vmem>> -> memref<1x64xi32, #tpu.memory_space<vmem>>
      %dma_start3A_2073 = tpu.memref_squeeze %dma_start3A_2072 : memref<1x64xi32, #tpu.memory_space<vmem>> -> memref<64xi32, #tpu.memory_space<vmem>>
      %dma_start3A_2074 = arith.constant 0 : i32
      %dma_start3A_2075 = arith.constant 0 : i32
      %dma_start3A_2076 = tpu.memref_slice %arg12[%dma_start3A_2074, %dma_start3A_2075] : memref<10240x128xf32, #tpu.memory_space<vmem_shared>> -> memref<10240x128xf32, #tpu.memory_space<vmem_shared>>
      tpu.enqueue_indirect_dma source(%arg8 : memref<64x128xf32, #tpu.memory_space<vmem>>) target(%dma_start3A_2076 : memref<10240x128xf32, #tpu.memory_space<vmem_shared>>) offsets(%dma_start3A_2073 : memref<64xi32, #tpu.memory_space<vmem>>) semaphore(%arg19 : memref<!tpu.dma_semaphore, #tpu.memory_space<semaphore_mem>>) {add = true}
      %dma_wait3A_2077 = arith.constant 59 : i32
      %dma_wait3A_2078 = arith.constant 0 : i32
      %dma_wait3A_2079 = tpu.memref_slice %arg7[%dma_wait3A_2077, %dma_wait3A_2078] : memref<64x64xi32, #tpu.memory_space<vmem>> -> memref<1x64xi32, #tpu.memory_space<vmem>>
      %dma_wait3A_2080 = tpu.memref_squeeze %dma_wait3A_2079 : memref<1x64xi32, #tpu.memory_space<vmem>> -> memref<64xi32, #tpu.memory_space<vmem>>
      %dma_wait3A_2081 = arith.constant 0 : i32
      %dma_wait3A_2082 = arith.constant 0 : i32
      %dma_wait3A_2083 = tpu.memref_slice %arg12[%dma_wait3A_2081, %dma_wait3A_2082] : memref<10240x128xf32, #tpu.memory_space<vmem_shared>> -> memref<10240x128xf32, #tpu.memory_space<vmem_shared>>
      tpu.wait_indirect_dma semaphore(%arg22 : memref<!tpu.dma_semaphore, #tpu.memory_space<semaphore_mem>>) src(%arg11 : memref<64x128xf32, #tpu.memory_space<vmem>>) dst(%dma_wait3A_2083 : memref<10240x128xf32, #tpu.memory_space<vmem_shared>>)
      %dma_start3A_2084 = arith.constant 31 : i32
      %dma_start3A_2085 = arith.constant 0 : i32
      %dma_start3A_2086 = tpu.memref_slice %arg7[%dma_start3A_2084, %dma_start3A_2085] : memref<64x64xi32, #tpu.memory_space<vmem>> -> memref<1x64xi32, #tpu.memory_space<vmem>>
      %dma_start3A_2087 = tpu.memref_squeeze %dma_start3A_2086 : memref<1x64xi32, #tpu.memory_space<vmem>> -> memref<64xi32, #tpu.memory_space<vmem>>
      %dma_start3A_2088 = arith.constant 0 : i32
      %dma_start3A_2089 = arith.constant 0 : i32
      %dma_start3A_2090 = tpu.memref_slice %arg2[%dma_start3A_2088, %dma_start3A_2089] : memref<20480x128xf32, #tpu.memory_space<hbm>> -> memref<20480x128xf32, #tpu.memory_space<hbm>>
      tpu.enqueue_indirect_dma source(%dma_start3A_2090 : memref<20480x128xf32, #tpu.memory_space<hbm>>) target(%arg11 : memref<64x128xf32, #tpu.memory_space<vmem>>) offsets(%dma_start3A_2087 : memref<64xi32, #tpu.memory_space<vmem>>) semaphore(%arg18 : memref<!tpu.dma_semaphore, #tpu.memory_space<semaphore_mem>>)
      %dma_wait3A_2091 = arith.constant 29 : i32
      %dma_wait3A_2092 = arith.constant 0 : i32
      %dma_wait3A_2093 = tpu.memref_slice %arg7[%dma_wait3A_2091, %dma_wait3A_2092] : memref<64x64xi32, #tpu.memory_space<vmem>> -> memref<1x64xi32, #tpu.memory_space<vmem>>
      %dma_wait3A_2094 = tpu.memref_squeeze %dma_wait3A_2093 : memref<1x64xi32, #tpu.memory_space<vmem>> -> memref<64xi32, #tpu.memory_space<vmem>>
      %dma_wait3A_2095 = arith.constant 0 : i32
      %dma_wait3A_2096 = arith.constant 0 : i32
      %dma_wait3A_2097 = tpu.memref_slice %arg2[%dma_wait3A_2095, %dma_wait3A_2096] : memref<20480x128xf32, #tpu.memory_space<hbm>> -> memref<20480x128xf32, #tpu.memory_space<hbm>>
      tpu.wait_indirect_dma semaphore(%arg16 : memref<!tpu.dma_semaphore, #tpu.memory_space<semaphore_mem>>) src(%dma_wait3A_2097 : memref<20480x128xf32, #tpu.memory_space<hbm>>) dst(%arg9 : memref<64x128xf32, #tpu.memory_space<vmem>>)
      %dma_start3A_2098 = arith.constant 61 : i32
      %dma_start3A_2099 = arith.constant 0 : i32
      %dma_start3A_2100 = tpu.memref_slice %arg7[%dma_start3A_2098, %dma_start3A_2099] : memref<64x64xi32, #tpu.memory_space<vmem>> -> memref<1x64xi32, #tpu.memory_space<vmem>>
      %dma_start3A_2101 = tpu.memref_squeeze %dma_start3A_2100 : memref<1x64xi32, #tpu.memory_space<vmem>> -> memref<64xi32, #tpu.memory_space<vmem>>
      %dma_start3A_2102 = arith.constant 0 : i32
      %dma_start3A_2103 = arith.constant 0 : i32
      %dma_start3A_2104 = tpu.memref_slice %arg12[%dma_start3A_2102, %dma_start3A_2103] : memref<10240x128xf32, #tpu.memory_space<vmem_shared>> -> memref<10240x128xf32, #tpu.memory_space<vmem_shared>>
      tpu.enqueue_indirect_dma source(%arg9 : memref<64x128xf32, #tpu.memory_space<vmem>>) target(%dma_start3A_2104 : memref<10240x128xf32, #tpu.memory_space<vmem_shared>>) offsets(%dma_start3A_2101 : memref<64xi32, #tpu.memory_space<vmem>>) semaphore(%arg20 : memref<!tpu.dma_semaphore, #tpu.memory_space<semaphore_mem>>) {add = true}
      %dma_wait3A_2105 = arith.constant 30 : i32
      %dma_wait3A_2106 = arith.constant 0 : i32
      %dma_wait3A_2107 = tpu.memref_slice %arg7[%dma_wait3A_2105, %dma_wait3A_2106] : memref<64x64xi32, #tpu.memory_space<vmem>> -> memref<1x64xi32, #tpu.memory_space<vmem>>
      %dma_wait3A_2108 = tpu.memref_squeeze %dma_wait3A_2107 : memref<1x64xi32, #tpu.memory_space<vmem>> -> memref<64xi32, #tpu.memory_space<vmem>>
      %dma_wait3A_2109 = arith.constant 0 : i32
      %dma_wait3A_2110 = arith.constant 0 : i32
      %dma_wait3A_2111 = tpu.memref_slice %arg2[%dma_wait3A_2109, %dma_wait3A_2110] : memref<20480x128xf32, #tpu.memory_space<hbm>> -> memref<20480x128xf32, #tpu.memory_space<hbm>>
      tpu.wait_indirect_dma semaphore(%arg17 : memref<!tpu.dma_semaphore, #tpu.memory_space<semaphore_mem>>) src(%dma_wait3A_2111 : memref<20480x128xf32, #tpu.memory_space<hbm>>) dst(%arg10 : memref<64x128xf32, #tpu.memory_space<vmem>>)
      %dma_start3A_2112 = arith.constant 62 : i32
      %dma_start3A_2113 = arith.constant 0 : i32
      %dma_start3A_2114 = tpu.memref_slice %arg7[%dma_start3A_2112, %dma_start3A_2113] : memref<64x64xi32, #tpu.memory_space<vmem>> -> memref<1x64xi32, #tpu.memory_space<vmem>>
      %dma_start3A_2115 = tpu.memref_squeeze %dma_start3A_2114 : memref<1x64xi32, #tpu.memory_space<vmem>> -> memref<64xi32, #tpu.memory_space<vmem>>
      %dma_start3A_2116 = arith.constant 0 : i32
      %dma_start3A_2117 = arith.constant 0 : i32
      %dma_start3A_2118 = tpu.memref_slice %arg12[%dma_start3A_2116, %dma_start3A_2117] : memref<10240x128xf32, #tpu.memory_space<vmem_shared>> -> memref<10240x128xf32, #tpu.memory_space<vmem_shared>>
      tpu.enqueue_indirect_dma source(%arg10 : memref<64x128xf32, #tpu.memory_space<vmem>>) target(%dma_start3A_2118 : memref<10240x128xf32, #tpu.memory_space<vmem_shared>>) offsets(%dma_start3A_2115 : memref<64xi32, #tpu.memory_space<vmem>>) semaphore(%arg21 : memref<!tpu.dma_semaphore, #tpu.memory_space<semaphore_mem>>) {add = true}
      %dma_wait3A_2119 = arith.constant 31 : i32
      %dma_wait3A_2120 = arith.constant 0 : i32
      %dma_wait3A_2121 = tpu.memref_slice %arg7[%dma_wait3A_2119, %dma_wait3A_2120] : memref<64x64xi32, #tpu.memory_space<vmem>> -> memref<1x64xi32, #tpu.memory_space<vmem>>
      %dma_wait3A_2122 = tpu.memref_squeeze %dma_wait3A_2121 : memref<1x64xi32, #tpu.memory_space<vmem>> -> memref<64xi32, #tpu.memory_space<vmem>>
      %dma_wait3A_2123 = arith.constant 0 : i32
      %dma_wait3A_2124 = arith.constant 0 : i32
      %dma_wait3A_2125 = tpu.memref_slice %arg2[%dma_wait3A_2123, %dma_wait3A_2124] : memref<20480x128xf32, #tpu.memory_space<hbm>> -> memref<20480x128xf32, #tpu.memory_space<hbm>>
      tpu.wait_indirect_dma semaphore(%arg18 : memref<!tpu.dma_semaphore, #tpu.memory_space<semaphore_mem>>) src(%dma_wait3A_2125 : memref<20480x128xf32, #tpu.memory_space<hbm>>) dst(%arg11 : memref<64x128xf32, #tpu.memory_space<vmem>>)
      %dma_start3A_2126 = arith.constant 63 : i32
      %dma_start3A_2127 = arith.constant 0 : i32
      %dma_start3A_2128 = tpu.memref_slice %arg7[%dma_start3A_2126, %dma_start3A_2127] : memref<64x64xi32, #tpu.memory_space<vmem>> -> memref<1x64xi32, #tpu.memory_space<vmem>>
      %dma_start3A_2129 = tpu.memref_squeeze %dma_start3A_2128 : memref<1x64xi32, #tpu.memory_space<vmem>> -> memref<64xi32, #tpu.memory_space<vmem>>
      %dma_start3A_2130 = arith.constant 0 : i32
      %dma_start3A_2131 = arith.constant 0 : i32
      %dma_start3A_2132 = tpu.memref_slice %arg12[%dma_start3A_2130, %dma_start3A_2131] : memref<10240x128xf32, #tpu.memory_space<vmem_shared>> -> memref<10240x128xf32, #tpu.memory_space<vmem_shared>>
      tpu.enqueue_indirect_dma source(%arg11 : memref<64x128xf32, #tpu.memory_space<vmem>>) target(%dma_start3A_2132 : memref<10240x128xf32, #tpu.memory_space<vmem_shared>>) offsets(%dma_start3A_2129 : memref<64xi32, #tpu.memory_space<vmem>>) semaphore(%arg22 : memref<!tpu.dma_semaphore, #tpu.memory_space<semaphore_mem>>) {add = true}
      %dma_wait3A_2133 = arith.constant 60 : i32
      %dma_wait3A_2134 = arith.constant 0 : i32
      %dma_wait3A_2135 = tpu.memref_slice %arg7[%dma_wait3A_2133, %dma_wait3A_2134] : memref<64x64xi32, #tpu.memory_space<vmem>> -> memref<1x64xi32, #tpu.memory_space<vmem>>
      %dma_wait3A_2136 = tpu.memref_squeeze %dma_wait3A_2135 : memref<1x64xi32, #tpu.memory_space<vmem>> -> memref<64xi32, #tpu.memory_space<vmem>>
      %dma_wait3A_2137 = arith.constant 0 : i32
      %dma_wait3A_2138 = arith.constant 0 : i32
      %dma_wait3A_2139 = tpu.memref_slice %arg12[%dma_wait3A_2137, %dma_wait3A_2138] : memref<10240x128xf32, #tpu.memory_space<vmem_shared>> -> memref<10240x128xf32, #tpu.memory_space<vmem_shared>>
      tpu.wait_indirect_dma semaphore(%arg19 : memref<!tpu.dma_semaphore, #tpu.memory_space<semaphore_mem>>) src(%arg8 : memref<64x128xf32, #tpu.memory_space<vmem>>) dst(%dma_wait3A_2139 : memref<10240x128xf32, #tpu.memory_space<vmem_shared>>)
      %dma_wait3A_2140 = arith.constant 61 : i32
      %dma_wait3A_2141 = arith.constant 0 : i32
      %dma_wait3A_2142 = tpu.memref_slice %arg7[%dma_wait3A_2140, %dma_wait3A_2141] : memref<64x64xi32, #tpu.memory_space<vmem>> -> memref<1x64xi32, #tpu.memory_space<vmem>>
      %dma_wait3A_2143 = tpu.memref_squeeze %dma_wait3A_2142 : memref<1x64xi32, #tpu.memory_space<vmem>> -> memref<64xi32, #tpu.memory_space<vmem>>
      %dma_wait3A_2144 = arith.constant 0 : i32
      %dma_wait3A_2145 = arith.constant 0 : i32
      %dma_wait3A_2146 = tpu.memref_slice %arg12[%dma_wait3A_2144, %dma_wait3A_2145] : memref<10240x128xf32, #tpu.memory_space<vmem_shared>> -> memref<10240x128xf32, #tpu.memory_space<vmem_shared>>
      tpu.wait_indirect_dma semaphore(%arg20 : memref<!tpu.dma_semaphore, #tpu.memory_space<semaphore_mem>>) src(%arg9 : memref<64x128xf32, #tpu.memory_space<vmem>>) dst(%dma_wait3A_2146 : memref<10240x128xf32, #tpu.memory_space<vmem_shared>>)
      %dma_wait3A_2147 = arith.constant 62 : i32
      %dma_wait3A_2148 = arith.constant 0 : i32
      %dma_wait3A_2149 = tpu.memref_slice %arg7[%dma_wait3A_2147, %dma_wait3A_2148] : memref<64x64xi32, #tpu.memory_space<vmem>> -> memref<1x64xi32, #tpu.memory_space<vmem>>
      %dma_wait3A_2150 = tpu.memref_squeeze %dma_wait3A_2149 : memref<1x64xi32, #tpu.memory_space<vmem>> -> memref<64xi32, #tpu.memory_space<vmem>>
      %dma_wait3A_2151 = arith.constant 0 : i32
      %dma_wait3A_2152 = arith.constant 0 : i32
      %dma_wait3A_2153 = tpu.memref_slice %arg12[%dma_wait3A_2151, %dma_wait3A_2152] : memref<10240x128xf32, #tpu.memory_space<vmem_shared>> -> memref<10240x128xf32, #tpu.memory_space<vmem_shared>>
      tpu.wait_indirect_dma semaphore(%arg21 : memref<!tpu.dma_semaphore, #tpu.memory_space<semaphore_mem>>) src(%arg10 : memref<64x128xf32, #tpu.memory_space<vmem>>) dst(%dma_wait3A_2153 : memref<10240x128xf32, #tpu.memory_space<vmem_shared>>)
      %dma_wait3A_2154 = arith.constant 63 : i32
      %dma_wait3A_2155 = arith.constant 0 : i32
      %dma_wait3A_2156 = tpu.memref_slice %arg7[%dma_wait3A_2154, %dma_wait3A_2155] : memref<64x64xi32, #tpu.memory_space<vmem>> -> memref<1x64xi32, #tpu.memory_space<vmem>>
      %dma_wait3A_2157 = tpu.memref_squeeze %dma_wait3A_2156 : memref<1x64xi32, #tpu.memory_space<vmem>> -> memref<64xi32, #tpu.memory_space<vmem>>
      %dma_wait3A_2158 = arith.constant 0 : i32
      %dma_wait3A_2159 = arith.constant 0 : i32
      %dma_wait3A_2160 = tpu.memref_slice %arg12[%dma_wait3A_2158, %dma_wait3A_2159] : memref<10240x128xf32, #tpu.memory_space<vmem_shared>> -> memref<10240x128xf32, #tpu.memory_space<vmem_shared>>
      tpu.wait_indirect_dma semaphore(%arg22 : memref<!tpu.dma_semaphore, #tpu.memory_space<semaphore_mem>>) src(%arg11 : memref<64x128xf32, #tpu.memory_space<vmem>>) dst(%dma_wait3A_2160 : memref<10240x128xf32, #tpu.memory_space<vmem_shared>>)
      %add3A_2161 = arith.constant 2 : i32
      %add3A_2162 = arith.addi %add3A_1259, %add3A_2161 : i32
      %lt3A_2163 = arith.constant 10 : i32
      %lt3A_2164 = arith.cmpi slt, %add3A_2162, %lt3A_2163 : i32
      %convert_element_type3A_2165 = arith.extui %lt3A_2164 : i1 to i32
      %cond3A_2166 = arith.constant 0 : i32
      %cond3A_2167 = arith.cmpi ne, %convert_element_type3A_2165, %cond3A_2166 : i32
      scf.if %cond3A_2167 {
        %add3A_2168 = arith.constant 2 : i32
        %add3A_2169 = arith.addi %add3A_1259, %add3A_2168 : i32
        %mul3A_2170 = arith.constant 64 : i32
        %mul3A_2171 = arith.muli %add3A_2169, %mul3A_2170 : i32
        %add3A_2172 = arith.addi %mul3A_104, %mul3A_2171 : i32
        %dma_start3A_2173 = arith.constant 0 : i32
        %dma_start3A_2174 = tpu.memref_slice %arg3[%add3A_2172, %dma_start3A_2173] : memref<20480x64xi32, #tpu.memory_space<hbm>> -> memref<64x64xi32, #tpu.memory_space<hbm>>
        %dma_start3A_2175 = arith.constant 0 : i32
        %dma_start3A_2176 = tpu.memref_slice %arg3[%add3A_2172, %dma_start3A_2175] : memref<20480x64xi32, #tpu.memory_space<hbm>> -> memref<64x64xi32, #tpu.memory_space<hbm>>
        tpu.enqueue_dma source(%dma_start3A_2176 : memref<64x64xi32, #tpu.memory_space<hbm>>) target(%arg7 : memref<64x64xi32, #tpu.memory_space<vmem>>) target_semaphore(%arg14 : memref<!tpu.dma_semaphore, #tpu.memory_space<semaphore_mem>>)
      } else {
      }
    }
    %scan3A_115 = arith.constant 5 : i32
    %barrier3A_116 = arith.constant 0 : index
    tpu.barrier barrier_id(%barrier3A_116)
    %add3A_117 = arith.constant 0 : i32
    %add3A_118 = arith.addi %mul3A_2, %add3A_117 : i32
    %dma_start3A_119 = arith.constant 0 : i32
    %dma_start3A_120 = tpu.memref_slice %arg12[%add3A_118, %dma_start3A_119] : memref<10240x128xf32, #tpu.memory_space<vmem_shared>> -> memref<64x128xf32, #tpu.memory_space<vmem_shared>>
    %dma_start3A_121 = arith.constant 0 : i32
    %dma_start3A_122 = tpu.memref_slice %arg12[%add3A_118, %dma_start3A_121] : memref<10240x128xf32, #tpu.memory_space<vmem_shared>> -> memref<64x128xf32, #tpu.memory_space<vmem_shared>>
    tpu.enqueue_dma source(%dma_start3A_122 : memref<64x128xf32, #tpu.memory_space<vmem_shared>>) target(%arg8 : memref<64x128xf32, #tpu.memory_space<vmem>>) target_semaphore(%arg15 : memref<!tpu.dma_semaphore, #tpu.memory_space<semaphore_mem>>)
    %dma_wait3A_123 = arith.constant 0 : i32
    %dma_wait3A_124 = tpu.memref_slice %arg12[%add3A_118, %dma_wait3A_123] : memref<10240x128xf32, #tpu.memory_space<vmem_shared>> -> memref<64x128xf32, #tpu.memory_space<vmem_shared>>
    %dma_wait3A_125 = arith.constant 0 : i32
    %dma_wait3A_126 = tpu.memref_slice %arg12[%add3A_118, %dma_wait3A_125] : memref<10240x128xf32, #tpu.memory_space<vmem_shared>> -> memref<64x128xf32, #tpu.memory_space<vmem_shared>>
    tpu.wait_dma2 semaphore(%arg15 : memref<!tpu.dma_semaphore, #tpu.memory_space<semaphore_mem>>) src(%dma_wait3A_126 : memref<64x128xf32, #tpu.memory_space<vmem_shared>>) dst(%arg8 : memref<64x128xf32, #tpu.memory_space<vmem>>)
    %mul3A_127 = arith.constant 10240 : i32
    %mul3A_128 = arith.muli %arg0, %mul3A_127 : i32
    %add3A_129 = arith.addi %mul3A_128, %mul3A_2 : i32
    %add3A_130 = arith.constant 0 : i32
    %add3A_131 = arith.addi %add3A_129, %add3A_130 : i32
    %dma_start3A_132 = arith.constant 0 : i32
    %dma_start3A_133 = tpu.memref_slice %arg5[%add3A_131, %dma_start3A_132] : memref<20480x128xf32, #tpu.memory_space<hbm>> -> memref<64x128xf32, #tpu.memory_space<hbm>>
    %dma_start3A_134 = arith.constant 0 : i32
    %dma_start3A_135 = tpu.memref_slice %arg5[%add3A_131, %dma_start3A_134] : memref<20480x128xf32, #tpu.memory_space<hbm>> -> memref<64x128xf32, #tpu.memory_space<hbm>>
    tpu.enqueue_dma source(%arg8 : memref<64x128xf32, #tpu.memory_space<vmem>>) target(%dma_start3A_135 : memref<64x128xf32, #tpu.memory_space<hbm>>) target_semaphore(%arg19 : memref<!tpu.dma_semaphore, #tpu.memory_space<semaphore_mem>>)
    %add3A_136 = arith.constant 64 : i32
    %add3A_137 = arith.addi %mul3A_2, %add3A_136 : i32
    %dma_start3A_138 = arith.constant 0 : i32
    %dma_start3A_139 = tpu.memref_slice %arg12[%add3A_137, %dma_start3A_138] : memref<10240x128xf32, #tpu.memory_space<vmem_shared>> -> memref<64x128xf32, #tpu.memory_space<vmem_shared>>
    %dma_start3A_140 = arith.constant 0 : i32
    %dma_start3A_141 = tpu.memref_slice %arg12[%add3A_137, %dma_start3A_140] : memref<10240x128xf32, #tpu.memory_space<vmem_shared>> -> memref<64x128xf32, #tpu.memory_space<vmem_shared>>
    tpu.enqueue_dma source(%dma_start3A_141 : memref<64x128xf32, #tpu.memory_space<vmem_shared>>) target(%arg9 : memref<64x128xf32, #tpu.memory_space<vmem>>) target_semaphore(%arg16 : memref<!tpu.dma_semaphore, #tpu.memory_space<semaphore_mem>>)
    %dma_wait3A_142 = arith.constant 0 : i32
    %dma_wait3A_143 = tpu.memref_slice %arg12[%add3A_137, %dma_wait3A_142] : memref<10240x128xf32, #tpu.memory_space<vmem_shared>> -> memref<64x128xf32, #tpu.memory_space<vmem_shared>>
    %dma_wait3A_144 = arith.constant 0 : i32
    %dma_wait3A_145 = tpu.memref_slice %arg12[%add3A_137, %dma_wait3A_144] : memref<10240x128xf32, #tpu.memory_space<vmem_shared>> -> memref<64x128xf32, #tpu.memory_space<vmem_shared>>
    tpu.wait_dma2 semaphore(%arg16 : memref<!tpu.dma_semaphore, #tpu.memory_space<semaphore_mem>>) src(%dma_wait3A_145 : memref<64x128xf32, #tpu.memory_space<vmem_shared>>) dst(%arg9 : memref<64x128xf32, #tpu.memory_space<vmem>>)
    %mul3A_146 = arith.constant 10240 : i32
    %mul3A_147 = arith.muli %arg0, %mul3A_146 : i32
    %add3A_148 = arith.addi %mul3A_147, %mul3A_2 : i32
    %add3A_149 = arith.constant 64 : i32
    %add3A_150 = arith.addi %add3A_148, %add3A_149 : i32
    %dma_start3A_151 = arith.constant 0 : i32
    %dma_start3A_152 = tpu.memref_slice %arg5[%add3A_150, %dma_start3A_151] : memref<20480x128xf32, #tpu.memory_space<hbm>> -> memref<64x128xf32, #tpu.memory_space<hbm>>
    %dma_start3A_153 = arith.constant 0 : i32
    %dma_start3A_154 = tpu.memref_slice %arg5[%add3A_150, %dma_start3A_153] : memref<20480x128xf32, #tpu.memory_space<hbm>> -> memref<64x128xf32, #tpu.memory_space<hbm>>
    tpu.enqueue_dma source(%arg9 : memref<64x128xf32, #tpu.memory_space<vmem>>) target(%dma_start3A_154 : memref<64x128xf32, #tpu.memory_space<hbm>>) target_semaphore(%arg20 : memref<!tpu.dma_semaphore, #tpu.memory_space<semaphore_mem>>)
    %add3A_155 = arith.constant 128 : i32
    %add3A_156 = arith.addi %mul3A_2, %add3A_155 : i32
    %dma_start3A_157 = arith.constant 0 : i32
    %dma_start3A_158 = tpu.memref_slice %arg12[%add3A_156, %dma_start3A_157] : memref<10240x128xf32, #tpu.memory_space<vmem_shared>> -> memref<64x128xf32, #tpu.memory_space<vmem_shared>>
    %dma_start3A_159 = arith.constant 0 : i32
    %dma_start3A_160 = tpu.memref_slice %arg12[%add3A_156, %dma_start3A_159] : memref<10240x128xf32, #tpu.memory_space<vmem_shared>> -> memref<64x128xf32, #tpu.memory_space<vmem_shared>>
    tpu.enqueue_dma source(%dma_start3A_160 : memref<64x128xf32, #tpu.memory_space<vmem_shared>>) target(%arg10 : memref<64x128xf32, #tpu.memory_space<vmem>>) target_semaphore(%arg17 : memref<!tpu.dma_semaphore, #tpu.memory_space<semaphore_mem>>)
    %dma_wait3A_161 = arith.constant 0 : i32
    %dma_wait3A_162 = tpu.memref_slice %arg12[%add3A_156, %dma_wait3A_161] : memref<10240x128xf32, #tpu.memory_space<vmem_shared>> -> memref<64x128xf32, #tpu.memory_space<vmem_shared>>
    %dma_wait3A_163 = arith.constant 0 : i32
    %dma_wait3A_164 = tpu.memref_slice %arg12[%add3A_156, %dma_wait3A_163] : memref<10240x128xf32, #tpu.memory_space<vmem_shared>> -> memref<64x128xf32, #tpu.memory_space<vmem_shared>>
    tpu.wait_dma2 semaphore(%arg17 : memref<!tpu.dma_semaphore, #tpu.memory_space<semaphore_mem>>) src(%dma_wait3A_164 : memref<64x128xf32, #tpu.memory_space<vmem_shared>>) dst(%arg10 : memref<64x128xf32, #tpu.memory_space<vmem>>)
    %mul3A_165 = arith.constant 10240 : i32
    %mul3A_166 = arith.muli %arg0, %mul3A_165 : i32
    %add3A_167 = arith.addi %mul3A_166, %mul3A_2 : i32
    %add3A_168 = arith.constant 128 : i32
    %add3A_169 = arith.addi %add3A_167, %add3A_168 : i32
    %dma_start3A_170 = arith.constant 0 : i32
    %dma_start3A_171 = tpu.memref_slice %arg5[%add3A_169, %dma_start3A_170] : memref<20480x128xf32, #tpu.memory_space<hbm>> -> memref<64x128xf32, #tpu.memory_space<hbm>>
    %dma_start3A_172 = arith.constant 0 : i32
    %dma_start3A_173 = tpu.memref_slice %arg5[%add3A_169, %dma_start3A_172] : memref<20480x128xf32, #tpu.memory_space<hbm>> -> memref<64x128xf32, #tpu.memory_space<hbm>>
    tpu.enqueue_dma source(%arg10 : memref<64x128xf32, #tpu.memory_space<vmem>>) target(%dma_start3A_173 : memref<64x128xf32, #tpu.memory_space<hbm>>) target_semaphore(%arg21 : memref<!tpu.dma_semaphore, #tpu.memory_space<semaphore_mem>>)
    %add3A_174 = arith.constant 192 : i32
    %add3A_175 = arith.addi %mul3A_2, %add3A_174 : i32
    %dma_start3A_176 = arith.constant 0 : i32
    %dma_start3A_177 = tpu.memref_slice %arg12[%add3A_175, %dma_start3A_176] : memref<10240x128xf32, #tpu.memory_space<vmem_shared>> -> memref<64x128xf32, #tpu.memory_space<vmem_shared>>
    %dma_start3A_178 = arith.constant 0 : i32
    %dma_start3A_179 = tpu.memref_slice %arg12[%add3A_175, %dma_start3A_178] : memref<10240x128xf32, #tpu.memory_space<vmem_shared>> -> memref<64x128xf32, #tpu.memory_space<vmem_shared>>
    tpu.enqueue_dma source(%dma_start3A_179 : memref<64x128xf32, #tpu.memory_space<vmem_shared>>) target(%arg11 : memref<64x128xf32, #tpu.memory_space<vmem>>) target_semaphore(%arg18 : memref<!tpu.dma_semaphore, #tpu.memory_space<semaphore_mem>>)
    %dma_wait3A_180 = arith.constant 0 : i32
    %dma_wait3A_181 = tpu.memref_slice %arg12[%add3A_175, %dma_wait3A_180] : memref<10240x128xf32, #tpu.memory_space<vmem_shared>> -> memref<64x128xf32, #tpu.memory_space<vmem_shared>>
    %dma_wait3A_182 = arith.constant 0 : i32
    %dma_wait3A_183 = tpu.memref_slice %arg12[%add3A_175, %dma_wait3A_182] : memref<10240x128xf32, #tpu.memory_space<vmem_shared>> -> memref<64x128xf32, #tpu.memory_space<vmem_shared>>
    tpu.wait_dma2 semaphore(%arg18 : memref<!tpu.dma_semaphore, #tpu.memory_space<semaphore_mem>>) src(%dma_wait3A_183 : memref<64x128xf32, #tpu.memory_space<vmem_shared>>) dst(%arg11 : memref<64x128xf32, #tpu.memory_space<vmem>>)
    %mul3A_184 = arith.constant 10240 : i32
    %mul3A_185 = arith.muli %arg0, %mul3A_184 : i32
    %add3A_186 = arith.addi %mul3A_185, %mul3A_2 : i32
    %add3A_187 = arith.constant 192 : i32
    %add3A_188 = arith.addi %add3A_186, %add3A_187 : i32
    %dma_start3A_189 = arith.constant 0 : i32
    %dma_start3A_190 = tpu.memref_slice %arg5[%add3A_188, %dma_start3A_189] : memref<20480x128xf32, #tpu.memory_space<hbm>> -> memref<64x128xf32, #tpu.memory_space<hbm>>
    %dma_start3A_191 = arith.constant 0 : i32
    %dma_start3A_192 = tpu.memref_slice %arg5[%add3A_188, %dma_start3A_191] : memref<20480x128xf32, #tpu.memory_space<hbm>> -> memref<64x128xf32, #tpu.memory_space<hbm>>
    tpu.enqueue_dma source(%arg11 : memref<64x128xf32, #tpu.memory_space<vmem>>) target(%dma_start3A_192 : memref<64x128xf32, #tpu.memory_space<hbm>>) target_semaphore(%arg22 : memref<!tpu.dma_semaphore, #tpu.memory_space<semaphore_mem>>)
    %dma_wait3A_193 = arith.constant 0 : i32
    %dma_wait3A_194 = tpu.memref_slice %arg5[%add3A_131, %dma_wait3A_193] : memref<20480x128xf32, #tpu.memory_space<hbm>> -> memref<64x128xf32, #tpu.memory_space<hbm>>
    %dma_wait3A_195 = arith.constant 0 : i32
    %dma_wait3A_196 = tpu.memref_slice %arg5[%add3A_131, %dma_wait3A_195] : memref<20480x128xf32, #tpu.memory_space<hbm>> -> memref<64x128xf32, #tpu.memory_space<hbm>>
    tpu.wait_dma2 semaphore(%arg19 : memref<!tpu.dma_semaphore, #tpu.memory_space<semaphore_mem>>) src(%arg8 : memref<64x128xf32, #tpu.memory_space<vmem>>) dst(%dma_wait3A_196 : memref<64x128xf32, #tpu.memory_space<hbm>>)
    %add3A_197 = arith.constant 256 : i32
    %add3A_198 = arith.addi %mul3A_2, %add3A_197 : i32
    %dma_start3A_199 = arith.constant 0 : i32
    %dma_start3A_200 = tpu.memref_slice %arg12[%add3A_198, %dma_start3A_199] : memref<10240x128xf32, #tpu.memory_space<vmem_shared>> -> memref<64x128xf32, #tpu.memory_space<vmem_shared>>
    %dma_start3A_201 = arith.constant 0 : i32
    %dma_start3A_202 = tpu.memref_slice %arg12[%add3A_198, %dma_start3A_201] : memref<10240x128xf32, #tpu.memory_space<vmem_shared>> -> memref<64x128xf32, #tpu.memory_space<vmem_shared>>
    tpu.enqueue_dma source(%dma_start3A_202 : memref<64x128xf32, #tpu.memory_space<vmem_shared>>) target(%arg8 : memref<64x128xf32, #tpu.memory_space<vmem>>) target_semaphore(%arg15 : memref<!tpu.dma_semaphore, #tpu.memory_space<semaphore_mem>>)
    %dma_wait3A_203 = arith.constant 0 : i32
    %dma_wait3A_204 = tpu.memref_slice %arg12[%add3A_198, %dma_wait3A_203] : memref<10240x128xf32, #tpu.memory_space<vmem_shared>> -> memref<64x128xf32, #tpu.memory_space<vmem_shared>>
    %dma_wait3A_205 = arith.constant 0 : i32
    %dma_wait3A_206 = tpu.memref_slice %arg12[%add3A_198, %dma_wait3A_205] : memref<10240x128xf32, #tpu.memory_space<vmem_shared>> -> memref<64x128xf32, #tpu.memory_space<vmem_shared>>
    tpu.wait_dma2 semaphore(%arg15 : memref<!tpu.dma_semaphore, #tpu.memory_space<semaphore_mem>>) src(%dma_wait3A_206 : memref<64x128xf32, #tpu.memory_space<vmem_shared>>) dst(%arg8 : memref<64x128xf32, #tpu.memory_space<vmem>>)
    %mul3A_207 = arith.constant 10240 : i32
    %mul3A_208 = arith.muli %arg0, %mul3A_207 : i32
    %add3A_209 = arith.addi %mul3A_208, %mul3A_2 : i32
    %add3A_210 = arith.constant 256 : i32
    %add3A_211 = arith.addi %add3A_209, %add3A_210 : i32
    %dma_start3A_212 = arith.constant 0 : i32
    %dma_start3A_213 = tpu.memref_slice %arg5[%add3A_211, %dma_start3A_212] : memref<20480x128xf32, #tpu.memory_space<hbm>> -> memref<64x128xf32, #tpu.memory_space<hbm>>
    %dma_start3A_214 = arith.constant 0 : i32
    %dma_start3A_215 = tpu.memref_slice %arg5[%add3A_211, %dma_start3A_214] : memref<20480x128xf32, #tpu.memory_space<hbm>> -> memref<64x128xf32, #tpu.memory_space<hbm>>
    tpu.enqueue_dma source(%arg8 : memref<64x128xf32, #tpu.memory_space<vmem>>) target(%dma_start3A_215 : memref<64x128xf32, #tpu.memory_space<hbm>>) target_semaphore(%arg19 : memref<!tpu.dma_semaphore, #tpu.memory_space<semaphore_mem>>)
    %dma_wait3A_216 = arith.constant 0 : i32
    %dma_wait3A_217 = tpu.memref_slice %arg5[%add3A_150, %dma_wait3A_216] : memref<20480x128xf32, #tpu.memory_space<hbm>> -> memref<64x128xf32, #tpu.memory_space<hbm>>
    %dma_wait3A_218 = arith.constant 0 : i32
    %dma_wait3A_219 = tpu.memref_slice %arg5[%add3A_150, %dma_wait3A_218] : memref<20480x128xf32, #tpu.memory_space<hbm>> -> memref<64x128xf32, #tpu.memory_space<hbm>>
    tpu.wait_dma2 semaphore(%arg20 : memref<!tpu.dma_semaphore, #tpu.memory_space<semaphore_mem>>) src(%arg9 : memref<64x128xf32, #tpu.memory_space<vmem>>) dst(%dma_wait3A_219 : memref<64x128xf32, #tpu.memory_space<hbm>>)
    %add3A_220 = arith.constant 320 : i32
    %add3A_221 = arith.addi %mul3A_2, %add3A_220 : i32
    %dma_start3A_222 = arith.constant 0 : i32
    %dma_start3A_223 = tpu.memref_slice %arg12[%add3A_221, %dma_start3A_222] : memref<10240x128xf32, #tpu.memory_space<vmem_shared>> -> memref<64x128xf32, #tpu.memory_space<vmem_shared>>
    %dma_start3A_224 = arith.constant 0 : i32
    %dma_start3A_225 = tpu.memref_slice %arg12[%add3A_221, %dma_start3A_224] : memref<10240x128xf32, #tpu.memory_space<vmem_shared>> -> memref<64x128xf32, #tpu.memory_space<vmem_shared>>
    tpu.enqueue_dma source(%dma_start3A_225 : memref<64x128xf32, #tpu.memory_space<vmem_shared>>) target(%arg9 : memref<64x128xf32, #tpu.memory_space<vmem>>) target_semaphore(%arg16 : memref<!tpu.dma_semaphore, #tpu.memory_space<semaphore_mem>>)
    %dma_wait3A_226 = arith.constant 0 : i32
    %dma_wait3A_227 = tpu.memref_slice %arg12[%add3A_221, %dma_wait3A_226] : memref<10240x128xf32, #tpu.memory_space<vmem_shared>> -> memref<64x128xf32, #tpu.memory_space<vmem_shared>>
    %dma_wait3A_228 = arith.constant 0 : i32
    %dma_wait3A_229 = tpu.memref_slice %arg12[%add3A_221, %dma_wait3A_228] : memref<10240x128xf32, #tpu.memory_space<vmem_shared>> -> memref<64x128xf32, #tpu.memory_space<vmem_shared>>
    tpu.wait_dma2 semaphore(%arg16 : memref<!tpu.dma_semaphore, #tpu.memory_space<semaphore_mem>>) src(%dma_wait3A_229 : memref<64x128xf32, #tpu.memory_space<vmem_shared>>) dst(%arg9 : memref<64x128xf32, #tpu.memory_space<vmem>>)
    %mul3A_230 = arith.constant 10240 : i32
    %mul3A_231 = arith.muli %arg0, %mul3A_230 : i32
    %add3A_232 = arith.addi %mul3A_231, %mul3A_2 : i32
    %add3A_233 = arith.constant 320 : i32
    %add3A_234 = arith.addi %add3A_232, %add3A_233 : i32
    %dma_start3A_235 = arith.constant 0 : i32
    %dma_start3A_236 = tpu.memref_slice %arg5[%add3A_234, %dma_start3A_235] : memref<20480x128xf32, #tpu.memory_space<hbm>> -> memref<64x128xf32, #tpu.memory_space<hbm>>
    %dma_start3A_237 = arith.constant 0 : i32
    %dma_start3A_238 = tpu.memref_slice %arg5[%add3A_234, %dma_start3A_237] : memref<20480x128xf32, #tpu.memory_space<hbm>> -> memref<64x128xf32, #tpu.memory_space<hbm>>
    tpu.enqueue_dma source(%arg9 : memref<64x128xf32, #tpu.memory_space<vmem>>) target(%dma_start3A_238 : memref<64x128xf32, #tpu.memory_space<hbm>>) target_semaphore(%arg20 : memref<!tpu.dma_semaphore, #tpu.memory_space<semaphore_mem>>)
    %dma_wait3A_239 = arith.constant 0 : i32
    %dma_wait3A_240 = tpu.memref_slice %arg5[%add3A_169, %dma_wait3A_239] : memref<20480x128xf32, #tpu.memory_space<hbm>> -> memref<64x128xf32, #tpu.memory_space<hbm>>
    %dma_wait3A_241 = arith.constant 0 : i32
    %dma_wait3A_242 = tpu.memref_slice %arg5[%add3A_169, %dma_wait3A_241] : memref<20480x128xf32, #tpu.memory_space<hbm>> -> memref<64x128xf32, #tpu.memory_space<hbm>>
    tpu.wait_dma2 semaphore(%arg21 : memref<!tpu.dma_semaphore, #tpu.memory_space<semaphore_mem>>) src(%arg10 : memref<64x128xf32, #tpu.memory_space<vmem>>) dst(%dma_wait3A_242 : memref<64x128xf32, #tpu.memory_space<hbm>>)
    %add3A_243 = arith.constant 384 : i32
    %add3A_244 = arith.addi %mul3A_2, %add3A_243 : i32
    %dma_start3A_245 = arith.constant 0 : i32
    %dma_start3A_246 = tpu.memref_slice %arg12[%add3A_244, %dma_start3A_245] : memref<10240x128xf32, #tpu.memory_space<vmem_shared>> -> memref<64x128xf32, #tpu.memory_space<vmem_shared>>
    %dma_start3A_247 = arith.constant 0 : i32
    %dma_start3A_248 = tpu.memref_slice %arg12[%add3A_244, %dma_start3A_247] : memref<10240x128xf32, #tpu.memory_space<vmem_shared>> -> memref<64x128xf32, #tpu.memory_space<vmem_shared>>
    tpu.enqueue_dma source(%dma_start3A_248 : memref<64x128xf32, #tpu.memory_space<vmem_shared>>) target(%arg10 : memref<64x128xf32, #tpu.memory_space<vmem>>) target_semaphore(%arg17 : memref<!tpu.dma_semaphore, #tpu.memory_space<semaphore_mem>>)
    %dma_wait3A_249 = arith.constant 0 : i32
    %dma_wait3A_250 = tpu.memref_slice %arg12[%add3A_244, %dma_wait3A_249] : memref<10240x128xf32, #tpu.memory_space<vmem_shared>> -> memref<64x128xf32, #tpu.memory_space<vmem_shared>>
    %dma_wait3A_251 = arith.constant 0 : i32
    %dma_wait3A_252 = tpu.memref_slice %arg12[%add3A_244, %dma_wait3A_251] : memref<10240x128xf32, #tpu.memory_space<vmem_shared>> -> memref<64x128xf32, #tpu.memory_space<vmem_shared>>
    tpu.wait_dma2 semaphore(%arg17 : memref<!tpu.dma_semaphore, #tpu.memory_space<semaphore_mem>>) src(%dma_wait3A_252 : memref<64x128xf32, #tpu.memory_space<vmem_shared>>) dst(%arg10 : memref<64x128xf32, #tpu.memory_space<vmem>>)
    %mul3A_253 = arith.constant 10240 : i32
    %mul3A_254 = arith.muli %arg0, %mul3A_253 : i32
    %add3A_255 = arith.addi %mul3A_254, %mul3A_2 : i32
    %add3A_256 = arith.constant 384 : i32
    %add3A_257 = arith.addi %add3A_255, %add3A_256 : i32
    %dma_start3A_258 = arith.constant 0 : i32
    %dma_start3A_259 = tpu.memref_slice %arg5[%add3A_257, %dma_start3A_258] : memref<20480x128xf32, #tpu.memory_space<hbm>> -> memref<64x128xf32, #tpu.memory_space<hbm>>
    %dma_start3A_260 = arith.constant 0 : i32
    %dma_start3A_261 = tpu.memref_slice %arg5[%add3A_257, %dma_start3A_260] : memref<20480x128xf32, #tpu.memory_space<hbm>> -> memref<64x128xf32, #tpu.memory_space<hbm>>
    tpu.enqueue_dma source(%arg10 : memref<64x128xf32, #tpu.memory_space<vmem>>) target(%dma_start3A_261 : memref<64x128xf32, #tpu.memory_space<hbm>>) target_semaphore(%arg21 : memref<!tpu.dma_semaphore, #tpu.memory_space<semaphore_mem>>)
    %dma_wait3A_262 = arith.constant 0 : i32
    %dma_wait3A_263 = tpu.memref_slice %arg5[%add3A_188, %dma_wait3A_262] : memref<20480x128xf32, #tpu.memory_space<hbm>> -> memref<64x128xf32, #tpu.memory_space<hbm>>
    %dma_wait3A_264 = arith.constant 0 : i32
    %dma_wait3A_265 = tpu.memref_slice %arg5[%add3A_188, %dma_wait3A_264] : memref<20480x128xf32, #tpu.memory_space<hbm>> -> memref<64x128xf32, #tpu.memory_space<hbm>>
    tpu.wait_dma2 semaphore(%arg22 : memref<!tpu.dma_semaphore, #tpu.memory_space<semaphore_mem>>) src(%arg11 : memref<64x128xf32, #tpu.memory_space<vmem>>) dst(%dma_wait3A_265 : memref<64x128xf32, #tpu.memory_space<hbm>>)
    %add3A_266 = arith.constant 448 : i32
    %add3A_267 = arith.addi %mul3A_2, %add3A_266 : i32
    %dma_start3A_268 = arith.constant 0 : i32
    %dma_start3A_269 = tpu.memref_slice %arg12[%add3A_267, %dma_start3A_268] : memref<10240x128xf32, #tpu.memory_space<vmem_shared>> -> memref<64x128xf32, #tpu.memory_space<vmem_shared>>
    %dma_start3A_270 = arith.constant 0 : i32
    %dma_start3A_271 = tpu.memref_slice %arg12[%add3A_267, %dma_start3A_270] : memref<10240x128xf32, #tpu.memory_space<vmem_shared>> -> memref<64x128xf32, #tpu.memory_space<vmem_shared>>
    tpu.enqueue_dma source(%dma_start3A_271 : memref<64x128xf32, #tpu.memory_space<vmem_shared>>) target(%arg11 : memref<64x128xf32, #tpu.memory_space<vmem>>) target_semaphore(%arg18 : memref<!tpu.dma_semaphore, #tpu.memory_space<semaphore_mem>>)
    %dma_wait3A_272 = arith.constant 0 : i32
    %dma_wait3A_273 = tpu.memref_slice %arg12[%add3A_267, %dma_wait3A_272] : memref<10240x128xf32, #tpu.memory_space<vmem_shared>> -> memref<64x128xf32, #tpu.memory_space<vmem_shared>>
    %dma_wait3A_274 = arith.constant 0 : i32
    %dma_wait3A_275 = tpu.memref_slice %arg12[%add3A_267, %dma_wait3A_274] : memref<10240x128xf32, #tpu.memory_space<vmem_shared>> -> memref<64x128xf32, #tpu.memory_space<vmem_shared>>
    tpu.wait_dma2 semaphore(%arg18 : memref<!tpu.dma_semaphore, #tpu.memory_space<semaphore_mem>>) src(%dma_wait3A_275 : memref<64x128xf32, #tpu.memory_space<vmem_shared>>) dst(%arg11 : memref<64x128xf32, #tpu.memory_space<vmem>>)
    %mul3A_276 = arith.constant 10240 : i32
    %mul3A_277 = arith.muli %arg0, %mul3A_276 : i32
    %add3A_278 = arith.addi %mul3A_277, %mul3A_2 : i32
    %add3A_279 = arith.constant 448 : i32
    %add3A_280 = arith.addi %add3A_278, %add3A_279 : i32
    %dma_start3A_281 = arith.constant 0 : i32
    %dma_start3A_282 = tpu.memref_slice %arg5[%add3A_280, %dma_start3A_281] : memref<20480x128xf32, #tpu.memory_space<hbm>> -> memref<64x128xf32, #tpu.memory_space<hbm>>
    %dma_start3A_283 = arith.constant 0 : i32
    %dma_start3A_284 = tpu.memref_slice %arg5[%add3A_280, %dma_start3A_283] : memref<20480x128xf32, #tpu.memory_space<hbm>> -> memref<64x128xf32, #tpu.memory_space<hbm>>
    tpu.enqueue_dma source(%arg11 : memref<64x128xf32, #tpu.memory_space<vmem>>) target(%dma_start3A_284 : memref<64x128xf32, #tpu.memory_space<hbm>>) target_semaphore(%arg22 : memref<!tpu.dma_semaphore, #tpu.memory_space<semaphore_mem>>)
    %dma_wait3A_285 = arith.constant 0 : i32
    %dma_wait3A_286 = tpu.memref_slice %arg5[%add3A_211, %dma_wait3A_285] : memref<20480x128xf32, #tpu.memory_space<hbm>> -> memref<64x128xf32, #tpu.memory_space<hbm>>
    %dma_wait3A_287 = arith.constant 0 : i32
    %dma_wait3A_288 = tpu.memref_slice %arg5[%add3A_211, %dma_wait3A_287] : memref<20480x128xf32, #tpu.memory_space<hbm>> -> memref<64x128xf32, #tpu.memory_space<hbm>>
    tpu.wait_dma2 semaphore(%arg19 : memref<!tpu.dma_semaphore, #tpu.memory_space<semaphore_mem>>) src(%arg8 : memref<64x128xf32, #tpu.memory_space<vmem>>) dst(%dma_wait3A_288 : memref<64x128xf32, #tpu.memory_space<hbm>>)
    %add3A_289 = arith.constant 512 : i32
    %add3A_290 = arith.addi %mul3A_2, %add3A_289 : i32
    %dma_start3A_291 = arith.constant 0 : i32
    %dma_start3A_292 = tpu.memref_slice %arg12[%add3A_290, %dma_start3A_291] : memref<10240x128xf32, #tpu.memory_space<vmem_shared>> -> memref<64x128xf32, #tpu.memory_space<vmem_shared>>
    %dma_start3A_293 = arith.constant 0 : i32
    %dma_start3A_294 = tpu.memref_slice %arg12[%add3A_290, %dma_start3A_293] : memref<10240x128xf32, #tpu.memory_space<vmem_shared>> -> memref<64x128xf32, #tpu.memory_space<vmem_shared>>
    tpu.enqueue_dma source(%dma_start3A_294 : memref<64x128xf32, #tpu.memory_space<vmem_shared>>) target(%arg8 : memref<64x128xf32, #tpu.memory_space<vmem>>) target_semaphore(%arg15 : memref<!tpu.dma_semaphore, #tpu.memory_space<semaphore_mem>>)
    %dma_wait3A_295 = arith.constant 0 : i32
    %dma_wait3A_296 = tpu.memref_slice %arg12[%add3A_290, %dma_wait3A_295] : memref<10240x128xf32, #tpu.memory_space<vmem_shared>> -> memref<64x128xf32, #tpu.memory_space<vmem_shared>>
    %dma_wait3A_297 = arith.constant 0 : i32
    %dma_wait3A_298 = tpu.memref_slice %arg12[%add3A_290, %dma_wait3A_297] : memref<10240x128xf32, #tpu.memory_space<vmem_shared>> -> memref<64x128xf32, #tpu.memory_space<vmem_shared>>
    tpu.wait_dma2 semaphore(%arg15 : memref<!tpu.dma_semaphore, #tpu.memory_space<semaphore_mem>>) src(%dma_wait3A_298 : memref<64x128xf32, #tpu.memory_space<vmem_shared>>) dst(%arg8 : memref<64x128xf32, #tpu.memory_space<vmem>>)
    %mul3A_299 = arith.constant 10240 : i32
    %mul3A_300 = arith.muli %arg0, %mul3A_299 : i32
    %add3A_301 = arith.addi %mul3A_300, %mul3A_2 : i32
    %add3A_302 = arith.constant 512 : i32
    %add3A_303 = arith.addi %add3A_301, %add3A_302 : i32
    %dma_start3A_304 = arith.constant 0 : i32
    %dma_start3A_305 = tpu.memref_slice %arg5[%add3A_303, %dma_start3A_304] : memref<20480x128xf32, #tpu.memory_space<hbm>> -> memref<64x128xf32, #tpu.memory_space<hbm>>
    %dma_start3A_306 = arith.constant 0 : i32
    %dma_start3A_307 = tpu.memref_slice %arg5[%add3A_303, %dma_start3A_306] : memref<20480x128xf32, #tpu.memory_space<hbm>> -> memref<64x128xf32, #tpu.memory_space<hbm>>
    tpu.enqueue_dma source(%arg8 : memref<64x128xf32, #tpu.memory_space<vmem>>) target(%dma_start3A_307 : memref<64x128xf32, #tpu.memory_space<hbm>>) target_semaphore(%arg19 : memref<!tpu.dma_semaphore, #tpu.memory_space<semaphore_mem>>)
    %dma_wait3A_308 = arith.constant 0 : i32
    %dma_wait3A_309 = tpu.memref_slice %arg5[%add3A_234, %dma_wait3A_308] : memref<20480x128xf32, #tpu.memory_space<hbm>> -> memref<64x128xf32, #tpu.memory_space<hbm>>
    %dma_wait3A_310 = arith.constant 0 : i32
    %dma_wait3A_311 = tpu.memref_slice %arg5[%add3A_234, %dma_wait3A_310] : memref<20480x128xf32, #tpu.memory_space<hbm>> -> memref<64x128xf32, #tpu.memory_space<hbm>>
    tpu.wait_dma2 semaphore(%arg20 : memref<!tpu.dma_semaphore, #tpu.memory_space<semaphore_mem>>) src(%arg9 : memref<64x128xf32, #tpu.memory_space<vmem>>) dst(%dma_wait3A_311 : memref<64x128xf32, #tpu.memory_space<hbm>>)
    %add3A_312 = arith.constant 576 : i32
    %add3A_313 = arith.addi %mul3A_2, %add3A_312 : i32
    %dma_start3A_314 = arith.constant 0 : i32
    %dma_start3A_315 = tpu.memref_slice %arg12[%add3A_313, %dma_start3A_314] : memref<10240x128xf32, #tpu.memory_space<vmem_shared>> -> memref<64x128xf32, #tpu.memory_space<vmem_shared>>
    %dma_start3A_316 = arith.constant 0 : i32
    %dma_start3A_317 = tpu.memref_slice %arg12[%add3A_313, %dma_start3A_316] : memref<10240x128xf32, #tpu.memory_space<vmem_shared>> -> memref<64x128xf32, #tpu.memory_space<vmem_shared>>
    tpu.enqueue_dma source(%dma_start3A_317 : memref<64x128xf32, #tpu.memory_space<vmem_shared>>) target(%arg9 : memref<64x128xf32, #tpu.memory_space<vmem>>) target_semaphore(%arg16 : memref<!tpu.dma_semaphore, #tpu.memory_space<semaphore_mem>>)
    %dma_wait3A_318 = arith.constant 0 : i32
    %dma_wait3A_319 = tpu.memref_slice %arg12[%add3A_313, %dma_wait3A_318] : memref<10240x128xf32, #tpu.memory_space<vmem_shared>> -> memref<64x128xf32, #tpu.memory_space<vmem_shared>>
    %dma_wait3A_320 = arith.constant 0 : i32
    %dma_wait3A_321 = tpu.memref_slice %arg12[%add3A_313, %dma_wait3A_320] : memref<10240x128xf32, #tpu.memory_space<vmem_shared>> -> memref<64x128xf32, #tpu.memory_space<vmem_shared>>
    tpu.wait_dma2 semaphore(%arg16 : memref<!tpu.dma_semaphore, #tpu.memory_space<semaphore_mem>>) src(%dma_wait3A_321 : memref<64x128xf32, #tpu.memory_space<vmem_shared>>) dst(%arg9 : memref<64x128xf32, #tpu.memory_space<vmem>>)
    %mul3A_322 = arith.constant 10240 : i32
    %mul3A_323 = arith.muli %arg0, %mul3A_322 : i32
    %add3A_324 = arith.addi %mul3A_323, %mul3A_2 : i32
    %add3A_325 = arith.constant 576 : i32
    %add3A_326 = arith.addi %add3A_324, %add3A_325 : i32
    %dma_start3A_327 = arith.constant 0 : i32
    %dma_start3A_328 = tpu.memref_slice %arg5[%add3A_326, %dma_start3A_327] : memref<20480x128xf32, #tpu.memory_space<hbm>> -> memref<64x128xf32, #tpu.memory_space<hbm>>
    %dma_start3A_329 = arith.constant 0 : i32
    %dma_start3A_330 = tpu.memref_slice %arg5[%add3A_326, %dma_start3A_329] : memref<20480x128xf32, #tpu.memory_space<hbm>> -> memref<64x128xf32, #tpu.memory_space<hbm>>
    tpu.enqueue_dma source(%arg9 : memref<64x128xf32, #tpu.memory_space<vmem>>) target(%dma_start3A_330 : memref<64x128xf32, #tpu.memory_space<hbm>>) target_semaphore(%arg20 : memref<!tpu.dma_semaphore, #tpu.memory_space<semaphore_mem>>)
    %dma_wait3A_331 = arith.constant 0 : i32
    %dma_wait3A_332 = tpu.memref_slice %arg5[%add3A_257, %dma_wait3A_331] : memref<20480x128xf32, #tpu.memory_space<hbm>> -> memref<64x128xf32, #tpu.memory_space<hbm>>
    %dma_wait3A_333 = arith.constant 0 : i32
    %dma_wait3A_334 = tpu.memref_slice %arg5[%add3A_257, %dma_wait3A_333] : memref<20480x128xf32, #tpu.memory_space<hbm>> -> memref<64x128xf32, #tpu.memory_space<hbm>>
    tpu.wait_dma2 semaphore(%arg21 : memref<!tpu.dma_semaphore, #tpu.memory_space<semaphore_mem>>) src(%arg10 : memref<64x128xf32, #tpu.memory_space<vmem>>) dst(%dma_wait3A_334 : memref<64x128xf32, #tpu.memory_space<hbm>>)
    %dma_wait3A_335 = arith.constant 0 : i32
    %dma_wait3A_336 = tpu.memref_slice %arg5[%add3A_280, %dma_wait3A_335] : memref<20480x128xf32, #tpu.memory_space<hbm>> -> memref<64x128xf32, #tpu.memory_space<hbm>>
    %dma_wait3A_337 = arith.constant 0 : i32
    %dma_wait3A_338 = tpu.memref_slice %arg5[%add3A_280, %dma_wait3A_337] : memref<20480x128xf32, #tpu.memory_space<hbm>> -> memref<64x128xf32, #tpu.memory_space<hbm>>
    tpu.wait_dma2 semaphore(%arg22 : memref<!tpu.dma_semaphore, #tpu.memory_space<semaphore_mem>>) src(%arg11 : memref<64x128xf32, #tpu.memory_space<vmem>>) dst(%dma_wait3A_338 : memref<64x128xf32, #tpu.memory_space<hbm>>)
    %dma_wait3A_339 = arith.constant 0 : i32
    %dma_wait3A_340 = tpu.memref_slice %arg5[%add3A_303, %dma_wait3A_339] : memref<20480x128xf32, #tpu.memory_space<hbm>> -> memref<64x128xf32, #tpu.memory_space<hbm>>
    %dma_wait3A_341 = arith.constant 0 : i32
    %dma_wait3A_342 = tpu.memref_slice %arg5[%add3A_303, %dma_wait3A_341] : memref<20480x128xf32, #tpu.memory_space<hbm>> -> memref<64x128xf32, #tpu.memory_space<hbm>>
    tpu.wait_dma2 semaphore(%arg19 : memref<!tpu.dma_semaphore, #tpu.memory_space<semaphore_mem>>) src(%arg8 : memref<64x128xf32, #tpu.memory_space<vmem>>) dst(%dma_wait3A_342 : memref<64x128xf32, #tpu.memory_space<hbm>>)
    %dma_wait3A_343 = arith.constant 0 : i32
    %dma_wait3A_344 = tpu.memref_slice %arg5[%add3A_326, %dma_wait3A_343] : memref<20480x128xf32, #tpu.memory_space<hbm>> -> memref<64x128xf32, #tpu.memory_space<hbm>>
    %dma_wait3A_345 = arith.constant 0 : i32
    %dma_wait3A_346 = tpu.memref_slice %arg5[%add3A_326, %dma_wait3A_345] : memref<20480x128xf32, #tpu.memory_space<hbm>> -> memref<64x128xf32, #tpu.memory_space<hbm>>
    tpu.wait_dma2 semaphore(%arg20 : memref<!tpu.dma_semaphore, #tpu.memory_space<semaphore_mem>>) src(%arg9 : memref<64x128xf32, #tpu.memory_space<vmem>>) dst(%dma_wait3A_346 : memref<64x128xf32, #tpu.memory_space<hbm>>)
    return
  }
}

#map = affine_map<(d0, d1) -> (0, 0, 0)>
#map1 = affine_map<(d0, d1) -> (0)>
module attributes {stable_mosaic.version = 14 : i64} {
  func.func @_deg_body(%arg0: i32, %arg1: i32, %arg2: memref<32x79x128xi32, #tpu.memory_space<hbm>>, %arg3: memref<20480xf32, #tpu.memory_space<hbm>>, %arg4: memref<79x128xi32, #tpu.memory_space<vmem>>, %arg5: memref<128xf32, #tpu.memory_space<vmem>>, %arg6: memref<640xf32, #tpu.memory_space<vmem>>, %arg7: memref<10240xf32, #tpu.memory_space<vmem_shared>>) attributes {dimension_semantics = [#tpu.dimension_semantics<core_parallel>, #tpu.dimension_semantics<subcore_parallel>], iteration_bounds = array<i64: 2, 16>, scalar_prefetch = 0 : i64, scratch_operands = 4 : i64, tpu.core_type = #tpu.core_type<sc_vector_subcore>, window_params = [{transform_indices = #map}, {transform_indices = #map1}]} {
    %mul3A = arith.constant 16 : i32
    %mul3A_0 = arith.muli %arg0, %mul3A : i32
    %add3A = arith.addi %mul3A_0, %arg1 : i32
    "tpu.region"() ({
      %run_scoped3A = tpu.sem_alloc : memref<!tpu.dma_semaphore, #tpu.memory_space<semaphore_mem>>
      %dma_start3A = arith.constant 0 : i32
      %dma_start3A_28 = arith.constant 0 : i32
      %dma_start3A_29 = tpu.memref_slice %arg2[%add3A, %dma_start3A, %dma_start3A_28] : memref<32x79x128xi32, #tpu.memory_space<hbm>> -> memref<1x79x128xi32, #tpu.memory_space<hbm>>
      %dma_start3A_30 = tpu.memref_squeeze %dma_start3A_29 : memref<1x79x128xi32, #tpu.memory_space<hbm>> -> memref<79x128xi32, #tpu.memory_space<hbm>>
      %dma_start3A_31 = arith.constant 0 : i32
      %dma_start3A_32 = arith.constant 0 : i32
      %dma_start3A_33 = tpu.memref_slice %arg2[%add3A, %dma_start3A_31, %dma_start3A_32] : memref<32x79x128xi32, #tpu.memory_space<hbm>> -> memref<1x79x128xi32, #tpu.memory_space<hbm>>
      %dma_start3A_34 = tpu.memref_squeeze %dma_start3A_33 : memref<1x79x128xi32, #tpu.memory_space<hbm>> -> memref<79x128xi32, #tpu.memory_space<hbm>>
      tpu.enqueue_dma source(%dma_start3A_34 : memref<79x128xi32, #tpu.memory_space<hbm>>) target(%arg4 : memref<79x128xi32, #tpu.memory_space<vmem>>) target_semaphore(%run_scoped3A : memref<!tpu.dma_semaphore, #tpu.memory_space<semaphore_mem>>)
      %dma_wait3A = arith.constant 0 : i32
      %dma_wait3A_35 = arith.constant 0 : i32
      %dma_wait3A_36 = tpu.memref_slice %arg2[%add3A, %dma_wait3A, %dma_wait3A_35] : memref<32x79x128xi32, #tpu.memory_space<hbm>> -> memref<1x79x128xi32, #tpu.memory_space<hbm>>
      %dma_wait3A_37 = tpu.memref_squeeze %dma_wait3A_36 : memref<1x79x128xi32, #tpu.memory_space<hbm>> -> memref<79x128xi32, #tpu.memory_space<hbm>>
      %dma_wait3A_38 = arith.constant 0 : i32
      %dma_wait3A_39 = arith.constant 0 : i32
      %dma_wait3A_40 = tpu.memref_slice %arg2[%add3A, %dma_wait3A_38, %dma_wait3A_39] : memref<32x79x128xi32, #tpu.memory_space<hbm>> -> memref<1x79x128xi32, #tpu.memory_space<hbm>>
      %dma_wait3A_41 = tpu.memref_squeeze %dma_wait3A_40 : memref<1x79x128xi32, #tpu.memory_space<hbm>> -> memref<79x128xi32, #tpu.memory_space<hbm>>
      tpu.wait_dma2 semaphore(%run_scoped3A : memref<!tpu.dma_semaphore, #tpu.memory_space<semaphore_mem>>) src(%dma_wait3A_41 : memref<79x128xi32, #tpu.memory_space<hbm>>) dst(%arg4 : memref<79x128xi32, #tpu.memory_space<vmem>>)
      tpu.yield
    }) : () -> ()
    %scan3A = arith.constant 0 : i32
    %scan3A_1 = arith.constant 0 : i32
    %scan3A_2 = arith.constant 8 : i32
    %scan3A_3 = arith.addi %scan3A_1, %scan3A_2 : i32
    %scan3A_4 = arith.constant 1 : i32
    scf.for %scan3A_28 = %scan3A_1 to %scan3A_3 step %scan3A_4  : i32 {
      %broadcast_in_dim3A = arith.constant 1.000000e+00 : f32
      %broadcast_in_dim3A_29 = vector.broadcast %broadcast_in_dim3A : f32 to vector<16xf32>
      %mul3A_30 = arith.constant 16 : i32
      %mul3A_31 = arith.muli %scan3A_28, %mul3A_30 : i32
      %swap3A = arith.index_cast %mul3A_31 : i32 to index
      %swap3A_32 = tpu.vector_load %arg5[%swap3A] {strides = array<i32>} : memref<128xf32, #tpu.memory_space<vmem>>, vector<16xf32>,
      %swap3A_33 = vector.shape_cast %swap3A_32 : vector<16xf32> to vector<16xf32>
      %swap3A_34 = vector.shape_cast %broadcast_in_dim3A_29 : vector<16xf32> to vector<16xf32>
      tpu.vector_store %arg5[%swap3A], %swap3A_34 {strides = array<i32>} : memref<128xf32, #tpu.memory_space<vmem>>, vector<16xf32>,
    }
    %scan3A_5 = arith.constant 8 : i32
    %scan3A_6 = arith.constant 0 : i32
    %scan3A_7 = arith.constant 0 : i32
    %scan3A_8 = arith.constant 40 : i32
    %scan3A_9 = arith.addi %scan3A_7, %scan3A_8 : i32
    %scan3A_10 = arith.constant 1 : i32
    scf.for %scan3A_28 = %scan3A_7 to %scan3A_9 step %scan3A_10  : i32 {
      %broadcast_in_dim3A = arith.constant 0.000000e+00 : f32
      %broadcast_in_dim3A_29 = vector.broadcast %broadcast_in_dim3A : f32 to vector<16xf32>
      %mul3A_30 = arith.constant 16 : i32
      %mul3A_31 = arith.muli %scan3A_28, %mul3A_30 : i32
      %swap3A = arith.index_cast %mul3A_31 : i32 to index
      %swap3A_32 = tpu.vector_load %arg6[%swap3A] {strides = array<i32>} : memref<640xf32, #tpu.memory_space<vmem>>, vector<16xf32>,
      %swap3A_33 = vector.shape_cast %swap3A_32 : vector<16xf32> to vector<16xf32>
      %swap3A_34 = vector.shape_cast %broadcast_in_dim3A_29 : vector<16xf32> to vector<16xf32>
      tpu.vector_store %arg6[%swap3A], %swap3A_34 {strides = array<i32>} : memref<640xf32, #tpu.memory_space<vmem>>, vector<16xf32>,
    }
    %scan3A_11 = arith.constant 40 : i32
    %mul3A_12 = arith.constant 640 : i32
    %mul3A_13 = arith.muli %arg1, %mul3A_12 : i32
    "tpu.region"() ({
      %run_scoped3A = tpu.sem_alloc : memref<!tpu.dma_semaphore, #tpu.memory_space<semaphore_mem>>
      %dma_start3A = tpu.memref_slice %arg7[%mul3A_13] : memref<10240xf32, #tpu.memory_space<vmem_shared>> -> memref<640xf32, #tpu.memory_space<vmem_shared>>
      %dma_start3A_28 = tpu.memref_slice %arg7[%mul3A_13] : memref<10240xf32, #tpu.memory_space<vmem_shared>> -> memref<640xf32, #tpu.memory_space<vmem_shared>>
      tpu.enqueue_dma source(%arg6 : memref<640xf32, #tpu.memory_space<vmem>>) target(%dma_start3A_28 : memref<640xf32, #tpu.memory_space<vmem_shared>>) target_semaphore(%run_scoped3A : memref<!tpu.dma_semaphore, #tpu.memory_space<semaphore_mem>>)
      %dma_wait3A = tpu.memref_slice %arg7[%mul3A_13] : memref<10240xf32, #tpu.memory_space<vmem_shared>> -> memref<640xf32, #tpu.memory_space<vmem_shared>>
      %dma_wait3A_29 = tpu.memref_slice %arg7[%mul3A_13] : memref<10240xf32, #tpu.memory_space<vmem_shared>> -> memref<640xf32, #tpu.memory_space<vmem_shared>>
      tpu.wait_dma2 semaphore(%run_scoped3A : memref<!tpu.dma_semaphore, #tpu.memory_space<semaphore_mem>>) src(%arg6 : memref<640xf32, #tpu.memory_space<vmem>>) dst(%dma_wait3A_29 : memref<640xf32, #tpu.memory_space<vmem_shared>>)
      tpu.yield
    }) : () -> ()
    %barrier3A = arith.constant 0 : index
    tpu.barrier barrier_id(%barrier3A)
    %scan3A_14 = arith.constant 0 : i32
    %scan3A_15 = arith.constant 0 : i32
    %scan3A_16 = arith.constant 79 : i32
    %scan3A_17 = arith.addi %scan3A_15, %scan3A_16 : i32
    %scan3A_18 = arith.constant 1 : i32
    scf.for %scan3A_28 = %scan3A_15 to %scan3A_17 step %scan3A_18  : i32 {
      "tpu.region"() ({
        %run_scoped3A = tpu.sem_alloc : memref<!tpu.dma_semaphore, #tpu.memory_space<semaphore_mem>>
        %dma_start3A = arith.constant 0 : i32
        %dma_start3A_29 = tpu.memref_slice %arg4[%scan3A_28, %dma_start3A] : memref<79x128xi32, #tpu.memory_space<vmem>> -> memref<1x128xi32, #tpu.memory_space<vmem>>
        %dma_start3A_30 = tpu.memref_squeeze %dma_start3A_29 : memref<1x128xi32, #tpu.memory_space<vmem>> -> memref<128xi32, #tpu.memory_space<vmem>>
        %dma_start3A_31 = arith.constant 0 : i32
        %dma_start3A_32 = tpu.memref_slice %arg7[%dma_start3A_31] : memref<10240xf32, #tpu.memory_space<vmem_shared>> -> memref<10240xf32, #tpu.memory_space<vmem_shared>>
        tpu.enqueue_indirect_dma source(%arg5 : memref<128xf32, #tpu.memory_space<vmem>>) target(%dma_start3A_32 : memref<10240xf32, #tpu.memory_space<vmem_shared>>) offsets(%dma_start3A_30 : memref<128xi32, #tpu.memory_space<vmem>>) semaphore(%run_scoped3A : memref<!tpu.dma_semaphore, #tpu.memory_space<semaphore_mem>>) {add = true}
        %dma_wait3A = arith.constant 0 : i32
        %dma_wait3A_33 = tpu.memref_slice %arg4[%scan3A_28, %dma_wait3A] : memref<79x128xi32, #tpu.memory_space<vmem>> -> memref<1x128xi32, #tpu.memory_space<vmem>>
        %dma_wait3A_34 = tpu.memref_squeeze %dma_wait3A_33 : memref<1x128xi32, #tpu.memory_space<vmem>> -> memref<128xi32, #tpu.memory_space<vmem>>
        %dma_wait3A_35 = arith.constant 0 : i32
        %dma_wait3A_36 = tpu.memref_slice %arg7[%dma_wait3A_35] : memref<10240xf32, #tpu.memory_space<vmem_shared>> -> memref<10240xf32, #tpu.memory_space<vmem_shared>>
        tpu.wait_indirect_dma semaphore(%run_scoped3A : memref<!tpu.dma_semaphore, #tpu.memory_space<semaphore_mem>>) src(%arg5 : memref<128xf32, #tpu.memory_space<vmem>>) dst(%dma_wait3A_36 : memref<10240xf32, #tpu.memory_space<vmem_shared>>)
        tpu.yield
      }) : () -> ()
    }
    %scan3A_19 = arith.constant 79 : i32
    %barrier3A_20 = arith.constant 0 : index
    tpu.barrier barrier_id(%barrier3A_20)
    %mul3A_21 = arith.constant 640 : i32
    %mul3A_22 = arith.muli %arg1, %mul3A_21 : i32
    "tpu.region"() ({
      %run_scoped3A = tpu.sem_alloc : memref<!tpu.dma_semaphore, #tpu.memory_space<semaphore_mem>>
      %dma_start3A = tpu.memref_slice %arg7[%mul3A_22] : memref<10240xf32, #tpu.memory_space<vmem_shared>> -> memref<640xf32, #tpu.memory_space<vmem_shared>>
      %dma_start3A_28 = tpu.memref_slice %arg7[%mul3A_22] : memref<10240xf32, #tpu.memory_space<vmem_shared>> -> memref<640xf32, #tpu.memory_space<vmem_shared>>
      tpu.enqueue_dma source(%dma_start3A_28 : memref<640xf32, #tpu.memory_space<vmem_shared>>) target(%arg6 : memref<640xf32, #tpu.memory_space<vmem>>) target_semaphore(%run_scoped3A : memref<!tpu.dma_semaphore, #tpu.memory_space<semaphore_mem>>)
      %dma_wait3A = tpu.memref_slice %arg7[%mul3A_22] : memref<10240xf32, #tpu.memory_space<vmem_shared>> -> memref<640xf32, #tpu.memory_space<vmem_shared>>
      %dma_wait3A_29 = tpu.memref_slice %arg7[%mul3A_22] : memref<10240xf32, #tpu.memory_space<vmem_shared>> -> memref<640xf32, #tpu.memory_space<vmem_shared>>
      tpu.wait_dma2 semaphore(%run_scoped3A : memref<!tpu.dma_semaphore, #tpu.memory_space<semaphore_mem>>) src(%dma_wait3A_29 : memref<640xf32, #tpu.memory_space<vmem_shared>>) dst(%arg6 : memref<640xf32, #tpu.memory_space<vmem>>)
      tpu.yield
    }) : () -> ()
    %mul3A_23 = arith.constant 10240 : i32
    %mul3A_24 = arith.muli %arg0, %mul3A_23 : i32
    %mul3A_25 = arith.constant 640 : i32
    %mul3A_26 = arith.muli %arg1, %mul3A_25 : i32
    %add3A_27 = arith.addi %mul3A_24, %mul3A_26 : i32
    "tpu.region"() ({
      %run_scoped3A = tpu.sem_alloc : memref<!tpu.dma_semaphore, #tpu.memory_space<semaphore_mem>>
      %dma_start3A = tpu.memref_slice %arg3[%add3A_27] : memref<20480xf32, #tpu.memory_space<hbm>> -> memref<640xf32, #tpu.memory_space<hbm>>
      %dma_start3A_28 = tpu.memref_slice %arg3[%add3A_27] : memref<20480xf32, #tpu.memory_space<hbm>> -> memref<640xf32, #tpu.memory_space<hbm>>
      tpu.enqueue_dma source(%arg6 : memref<640xf32, #tpu.memory_space<vmem>>) target(%dma_start3A_28 : memref<640xf32, #tpu.memory_space<hbm>>) target_semaphore(%run_scoped3A : memref<!tpu.dma_semaphore, #tpu.memory_space<semaphore_mem>>)
      %dma_wait3A = tpu.memref_slice %arg3[%add3A_27] : memref<20480xf32, #tpu.memory_space<hbm>> -> memref<640xf32, #tpu.memory_space<hbm>>
      %dma_wait3A_29 = tpu.memref_slice %arg3[%add3A_27] : memref<20480xf32, #tpu.memory_space<hbm>> -> memref<640xf32, #tpu.memory_space<hbm>>
      tpu.wait_dma2 semaphore(%run_scoped3A : memref<!tpu.dma_semaphore, #tpu.memory_space<semaphore_mem>>) src(%arg6 : memref<640xf32, #tpu.memory_space<vmem>>) dst(%dma_wait3A_29 : memref<640xf32, #tpu.memory_space<hbm>>)
      tpu.yield
    }) : () -> ()
    return
  }
}

module attributes {stable_mosaic.version = 14 : i64} {
  func.func @_enc_body(%arg0: i32, %arg1: i32, %arg2: memref<1x2048x128xf32, #tpu.memory_space<vmem>>, %arg3: memref<128x128xf32, #tpu.memory_space<vmem>>, %arg4: memref<2x2048xf32, #tpu.memory_space<vmem>>, %arg5: memref<1x2048x128xf32, #tpu.memory_space<vmem>>, %arg6: memref<2048xf32, #tpu.memory_space<vmem>>) attributes {dimension_semantics = [#tpu.dimension_semantics<arbitrary>, #tpu.dimension_semantics<arbitrary>], iteration_bounds = array<i64: 2, 5>, scalar_prefetch = 0 : i64, scratch_operands = 0 : i64, tpu.core_type = #tpu.core_type<tc>, window_params = [{transform_indices = @transform_0, window_bounds = array<i64: 1, 2048, 128>}, {pipeline_mode = #tpu.pipeline_mode<synchronous>, transform_indices = @transform_1, window_bounds = array<i64: 128, 128>}, {transform_indices = @transform_2, window_bounds = array<i64: 2, 2048>}, {transform_indices = @transform_3, window_bounds = array<i64: 1, 2048, 128>}, {transform_indices = @transform_4, window_bounds = array<i64: 2048>}]} {
    %get3A = arith.constant 0 : index
    %get3A_0 = arith.constant 0 : index
    %get3A_1 = arith.constant 0 : index
    %get3A_2 = vector.load %arg2[%get3A, %get3A_0, %get3A_1] : memref<1x2048x128xf32, #tpu.memory_space<vmem>>, vector<1x2048x128xf32>
    %get3A_3 = vector.shape_cast %get3A_2 : vector<1x2048x128xf32> to vector<2048x128xf32>
    %get3A_4 = arith.constant 0 : index
    %get3A_5 = arith.constant 0 : index
    %get3A_6 = vector.load %arg3[%get3A_4, %get3A_5] : memref<128x128xf32, #tpu.memory_space<vmem>>, vector<128x128xf32>
    %dot_general3A = arith.constant dense<0.000000e+00> : vector<2048x128xf32>
    %dot_general3A_7 = tpu.matmul %get3A_3, %get3A_6, %dot_general3A {dimension_numbers = #tpu.dot_dimension_numbers<[1], [0], [0], [1], [0, 0, 1, 1], [], []>, precision = #tpu.contract_precision<fp32>, transpose_lhs_hint = false} : vector<2048x128xf32>, vector<128x128xf32>, vector<2048x128xf32> -> vector<2048x128xf32>
    %get3A_8 = arith.constant 0 : index
    %get3A_9 = arith.constant 0 : index
    %get3A_10 = vector.load %arg4[%get3A_8, %get3A_9] : memref<2x2048xf32, #tpu.memory_space<vmem>>, vector<2x2048xf32>
    %reduce_sum3A = arith.constant dense<0.000000e+00> : vector<2048xf32>
    %reduce_sum3A_11 = vector.multi_reduction <add>, %get3A_10, %reduce_sum3A [0] : vector<2x2048xf32> to vector<2048xf32>
    %add3A = arith.constant 1.000000e+00 : f32
    %add3A_12 = vector.broadcast %add3A : f32 to vector<2048xf32>
    %add3A_13 = arith.addf %reduce_sum3A_11, %add3A_12 : vector<2048xf32>
    %rsqrt3A = math.rsqrt %add3A_13 : vector<2048xf32>
    %broadcast_in_dim3A = vector.shape_cast %rsqrt3A : vector<2048xf32> to vector<2048x1xf32>
    %mul3A = vector.broadcast %broadcast_in_dim3A : vector<2048x1xf32> to vector<2048x128xf32>
    %mul3A_14 = arith.mulf %dot_general3A_7, %mul3A : vector<2048x128xf32>
    %swap3A = arith.constant 0 : index
    %swap3A_15 = arith.constant 0 : index
    %swap3A_16 = arith.constant 0 : index
    %swap3A_17 = vector.load %arg5[%swap3A, %swap3A_15, %swap3A_16] : memref<1x2048x128xf32, #tpu.memory_space<vmem>>, vector<1x2048x128xf32>
    %swap3A_18 = vector.shape_cast %swap3A_17 : vector<1x2048x128xf32> to vector<2048x128xf32>
    %swap3A_19 = vector.shape_cast %mul3A_14 : vector<2048x128xf32> to vector<1x2048x128xf32>
    tpu.vector_store %arg5[%swap3A, %swap3A_15, %swap3A_16], %swap3A_19 {strides = array<i32>} : memref<1x2048x128xf32, #tpu.memory_space<vmem>>, vector<1x2048x128xf32>,
    %swap3A_20 = arith.constant 0 : index
    %swap3A_21 = vector.load %arg6[%swap3A_20] : memref<2048xf32, #tpu.memory_space<vmem>>, vector<2048xf32>
    tpu.vector_store %arg6[%swap3A_20], %rsqrt3A {strides = array<i32>} : memref<2048xf32, #tpu.memory_space<vmem>>, vector<2048xf32>,
    return
  }
  func.func @transform_0(%arg0: i32, %arg1: i32) -> (i32, i32, i32) {
    %c0_i32 = arith.constant 0 : i32
    %c0_i32_0 = arith.constant 0 : i32
    return %arg0, %arg1, %c0_i32 : i32, i32, i32
  }
  func.func @transform_1(%arg0: i32, %arg1: i32) -> (i32, i32) {
    %c0_i32 = arith.constant 0 : i32
    %c0_i32_0 = arith.constant 0 : i32
    %c0_i32_1 = arith.constant 0 : i32
    return %c0_i32, %c0_i32_0 : i32, i32
  }
  func.func @transform_2(%arg0: i32, %arg1: i32) -> (i32, i32) {
    %c0_i32 = arith.constant 0 : i32
    %c0_i32_0 = arith.constant 0 : i32
    return %c0_i32, %arg1 : i32, i32
  }
  func.func @transform_3(%arg0: i32, %arg1: i32) -> (i32, i32, i32) {
    %c0_i32 = arith.constant 0 : i32
    %c0_i32_0 = arith.constant 0 : i32
    return %arg0, %arg1, %c0_i32 : i32, i32, i32
  }
  func.func @transform_4(%arg0: i32, %arg1: i32) -> i32 {
    %c0_i32 = arith.constant 0 : i32
    return %arg1 : i32
  }
}

module attributes {stable_mosaic.version = 14 : i64} {
  func.func @_tail_body(%arg0: i32, %arg1: memref<1x2048x128xf32, #tpu.memory_space<vmem>>, %arg2: memref<1x2048x128xf32, #tpu.memory_space<vmem>>, %arg3: memref<2048x128xf32, #tpu.memory_space<vmem>>, %arg4: memref<2048x128xf32, #tpu.memory_space<vmem>>, %arg5: memref<2048xf32, #tpu.memory_space<vmem>>, %arg6: memref<2048xi32, #tpu.memory_space<vmem>>, %arg7: memref<128xf32, #tpu.memory_space<vmem>>, %arg8: memref<256x1xf32, #tpu.memory_space<vmem>>, %arg9: memref<2048xf32, #tpu.memory_space<vmem>>, %arg10: memref<2048xf32, #tpu.memory_space<vmem>>, %arg11: memref<10240x128xf32, #tpu.memory_space<vmem>>, %arg12: memref<10240x128xf32, #tpu.memory_space<vmem>>, %arg13: memref<256x128xf32, #tpu.memory_space<vmem>>) attributes {dimension_semantics = [#tpu.dimension_semantics<arbitrary>], iteration_bounds = array<i64: 10>, scalar_prefetch = 0 : i64, scratch_operands = 3 : i64, tpu.core_type = #tpu.core_type<tc>, window_params = [{transform_indices = @transform_0, window_bounds = array<i64: 1, 2048, 128>}, {transform_indices = @transform_1, window_bounds = array<i64: 1, 2048, 128>}, {transform_indices = @transform_2, window_bounds = array<i64: 2048, 128>}, {transform_indices = @transform_3, window_bounds = array<i64: 2048, 128>}, {transform_indices = @transform_4, window_bounds = array<i64: 2048>}, {transform_indices = @transform_5, window_bounds = array<i64: 2048>}, {pipeline_mode = #tpu.pipeline_mode<synchronous>, transform_indices = @transform_6, window_bounds = array<i64: 128>}, {pipeline_mode = #tpu.pipeline_mode<synchronous>, transform_indices = @transform_7, window_bounds = array<i64: 256, 1>}, {transform_indices = @transform_8, window_bounds = array<i64: 2048>}, {transform_indices = @transform_9, window_bounds = array<i64: 2048>}]} {
    %rem3A = arith.constant 5 : i32
    %rem3A_0 = arith.remsi %arg0, %rem3A : i32
    %get3A = arith.constant 0 : index
    %get3A_1 = vector.load %arg6[%get3A] : memref<2048xi32, #tpu.memory_space<vmem>>, vector<2048xi32>
    %broadcast_in_dim3A = vector.shape_cast %get3A_1 : vector<2048xi32> to vector<2048x1xi32>
    %iota3A = tpu.iota {dimensions = array<i32: 1>} : vector<2048x256xi32>
    %eq3A = vector.broadcast %broadcast_in_dim3A : vector<2048x1xi32> to vector<2048x256xi32>
    %eq3A_2 = arith.cmpi eq, %eq3A, %iota3A : vector<2048x256xi32>
    %convert_element_type3A = arith.extui %eq3A_2 : vector<2048x256xi1> to vector<2048x256xi32>
    %convert_element_type3A_3 = arith.sitofp %convert_element_type3A : vector<2048x256xi32> to vector<2048x256xf32>
    %lt3A = arith.constant 5 : i32
    %lt3A_4 = arith.cmpi slt, %arg0, %lt3A : i32
    %convert_element_type3A_5 = arith.extui %lt3A_4 : i1 to i32
    %cond3A = arith.constant 0 : i32
    %cond3A_6 = arith.cmpi ne, %convert_element_type3A_5, %cond3A : i32
    scf.if %cond3A_6 {
      %get3A_11 = arith.constant 0 : index
      %get3A_12 = vector.load %arg5[%get3A_11] : memref<2048xf32, #tpu.memory_space<vmem>>, vector<2048xf32>
      %broadcast_in_dim3A_13 = vector.shape_cast %get3A_12 : vector<2048xf32> to vector<2048x1xf32>
      %get3A_14 = arith.constant 0 : index
      %get3A_15 = vector.load %arg7[%get3A_14] : memref<128xf32, #tpu.memory_space<vmem>>, vector<128xf32>
      %broadcast_in_dim3A_16 = vector.shape_cast %get3A_15 : vector<128xf32> to vector<1x128xf32>
      %get3A_17 = arith.constant 0 : index
      %get3A_18 = arith.constant 0 : index
      %get3A_19 = vector.load %arg3[%get3A_17, %get3A_18] : memref<2048x128xf32, #tpu.memory_space<vmem>>, vector<2048x128xf32>
      %get3A_20 = arith.constant 0 : index
      %get3A_21 = arith.constant 0 : index
      %get3A_22 = arith.constant 0 : index
      %get3A_23 = vector.load %arg1[%get3A_20, %get3A_21, %get3A_22] : memref<1x2048x128xf32, #tpu.memory_space<vmem>>, vector<1x2048x128xf32>
      %get3A_24 = vector.shape_cast %get3A_23 : vector<1x2048x128xf32> to vector<2048x128xf32>
      %add3A = arith.addf %get3A_19, %get3A_24 : vector<2048x128xf32>
      %mul3A = vector.broadcast %broadcast_in_dim3A_13 : vector<2048x1xf32> to vector<2048x128xf32>
      %mul3A_25 = arith.mulf %mul3A, %add3A : vector<2048x128xf32>
      %add3A_26 = vector.broadcast %broadcast_in_dim3A_16 : vector<1x128xf32> to vector<2048x128xf32>
      %add3A_27 = arith.addf %mul3A_25, %add3A_26 : vector<2048x128xf32>
      %max3A = arith.constant 0.000000e+00 : f32
      %max3A_28 = vector.broadcast %max3A : f32 to vector<2048x128xf32>
      %max3A_29 = arith.maximumf %add3A_27, %max3A_28 : vector<2048x128xf32>
      %get3A_30 = arith.constant 0 : index
      %get3A_31 = arith.constant 0 : index
      %get3A_32 = vector.load %arg4[%get3A_30, %get3A_31] : memref<2048x128xf32, #tpu.memory_space<vmem>>, vector<2048x128xf32>
      %get3A_33 = arith.constant 0 : index
      %get3A_34 = arith.constant 0 : index
      %get3A_35 = arith.constant 0 : index
      %get3A_36 = vector.load %arg2[%get3A_33, %get3A_34, %get3A_35] : memref<1x2048x128xf32, #tpu.memory_space<vmem>>, vector<1x2048x128xf32>
      %get3A_37 = vector.shape_cast %get3A_36 : vector<1x2048x128xf32> to vector<2048x128xf32>
      %add3A_38 = arith.addf %get3A_32, %get3A_37 : vector<2048x128xf32>
      %mul3A_39 = vector.broadcast %broadcast_in_dim3A_13 : vector<2048x1xf32> to vector<2048x128xf32>
      %mul3A_40 = arith.mulf %mul3A_39, %add3A_38 : vector<2048x128xf32>
      %add3A_41 = vector.broadcast %broadcast_in_dim3A_16 : vector<1x128xf32> to vector<2048x128xf32>
      %add3A_42 = arith.addf %mul3A_40, %add3A_41 : vector<2048x128xf32>
      %max3A_43 = arith.constant 0.000000e+00 : f32
      %max3A_44 = vector.broadcast %max3A_43 : f32 to vector<2048x128xf32>
      %max3A_45 = arith.maximumf %add3A_42, %max3A_44 : vector<2048x128xf32>
      %mul3A_46 = arith.constant 2048 : i32
      %mul3A_47 = arith.muli %rem3A_0, %mul3A_46 : i32
      %swap3A = arith.index_cast %mul3A_47 : i32 to index
      %swap3A_48 = arith.constant 0 : index
      %swap3A_49 = vector.load %arg11[%swap3A, %swap3A_48] : memref<10240x128xf32, #tpu.memory_space<vmem>>, vector<2048x128xf32>
      tpu.vector_store %arg11[%swap3A, %swap3A_48], %max3A_29 {strides = array<i32>} : memref<10240x128xf32, #tpu.memory_space<vmem>>, vector<2048x128xf32>,
      %mul3A_50 = arith.constant 2048 : i32
      %mul3A_51 = arith.muli %rem3A_0, %mul3A_50 : i32
      %swap3A_52 = arith.index_cast %mul3A_51 : i32 to index
      %swap3A_53 = arith.constant 0 : index
      %swap3A_54 = vector.load %arg12[%swap3A_52, %swap3A_53] : memref<10240x128xf32, #tpu.memory_space<vmem>>, vector<2048x128xf32>
      tpu.vector_store %arg12[%swap3A_52, %swap3A_53], %max3A_45 {strides = array<i32>} : memref<10240x128xf32, #tpu.memory_space<vmem>>, vector<2048x128xf32>,
      %dot_general3A = arith.constant dense<0.000000e+00> : vector<256x128xf32>
      %dot_general3A_55 = tpu.matmul %convert_element_type3A_3, %max3A_29, %dot_general3A {dimension_numbers = #tpu.dot_dimension_numbers<[0], [0], [1], [1], [0, 1, 1, 1], [], []>, precision = #tpu.contract_precision<fp32>, transpose_lhs_hint = false} : vector<2048x256xf32>, vector<2048x128xf32>, vector<256x128xf32> -> vector<256x128xf32>
      %eq3A_56 = arith.constant 0 : i32
      %eq3A_57 = arith.cmpi eq, %arg0, %eq3A_56 : i32
      %convert_element_type3A_58 = arith.extui %eq3A_57 : i1 to i32
      %cond3A_59 = arith.constant 0 : i32
      %cond3A_60 = arith.cmpi ne, %convert_element_type3A_58, %cond3A_59 : i32
      scf.if %cond3A_60 {
        %swap3A_73 = arith.constant 0 : index
        %swap3A_74 = arith.constant 0 : index
        %swap3A_75 = vector.load %arg13[%swap3A_73, %swap3A_74] : memref<256x128xf32, #tpu.memory_space<vmem>>, vector<256x128xf32>
        tpu.vector_store %arg13[%swap3A_73, %swap3A_74], %dot_general3A_55 {strides = array<i32>} : memref<256x128xf32, #tpu.memory_space<vmem>>, vector<256x128xf32>,
      } else {
      }
      %gt3A = arith.constant 0 : i32
      %gt3A_61 = arith.cmpi sgt, %arg0, %gt3A : i32
      %convert_element_type3A_62 = arith.extui %gt3A_61 : i1 to i32
      %cond3A_63 = arith.constant 0 : i32
      %cond3A_64 = arith.cmpi ne, %convert_element_type3A_62, %cond3A_63 : i32
      scf.if %cond3A_64 {
        %get3A_73 = arith.constant 0 : index
        %get3A_74 = arith.constant 0 : index
        %get3A_75 = vector.load %arg13[%get3A_73, %get3A_74] : memref<256x128xf32, #tpu.memory_space<vmem>>, vector<256x128xf32>
        %add3A_76 = arith.addf %get3A_75, %dot_general3A_55 : vector<256x128xf32>
        %swap3A_77 = arith.constant 0 : index
        %swap3A_78 = arith.constant 0 : index
        %swap3A_79 = vector.load %arg13[%swap3A_77, %swap3A_78] : memref<256x128xf32, #tpu.memory_space<vmem>>, vector<256x128xf32>
        tpu.vector_store %arg13[%swap3A_77, %swap3A_78], %add3A_76 {strides = array<i32>} : memref<256x128xf32, #tpu.memory_space<vmem>>, vector<256x128xf32>,
      } else {
      }
      %broadcast_in_dim3A_65 = arith.constant 0.000000e+00 : f32
      %broadcast_in_dim3A_66 = vector.broadcast %broadcast_in_dim3A_65 : f32 to vector<2048xf32>
      %swap3A_67 = arith.constant 0 : index
      %swap3A_68 = vector.load %arg9[%swap3A_67] : memref<2048xf32, #tpu.memory_space<vmem>>, vector<2048xf32>
      tpu.vector_store %arg9[%swap3A_67], %broadcast_in_dim3A_66 {strides = array<i32>} : memref<2048xf32, #tpu.memory_space<vmem>>, vector<2048xf32>,
      %broadcast_in_dim3A_69 = arith.constant 0.000000e+00 : f32
      %broadcast_in_dim3A_70 = vector.broadcast %broadcast_in_dim3A_69 : f32 to vector<2048xf32>
      %swap3A_71 = arith.constant 0 : index
      %swap3A_72 = vector.load %arg10[%swap3A_71] : memref<2048xf32, #tpu.memory_space<vmem>>, vector<2048xf32>
      tpu.vector_store %arg10[%swap3A_71], %broadcast_in_dim3A_70 {strides = array<i32>} : memref<2048xf32, #tpu.memory_space<vmem>>, vector<2048xf32>,
    } else {
    }
    %ge3A = arith.constant 5 : i32
    %ge3A_7 = arith.cmpi sge, %arg0, %ge3A : i32
    %convert_element_type3A_8 = arith.extui %ge3A_7 : i1 to i32
    %cond3A_9 = arith.constant 0 : i32
    %cond3A_10 = arith.cmpi ne, %convert_element_type3A_8, %cond3A_9 : i32
    scf.if %cond3A_10 {
      %get3A_11 = arith.constant 0 : index
      %get3A_12 = arith.constant 0 : index
      %get3A_13 = vector.load %arg13[%get3A_11, %get3A_12] : memref<256x128xf32, #tpu.memory_space<vmem>>, vector<256x128xf32>
      %get3A_14 = arith.constant 0 : index
      %get3A_15 = arith.constant 0 : index
      %get3A_16 = vector.load %arg8[%get3A_14, %get3A_15] : memref<256x1xf32, #tpu.memory_space<vmem>>, vector<256x1xf32>
      %div3A = vector.broadcast %get3A_16 : vector<256x1xf32> to vector<256x128xf32>
      %div3A_17 = arith.divf %get3A_13, %div3A : vector<256x128xf32>
      %logistic3A = arith.negf %div3A_17 : vector<256x128xf32>
      %logistic3A_18 = math.exp %logistic3A : vector<256x128xf32>
      %logistic3A_19 = arith.constant 1.000000e+00 : f32
      %logistic3A_20 = vector.broadcast %logistic3A_19 : f32 to vector<256x128xf32>
      %logistic3A_21 = arith.addf %logistic3A_20, %logistic3A_18 : vector<256x128xf32>
      %logistic3A_22 = arith.divf %logistic3A_20, %logistic3A_21 : vector<256x128xf32>
      %dot_general3A = arith.constant dense<0.000000e+00> : vector<2048x128xf32>
      %dot_general3A_23 = tpu.matmul %convert_element_type3A_3, %logistic3A_22, %dot_general3A {dimension_numbers = #tpu.dot_dimension_numbers<[1], [0], [0], [1], [0, 0, 1, 1], [], []>, precision = #tpu.contract_precision<fp32>, transpose_lhs_hint = false} : vector<2048x256xf32>, vector<256x128xf32>, vector<2048x128xf32> -> vector<2048x128xf32>
      %mul3A = arith.constant 2048 : i32
      %mul3A_24 = arith.muli %rem3A_0, %mul3A : i32
      %get3A_25 = arith.index_cast %mul3A_24 : i32 to index
      %get3A_26 = arith.constant 0 : index
      %get3A_27 = vector.load %arg11[%get3A_25, %get3A_26] : memref<10240x128xf32, #tpu.memory_space<vmem>>, vector<2048x128xf32>
      %mul3A_28 = arith.mulf %get3A_27, %dot_general3A_23 : vector<2048x128xf32>
      %reduce_sum3A = arith.constant dense<0.000000e+00> : vector<2048xf32>
      %reduce_sum3A_29 = vector.multi_reduction <add>, %mul3A_28, %reduce_sum3A [1] : vector<2048x128xf32> to vector<2048xf32>
      %mul3A_30 = arith.constant 2048 : i32
      %mul3A_31 = arith.muli %rem3A_0, %mul3A_30 : i32
      %get3A_32 = arith.index_cast %mul3A_31 : i32 to index
      %get3A_33 = arith.constant 0 : index
      %get3A_34 = vector.load %arg12[%get3A_32, %get3A_33] : memref<10240x128xf32, #tpu.memory_space<vmem>>, vector<2048x128xf32>
      %mul3A_35 = arith.mulf %get3A_34, %dot_general3A_23 : vector<2048x128xf32>
      %reduce_sum3A_36 = arith.constant dense<0.000000e+00> : vector<2048xf32>
      %reduce_sum3A_37 = vector.multi_reduction <add>, %mul3A_35, %reduce_sum3A_36 [1] : vector<2048x128xf32> to vector<2048xf32>
      %neg3A = arith.constant 0.000000e+00 : f32
      %neg3A_38 = vector.broadcast %neg3A : f32 to vector<2048xf32>
      %neg3A_39 = arith.subf %neg3A_38, %reduce_sum3A_29 : vector<2048xf32>
      %max3A = arith.constant 0.000000e+00 : f32
      %max3A_40 = vector.broadcast %max3A : f32 to vector<2048xf32>
      %max3A_41 = arith.maximumf %neg3A_39, %max3A_40 : vector<2048xf32>
      %abs3A = math.absf %reduce_sum3A_29 : vector<2048xf32>
      %neg3A_42 = arith.constant 0.000000e+00 : f32
      %neg3A_43 = vector.broadcast %neg3A_42 : f32 to vector<2048xf32>
      %neg3A_44 = arith.subf %neg3A_43, %abs3A : vector<2048xf32>
      %exp3A = math.exp %neg3A_44 : vector<2048xf32>
      %log1p3A = math.log1p %exp3A : vector<2048xf32>
      %add3A = arith.addf %max3A_41, %log1p3A : vector<2048xf32>
      %swap3A = arith.constant 0 : index
      %swap3A_45 = vector.load %arg9[%swap3A] : memref<2048xf32, #tpu.memory_space<vmem>>, vector<2048xf32>
      tpu.vector_store %arg9[%swap3A], %add3A {strides = array<i32>} : memref<2048xf32, #tpu.memory_space<vmem>>, vector<2048xf32>,
      %max3A_46 = arith.constant 0.000000e+00 : f32
      %max3A_47 = vector.broadcast %max3A_46 : f32 to vector<2048xf32>
      %max3A_48 = arith.maximumf %reduce_sum3A_37, %max3A_47 : vector<2048xf32>
      %abs3A_49 = math.absf %reduce_sum3A_37 : vector<2048xf32>
      %neg3A_50 = arith.constant 0.000000e+00 : f32
      %neg3A_51 = vector.broadcast %neg3A_50 : f32 to vector<2048xf32>
      %neg3A_52 = arith.subf %neg3A_51, %abs3A_49 : vector<2048xf32>
      %exp3A_53 = math.exp %neg3A_52 : vector<2048xf32>
      %log1p3A_54 = math.log1p %exp3A_53 : vector<2048xf32>
      %add3A_55 = arith.addf %max3A_48, %log1p3A_54 : vector<2048xf32>
      %swap3A_56 = arith.constant 0 : index
      %swap3A_57 = vector.load %arg10[%swap3A_56] : memref<2048xf32, #tpu.memory_space<vmem>>, vector<2048xf32>
      tpu.vector_store %arg10[%swap3A_56], %add3A_55 {strides = array<i32>} : memref<2048xf32, #tpu.memory_space<vmem>>, vector<2048xf32>,
    } else {
    }
    return
  }
  func.func @transform_0(%arg0: i32) -> (i32, i32, i32) {
    %jit3A = arith.constant 5 : i32
    %eq3A = arith.constant 0 : i32
    %eq3A_0 = arith.cmpi eq, %jit3A, %eq3A : i32
    %jit3A_1 = arith.constant 1 : i32
    %select_n3A = arith.select %eq3A_0, %jit3A_1, %jit3A : i32
    %rem3A = arith.remsi %arg0, %select_n3A : i32
    %ne3A = arith.constant 0 : i32
    %ne3A_2 = arith.cmpi ne, %rem3A, %ne3A : i32
    %lt3A = arith.constant 0 : i32
    %lt3A_3 = arith.cmpi slt, %rem3A, %lt3A : i32
    %lt3A_4 = arith.constant 0 : i32
    %lt3A_5 = arith.cmpi slt, %select_n3A, %lt3A_4 : i32
    %ne3A_6 = arith.xori %lt3A_3, %lt3A_5 : i1
    %and3A = arith.andi %ne3A_6, %ne3A_2 : i1
    %add3A = arith.addi %rem3A, %select_n3A : i32
    %select_n3A_7 = arith.select %and3A, %add3A, %rem3A : i32
    %c0_i32 = arith.constant 0 : i32
    %c0_i32_8 = arith.constant 0 : i32
    %c0_i32_9 = arith.constant 0 : i32
    return %c0_i32, %select_n3A_7, %c0_i32_8 : i32, i32, i32
  }
  func.func @transform_1(%arg0: i32) -> (i32, i32, i32) {
    %jit3A = arith.constant 5 : i32
    %eq3A = arith.constant 0 : i32
    %eq3A_0 = arith.cmpi eq, %jit3A, %eq3A : i32
    %jit3A_1 = arith.constant 1 : i32
    %select_n3A = arith.select %eq3A_0, %jit3A_1, %jit3A : i32
    %rem3A = arith.remsi %arg0, %select_n3A : i32
    %ne3A = arith.constant 0 : i32
    %ne3A_2 = arith.cmpi ne, %rem3A, %ne3A : i32
    %lt3A = arith.constant 0 : i32
    %lt3A_3 = arith.cmpi slt, %rem3A, %lt3A : i32
    %lt3A_4 = arith.constant 0 : i32
    %lt3A_5 = arith.cmpi slt, %select_n3A, %lt3A_4 : i32
    %ne3A_6 = arith.xori %lt3A_3, %lt3A_5 : i1
    %and3A = arith.andi %ne3A_6, %ne3A_2 : i1
    %add3A = arith.addi %rem3A, %select_n3A : i32
    %select_n3A_7 = arith.select %and3A, %add3A, %rem3A : i32
    %c1_i32 = arith.constant 1 : i32
    %c0_i32 = arith.constant 0 : i32
    %c0_i32_8 = arith.constant 0 : i32
    return %c1_i32, %select_n3A_7, %c0_i32 : i32, i32, i32
  }
  func.func @transform_2(%arg0: i32) -> (i32, i32) {
    %jit3A = arith.constant 5 : i32
    %eq3A = arith.constant 0 : i32
    %eq3A_0 = arith.cmpi eq, %jit3A, %eq3A : i32
    %jit3A_1 = arith.constant 1 : i32
    %select_n3A = arith.select %eq3A_0, %jit3A_1, %jit3A : i32
    %rem3A = arith.remsi %arg0, %select_n3A : i32
    %ne3A = arith.constant 0 : i32
    %ne3A_2 = arith.cmpi ne, %rem3A, %ne3A : i32
    %lt3A = arith.constant 0 : i32
    %lt3A_3 = arith.cmpi slt, %rem3A, %lt3A : i32
    %lt3A_4 = arith.constant 0 : i32
    %lt3A_5 = arith.cmpi slt, %select_n3A, %lt3A_4 : i32
    %ne3A_6 = arith.xori %lt3A_3, %lt3A_5 : i1
    %and3A = arith.andi %ne3A_6, %ne3A_2 : i1
    %add3A = arith.addi %rem3A, %select_n3A : i32
    %select_n3A_7 = arith.select %and3A, %add3A, %rem3A : i32
    %c0_i32 = arith.constant 0 : i32
    %c0_i32_8 = arith.constant 0 : i32
    return %select_n3A_7, %c0_i32 : i32, i32
  }
  func.func @transform_3(%arg0: i32) -> (i32, i32) {
    %jit3A = arith.constant 5 : i32
    %eq3A = arith.constant 0 : i32
    %eq3A_0 = arith.cmpi eq, %jit3A, %eq3A : i32
    %jit3A_1 = arith.constant 1 : i32
    %select_n3A = arith.select %eq3A_0, %jit3A_1, %jit3A : i32
    %rem3A = arith.remsi %arg0, %select_n3A : i32
    %ne3A = arith.constant 0 : i32
    %ne3A_2 = arith.cmpi ne, %rem3A, %ne3A : i32
    %lt3A = arith.constant 0 : i32
    %lt3A_3 = arith.cmpi slt, %rem3A, %lt3A : i32
    %lt3A_4 = arith.constant 0 : i32
    %lt3A_5 = arith.cmpi slt, %select_n3A, %lt3A_4 : i32
    %ne3A_6 = arith.xori %lt3A_3, %lt3A_5 : i1
    %and3A = arith.andi %ne3A_6, %ne3A_2 : i1
    %add3A = arith.addi %rem3A, %select_n3A : i32
    %select_n3A_7 = arith.select %and3A, %add3A, %rem3A : i32
    %add3A_8 = arith.constant 5 : i32
    %add3A_9 = arith.addi %add3A_8, %select_n3A_7 : i32
    %c0_i32 = arith.constant 0 : i32
    %c0_i32_10 = arith.constant 0 : i32
    return %add3A_9, %c0_i32 : i32, i32
  }
  func.func @transform_4(%arg0: i32) -> i32 {
    %jit3A = arith.constant 5 : i32
    %eq3A = arith.constant 0 : i32
    %eq3A_0 = arith.cmpi eq, %jit3A, %eq3A : i32
    %jit3A_1 = arith.constant 1 : i32
    %select_n3A = arith.select %eq3A_0, %jit3A_1, %jit3A : i32
    %rem3A = arith.remsi %arg0, %select_n3A : i32
    %ne3A = arith.constant 0 : i32
    %ne3A_2 = arith.cmpi ne, %rem3A, %ne3A : i32
    %lt3A = arith.constant 0 : i32
    %lt3A_3 = arith.cmpi slt, %rem3A, %lt3A : i32
    %lt3A_4 = arith.constant 0 : i32
    %lt3A_5 = arith.cmpi slt, %select_n3A, %lt3A_4 : i32
    %ne3A_6 = arith.xori %lt3A_3, %lt3A_5 : i1
    %and3A = arith.andi %ne3A_6, %ne3A_2 : i1
    %add3A = arith.addi %rem3A, %select_n3A : i32
    %select_n3A_7 = arith.select %and3A, %add3A, %rem3A : i32
    %c0_i32 = arith.constant 0 : i32
    return %select_n3A_7 : i32
  }
  func.func @transform_5(%arg0: i32) -> i32 {
    %jit3A = arith.constant 5 : i32
    %eq3A = arith.constant 0 : i32
    %eq3A_0 = arith.cmpi eq, %jit3A, %eq3A : i32
    %jit3A_1 = arith.constant 1 : i32
    %select_n3A = arith.select %eq3A_0, %jit3A_1, %jit3A : i32
    %rem3A = arith.remsi %arg0, %select_n3A : i32
    %ne3A = arith.constant 0 : i32
    %ne3A_2 = arith.cmpi ne, %rem3A, %ne3A : i32
    %lt3A = arith.constant 0 : i32
    %lt3A_3 = arith.cmpi slt, %rem3A, %lt3A : i32
    %lt3A_4 = arith.constant 0 : i32
    %lt3A_5 = arith.cmpi slt, %select_n3A, %lt3A_4 : i32
    %ne3A_6 = arith.xori %lt3A_3, %lt3A_5 : i1
    %and3A = arith.andi %ne3A_6, %ne3A_2 : i1
    %add3A = arith.addi %rem3A, %select_n3A : i32
    %select_n3A_7 = arith.select %and3A, %add3A, %rem3A : i32
    %c0_i32 = arith.constant 0 : i32
    return %select_n3A_7 : i32
  }
  func.func @transform_6(%arg0: i32) -> i32 {
    %c0_i32 = arith.constant 0 : i32
    %c0_i32_0 = arith.constant 0 : i32
    return %c0_i32 : i32
  }
  func.func @transform_7(%arg0: i32) -> (i32, i32) {
    %c0_i32 = arith.constant 0 : i32
    %c0_i32_0 = arith.constant 0 : i32
    %c0_i32_1 = arith.constant 0 : i32
    return %c0_i32, %c0_i32_0 : i32, i32
  }
  func.func @transform_8(%arg0: i32) -> i32 {
    %jit3A = arith.constant 5 : i32
    %eq3A = arith.constant 0 : i32
    %eq3A_0 = arith.cmpi eq, %jit3A, %eq3A : i32
    %jit3A_1 = arith.constant 1 : i32
    %select_n3A = arith.select %eq3A_0, %jit3A_1, %jit3A : i32
    %rem3A = arith.remsi %arg0, %select_n3A : i32
    %ne3A = arith.constant 0 : i32
    %ne3A_2 = arith.cmpi ne, %rem3A, %ne3A : i32
    %lt3A = arith.constant 0 : i32
    %lt3A_3 = arith.cmpi slt, %rem3A, %lt3A : i32
    %lt3A_4 = arith.constant 0 : i32
    %lt3A_5 = arith.cmpi slt, %select_n3A, %lt3A_4 : i32
    %ne3A_6 = arith.xori %lt3A_3, %lt3A_5 : i1
    %and3A = arith.andi %ne3A_6, %ne3A_2 : i1
    %add3A = arith.addi %rem3A, %select_n3A : i32
    %select_n3A_7 = arith.select %and3A, %add3A, %rem3A : i32
    %c0_i32 = arith.constant 0 : i32
    return %select_n3A_7 : i32
  }
  func.func @transform_9(%arg0: i32) -> i32 {
    %jit3A = arith.constant 5 : i32
    %eq3A = arith.constant 0 : i32
    %eq3A_0 = arith.cmpi eq, %jit3A, %eq3A : i32
    %jit3A_1 = arith.constant 1 : i32
    %select_n3A = arith.select %eq3A_0, %jit3A_1, %jit3A : i32
    %rem3A = arith.remsi %arg0, %select_n3A : i32
    %ne3A = arith.constant 0 : i32
    %ne3A_2 = arith.cmpi ne, %rem3A, %ne3A : i32
    %lt3A = arith.constant 0 : i32
    %lt3A_3 = arith.cmpi slt, %rem3A, %lt3A : i32
    %lt3A_4 = arith.constant 0 : i32
    %lt3A_5 = arith.cmpi slt, %select_n3A, %lt3A_4 : i32
    %ne3A_6 = arith.xori %lt3A_3, %lt3A_5 : i1
    %and3A = arith.andi %ne3A_6, %ne3A_2 : i1
    %add3A = arith.addi %rem3A, %select_n3A : i32
    %select_n3A_7 = arith.select %and3A, %add3A, %rem3A : i32
    %c0_i32 = arith.constant 0 : i32
    return %select_n3A_7 : i32
  }
}

</mosaic_0001>

<sc_bundles>
// kernel: gather_offload_async_start
scs
__scs_entry_jumppad:
0x0: {  	(pc) =	sbr.rel $0x88, $3  }
0x1: {  	(tag) =	ssettag $0x0;
	lr =	simm.s32 $0x1  }
0x2: {  	[smem:$0x3F9B] =	sst lr;
	_ =	strace $0xD0000000  }
0x3: {  	_ = 	snop  }
0x4: {  	_ = 	snop  }
0x5: {  	_ = 	snop  }
0x6: {  	_ = 	snop  }
0x7: {  	_ = 	snop  }
__scs_overlays_trampoline_lowered:
0x8: {  	[smem:$0x3FAA] =	sst s0  }
0x9: {  	[smem:$0x3FAB] =	sst s1  }
0xa: {  	[smem:$0x3FAC] =	sst s2  }
0xb: {  	[smem:$0x3FAD] =	sst s3  }
0xc: {  	[smem:$0x3FAE] =	sst s4  }
0xd: {  	[smem:$0x3FAF] =	sst s5  }
0xe: {  	[smem:$0x3FB0] =	sst s6  }
0xf: {  	[smem:$0x3FB1] =	sst s7  }
0x10: {  	[smem:$0x3FB2] =	sst s8  }
0x11: {  	[smem:$0x3FB3] =	sst s9;
	s0 =	simm.s32 @!p0 $0x0  }
0x12: {  	s1 =	sld [smem:$0x3F99];
	s0 =	simm.s32 @p0 $0x1  }
0x13: {  	[smem:$0x3FB4] =	sst s0;
	s0 =	simm.s32 @!p1 $0x0  }
0x14: {  	s2 =	sld [smem:$0x3F98];
	s0 =	simm.s32 @p1 $0x1  }
0x15: {  	[smem:$0x3FB5] =	sst s0;
	s0 =	simm.s32 @!p2 $0x0  }
0x16: {  	s3 =	sld [smem:$0x3FDB];
	s0 =	simm.s32 @p2 $0x1  }
0x17: {  	s4 =	simm.s32 $0x1BF5;
	[smem:$0x3FB7] =	sst s0  }
0x18: {  	s0 =	sld [smem:$0x3F9A];
	_ =	swait.ge [sflag:s4], $0x0  }
0x19: {  	s7 =	sld [smem:$0x3F9B]  }
0x1a: {  	s8 =	sadd.s32 $0xFFFFE003, lr  }
0x1b: {  	s9 =	sadd.s32 $0xFFFFFEF7, lr;
	s5 =	simm.s32 $0xFFFFFFFF;
	p2 =	slt.u32 s8, $0xFFFFF086  }
0x1c: {  	p1 =	slt.u32 s9, $0xF7A;
	s5 =	simm.s32 @!p2 $0x0  }
0x1d: {  	s5 =	simm.s32 @p1 $0x1;
	p0 =	seq.s32 s7, s2  }
0x1e: {  	s7 =	smul.u32 @!p0 $0xF7A, s2;
	p2 =	seq.s32 @!p0 s5, $0x0  }
0x1f: {  	s9 =	smul.u32 $0xF7A, s1;
	s8 =	simm.s32 @!p0 $0x1BF5;
	p2 =	por !p2, p0  }
0x20: {  	[sflag:s8] =	ssyncset.s32 @!p0 $0xFFFFF086;
	s6 =	sadd.s32 @!p0 s3, s7;
	s7 =	simm.s32 @!p0 $0x108  }
0x21: {  	s3 =	sadd.s32 s3, s9;
	s6 =	sadd.s32 @!p0 $0x88, s6;
	s7 =	simm.s32 @p2 $0x1082  }
0x22: {  	[simem:s7], [sflag:s8] =	dma.local @!p0 [hbm:s6], $0xF7A  }
0x23: {  	s9 =	sor.u32 $0xD0000000, s2;
	s6 =	simm.s32 $0x108;
	_ =	swait.ge @!p0 [sflag:s8], $0x0  }
0x24: {  	s3 =	sadd.s32 $0x88, s3;
	s6 =	simm.s32 @!p1 $0x1082;
	[sflag:s4] =	ssyncset.s32 $0xFFFFF086  }
0x25: {  	[simem:s6], [sflag:s4] =	dma.local [hbm:s3], $0xF7A  }
0x26: {  	[smem:$0x3F9B] =	sst s1;
	(tag) =	ssettag s2;
	_ =	strace s9  }
0x27: {  	s1 =	sld [smem:$0x3FAB]  }
0x28: {  	s2 =	sld [smem:$0x3FAC]  }
0x29: {  	s4 =	sld [smem:$0x3FAE]  }
0x2a: {  	p0 =	seq.s32 s5, $0x0;
	s5 =	sld [smem:$0x3FAF]  }
0x2b: {  	s6 =	sld [smem:$0x3FB0]  }
0x2c: {  	s7 =	sld [smem:$0x3FB1]  }
0x2d: {  	s3 =	simm.s32 $0x108;
	s8 =	sld [smem:$0x3FB2]  }
0x2e: {  	s3 =	simm.s32 @!p0 $0x1082;
	s9 =	sld [smem:$0x3FB3]  }
0x2f: {  	lr =	sadd.s32 s0, s3;
	s0 =	sld [smem:$0x3FAA]  }
0x30: {  	s3 =	sld [smem:$0x3FAD]  }
0x31: {  	[smem:$0x3FB6] =	sst s10  }
0x32: {  	s10 =	sld [smem:$0x3FB4];
	_ =	sdelay $0x3  }
0x33: {  	p0 =	seq.s32 s10, $0x1;
	s10 =	sld [smem:$0x3FB6];
	_ =	sdelay $0x3  }
0x34: {  	[smem:$0x3FB6] =	sst s10  }
0x35: {  	s10 =	sld [smem:$0x3FB5];
	_ =	sdelay $0x3  }
0x36: {  	p1 =	seq.s32 s10, $0x1;
	s10 =	sld [smem:$0x3FB6];
	_ =	sdelay $0x3  }
0x37: {  	[smem:$0x3FB6] =	sst s10  }
0x38: {  	s10 =	sld [smem:$0x3FB7]  }
0x39: {  	_ = 	snop;
	(pc) =	sbr.ind lr, $3  }
0x3a: {  	_ = 	snop  }
0x3b: {  	_ = 	snop  }
0x3c: {  	p2 =	seq.s32 s10, $0x1;
	s10 =	sld [smem:$0x3FB6]  }
0x3d: {  	_ =	shalt  }
0x3e: {  	_ =	shalt  }
0x3f: {  	_ =	shalt  }
0x40: {  	_ =	shalt  }
0x41: {  	_ =	shalt  }
0x42: {  	_ =	shalt  }
0x43: {  	_ =	shalt  }
0x44: {  	_ =	shalt  }
0x45: {  	_ =	shalt  }
0x46: {  	_ =	shalt  }
0x47: {  	_ =	shalt  }
0x48: {  	_ =	shalt  }
0x49: {  	_ =	shalt  }
0x4a: {  	_ =	shalt  }
0x4b: {  	_ =	shalt  }
0x4c: {  	_ =	shalt  }
0x4d: {  	_ =	shalt  }
0x4e: {  	_ =	shalt  }
0x4f: {  	_ =	shalt  }
0x50: {  	_ =	shalt  }
0x51: {  	_ =	shalt  }
0x52: {  	_ =	shalt  }
0x53: {  	_ =	shalt  }
0x54: {  	_ =	shalt  }
0x55: {  	_ =	shalt  }
0x56: {  	_ =	shalt  }
0x57: {  	_ =	shalt  }
0x58: {  	_ =	shalt  }
0x59: {  	_ =	shalt  }
0x5a: {  	_ =	shalt  }
0x5b: {  	_ =	shalt  }
0x5c: {  	_ =	shalt  }
0x5d: {  	_ =	shalt  }
0x5e: {  	_ =	shalt  }
0x5f: {  	_ =	shalt  }
0x60: {  	_ =	shalt  }
0x61: {  	_ =	shalt  }
0x62: {  	_ =	shalt  }
0x63: {  	_ =	shalt  }
0x64: {  	_ =	shalt  }
0x65: {  	_ =	shalt  }
0x66: {  	_ =	shalt  }
0x67: {  	_ =	shalt  }
0x68: {  	_ =	shalt  }
0x69: {  	_ =	shalt  }
0x6a: {  	_ =	shalt  }
0x6b: {  	_ =	shalt  }
0x6c: {  	_ =	shalt  }
0x6d: {  	_ =	shalt  }
0x6e: {  	_ =	shalt  }
0x6f: {  	_ =	shalt  }
0x70: {  	_ =	shalt  }
0x71: {  	_ =	shalt  }
0x72: {  	_ =	shalt  }
0x73: {  	_ =	shalt  }
0x74: {  	_ =	shalt  }
0x75: {  	_ =	shalt  }
0x76: {  	_ =	shalt  }
0x77: {  	_ =	shalt  }
0x78: {  	_ =	shalt  }
0x79: {  	_ =	shalt  }
0x7a: {  	_ =	shalt  }
0x7b: {  	_ =	shalt  }
0x7c: {  	_ =	shalt  }
0x7d: {  	_ =	shalt  }
0x7e: {  	_ =	shalt  }
0x7f: {  	_ =	shalt  }
0x80: {  	_ =	shalt  }
0x81: {  	_ =	shalt  }
0x82: {  	_ =	shalt  }
0x83: {  	_ =	shalt  }
0x84: {  	_ =	shalt  }
0x85: {  	_ =	shalt  }
0x86: {  	_ =	shalt  }
0x87: {  	_ =	shalt  }
.Lfunc_end0:
.L_simem_size_0:
called_computation_lowered:
.L_overlay_start_0:
0x88: {  	s0 =	sld [smem:$0x3FD9]  }
0x89: {  	s1 =	sld [smem:$0x3FFE];
	_ =	sdelay $0x3  }
0x8a: {  	s0 =	sadd.s32 s1, s0  }
0x8b: {  	[smem:$0x3FC2] =	sst s0  }
0x8c: {  	_ = 	snop  }
0x8d: {  	s0 =	sld [smem:$0x3FD0];
	_ =	sdelay $0x2  }
0x8e: {  	s2 =	simm.s32 $0xB;
	s3 =	simm.s32 $0x10;
	s13 =	sld [smem:$0x3FC9]  }
0x8f: {  	[smem:s3], [sflag:s2] =	dma.local [hbm:s0], $0x1  }
0x90: {  	_ =	swait.eq [sflag:s2], $0x1  }
0x91: {  	[sflag:s2] =	ssyncset.done $0x0  }
0x92: {  	[sflag:s2] =	ssyncadd.s32 $0xFFFFFFFF  }
0x93: {  	s14 =	sld [smem:$0x11];
	(tm) =	ssettm $0x1  }
0x94: {  	s15 =	sld [smem:$0x3FFB];
	_ =	sdelay $0x3  }
0x95: {  	_ =	strace s15  }
0x96: {  	s2 =	sld [smem:$0x3FFC];
	_ =	sdelay $0x3  }
0x97: {  	_ =	strace s2  }
0x98: {  	s2 =	sld [smem:$0x3FFD];
	_ =	sdelay $0x3  }
0x99: {  	_ =	strace s2  }
0x9a: {  	_ =	strace $0x8FFFFFFF  }
0x9b: {  	s16 =	sld [smem:$0x3FDB];
	_ =	sdelay $0x1  }
0x9c: {  	s17 =	simm.s32 $_scs_section_size  }
0x9d: {  	s4 =	simm.s32 $_size__tile_overlayer_lowered;
	s5 =	simm.s32 $_tile_overlayer_lowered  }
0x9e: {  	s20 =	simm.s32 $0x1BFF;
	s19 =	sshll.u32 s5, $0x1;
	s2 =	sadd.s32 s17, s16  }
0x9f: {  	s6 =	simm.s32 $0x0;
	s18 =	sshll.u32 s4, $0x1;
	s4 =	sadd.s32 s19, s2  }
0xa0: {  	[timem:s6], [sflag:s20] =	dma.local [hbm:s4], s18  }
0xa1: {  	_ =	swait.ge [sflag:s20], s18  }
0xa2: {  	s3 =	ssub.s32 $0x0, s18;
	[sflag:s20] =	ssyncset.done $0x0  }
0xa3: {  	[sflag:s20] =	ssyncadd.s32 s3;
	_ =	sdelay $0x1  }
0xa4: {  	s21 =	simm.s32 $0x1B8B  }
0xa5: {  	_ =	swait.ge [sflag:s21], $0x1  }
0xa6: {  	[sflag:s21] =	ssyncset.done $0x0  }
0xa7: {  	s23 =	simm.s32 $0x1B8E;
	s22 =	sld [smem:$0x3FFE];
	[sflag:s21] =	ssyncadd.s32 $0xFFFFFFFF  }
0xa8: {  	s24 =	simm.s32 $execute0_lowered;
	[smem:$0x3FD2] =	sst s23  }
0xa9: {  	s4 =	sshll.u32 s24, $0x1;
	_ =	strace $0x80000046;
	[dreg:$0x1] =	wrdreg $0xFFFFFFFF  }
0xaa: {  	s25 =	simm.s32 $_size_execute0_lowered;
	s2 =	sadd.s32 s2, s4;
	[dreg:$0x0] =	wrdreg $0x0  }
0xab: {  	s4 =	sshll.u32 s25, $0x1;
	[dreg:$0x2] =	wrdreg s2  }
0xac: {  	[dreg:$0x3] =	wrdreg s4  }
0xad: {  	[dreg:$0x4] =	wrdreg $0xC0  }
0xae: {  	_ =	task [dreg:s6], $0x5FFFF  }
0xaf: {  	[dreg:$0x1] =	wrdreg $0xFFFFFFFF  }
0xb0: {  	[dreg:$0x0] =	wrdreg $0x60  }
0xb1: {  	[dreg:$0x2] =	wrdreg s13  }
0xb2: {  	[dreg:$0x3] =	wrdreg s14  }
0xb3: {  	[dreg:$0x4] =	wrdreg s22  }
0xb4: {  	[dreg:$0x5] =	wrdreg $0x9  }
0xb5: {  	_ =	task.clear_ibuf [dreg:s6], $0x6FFFF;
	_ =	strace $0x90000046  }
0xb6: {  	s26 =	simm.s32 $0x9;
	_ =	strace $0x80000048  }
0xb7: {  	_ =	swait.ge [sflag:s26], $0x1  }
0xb8: {  	[sflag:s26] =	ssyncadd.s32 $0xFFFFFFFF  }
0xb9: {  	_ =	strace $0x90000048  }
0xba: {  	_ =	sfence  }
0xbb: {  	s28 =	sld [smem:$0x0];
	_ =	sdelay $0x1  }
0xbc: {  	s29 =	srdreg.scid  }
0xbd: {  	s30 =	sshll.u32 s29, $0xD;
	s31 =	sshrl.u32 s29, $0x2  }
0xbe: {  	s1 =	sand.u32 $0x1, s29;
	s2 =	sand.u32 $0x4000, s30;
	s0 =	sadd.s32 s31, s28  }
0xbf: {  	s1 =	sor.u32 s2, s1;
	s0 =	sshll.u32 s0, $0x11  }
0xc0: {  	s0 =	sor.u32 s0, s1  }
0xc1: {  	s0 =	sadd.s32 $0x8F2B, s0  }
0xc2: {  	[sflag:s0] =	ssyncadd.remote.s32 $0x1  }
0xc3: {  	_ =	sfence.sel $0xFFFF  }
0xc4: {  	[dreg:$0x0] =	wrdreg $0xFFFFFFFF;
	(pc) =	sbr.abs _section_cstart, $3  }
0xc5: {  	[dreg:$0x1] =	wrdreg $0xFFFFFFFF  }
0xc6: {  	_ =	task.clear_ibuf [dreg:s6], $0x2FFFF;
	_ =	strace $0x9FFFFFFF  }
0xc7: {  	(tm) =	ssettm $0x7FFFFFFF  }
tec
execute0_lowered:
.L_overlay_start_1:
0x0: {  	(tag) =	ssettag $0x1  }
0x1: {  	s0 =	stileid.u32  }
0x2: {  	s1 =	smin.u32 s0, $0x9  }
0x3: {  	s1 =	sadd.s32 s0, s1  }
0x4: {  	s2 =	simm.s32 $0x320;
	p0 =	slt.u32 s0, $0x9;
	s1 =	smul.u32 $0x190, s1  }
0x5: {  	s2 =	simm.s32 @!p0 $0x190  }
0x6: {  	s2 =	sadd.s32 s2, s1  }
0x7: {  	s3 =	smin.u32 s2, $0x2710  }
0x8: {  	s7 =	ssub.s32 s3, s1  }
0x9: {  	p0 =	sgt.s32 s7, $0x0  }
0xa: {  	s7 =	simm.s32 @!p0 $0x0  }
0xb: {  	s31 =	sand.u32 $0xFFF0, s7  }
0xc: {  	s4 =	rddreg [dreg:$0x0];
	s2 =	sshrl.u32 s31, $0x4  }
0xd: {  	s5 =	rddreg [dreg:$0x1];
	s2 =	smul.u32 $0xA3E, s2  }
0xe: {  	s9 =	rddreg [dreg:$0x2]  }
0xf: {  	s6 =	simm.s32 $0x1;
	s11 =	simm.s32 $0x3;
	s8 =	sshrl.u32 s2, $0x10  }
0x10: {  	s13 =	simm.s32 $0x0;
	s12 =	simm.s32 $0x0;
	s10 =	smul.u32 $0x190, s8  }
.Ltmp0:
0x11: {  	s9 =	sadd.s32 $0x1000, s9;
	s2 =	rddreg [dreg:$0x3];
	(pc) =	sbr.rel .LBB2_1-.Ltmp0, $4  }
0x12: {  	_ =	strace $0x80000047;
	p0 =	sne.s32 s7, s10;
	s10 =	simm.s32 $0x1  }
0x13: {  	[sflag:s6] =	ssyncpa.u1 $0x0;
	s7 =	simm.s32 $0x2;
	s10 =	simm.s32 @!p0 $0x0  }
0x14: {  	[sflag:s7] =	ssyncpa.u1 $0x0;
	p0 =	por $0x0, $0x0;
	s8 =	sadd.s32 s8, s10  }
0x15: {  	vm0 =	vmmov $0xff;
	vm1 =	vcmask $0x3F20;
	[sflag:s11] =	ssyncpa.u1 $0x0;
	s11 =	smov.u32 s1;
	s10 =	sadd.s32 $0x1, s8  }
.LBB2_6:
0x16: {  	[hbm:s17] =	stream.linear.scatter [tilespmem:s14], [sflag:$0x3], $0x400, $0x38;
	[tilespmem:$0x19320] =	vst v63  }
.LBB2_7:
0x17: {  	s13 =	sadd.s32 $0x190, s11  }
0x18: {  	s15 =	smov.u32 s1;
	p2 =	slt.s32 s13, s3  }
0x19: {  	s15 =	smov.u32 @p2 s13;
	p2 =	sne.s32 s12, s10  }
.Ltmp1:
0x1a: {  	p1 =	slt.u32 s12, $0x2;
	(pc) =	sbr.rel @!p2 .LBB2_8-.Ltmp1, $4  }
0x1b: {  	s14 =	simm.s32 @!p1 $0x3  }
0x1c: {  	s16 =	sadd.s32 $0x1, s12;
	_ =	swait.ge @!p1 [sflag:s14], $0xC800  }
0x1d: {  	p0 =	por !p0, !p0;
	s13 =	smov.u32 s11;
	[sflag:s14] =	ssyncset.done @!p1 $0x0  }
0x1e: {  	s12 =	smov.u32 s16;
	s11 =	smov.u32 s15;
	[sflag:s14] =	ssyncadd.s32 @!p1 $0xFFFF3800  }
.LBB2_1:
0x1f: {  	p1 =	sge.u32 s12, s8  }
0x20: {  	s14 =	sxor.u32 @!p1 $0xFFFFFFFF, s12  }
0x21: {  	s14 =	sand.u32 @!p1 $0x1, s14  }
0x22: {  	s14 =	smul.u32 @!p1 $0x640, s14  }
0x23: {  	s31 =	sadd.s32 $0xFFFFFFFF, s12;
	s15 =	sshrl.u32 @!p1 s11, $0x3  }
0x24: {  	s16 =	sand.u32 @!p1 $0x7, s11;
	s15 =	sadd.s32 @!p1 s5, s15;
	s14 =	sshrl.u32 @!p1 s14, $0x2  }
0x25: {  	[tilespmem:s14], [sflag:$0x2] =	stream.linear.gather @!p1 [hbm4b:s15+s16], $0x190, $0x38;
	[tilespmem:$0x19320] =	vst v63  }
0x26: {  	p1 =	sge.u32 s31, s8  }
.Ltmp2:
0x27: {  	_ = 	snop;
	(pc) =	sbr.rel @p1 .LBB2_7-.Ltmp2, $1  }
0x28: {  	_ =	sdelay $0x3  }
0x29: {  	s14 =	simm.s32 $0x1  }
0x2a: {  	s14 =	simm.s32 @!p0 $0x0  }
0x2b: {  	s15 =	smul.u32 $0x640, s14  }
0x2c: {  	_ =	swait.ge [sflag:s7], $0x190  }
0x2d: {  	[sflag:s7] =	ssyncset.done $0x0;
	s16 =	sshrl.u32 s15, $0x2  }
0x2e: {  	[sflag:s7] =	ssyncadd.s32 $0xFFFFFE70;
	s15 =	sadd.s32 $0x0, s16  }
0x2f: {  	v0 =	vld.msk [tilespmem:s15+$0x0 ss:$0x1], $0xffff;
	_ =	sdelay $0x4  }
0x30: {  	vm2 =	vgt.s32 v0, $0x0  }
0x31: {  	v0 =	vnsel vm2, $0x0, v0  }
0x32: {  	v0 =	vmin.u32 v0, $0x270F  }
0x33: {  	v0 =	vshll.u32 v0, $0x4  }
0x34: {  	s14 =	smul.u32 $0x32000, s14;
	_ =	sdelay $0x1  }
0x35: {  	s14 =	sshrl.u32 s14, $0x2  }
0x36: {  	s14 =	sor.u32 $0x320, s14  }
0x37: {  	[tilespmem:s14], [sflag:$0x1] =	stream.indirect_vreg.gather [hbm:s4], $0x80, v0, vm0, $0x38;
	[tilespmem:$0x19320] =	vst v63  }
0x38: {  	s17 =	sadd.s32 $0x10, s16;
	s15 =	sadd.s32 $0x400, s14  }
0x39: {  	[tilespmem:s15], [sflag:$0x1] =	stream.indirect_vreg.gather [hbm:s4], $0x80, v0, vm1, $0x38;
	[tilespmem:$0x19320] =	vst v63  }
0x3a: {  	s18 =	simm.s32 $0x80;
	v0 =	vld.msk [tilespmem:s17+$0x0 ss:$0x1], $0xffff;
	s17 =	smov.u32 s14  }
.LBB2_3:
0x3b: {  	p1 =	sne.s32 s18, $0x600;
	_ =	sdelay $0x4  }
0x3c: {  	vm2 =	vgt.s32 v0, $0x0  }
0x3d: {  	v0 =	vnsel vm2, $0x0, v0  }
0x3e: {  	v0 =	vmin.u32 v0, $0x270F  }
0x3f: {  	v0 =	vshll.u32 v0, $0x4;
	_ =	sdelay $0x3  }
.Ltmp3:
0x40: {  	s19 =	sshra.s32 s18, $0x2;
	s17 =	sadd.s32 $0x800, s17;
	(pc) =	sbr.rel @p1 .LBB2_3-.Ltmp3, $4  }
0x41: {  	[tilespmem:s17], [sflag:$0x1] =	stream.indirect_vreg.gather [hbm:s4], $0x80, v0, vm0, $0x38;
	[tilespmem:$0x19320] =	vst v63  }
0x42: {  	s19 =	sadd.s32 s19, s16;
	s20 =	sadd.s32 $0x400, s17  }
0x43: {  	[tilespmem:s20], [sflag:$0x1] =	stream.indirect_vreg.gather [hbm:s4], $0x80, v0, vm1, $0x38;
	[tilespmem:$0x19320] =	vst v63  }
0x44: {  	s18 =	sadd.s32 $0x40, s18;
	v0 =	vld.msk [tilespmem:s19+$0x0 ss:$0x1], $0xffff  }
0x45: {  	_ =	sdelay $0x3  }
0x46: {  	vm2 =	vgt.s32 v0, $0x0  }
0x47: {  	v0 =	vnsel vm2, $0x0, v0  }
0x48: {  	v0 =	vmin.u32 v0, $0x270F  }
0x49: {  	v0 =	vshll.u32 v0, $0x4;
	_ =	sdelay $0x3  }
0x4a: {  	s16 =	sadd.s32 $0x800, s17  }
0x4b: {  	[tilespmem:s16], [sflag:$0x1] =	stream.indirect_vreg.gather [hbm:s4], $0x80, v0, vm0, $0x38;
	[tilespmem:$0x19320] =	vst v63  }
0x4c: {  	s16 =	sadd.s32 $0x400, s16  }
0x4d: {  	[tilespmem:s16], [sflag:$0x1] =	stream.indirect_vreg.gather [hbm:s4], $0x80, v0, vm1, $0x38;
	[tilespmem:$0x19320] =	vst v63  }
0x4e: {  	s13 =	sshll.u32 s13, $0x4;
	_ =	swait.ge [sflag:s6], $0xC800  }
0x4f: {  	s13 =	sadd.s32 s13, s9;
	[sflag:s6] =	ssyncset.done $0x0  }
0x50: {  	s17 =	sadd.s32 $0x0, s13;
	s16 =	simm.s32 $0x80;
	[sflag:s6] =	ssyncadd.s32 $0xFFFF3800  }
.LBB2_5:
0x51: {  	[hbm:s17] =	stream.linear.scatter [tilespmem:s14], [sflag:$0x3], $0x400, $0x38;
	[tilespmem:$0x19320] =	vst v63  }
0x52: {  	s17 =	smov.u32 s16;
	s14 =	smov.u32 s15;
	p1 =	sne.s32 s16, $0x1880  }
.Ltmp4:
0x53: {  	s16 =	sadd.s32 $0x80, s16;
	(pc) =	sbr.rel @p1 .LBB2_5-.Ltmp4, $2  }
0x54: {  	_ =	sdelay $0x2  }
0x55: {  	s15 =	sadd.s32 $0x400, s15;
	s17 =	sadd.s32 s17, s13  }
.Ltmp5:
0x56: {  	_ = 	snop;
	(pc) =	sbr.rel .LBB2_6-.Ltmp5, $1  }
0x57: {  	_ =	sdelay $0x3  }
.LBB2_8:
0x58: {  	_ =	sfence.sel $0x180000  }
0x59: {  	s1 =	simm.s32 $0x2;
	[bflag:$0x0] =	sbarrier.arrive $0xFFFF  }
0x5a: {  	s30 =	simm.s32 $0x3;
	[sflag:s1] =	ssyncpa.u1 $0x1  }
0x5b: {  	s31 =	simm.s32 $0x1;
	[sflag:s30] =	ssyncpa.u1 $0x1  }
0x5c: {  	[sflag:s31] =	ssyncpa.u1 $0x1  }
0x5d: {  	p0 =	sne.s32 s0, $0x0;
	_ =	strace $0x90000047  }
0x5e: {  	s0 =	sadd.s32 @!p0 $0x100000, s2;
	[bflag:$0x2] =	sbarrier.arrive $0xFFFF  }
0x5f: {  	[sflag:s0] =	ssyncadd.tile.s32 @!p0 $0x1;
	_ =	shalt  }
.Lfunc_end2:
_tile_overlayer_lowered:
.L_overlay_start_2:
0x60: {  	(tag) =	ssettag $0x2  }
0x61: {  	s0 =	rddreg [dreg:$0x0];
	s2 =	stileid.u32  }
0x62: {  	s1 =	rddreg [dreg:$0x1];
	p0 =	sne.s32 s2, $0x0  }
0x63: {  	s3 =	rddreg [dreg:$0x2];
	[bflag:$0x3] =	sbarrier.arrive $0xFFFF;
	s2 =	simm.s32 @!p0 $0x1C01  }
0x64: {  	[timem:s3], [sflag:s2] =	dma.local @!p0 [hbm:s0], s1  }
0x65: {  	s0 =	simm.s32 @!p0 $0x1  }
0x66: {  	_ =	swait.ge @!p0 [sflag:s0], s1  }
0x67: {  	s1 =	ssub.s32 @!p0 $0x0, s1;
	[sflag:s0] =	ssyncset.done @!p0 $0x0  }
0x68: {  	[sflag:s0] =	ssyncadd.s32 @!p0 s1  }
0x69: {  	[bflag:$0x3] =	sbarrier.arrive $0xFFFF  }
0x6a: {  	_ =	shalt  }

// kernel: kernel.6.cloned.1.call-start
scs
__scs_entry_jumppad:
0x0: {  	(pc) =	sbr.rel $0x88, $3  }
0x1: {  	(tag) =	ssettag $0x0;
	lr =	simm.s32 $0x1  }
0x2: {  	[smem:$0x3F9B] =	sst lr;
	_ =	strace $0xD0000000  }
0x3: {  	_ = 	snop  }
0x4: {  	_ = 	snop  }
0x5: {  	_ = 	snop  }
0x6: {  	_ = 	snop  }
0x7: {  	_ = 	snop  }
__scs_overlays_trampoline_lowered:
0x8: {  	[smem:$0x3FAA] =	sst s0  }
0x9: {  	[smem:$0x3FAB] =	sst s1  }
0xa: {  	[smem:$0x3FAC] =	sst s2  }
0xb: {  	[smem:$0x3FAD] =	sst s3  }
0xc: {  	[smem:$0x3FAE] =	sst s4  }
0xd: {  	[smem:$0x3FAF] =	sst s5  }
0xe: {  	[smem:$0x3FB0] =	sst s6  }
0xf: {  	[smem:$0x3FB1] =	sst s7  }
0x10: {  	[smem:$0x3FB2] =	sst s8  }
0x11: {  	[smem:$0x3FB3] =	sst s9;
	s0 =	simm.s32 @!p0 $0x0  }
0x12: {  	s1 =	sld [smem:$0x3F99];
	s0 =	simm.s32 @p0 $0x1  }
0x13: {  	[smem:$0x3FB4] =	sst s0;
	s0 =	simm.s32 @!p1 $0x0  }
0x14: {  	s2 =	sld [smem:$0x3F98];
	s0 =	simm.s32 @p1 $0x1  }
0x15: {  	[smem:$0x3FB5] =	sst s0;
	s0 =	simm.s32 @!p2 $0x0  }
0x16: {  	s3 =	sld [smem:$0x3FDB];
	s0 =	simm.s32 @p2 $0x1  }
0x17: {  	s4 =	simm.s32 $0x1BF5;
	[smem:$0x3FB7] =	sst s0  }
0x18: {  	s0 =	sld [smem:$0x3F9A];
	_ =	swait.ge [sflag:s4], $0x0  }
0x19: {  	s7 =	sld [smem:$0x3F9B]  }
0x1a: {  	s8 =	sadd.s32 $0xFFFFE003, lr  }
0x1b: {  	s9 =	sadd.s32 $0xFFFFFEF7, lr;
	s5 =	simm.s32 $0xFFFFFFFF;
	p2 =	slt.u32 s8, $0xFFFFF086  }
0x1c: {  	p1 =	slt.u32 s9, $0xF7A;
	s5 =	simm.s32 @!p2 $0x0  }
0x1d: {  	s5 =	simm.s32 @p1 $0x1;
	p0 =	seq.s32 s7, s2  }
0x1e: {  	s7 =	smul.u32 @!p0 $0xF7A, s2;
	p2 =	seq.s32 @!p0 s5, $0x0  }
0x1f: {  	s9 =	smul.u32 $0xF7A, s1;
	s8 =	simm.s32 @!p0 $0x1BF5;
	p2 =	por !p2, p0  }
0x20: {  	[sflag:s8] =	ssyncset.s32 @!p0 $0xFFFFF086;
	s6 =	sadd.s32 @!p0 s3, s7;
	s7 =	simm.s32 @!p0 $0x108  }
0x21: {  	s3 =	sadd.s32 s3, s9;
	s6 =	sadd.s32 @!p0 $0x88, s6;
	s7 =	simm.s32 @p2 $0x1082  }
0x22: {  	[simem:s7], [sflag:s8] =	dma.local @!p0 [hbm:s6], $0xF7A  }
0x23: {  	s9 =	sor.u32 $0xD0000000, s2;
	s6 =	simm.s32 $0x108;
	_ =	swait.ge @!p0 [sflag:s8], $0x0  }
0x24: {  	s3 =	sadd.s32 $0x88, s3;
	s6 =	simm.s32 @!p1 $0x1082;
	[sflag:s4] =	ssyncset.s32 $0xFFFFF086  }
0x25: {  	[simem:s6], [sflag:s4] =	dma.local [hbm:s3], $0xF7A  }
0x26: {  	[smem:$0x3F9B] =	sst s1;
	(tag) =	ssettag s2;
	_ =	strace s9  }
0x27: {  	s1 =	sld [smem:$0x3FAB]  }
0x28: {  	s2 =	sld [smem:$0x3FAC]  }
0x29: {  	s4 =	sld [smem:$0x3FAE]  }
0x2a: {  	p0 =	seq.s32 s5, $0x0;
	s5 =	sld [smem:$0x3FAF]  }
0x2b: {  	s6 =	sld [smem:$0x3FB0]  }
0x2c: {  	s7 =	sld [smem:$0x3FB1]  }
0x2d: {  	s3 =	simm.s32 $0x108;
	s8 =	sld [smem:$0x3FB2]  }
0x2e: {  	s3 =	simm.s32 @!p0 $0x1082;
	s9 =	sld [smem:$0x3FB3]  }
0x2f: {  	lr =	sadd.s32 s0, s3;
	s0 =	sld [smem:$0x3FAA]  }
0x30: {  	s3 =	sld [smem:$0x3FAD]  }
0x31: {  	[smem:$0x3FB6] =	sst s10  }
0x32: {  	s10 =	sld [smem:$0x3FB4];
	_ =	sdelay $0x3  }
0x33: {  	p0 =	seq.s32 s10, $0x1;
	s10 =	sld [smem:$0x3FB6];
	_ =	sdelay $0x3  }
0x34: {  	[smem:$0x3FB6] =	sst s10  }
0x35: {  	s10 =	sld [smem:$0x3FB5];
	_ =	sdelay $0x3  }
0x36: {  	p1 =	seq.s32 s10, $0x1;
	s10 =	sld [smem:$0x3FB6];
	_ =	sdelay $0x3  }
0x37: {  	[smem:$0x3FB6] =	sst s10  }
0x38: {  	s10 =	sld [smem:$0x3FB7]  }
0x39: {  	_ = 	snop;
	(pc) =	sbr.ind lr, $3  }
0x3a: {  	_ = 	snop  }
0x3b: {  	_ = 	snop  }
0x3c: {  	p2 =	seq.s32 s10, $0x1;
	s10 =	sld [smem:$0x3FB6]  }
0x3d: {  	_ =	shalt  }
0x3e: {  	_ =	shalt  }
0x3f: {  	_ =	shalt  }
0x40: {  	_ =	shalt  }
0x41: {  	_ =	shalt  }
0x42: {  	_ =	shalt  }
0x43: {  	_ =	shalt  }
0x44: {  	_ =	shalt  }
0x45: {  	_ =	shalt  }
0x46: {  	_ =	shalt  }
0x47: {  	_ =	shalt  }
0x48: {  	_ =	shalt  }
0x49: {  	_ =	shalt  }
0x4a: {  	_ =	shalt  }
0x4b: {  	_ =	shalt  }
0x4c: {  	_ =	shalt  }
0x4d: {  	_ =	shalt  }
0x4e: {  	_ =	shalt  }
0x4f: {  	_ =	shalt  }
0x50: {  	_ =	shalt  }
0x51: {  	_ =	shalt  }
0x52: {  	_ =	shalt  }
0x53: {  	_ =	shalt  }
0x54: {  	_ =	shalt  }
0x55: {  	_ =	shalt  }
0x56: {  	_ =	shalt  }
0x57: {  	_ =	shalt  }
0x58: {  	_ =	shalt  }
0x59: {  	_ =	shalt  }
0x5a: {  	_ =	shalt  }
0x5b: {  	_ =	shalt  }
0x5c: {  	_ =	shalt  }
0x5d: {  	_ =	shalt  }
0x5e: {  	_ =	shalt  }
0x5f: {  	_ =	shalt  }
0x60: {  	_ =	shalt  }
0x61: {  	_ =	shalt  }
0x62: {  	_ =	shalt  }
0x63: {  	_ =	shalt  }
0x64: {  	_ =	shalt  }
0x65: {  	_ =	shalt  }
0x66: {  	_ =	shalt  }
0x67: {  	_ =	shalt  }
0x68: {  	_ =	shalt  }
0x69: {  	_ =	shalt  }
0x6a: {  	_ =	shalt  }
0x6b: {  	_ =	shalt  }
0x6c: {  	_ =	shalt  }
0x6d: {  	_ =	shalt  }
0x6e: {  	_ =	shalt  }
0x6f: {  	_ =	shalt  }
0x70: {  	_ =	shalt  }
0x71: {  	_ =	shalt  }
0x72: {  	_ =	shalt  }
0x73: {  	_ =	shalt  }
0x74: {  	_ =	shalt  }
0x75: {  	_ =	shalt  }
0x76: {  	_ =	shalt  }
0x77: {  	_ =	shalt  }
0x78: {  	_ =	shalt  }
0x79: {  	_ =	shalt  }
0x7a: {  	_ =	shalt  }
0x7b: {  	_ =	shalt  }
0x7c: {  	_ =	shalt  }
0x7d: {  	_ =	shalt  }
0x7e: {  	_ =	shalt  }
0x7f: {  	_ =	shalt  }
0x80: {  	_ =	shalt  }
0x81: {  	_ =	shalt  }
0x82: {  	_ =	shalt  }
0x83: {  	_ =	shalt  }
0x84: {  	_ =	shalt  }
0x85: {  	_ =	shalt  }
0x86: {  	_ =	shalt  }
0x87: {  	_ =	shalt  }
.Lfunc_end0:
.L_simem_size_0:
called_computation.1_lowered:
.L_overlay_start_0:
0x88: {  	s2 =	sld [smem:$0x3FD9]  }
0x89: {  	s3 =	sld [smem:$0x3FFE];
	_ =	sdelay $0x1  }
0x8a: {  	s1 =	srdreg.scid  }
0x8b: {  	s0 =	sand.u32 $0x1, s1  }
0x8c: {  	s17 =	sshll.u32 s0, $0xA;
	s2 =	sadd.s32 s3, s2  }
0x8d: {  	s2 =	sadd.s32 s2, s17  }
0x8e: {  	[smem:$0x3FC2] =	sst s2  }
0x8f: {  	_ = 	snop  }
0x90: {  	(tm) =	ssettm $0x1  }
0x91: {  	s18 =	sld [smem:$0x3FFB];
	_ =	sdelay $0x3  }
0x92: {  	_ =	strace s18  }
0x93: {  	s2 =	sld [smem:$0x3FFC];
	_ =	sdelay $0x3  }
0x94: {  	_ =	strace s2  }
0x95: {  	s2 =	sld [smem:$0x3FFD];
	_ =	sdelay $0x3  }
0x96: {  	_ =	strace s2  }
0x97: {  	_ =	strace $0x8FFFFFFF  }
0x98: {  	s19 =	sld [smem:$0x3FDB];
	_ =	sdelay $0x1  }
0x99: {  	s20 =	simm.s32 $_scs_section_size  }
0x9a: {  	s4 =	simm.s32 $_size__tile_overlayer_lowered;
	s5 =	simm.s32 $_tile_overlayer_lowered  }
0x9b: {  	s6 =	simm.s32 $0x1BFF;
	s21 =	sshll.u32 s5, $0x1;
	s3 =	sadd.s32 s20, s19  }
0x9c: {  	s22 =	simm.s32 $0x0;
	s4 =	sshll.u32 s4, $0x1;
	s5 =	sadd.s32 s21, s3  }
0x9d: {  	[timem:s22], [sflag:s6] =	dma.local [hbm:s5], s4  }
0x9e: {  	_ =	swait.ge [sflag:s6], s4  }
0x9f: {  	s4 =	ssub.s32 $0x0, s4;
	[sflag:s6] =	ssyncset.done $0x0  }
0xa0: {  	[sflag:s6] =	ssyncadd.s32 s4;
	_ =	sdelay $0x1  }
0xa1: {  	s23 =	simm.s32 $0x1B8B  }
0xa2: {  	_ =	swait.ge [sflag:s23], $0x1  }
0xa3: {  	[sflag:s23] =	ssyncset.done $0x0  }
0xa4: {  	[sflag:s23] =	ssyncadd.s32 $0xFFFFFFFF  }
0xa5: {  	s4 =	sld [smem:$0x0]  }
0xa6: {  	s5 =	sand.u32 $0xFFFFFFFE, s1  }
0xa7: {  	p0 =	sne.s32 s1, s5  }
0xa8: {  	s5 =	sshll.u32 @p0 s5, $0xE  }
0xa9: {  	s5 =	sadd.s32 @p0 $0x11B8D, s5;
	s6 =	sshll.u32 @p0 s4, $0x11  }
0xaa: {  	s5 =	sor.u32 @p0 s6, s5  }
0xab: {  	[sflag:s5] =	ssyncadd.remote.s32 @p0 $0x1;
	_ =	sdelay $0x1  }
0xac: {  	s5 =	simm.s32 @p0 $0x1B8D  }
0xad: {  	_ =	swait.eq @p0 [sflag:s5], $0x1  }
0xae: {  	[sflag:s5] =	ssyncadd.s32 @p0 $0xFFFFFFFF  }
0xaf: {  	s6 =	sshll.u32 @!p0 s1, $0xE  }
0xb0: {  	s6 =	sor.u32 @!p0 $0x4000, s6;
	s5 =	simm.s32 @!p0 $0x1B8D  }
0xb1: {  	s4 =	sshll.u32 @!p0 s4, $0x11;
	s6 =	sadd.s32 @!p0 $0x11B8D, s6;
	_ =	swait.eq @!p0 [sflag:s5], $0x1  }
0xb2: {  	s4 =	sor.u32 @!p0 s4, s6;
	[sflag:s5] =	ssyncadd.s32 @!p0 $0xFFFFFFFF  }
0xb3: {  	s25 =	simm.s32 $0x1B8E;
	s24 =	sld [smem:$0x3FFE];
	[sflag:s4] =	ssyncadd.remote.s32 @!p0 $0x1  }
0xb4: {  	s26 =	simm.s32 $execute0_lowered;
	[smem:$0x3FD2] =	sst s25  }
0xb5: {  	s5 =	sshll.u32 s26, $0x1;
	_ =	strace $0x80000049;
	[dreg:$0x1] =	wrdreg $0xFFFFFFFF  }
0xb6: {  	s28 =	simm.s32 $_size_execute0_lowered;
	s3 =	sadd.s32 s3, s5;
	[dreg:$0x0] =	wrdreg $0x0  }
0xb7: {  	s5 =	sshll.u32 s28, $0x1;
	[dreg:$0x2] =	wrdreg s3  }
0xb8: {  	[dreg:$0x3] =	wrdreg s5  }
0xb9: {  	[dreg:$0x4] =	wrdreg $0xC0  }
0xba: {  	_ =	task [dreg:s22], $0x5FFFF  }
0xbb: {  	[dreg:$0x1] =	wrdreg $0xFFFFFFFF  }
0xbc: {  	[dreg:$0x0] =	wrdreg $0x60  }
0xbd: {  	[dreg:$0x2] =	wrdreg s24  }
0xbe: {  	[dreg:$0x3] =	wrdreg $0x2B000  }
0xbf: {  	[dreg:$0x4] =	wrdreg $0xA  }
0xc0: {  	_ =	task.clear_ibuf [dreg:s22], $0x5FFFF;
	_ =	strace $0x90000049  }
0xc1: {  	s29 =	simm.s32 $0xA;
	_ =	strace $0x8000004B  }
0xc2: {  	_ =	swait.ge [sflag:s29], $0x1  }
0xc3: {  	[sflag:s29] =	ssyncadd.s32 $0xFFFFFFFF  }
0xc4: {  	_ =	strace $0x9000004B  }
0xc5: {  	_ =	sfence  }
0xc6: {  	s30 =	sld [smem:$0x0];
	_ =	sdelay $0x2  }
0xc7: {  	s31 =	sshll.u32 s1, $0xD;
	s1 =	sshrl.u32 s1, $0x2  }
0xc8: {  	s4 =	sand.u32 $0x4000, s31;
	s1 =	sadd.s32 s1, s30  }
0xc9: {  	s0 =	sor.u32 s4, s0;
	s1 =	sshll.u32 s1, $0x11  }
0xca: {  	s0 =	sor.u32 s1, s0  }
0xcb: {  	s0 =	sadd.s32 $0x8F2B, s0  }
0xcc: {  	[sflag:s0] =	ssyncadd.remote.s32 $0x1  }
0xcd: {  	_ =	sfence.sel $0xFFFF  }
0xce: {  	[dreg:$0x0] =	wrdreg $0xFFFFFFFF;
	(pc) =	sbr.abs _section_cstart, $3  }
0xcf: {  	[dreg:$0x1] =	wrdreg $0xFFFFFFFF  }
0xd0: {  	_ =	task.clear_ibuf [dreg:s22], $0x2FFFF;
	_ =	strace $0x9FFFFFFF  }
0xd1: {  	(tm) =	ssettm $0x7FFFFFFF  }
tec
execute0_lowered:
.L_overlay_start_1:
0x0: {  	(tag) =	ssettag $0x1  }
0x1: {  	s4 =	rddreg [dreg:$0x0]  }
0x2: {  	s2 =	rddreg [dreg:$0x1];
	s3 =	srdreg.scid  }
0x3: {  	s1 =	stileid.u32;
	s0 =	rddreg [dreg:$0x2];
	s10 =	simm.s32 $0x80  }
0x4: {  	s11 =	simm.s32 $0x2800;
	s5 =	sand.u32 $0x1, s3;
	s6 =	smul.u32 $0x280, s1  }
0x5: {  	s3 =	simm.s32 $0x0;
	s7 =	sshll.u32 s5, $0x4;
	s8 =	smul.u32 $0x2800, s5  }
0x6: {  	s12 =	simm.s32 $0x0;
	[smem:$0x7FF] =	sst s3;
	s7 =	sor.u32 s1, s7  }
0x7: {  	s5 =	ssub.s32 $0x2, s5;
	s7 =	smul.u32 $0x500, s7;
	s8 =	sadd.s32 s6, s8  }
0x8: {  	_ =	strace $0x8000004A;
	s9 =	sshrl.u32 s5, $0x1;
	s8 =	sshrl.u32 s8, $0x3  }
0x9: {  	s9 =	ssub.s32 s5, s9;
	s7 =	sadd.s32 s7, s4;
	s8 =	sadd.s32 s8, s4  }
0xa: {  	s5 =	sadd.s32 s6, s2;
	s4 =	sadd.s32 $0x28200, s7;
	s6 =	sadd.s32 $0x32200, s8  }
0xb: {  	v0 =	vimm.f32 $1.000000000e+00;
	v1 =	vimm.f32 $0.0e+00;
	s7 =	smax.u32 s9, $0x1;
	s8 =	simm.s32 $0x1;
	s9 =	simm.s32 $0x2880  }
.LBB2_1:
0xc: {  	[tilespmem:s3], [sflag:$0x1] =	stream.linear.gather [hbm4b:s4+s3], $0x2780, $0x38;
	[tilespmem:$0x2D80] =	vst v63  }
0xd: {  	_ =	swait.ge [sflag:s8], $0x2780  }
0xe: {  	[sflag:s8] =	ssyncset.done $0x0  }
0xf: {  	[sflag:s8] =	ssyncadd.s32 $0xFFFFD880  }
0x10: {  	[tilespmem:$0x2800] =	vst v0  }
0x11: {  	[tilespmem:$0x2810] =	vst v0  }
0x12: {  	[tilespmem:$0x2820] =	vst v0  }
0x13: {  	[tilespmem:$0x2830] =	vst v0  }
0x14: {  	[tilespmem:$0x2840] =	vst v0  }
0x15: {  	[tilespmem:$0x2850] =	vst v0  }
0x16: {  	[tilespmem:$0x2860] =	vst v0  }
0x17: {  	[tilespmem:$0x2870] =	vst v0  }
0x18: {  	[tilespmem:$0x2880] =	vst v1  }
0x19: {  	[tilespmem:$0x2890] =	vst v1  }
0x1a: {  	[tilespmem:$0x28A0] =	vst v1  }
0x1b: {  	[tilespmem:$0x28B0] =	vst v1  }
0x1c: {  	[tilespmem:$0x28C0] =	vst v1  }
0x1d: {  	[tilespmem:$0x28D0] =	vst v1  }
0x1e: {  	[tilespmem:$0x28E0] =	vst v1  }
0x1f: {  	[tilespmem:$0x28F0] =	vst v1  }
0x20: {  	[tilespmem:$0x2900] =	vst v1  }
0x21: {  	[tilespmem:$0x2910] =	vst v1  }
0x22: {  	[tilespmem:$0x2920] =	vst v1  }
0x23: {  	[tilespmem:$0x2930] =	vst v1  }
0x24: {  	[tilespmem:$0x2940] =	vst v1  }
0x25: {  	[tilespmem:$0x2950] =	vst v1  }
0x26: {  	[tilespmem:$0x2960] =	vst v1  }
0x27: {  	[tilespmem:$0x2970] =	vst v1  }
0x28: {  	[tilespmem:$0x2980] =	vst v1  }
0x29: {  	[tilespmem:$0x2990] =	vst v1  }
0x2a: {  	[tilespmem:$0x29A0] =	vst v1  }
0x2b: {  	[tilespmem:$0x29B0] =	vst v1  }
0x2c: {  	[tilespmem:$0x29C0] =	vst v1  }
0x2d: {  	[tilespmem:$0x29D0] =	vst v1  }
0x2e: {  	[tilespmem:$0x29E0] =	vst v1  }
0x2f: {  	[tilespmem:$0x29F0] =	vst v1  }
0x30: {  	[tilespmem:$0x2A00] =	vst v1  }
0x31: {  	[tilespmem:$0x2A10] =	vst v1  }
0x32: {  	[tilespmem:$0x2A20] =	vst v1  }
0x33: {  	[tilespmem:$0x2A30] =	vst v1  }
0x34: {  	[tilespmem:$0x2A40] =	vst v1  }
0x35: {  	[tilespmem:$0x2A50] =	vst v1  }
0x36: {  	[tilespmem:$0x2A60] =	vst v1  }
0x37: {  	[tilespmem:$0x2A70] =	vst v1  }
0x38: {  	[tilespmem:$0x2A80] =	vst v1  }
0x39: {  	[tilespmem:$0x2A90] =	vst v1  }
0x3a: {  	[tilespmem:$0x2AA0] =	vst v1  }
0x3b: {  	[tilespmem:$0x2AB0] =	vst v1  }
0x3c: {  	[tilespmem:$0x2AC0] =	vst v1  }
0x3d: {  	[tilespmem:$0x2AD0] =	vst v1  }
0x3e: {  	[tilespmem:$0x2AE0] =	vst v1  }
0x3f: {  	[tilespmem:$0x2AF0] =	vst v1  }
0x40: {  	[spmem:s5] =	stream.linear.scatter [tilespmem:s9], [sflag:$0x1], $0x280, $0x38;
	[tilespmem:$0x2D80] =	vst v63  }
0x41: {  	_ =	swait.ge [sflag:s8], $0x280  }
0x42: {  	[sflag:s8] =	ssyncset.done $0x0  }
0x43: {  	[sflag:s8] =	ssyncadd.s32 $0xFFFFFD80  }
0x44: {  	s13 =	simm.s32 $0x0;
	[bflag:$0x0] =	sbarrier.arrive $0xFFFF  }
0x45: {  	[spmem:s2] =	stream.indirect.scatter.add.f32 [tilespmem:s11], [sflag:$0x1], $0x1, s13, s10, $0xb8;
	[tilespmem:$0x2D80] =	vst v63  }
0x46: {  	_ =	swait.ge [sflag:s8], $0x80  }
0x47: {  	s13 =	simm.s32 $0x200;
	[sflag:s8] =	ssyncset.done $0x0  }
.LBB2_2:
0x48: {  	s14 =	sshra.s32 s13, $0x2;
	[sflag:s8] =	ssyncadd.s32 $0xFFFFFF80;
	p0 =	sne.s32 s13, $0x9C00  }
0x49: {  	[spmem:s2] =	stream.indirect.scatter.add.f32 [tilespmem:s11], [sflag:$0x1], $0x1, s14, s10, $0xb8;
	[tilespmem:$0x2D80] =	vst v63  }
.Ltmp0:
0x4a: {  	_ = 	snop;
	(pc) =	sbr.rel @p0 .LBB2_2-.Ltmp0, $4  }
0x4b: {  	_ = 	snop  }
0x4c: {  	s13 =	sadd.s32 $0x200, s13  }
0x4d: {  	_ =	swait.ge [sflag:s8], $0x80  }
0x4e: {  	[sflag:s8] =	ssyncset.done $0x0  }
0x4f: {  	[sflag:s8] =	ssyncadd.s32 $0xFFFFFF80  }
0x50: {  	[bflag:$0x0] =	sbarrier.arrive $0xFFFF  }
0x51: {  	[tilespmem:s9], [sflag:$0x1] =	stream.linear.gather [spmem:s5], $0x280, $0x38;
	[tilespmem:$0x2D80] =	vst v63  }
0x52: {  	s12 =	sadd.s32 $0x1, s12;
	_ =	swait.ge [sflag:s8], $0x280  }
0x53: {  	p0 =	sne.s32 s12, s7;
	[sflag:s8] =	ssyncset.done $0x0  }
.Ltmp1:
0x54: {  	[sflag:s8] =	ssyncadd.s32 $0xFFFFFD80;
	(pc) =	sbr.rel @p0 .LBB2_1-.Ltmp1, $4  }
0x55: {  	[hbm4b:s6+s3] =	stream.linear.scatter [tilespmem:s9], [sflag:$0x1], $0x280, $0x38;
	[tilespmem:$0x2D80] =	vst v63  }
0x56: {  	_ =	swait.ge [sflag:s8], $0x280  }
0x57: {  	[sflag:s8] =	ssyncset.done $0x0  }
0x58: {  	[sflag:s8] =	ssyncadd.s32 $0xFFFFFD80  }
0x59: {  	_ =	sfence.sel $0x180000  }
0x5a: {  	[bflag:$0x0] =	sbarrier.arrive $0xFFFF  }
0x5b: {  	p0 =	sne.s32 s1, $0x0;
	_ =	strace $0x9000004A  }
0x5c: {  	s0 =	sadd.s32 @!p0 $0x100000, s0;
	[bflag:$0x2] =	sbarrier.arrive $0xFFFF  }
0x5d: {  	[sflag:s0] =	ssyncadd.tile.s32 @!p0 $0x1;
	_ =	shalt  }
.Lfunc_end2:
_tile_overlayer_lowered:
.L_overlay_start_2:
0x5e: {  	(tag) =	ssettag $0x2  }
0x5f: {  	s0 =	rddreg [dreg:$0x0];
	s2 =	stileid.u32  }
0x60: {  	s1 =	rddreg [dreg:$0x1];
	p0 =	sne.s32 s2, $0x0  }
0x61: {  	s3 =	rddreg [dreg:$0x2];
	[bflag:$0x3] =	sbarrier.arrive $0xFFFF;
	s2 =	simm.s32 @!p0 $0x1C01  }
0x62: {  	[timem:s3], [sflag:s2] =	dma.local @!p0 [hbm:s0], s1  }
0x63: {  	s0 =	simm.s32 @!p0 $0x1  }
0x64: {  	_ =	swait.ge @!p0 [sflag:s0], s1  }
0x65: {  	s1 =	ssub.s32 @!p0 $0x0, s1;
	[sflag:s0] =	ssyncset.done @!p0 $0x0  }
0x66: {  	[sflag:s0] =	ssyncadd.s32 @!p0 s1  }
0x67: {  	[bflag:$0x3] =	sbarrier.arrive $0xFFFF  }
0x68: {  	_ =	shalt  }

// kernel: kernel.9.cloned.1.call-start
scs
__scs_entry_jumppad:
0x0: {  	(pc) =	sbr.rel $0x88, $3  }
0x1: {  	(tag) =	ssettag $0x0;
	lr =	simm.s32 $0x1  }
0x2: {  	[smem:$0x3F9B] =	sst lr;
	_ =	strace $0xD0000000  }
0x3: {  	_ = 	snop  }
0x4: {  	_ = 	snop  }
0x5: {  	_ = 	snop  }
0x6: {  	_ = 	snop  }
0x7: {  	_ = 	snop  }
__scs_overlays_trampoline_lowered:
0x8: {  	[smem:$0x3FAA] =	sst s0  }
0x9: {  	[smem:$0x3FAB] =	sst s1  }
0xa: {  	[smem:$0x3FAC] =	sst s2  }
0xb: {  	[smem:$0x3FAD] =	sst s3  }
0xc: {  	[smem:$0x3FAE] =	sst s4  }
0xd: {  	[smem:$0x3FAF] =	sst s5  }
0xe: {  	[smem:$0x3FB0] =	sst s6  }
0xf: {  	[smem:$0x3FB1] =	sst s7  }
0x10: {  	[smem:$0x3FB2] =	sst s8  }
0x11: {  	[smem:$0x3FB3] =	sst s9;
	s0 =	simm.s32 @!p0 $0x0  }
0x12: {  	s1 =	sld [smem:$0x3F99];
	s0 =	simm.s32 @p0 $0x1  }
0x13: {  	[smem:$0x3FB4] =	sst s0;
	s0 =	simm.s32 @!p1 $0x0  }
0x14: {  	s2 =	sld [smem:$0x3F98];
	s0 =	simm.s32 @p1 $0x1  }
0x15: {  	[smem:$0x3FB5] =	sst s0;
	s0 =	simm.s32 @!p2 $0x0  }
0x16: {  	s3 =	sld [smem:$0x3FDB];
	s0 =	simm.s32 @p2 $0x1  }
0x17: {  	s4 =	simm.s32 $0x1BF5;
	[smem:$0x3FB7] =	sst s0  }
0x18: {  	s0 =	sld [smem:$0x3F9A];
	_ =	swait.ge [sflag:s4], $0x0  }
0x19: {  	s7 =	sld [smem:$0x3F9B]  }
0x1a: {  	s8 =	sadd.s32 $0xFFFFE003, lr  }
0x1b: {  	s9 =	sadd.s32 $0xFFFFFEF7, lr;
	s5 =	simm.s32 $0xFFFFFFFF;
	p2 =	slt.u32 s8, $0xFFFFF086  }
0x1c: {  	p1 =	slt.u32 s9, $0xF7A;
	s5 =	simm.s32 @!p2 $0x0  }
0x1d: {  	s5 =	simm.s32 @p1 $0x1;
	p0 =	seq.s32 s7, s2  }
0x1e: {  	s7 =	smul.u32 @!p0 $0xF7A, s2;
	p2 =	seq.s32 @!p0 s5, $0x0  }
0x1f: {  	s9 =	smul.u32 $0xF7A, s1;
	s8 =	simm.s32 @!p0 $0x1BF5;
	p2 =	por !p2, p0  }
0x20: {  	[sflag:s8] =	ssyncset.s32 @!p0 $0xFFFFF086;
	s6 =	sadd.s32 @!p0 s3, s7;
	s7 =	simm.s32 @!p0 $0x108  }
0x21: {  	s3 =	sadd.s32 s3, s9;
	s6 =	sadd.s32 @!p0 $0x88, s6;
	s7 =	simm.s32 @p2 $0x1082  }
0x22: {  	[simem:s7], [sflag:s8] =	dma.local @!p0 [hbm:s6], $0xF7A  }
0x23: {  	s9 =	sor.u32 $0xD0000000, s2;
	s6 =	simm.s32 $0x108;
	_ =	swait.ge @!p0 [sflag:s8], $0x0  }
0x24: {  	s3 =	sadd.s32 $0x88, s3;
	s6 =	simm.s32 @!p1 $0x1082;
	[sflag:s4] =	ssyncset.s32 $0xFFFFF086  }
0x25: {  	[simem:s6], [sflag:s4] =	dma.local [hbm:s3], $0xF7A  }
0x26: {  	[smem:$0x3F9B] =	sst s1;
	(tag) =	ssettag s2;
	_ =	strace s9  }
0x27: {  	s1 =	sld [smem:$0x3FAB]  }
0x28: {  	s2 =	sld [smem:$0x3FAC]  }
0x29: {  	s4 =	sld [smem:$0x3FAE]  }
0x2a: {  	p0 =	seq.s32 s5, $0x0;
	s5 =	sld [smem:$0x3FAF]  }
0x2b: {  	s6 =	sld [smem:$0x3FB0]  }
0x2c: {  	s7 =	sld [smem:$0x3FB1]  }
0x2d: {  	s3 =	simm.s32 $0x108;
	s8 =	sld [smem:$0x3FB2]  }
0x2e: {  	s3 =	simm.s32 @!p0 $0x1082;
	s9 =	sld [smem:$0x3FB3]  }
0x2f: {  	lr =	sadd.s32 s0, s3;
	s0 =	sld [smem:$0x3FAA]  }
0x30: {  	s3 =	sld [smem:$0x3FAD]  }
0x31: {  	[smem:$0x3FB6] =	sst s10  }
0x32: {  	s10 =	sld [smem:$0x3FB4];
	_ =	sdelay $0x3  }
0x33: {  	p0 =	seq.s32 s10, $0x1;
	s10 =	sld [smem:$0x3FB6];
	_ =	sdelay $0x3  }
0x34: {  	[smem:$0x3FB6] =	sst s10  }
0x35: {  	s10 =	sld [smem:$0x3FB5];
	_ =	sdelay $0x3  }
0x36: {  	p1 =	seq.s32 s10, $0x1;
	s10 =	sld [smem:$0x3FB6];
	_ =	sdelay $0x3  }
0x37: {  	[smem:$0x3FB6] =	sst s10  }
0x38: {  	s10 =	sld [smem:$0x3FB7]  }
0x39: {  	_ = 	snop;
	(pc) =	sbr.ind lr, $3  }
0x3a: {  	_ = 	snop  }
0x3b: {  	_ = 	snop  }
0x3c: {  	p2 =	seq.s32 s10, $0x1;
	s10 =	sld [smem:$0x3FB6]  }
0x3d: {  	_ =	shalt  }
0x3e: {  	_ =	shalt  }
0x3f: {  	_ =	shalt  }
0x40: {  	_ =	shalt  }
0x41: {  	_ =	shalt  }
0x42: {  	_ =	shalt  }
0x43: {  	_ =	shalt  }
0x44: {  	_ =	shalt  }
0x45: {  	_ =	shalt  }
0x46: {  	_ =	shalt  }
0x47: {  	_ =	shalt  }
0x48: {  	_ =	shalt  }
0x49: {  	_ =	shalt  }
0x4a: {  	_ =	shalt  }
0x4b: {  	_ =	shalt  }
0x4c: {  	_ =	shalt  }
0x4d: {  	_ =	shalt  }
0x4e: {  	_ =	shalt  }
0x4f: {  	_ =	shalt  }
0x50: {  	_ =	shalt  }
0x51: {  	_ =	shalt  }
0x52: {  	_ =	shalt  }
0x53: {  	_ =	shalt  }
0x54: {  	_ =	shalt  }
0x55: {  	_ =	shalt  }
0x56: {  	_ =	shalt  }
0x57: {  	_ =	shalt  }
0x58: {  	_ =	shalt  }
0x59: {  	_ =	shalt  }
0x5a: {  	_ =	shalt  }
0x5b: {  	_ =	shalt  }
0x5c: {  	_ =	shalt  }
0x5d: {  	_ =	shalt  }
0x5e: {  	_ =	shalt  }
0x5f: {  	_ =	shalt  }
0x60: {  	_ =	shalt  }
0x61: {  	_ =	shalt  }
0x62: {  	_ =	shalt  }
0x63: {  	_ =	shalt  }
0x64: {  	_ =	shalt  }
0x65: {  	_ =	shalt  }
0x66: {  	_ =	shalt  }
0x67: {  	_ =	shalt  }
0x68: {  	_ =	shalt  }
0x69: {  	_ =	shalt  }
0x6a: {  	_ =	shalt  }
0x6b: {  	_ =	shalt  }
0x6c: {  	_ =	shalt  }
0x6d: {  	_ =	shalt  }
0x6e: {  	_ =	shalt  }
0x6f: {  	_ =	shalt  }
0x70: {  	_ =	shalt  }
0x71: {  	_ =	shalt  }
0x72: {  	_ =	shalt  }
0x73: {  	_ =	shalt  }
0x74: {  	_ =	shalt  }
0x75: {  	_ =	shalt  }
0x76: {  	_ =	shalt  }
0x77: {  	_ =	shalt  }
0x78: {  	_ =	shalt  }
0x79: {  	_ =	shalt  }
0x7a: {  	_ =	shalt  }
0x7b: {  	_ =	shalt  }
0x7c: {  	_ =	shalt  }
0x7d: {  	_ =	shalt  }
0x7e: {  	_ =	shalt  }
0x7f: {  	_ =	shalt  }
0x80: {  	_ =	shalt  }
0x81: {  	_ =	shalt  }
0x82: {  	_ =	shalt  }
0x83: {  	_ =	shalt  }
0x84: {  	_ =	shalt  }
0x85: {  	_ =	shalt  }
0x86: {  	_ =	shalt  }
0x87: {  	_ =	shalt  }
.Lfunc_end0:
.L_simem_size_0:
called_computation.2_lowered:
.L_overlay_start_0:
0x88: {  	s2 =	sld [smem:$0x3FD9]  }
0x89: {  	s3 =	sld [smem:$0x3FFE];
	_ =	sdelay $0x1  }
0x8a: {  	s1 =	srdreg.scid  }
0x8b: {  	s0 =	sand.u32 $0x1, s1  }
0x8c: {  	s16 =	sshll.u32 s0, $0xA;
	s2 =	sadd.s32 s3, s2  }
0x8d: {  	s2 =	sadd.s32 s2, s16  }
0x8e: {  	[smem:$0x3FC2] =	sst s2  }
0x8f: {  	_ = 	snop  }
0x90: {  	(tm) =	ssettm $0x1  }
0x91: {  	s17 =	sld [smem:$0x3FFB];
	_ =	sdelay $0x3  }
0x92: {  	_ =	strace s17  }
0x93: {  	s2 =	sld [smem:$0x3FFC];
	_ =	sdelay $0x3  }
0x94: {  	_ =	strace s2  }
0x95: {  	s2 =	sld [smem:$0x3FFD];
	_ =	sdelay $0x3  }
0x96: {  	_ =	strace s2  }
0x97: {  	_ =	strace $0x8FFFFFFF  }
0x98: {  	s18 =	sld [smem:$0x3FDB];
	_ =	sdelay $0x1  }
0x99: {  	s19 =	simm.s32 $_scs_section_size  }
0x9a: {  	s4 =	simm.s32 $_size__tile_overlayer_lowered;
	s5 =	simm.s32 $_tile_overlayer_lowered  }
0x9b: {  	s22 =	simm.s32 $0x1BFF;
	s21 =	sshll.u32 s5, $0x1;
	s2 =	sadd.s32 s19, s18  }
0x9c: {  	s6 =	simm.s32 $0x0;
	s20 =	sshll.u32 s4, $0x1;
	s4 =	sadd.s32 s21, s2  }
0x9d: {  	[timem:s6], [sflag:s22] =	dma.local [hbm:s4], s20  }
0x9e: {  	_ =	swait.ge [sflag:s22], s20  }
0x9f: {  	s3 =	ssub.s32 $0x0, s20;
	[sflag:s22] =	ssyncset.done $0x0  }
0xa0: {  	[sflag:s22] =	ssyncadd.s32 s3;
	_ =	sdelay $0x1  }
0xa1: {  	s23 =	simm.s32 $0x1B8B  }
0xa2: {  	_ =	swait.ge [sflag:s23], $0x1  }
0xa3: {  	[sflag:s23] =	ssyncset.done $0x0  }
0xa4: {  	s25 =	simm.s32 $0x1B8E;
	s24 =	sld [smem:$0x3FFE];
	[sflag:s23] =	ssyncadd.s32 $0xFFFFFFFF  }
0xa5: {  	s26 =	simm.s32 $execute0_lowered;
	[smem:$0x3FD2] =	sst s25  }
0xa6: {  	s4 =	sshll.u32 s26, $0x1;
	_ =	strace $0x8000004C;
	[dreg:$0x1] =	wrdreg $0xFFFFFFFF  }
0xa7: {  	s28 =	simm.s32 $_size_execute0_lowered;
	s2 =	sadd.s32 s2, s4;
	[dreg:$0x0] =	wrdreg $0x0  }
0xa8: {  	s4 =	sshll.u32 s28, $0x1;
	[dreg:$0x2] =	wrdreg s2  }
0xa9: {  	[dreg:$0x3] =	wrdreg s4  }
0xaa: {  	[dreg:$0x4] =	wrdreg $0xC0  }
0xab: {  	_ =	task [dreg:s6], $0x5FFFF  }
0xac: {  	[dreg:$0x1] =	wrdreg $0xFFFFFFFF  }
0xad: {  	[dreg:$0x0] =	wrdreg $0x60  }
0xae: {  	[dreg:$0x2] =	wrdreg s24  }
0xaf: {  	[dreg:$0x3] =	wrdreg $0xC0000  }
0xb0: {  	[dreg:$0x4] =	wrdreg $0x9  }
0xb1: {  	_ =	task.clear_ibuf [dreg:s6], $0x5FFFF;
	_ =	strace $0x9000004C  }
0xb2: {  	s29 =	simm.s32 $0x9;
	_ =	strace $0x8000004E  }
0xb3: {  	_ =	swait.ge [sflag:s29], $0x1  }
0xb4: {  	[sflag:s29] =	ssyncadd.s32 $0xFFFFFFFF  }
0xb5: {  	_ =	strace $0x9000004E  }
0xb6: {  	_ =	sfence  }
0xb7: {  	s30 =	sld [smem:$0x0];
	_ =	sdelay $0x2  }
0xb8: {  	s31 =	sshll.u32 s1, $0xD;
	s1 =	sshrl.u32 s1, $0x2  }
0xb9: {  	s3 =	sand.u32 $0x4000, s31;
	s1 =	sadd.s32 s1, s30  }
0xba: {  	s0 =	sor.u32 s3, s0;
	s1 =	sshll.u32 s1, $0x11  }
0xbb: {  	s0 =	sor.u32 s1, s0  }
0xbc: {  	s0 =	sadd.s32 $0x8F2B, s0  }
0xbd: {  	[sflag:s0] =	ssyncadd.remote.s32 $0x1  }
0xbe: {  	_ =	sfence.sel $0xFFFF  }
0xbf: {  	[dreg:$0x0] =	wrdreg $0xFFFFFFFF;
	(pc) =	sbr.abs _section_cstart, $3  }
0xc0: {  	[dreg:$0x1] =	wrdreg $0xFFFFFFFF  }
0xc1: {  	_ =	task.clear_ibuf [dreg:s6], $0x2FFFF;
	_ =	strace $0x9FFFFFFF  }
0xc2: {  	(tm) =	ssettm $0x7FFFFFFF  }
0xc3: {  	_ =	shalt  }
tec
execute0_lowered:
.L_overlay_start_1:
0x0: {  	(tag) =	ssettag $0x1  }
0x1: {  	s0 =	rddreg [dreg:$0x0]  }
0x2: {  	s1 =	srdreg.scid;
	s10 =	stileid.u32  }
0x3: {  	s2 =	rddreg [dreg:$0x1];
	s4 =	smul.u32 $0x280, s10  }
0x4: {  	s3 =	simm.s32 $0x0;
	s1 =	sand.u32 $0x1, s1;
	s7 =	smul.u32 $0x50000, s10  }
0x5: {  	[smem:$0x7FF] =	sst s3;
	s8 =	sadd.s32 $0x1000, s0;
	s25 =	smul.u32 $0x14000, s10  }
0x6: {  	s5 =	smul.u32 $0x2800, s1;
	_ =	strace $0x8000004D;
	[dreg:$0x3] =	wrdreg s8  }
0x7: {  	s21 =	ssub.s32 $0x2, s1;
	s22 =	sshll.u32 s1, $0x4;
	s1 =	smul.u32 $0x140000, s1  }
0x8: {  	s7 =	sshrl.u32 s7, $0x2;
	s9 =	sshrl.u32 s21, $0x1;
	s8 =	sor.u32 s10, s22  }
0x9: {  	s5 =	sadd.s32 s4, s5;
	s4 =	sadd.s32 $0x82C00, s0;
	s11 =	sadd.s32 s7, s2  }
0xa: {  	s23 =	smul.u32 $0x2800, s8;
	s7 =	sadd.s32 $0x2000, s11;
	[dreg:$0x4] =	wrdreg s11  }
0xb: {  	s1 =	sadd.s32 s25, s1;
	s24 =	sadd.s32 $0x4000, s11;
	[dreg:$0x5] =	wrdreg s7  }
0xc: {  	s6 =	sshll.u32 s5, $0x4;
	s25 =	sadd.s32 $0xE000, s11;
	[dreg:$0x6] =	wrdreg s24  }
0xd: {  	s5 =	sadd.s32 $0x32C00, s0;
	s16 =	sadd.s32 $0x6000, s11;
	[dreg:$0x1b] =	wrdreg s25  }
0xe: {  	s8 =	sadd.s32 s5, s23;
	s23 =	sadd.s32 $0x4000, s1;
	[dreg:$0x7] =	wrdreg s16  }
0xf: {  	s18 =	sadd.s32 $0x6000, s1;
	s0 =	sadd.s32 s6, s0;
	[dreg:$0x15] =	wrdreg s23  }
0x10: {  	s6 =	ssub.s32 s21, s9;
	s21 =	sadd.s32 $0x8000, s11;
	[dreg:$0x9] =	wrdreg s8  }
0x11: {  	s7 =	sshrl.u32 s18, $0x3;
	s18 =	sadd.s32 $0xA000, s11;
	[dreg:$0x8] =	wrdreg s21  }
0x12: {  	s9 =	sadd.s32 $0x10000, s11;
	[dreg:$0x16] =	wrdreg s18  }
0x13: {  	s26 =	sadd.s32 $0xD2C00, s0;
	[dreg:$0x18] =	wrdreg s9  }
0x14: {  	s10 =	sadd.s32 $0xD3000, s0;
	[dreg:$0xa] =	wrdreg s26  }
0x15: {  	s29 =	simm.s32 $0x9;
	s12 =	sadd.s32 $0xD3400, s0;
	[dreg:$0xb] =	wrdreg s10  }
0x16: {  	s30 =	simm.s32 $0x3E80;
	s13 =	sadd.s32 $0xD3800, s0;
	[dreg:$0xc] =	wrdreg s12  }
0x17: {  	s31 =	simm.s32 $0x3F00;
	s14 =	sadd.s32 $0xD3C00, s0;
	[dreg:$0xd] =	wrdreg s13  }
0x18: {  	s28 =	simm.s32 $0x0;
	s15 =	sadd.s32 $0xD4000, s0;
	[dreg:$0xe] =	wrdreg s14  }
0x19: {  	s1 =	simm.s32 $0x4;
	s17 =	sadd.s32 $0xD4400, s0;
	[dreg:$0xf] =	wrdreg s15  }
0x1a: {  	s19 =	sadd.s32 $0xD4800, s0;
	s20 =	sadd.s32 $0xD4C00, s0;
	[dreg:$0x10] =	wrdreg s17  }
0x1b: {  	s0 =	sadd.s32 $0xD5000, s0;
	s22 =	smax.u32 s6, $0x1;
	[dreg:$0x11] =	wrdreg s19  }
0x1c: {  	s24 =	sadd.s32 s7, s5;
	s23 =	simm.s32 $0xA000;
	[dreg:$0x12] =	wrdreg s20  }
0x1d: {  	s7 =	simm.s32 $0xA;
	s6 =	simm.s32 $0x3F80;
	[dreg:$0x13] =	wrdreg s0  }
0x1e: {  	[dreg:$0x14] =	wrdreg s22;
	s12 =	sadd.s32 $0xC000, s11;
	s11 =	sadd.s32 $0x12000, s11  }
.Ltmp0:
0x1f: {  	s26 =	sadd.s32 $0x400, s8;
	s0 =	simm.s32 $0x4000;
	(pc) =	sbr.rel .LBB2_1-.Ltmp0, $4  }
0x20: {  	s13 =	simm.s32 $0x7;
	s14 =	simm.s32 $0x2000;
	s15 =	simm.s32 $0x40  }
0x21: {  	s17 =	simm.s32 $0x6000;
	s19 =	simm.s32 $0x8000;
	s20 =	simm.s32 $0x3  }
0x22: {  	s8 =	simm.s32 $0x5;
	s10 =	simm.s32 $0x8;
	[dreg:$0x19] =	wrdreg s26  }
0x23: {  	s22 =	simm.s32 $0x2;
	s26 =	simm.s32 $0x6;
	[dreg:$0x17] =	wrdreg s12  }
.LBB2_4:
0x24: {  	[bflag:$0x0] =	sbarrier.arrive $0xFFFF  }
0x25: {  	s11 =	rddreg [dreg:$0x4]  }
0x26: {  	[tilespmem:s0], [sflag:$0x3] =	stream.linear.gather [spmem:s11], $0x2000, $0x38;
	v63 =	vld [tilespmem:$0x0]  }
0x27: {  	_ =	swait.ge [sflag:s20], $0x2000  }
0x28: {  	[sflag:s20] =	ssyncset.done $0x0  }
0x29: {  	s16 =	rddreg [dreg:$0xa];
	[sflag:s20] =	ssyncadd.s32 $0xFFFFE000  }
0x2a: {  	[hbm4b:s16+s3] =	stream.linear.scatter [tilespmem:s0], [sflag:$0x7], $0x2000, $0x38;
	v63 =	vld [tilespmem:$0x0]  }
0x2b: {  	s16 =	rddreg [dreg:$0x5]  }
0x2c: {  	[tilespmem:s17], [sflag:$0x4] =	stream.linear.gather [spmem:s16], $0x2000, $0x38;
	v63 =	vld [tilespmem:$0x0]  }
0x2d: {  	_ =	swait.ge [sflag:s1], $0x2000  }
0x2e: {  	[sflag:s1] =	ssyncset.done $0x0  }
0x2f: {  	s18 =	rddreg [dreg:$0xb];
	[sflag:s1] =	ssyncadd.s32 $0xFFFFE000  }
0x30: {  	[hbm4b:s18+s3] =	stream.linear.scatter [tilespmem:s17], [sflag:$0x8], $0x2000, $0x38;
	v63 =	vld [tilespmem:$0x0]  }
0x31: {  	s21 =	rddreg [dreg:$0x6]  }
0x32: {  	[tilespmem:s19], [sflag:$0x5] =	stream.linear.gather [spmem:s21], $0x2000, $0x38;
	v63 =	vld [tilespmem:$0x0]  }
0x33: {  	_ =	swait.ge [sflag:s8], $0x2000  }
0x34: {  	[sflag:s8] =	ssyncset.done $0x0  }
0x35: {  	s25 =	rddreg [dreg:$0xc];
	[sflag:s8] =	ssyncadd.s32 $0xFFFFE000  }
0x36: {  	[hbm4b:s25+s3] =	stream.linear.scatter [tilespmem:s19], [sflag:$0x9], $0x2000, $0x38;
	v63 =	vld [tilespmem:$0x0]  }
0x37: {  	s16 =	rddreg [dreg:$0x7]  }
0x38: {  	[tilespmem:s23], [sflag:$0x6] =	stream.linear.gather [spmem:s16], $0x2000, $0x38;
	v63 =	vld [tilespmem:$0x0]  }
0x39: {  	_ =	swait.ge [sflag:s26], $0x2000  }
0x3a: {  	[sflag:s26] =	ssyncset.done $0x0  }
0x3b: {  	s21 =	rddreg [dreg:$0xd];
	[sflag:s26] =	ssyncadd.s32 $0xFFFFE000  }
0x3c: {  	[hbm4b:s21+s3] =	stream.linear.scatter [tilespmem:s23], [sflag:$0xA], $0x2000, $0x38;
	v63 =	vld [tilespmem:$0x0]  }
0x3d: {  	_ =	swait.ge [sflag:s13], $0x2000  }
0x3e: {  	[sflag:s13] =	ssyncset.done $0x0  }
0x3f: {  	s21 =	rddreg [dreg:$0x8];
	[sflag:s13] =	ssyncadd.s32 $0xFFFFE000  }
0x40: {  	[tilespmem:s0], [sflag:$0x3] =	stream.linear.gather [spmem:s21], $0x2000, $0x38;
	v63 =	vld [tilespmem:$0x0]  }
0x41: {  	_ =	swait.ge [sflag:s20], $0x2000  }
0x42: {  	[sflag:s20] =	ssyncset.done $0x0  }
0x43: {  	s25 =	rddreg [dreg:$0xe];
	[sflag:s20] =	ssyncadd.s32 $0xFFFFE000  }
0x44: {  	[hbm4b:s25+s3] =	stream.linear.scatter [tilespmem:s0], [sflag:$0x7], $0x2000, $0x38;
	v63 =	vld [tilespmem:$0x0]  }
0x45: {  	_ =	swait.ge [sflag:s10], $0x2000  }
0x46: {  	[sflag:s10] =	ssyncset.done $0x0  }
0x47: {  	s18 =	rddreg [dreg:$0x16];
	[sflag:s10] =	ssyncadd.s32 $0xFFFFE000  }
0x48: {  	[tilespmem:s17], [sflag:$0x4] =	stream.linear.gather [spmem:s18], $0x2000, $0x38;
	v63 =	vld [tilespmem:$0x0]  }
0x49: {  	_ =	swait.ge [sflag:s1], $0x2000  }
0x4a: {  	[sflag:s1] =	ssyncset.done $0x0  }
0x4b: {  	s11 =	rddreg [dreg:$0xf];
	[sflag:s1] =	ssyncadd.s32 $0xFFFFE000  }
0x4c: {  	[hbm4b:s11+s3] =	stream.linear.scatter [tilespmem:s17], [sflag:$0x8], $0x2000, $0x38;
	v63 =	vld [tilespmem:$0x0]  }
0x4d: {  	_ =	swait.ge [sflag:s29], $0x2000  }
0x4e: {  	[sflag:s29] =	ssyncset.done $0x0  }
0x4f: {  	s11 =	smov.u32 s12;
	s12 =	rddreg [dreg:$0x17];
	[sflag:s29] =	ssyncadd.s32 $0xFFFFE000  }
0x50: {  	[tilespmem:s19], [sflag:$0x5] =	stream.linear.gather [spmem:s12], $0x2000, $0x38;
	v63 =	vld [tilespmem:$0x0]  }
0x51: {  	_ =	swait.ge [sflag:s8], $0x2000  }
0x52: {  	[sflag:s8] =	ssyncset.done $0x0  }
0x53: {  	s25 =	rddreg [dreg:$0x10];
	[sflag:s8] =	ssyncadd.s32 $0xFFFFE000  }
0x54: {  	[hbm4b:s25+s3] =	stream.linear.scatter [tilespmem:s19], [sflag:$0x9], $0x2000, $0x38;
	v63 =	vld [tilespmem:$0x0]  }
0x55: {  	_ =	swait.ge [sflag:s7], $0x2000  }
0x56: {  	[sflag:s7] =	ssyncset.done $0x0  }
0x57: {  	[sflag:s7] =	ssyncadd.s32 $0xFFFFE000  }
0x58: {  	[tilespmem:s23], [sflag:$0x6] =	stream.linear.gather [spmem:s11], $0x2000, $0x38;
	v63 =	vld [tilespmem:$0x0]  }
0x59: {  	_ =	swait.ge [sflag:s26], $0x2000  }
0x5a: {  	[sflag:s26] =	ssyncset.done $0x0  }
0x5b: {  	s11 =	rddreg [dreg:$0x11];
	[sflag:s26] =	ssyncadd.s32 $0xFFFFE000  }
0x5c: {  	[hbm4b:s11+s3] =	stream.linear.scatter [tilespmem:s23], [sflag:$0xA], $0x2000, $0x38;
	v63 =	vld [tilespmem:$0x0]  }
0x5d: {  	_ =	swait.ge [sflag:s13], $0x2000  }
0x5e: {  	[sflag:s13] =	ssyncset.done $0x0  }
0x5f: {  	s11 =	smov.u32 s9;
	s9 =	rddreg [dreg:$0x18];
	[sflag:s13] =	ssyncadd.s32 $0xFFFFE000  }
0x60: {  	[tilespmem:s0], [sflag:$0x3] =	stream.linear.gather [spmem:s9], $0x2000, $0x38;
	v63 =	vld [tilespmem:$0x0]  }
0x61: {  	_ =	swait.ge [sflag:s20], $0x2000  }
0x62: {  	[sflag:s20] =	ssyncset.done $0x0  }
0x63: {  	s25 =	rddreg [dreg:$0x12];
	[sflag:s20] =	ssyncadd.s32 $0xFFFFE000  }
0x64: {  	[hbm4b:s25+s3] =	stream.linear.scatter [tilespmem:s0], [sflag:$0x7], $0x2000, $0x38;
	v63 =	vld [tilespmem:$0x0]  }
0x65: {  	_ =	swait.ge [sflag:s10], $0x2000  }
0x66: {  	[sflag:s10] =	ssyncset.done $0x0  }
0x67: {  	[sflag:s10] =	ssyncadd.s32 $0xFFFFE000  }
0x68: {  	[tilespmem:s17], [sflag:$0x4] =	stream.linear.gather [spmem:s11], $0x2000, $0x38;
	v63 =	vld [tilespmem:$0x0]  }
0x69: {  	_ =	swait.ge [sflag:s1], $0x2000  }
0x6a: {  	[sflag:s1] =	ssyncset.done $0x0  }
0x6b: {  	s25 =	rddreg [dreg:$0x13];
	[sflag:s1] =	ssyncadd.s32 $0xFFFFE000  }
0x6c: {  	[hbm4b:s25+s3] =	stream.linear.scatter [tilespmem:s17], [sflag:$0x8], $0x2000, $0x38;
	v63 =	vld [tilespmem:$0x0]  }
0x6d: {  	_ =	swait.ge [sflag:s29], $0x2000  }
0x6e: {  	[sflag:s29] =	ssyncset.done $0x0  }
0x6f: {  	[sflag:s29] =	ssyncadd.s32 $0xFFFFE000  }
0x70: {  	_ =	swait.ge [sflag:s7], $0x2000  }
0x71: {  	[sflag:s7] =	ssyncset.done $0x0  }
0x72: {  	[sflag:s7] =	ssyncadd.s32 $0xFFFFE000  }
0x73: {  	_ =	swait.ge [sflag:s13], $0x2000  }
0x74: {  	[sflag:s13] =	ssyncset.done $0x0  }
0x75: {  	[sflag:s13] =	ssyncadd.s32 $0xFFFFE000  }
0x76: {  	_ =	swait.ge [sflag:s10], $0x2000  }
0x77: {  	s28 =	rddreg [dreg:$0x1a]  }
0x78: {  	s25 =	rddreg [dreg:$0x14];
	s28 =	sadd.s32 $0x1, s28  }
0x79: {  	p0 =	sne.s32 s28, s25  }
.Ltmp1:
0x7a: {  	_ = 	snop;
	(pc) =	sbr.rel @!p0 .LBB2_5-.Ltmp1, $3  }
0x7b: {  	_ =	sdelay $0x1  }
0x7c: {  	[sflag:s10] =	ssyncset.done $0x0  }
0x7d: {  	[sflag:s10] =	ssyncadd.s32 $0xFFFFE000  }
.LBB2_1:
0x7e: {  	[dreg:$0x1a] =	wrdreg s28;
	s25 =	smov.u32 s21  }
0x7f: {  	s21 =	smov.u32 s16;
	s16 =	rddreg [dreg:$0x3];
	s28 =	simm.s32 $0xB  }
0x80: {  	[tilespmem:s0], [sflag:$0xB] =	stream.linear.gather [hbm4b:s16+s3], $0x2000, $0x38;
	v63 =	vld [tilespmem:$0x0]  }
0x81: {  	_ =	swait.ge [sflag:s28], $0x2000  }
0x82: {  	[sflag:s28] =	ssyncset.done $0x0  }
0x83: {  	s16 =	rddreg [dreg:$0x4];
	[sflag:s28] =	ssyncadd.s32 $0xFFFFE000  }
0x84: {  	[spmem:s16] =	stream.linear.scatter [tilespmem:s0], [sflag:$0x7], $0x2000, $0x38;
	v63 =	vld [tilespmem:$0x0]  }
0x85: {  	s16 =	rddreg [dreg:$0x5]  }
0x86: {  	[spmem:s16] =	stream.linear.scatter [tilespmem:s0], [sflag:$0x7], $0x2000, $0x38;
	v63 =	vld [tilespmem:$0x0]  }
0x87: {  	s16 =	rddreg [dreg:$0x6]  }
0x88: {  	[spmem:s16] =	stream.linear.scatter [tilespmem:s0], [sflag:$0x7], $0x2000, $0x38;
	v63 =	vld [tilespmem:$0x0]  }
0x89: {  	_ = 	snop  }
0x8a: {  	[spmem:s21] =	stream.linear.scatter [tilespmem:s0], [sflag:$0x7], $0x2000, $0x38;
	v63 =	vld [tilespmem:$0x0]  }
0x8b: {  	_ = 	snop  }
0x8c: {  	[spmem:s25] =	stream.linear.scatter [tilespmem:s0], [sflag:$0x7], $0x2000, $0x38;
	v63 =	vld [tilespmem:$0x0]  }
0x8d: {  	_ = 	snop  }
0x8e: {  	[spmem:s18] =	stream.linear.scatter [tilespmem:s0], [sflag:$0x7], $0x2000, $0x38;
	v63 =	vld [tilespmem:$0x0]  }
0x8f: {  	_ = 	snop  }
0x90: {  	[spmem:s12] =	stream.linear.scatter [tilespmem:s0], [sflag:$0x7], $0x2000, $0x38;
	v63 =	vld [tilespmem:$0x0]  }
0x91: {  	s12 =	rddreg [dreg:$0x1b]  }
0x92: {  	[spmem:s12] =	stream.linear.scatter [tilespmem:s0], [sflag:$0x7], $0x2000, $0x38;
	v63 =	vld [tilespmem:$0x0]  }
0x93: {  	_ = 	snop  }
0x94: {  	[spmem:s9] =	stream.linear.scatter [tilespmem:s0], [sflag:$0x7], $0x2000, $0x38;
	v63 =	vld [tilespmem:$0x0]  }
0x95: {  	_ = 	snop  }
0x96: {  	[spmem:s11] =	stream.linear.scatter [tilespmem:s0], [sflag:$0x7], $0x2000, $0x38;
	v63 =	vld [tilespmem:$0x0]  }
0x97: {  	_ =	swait.ge [sflag:s13], $0x2000  }
0x98: {  	[sflag:s13] =	ssyncset.done $0x0  }
0x99: {  	[sflag:s13] =	ssyncadd.s32 $0xFFFFE000  }
0x9a: {  	_ =	swait.ge [sflag:s13], $0x2000  }
0x9b: {  	[sflag:s13] =	ssyncset.done $0x0  }
0x9c: {  	[sflag:s13] =	ssyncadd.s32 $0xFFFFE000  }
0x9d: {  	_ =	swait.ge [sflag:s13], $0x2000  }
0x9e: {  	[sflag:s13] =	ssyncset.done $0x0  }
0x9f: {  	[sflag:s13] =	ssyncadd.s32 $0xFFFFE000  }
0xa0: {  	_ =	swait.ge [sflag:s13], $0x2000  }
0xa1: {  	[sflag:s13] =	ssyncset.done $0x0  }
0xa2: {  	[sflag:s13] =	ssyncadd.s32 $0xFFFFE000  }
0xa3: {  	_ =	swait.ge [sflag:s13], $0x2000  }
0xa4: {  	[sflag:s13] =	ssyncset.done $0x0  }
0xa5: {  	[sflag:s13] =	ssyncadd.s32 $0xFFFFE000  }
0xa6: {  	_ =	swait.ge [sflag:s13], $0x2000  }
0xa7: {  	[sflag:s13] =	ssyncset.done $0x0  }
0xa8: {  	[sflag:s13] =	ssyncadd.s32 $0xFFFFE000  }
0xa9: {  	_ =	swait.ge [sflag:s13], $0x2000  }
0xaa: {  	[sflag:s13] =	ssyncset.done $0x0  }
0xab: {  	[sflag:s13] =	ssyncadd.s32 $0xFFFFE000  }
0xac: {  	_ =	swait.ge [sflag:s13], $0x2000  }
0xad: {  	[sflag:s13] =	ssyncset.done $0x0  }
0xae: {  	[sflag:s13] =	ssyncadd.s32 $0xFFFFE000  }
0xaf: {  	_ =	swait.ge [sflag:s13], $0x2000  }
0xb0: {  	[sflag:s13] =	ssyncset.done $0x0  }
0xb1: {  	[sflag:s13] =	ssyncadd.s32 $0xFFFFE000  }
0xb2: {  	_ =	swait.ge [sflag:s13], $0x2000  }
0xb3: {  	[sflag:s13] =	ssyncset.done $0x0  }
0xb4: {  	s21 =	rddreg [dreg:$0x9];
	[sflag:s13] =	ssyncadd.s32 $0xFFFFE000  }
0xb5: {  	[tilespmem:s3], [sflag:$0xB] =	stream.linear.gather [hbm4b:s21+s3], $0x2000, $0x38;
	v63 =	vld [tilespmem:$0x0]  }
0xb6: {  	_ =	swait.ge [sflag:s28], $0x2000  }
0xb7: {  	[sflag:s28] =	ssyncset.done $0x0  }
0xb8: {  	s25 =	rddreg [dreg:$0x19];
	[sflag:s28] =	ssyncadd.s32 $0xFFFFE000  }
0xb9: {  	[tilespmem:s14], [sflag:$0x2] =	stream.linear.gather [hbm4b:s25+s3], $0x2000, $0x38;
	v63 =	vld [tilespmem:$0x0]  }
0xba: {  	s18 =	simm.s32 $0x0;
	s9 =	smov.u32 s11;
	[bflag:$0x0] =	sbarrier.arrive $0xFFFF  }
0xbb: {  	s11 =	simm.s32 $0x100;
	s28 =	simm.s32 $0x80;
	s16 =	rddreg [dreg:$0x15]  }
.LBB2_2:
0xbc: {  	p0 =	seq.s32 s18, $0x0  }
0xbd: {  	s21 =	simm.s32 @!p0 $0x1  }
0xbe: {  	_ =	swait.ge @!p0 [sflag:s21], $0x2000  }
0xbf: {  	[sflag:s21] =	ssyncset.done @!p0 $0x0  }
0xc0: {  	[sflag:s21] =	ssyncadd.s32 @!p0 $0xFFFFE000  }
0xc1: {  	[tilespmem:s0], [sflag:$0x3] =	stream.indirect.gather [hbm4b:s4+s15], $0x80, s3, s15, $0xb8;
	v63 =	vld [tilespmem:$0x0]  }
0xc2: {  	_ = 	snop  }
0xc3: {  	[tilespmem:s17], [sflag:$0x4] =	stream.indirect.gather [hbm4b:s4+s15], $0x80, s28, s15, $0xb8;
	v63 =	vld [tilespmem:$0x0]  }
0xc4: {  	_ = 	snop  }
0xc5: {  	[tilespmem:s19], [sflag:$0x5] =	stream.indirect.gather [hbm4b:s4+s15], $0x80, s11, s15, $0xb8;
	v63 =	vld [tilespmem:$0x0]  }
0xc6: {  	_ =	swait.ge [sflag:s20], $0x2000  }
0xc7: {  	[sflag:s20] =	ssyncset.done $0x0  }
0xc8: {  	s25 =	simm.s32 $0x1000;
	[sflag:s20] =	ssyncadd.s32 $0xFFFFE000  }
0xc9: {  	[spmem:s2] =	stream.indirect.scatter.add.f32 [tilespmem:s0], [sflag:$0x7], $0x80, s25, s15, $0xb8;
	v63 =	vld [tilespmem:$0x0]  }
0xca: {  	s25 =	simm.s32 $0x180  }
0xcb: {  	[tilespmem:s23], [sflag:$0x6] =	stream.indirect.gather [hbm4b:s4+s15], $0x80, s25, s15, $0xb8;
	v63 =	vld [tilespmem:$0x0]  }
0xcc: {  	_ =	swait.ge [sflag:s1], $0x2000  }
0xcd: {  	[sflag:s1] =	ssyncset.done $0x0  }
0xce: {  	s25 =	simm.s32 $0x1080;
	[sflag:s1] =	ssyncadd.s32 $0xFFFFE000  }
0xcf: {  	[spmem:s2] =	stream.indirect.scatter.add.f32 [tilespmem:s17], [sflag:$0x8], $0x80, s25, s15, $0xb8;
	v63 =	vld [tilespmem:$0x0]  }
0xd0: {  	_ =	swait.ge [sflag:s13], $0x2000  }
0xd1: {  	[sflag:s13] =	ssyncset.done $0x0  }
0xd2: {  	s25 =	simm.s32 $0x200;
	[sflag:s13] =	ssyncadd.s32 $0xFFFFE000  }
0xd3: {  	[tilespmem:s0], [sflag:$0x3] =	stream.indirect.gather [hbm4b:s4+s15], $0x80, s25, s15, $0xb8;
	v63 =	vld [tilespmem:$0x0]  }
0xd4: {  	_ =	swait.ge [sflag:s8], $0x2000  }
0xd5: {  	[sflag:s8] =	ssyncset.done $0x0  }
0xd6: {  	s25 =	simm.s32 $0x1100;
	[sflag:s8] =	ssyncadd.s32 $0xFFFFE000  }
0xd7: {  	[spmem:s2] =	stream.indirect.scatter.add.f32 [tilespmem:s19], [sflag:$0x9], $0x80, s25, s15, $0xb8;
	v63 =	vld [tilespmem:$0x0]  }
0xd8: {  	_ =	swait.ge [sflag:s10], $0x2000  }
0xd9: {  	[sflag:s10] =	ssyncset.done $0x0  }
0xda: {  	s25 =	simm.s32 $0x280;
	[sflag:s10] =	ssyncadd.s32 $0xFFFFE000  }
0xdb: {  	[tilespmem:s17], [sflag:$0x4] =	stream.indirect.gather [hbm4b:s4+s15], $0x80, s25, s15, $0xb8;
	v63 =	vld [tilespmem:$0x0]  }
0xdc: {  	_ =	swait.ge [sflag:s26], $0x2000  }
0xdd: {  	[sflag:s26] =	ssyncset.done $0x0  }
0xde: {  	s25 =	simm.s32 $0x1180;
	[sflag:s26] =	ssyncadd.s32 $0xFFFFE000  }
0xdf: {  	[spmem:s2] =	stream.indirect.scatter.add.f32 [tilespmem:s23], [sflag:$0xA], $0x80, s25, s15, $0xb8;
	v63 =	vld [tilespmem:$0x0]  }
0xe0: {  	_ =	swait.ge [sflag:s29], $0x2000  }
0xe1: {  	[sflag:s29] =	ssyncset.done $0x0  }
0xe2: {  	s25 =	simm.s32 $0x300;
	[sflag:s29] =	ssyncadd.s32 $0xFFFFE000  }
0xe3: {  	[tilespmem:s19], [sflag:$0x5] =	stream.indirect.gather [hbm4b:s4+s15], $0x80, s25, s15, $0xb8;
	v63 =	vld [tilespmem:$0x0]  }
0xe4: {  	_ =	swait.ge [sflag:s20], $0x2000  }
0xe5: {  	[sflag:s20] =	ssyncset.done $0x0  }
0xe6: {  	s25 =	simm.s32 $0x1200;
	[sflag:s20] =	ssyncadd.s32 $0xFFFFE000  }
0xe7: {  	[spmem:s2] =	stream.indirect.scatter.add.f32 [tilespmem:s0], [sflag:$0x7], $0x80, s25, s15, $0xb8;
	v63 =	vld [tilespmem:$0x0]  }
0xe8: {  	_ =	swait.ge [sflag:s7], $0x2000  }
0xe9: {  	[sflag:s7] =	ssyncset.done $0x0  }
0xea: {  	s25 =	simm.s32 $0x380;
	[sflag:s7] =	ssyncadd.s32 $0xFFFFE000  }
0xeb: {  	[tilespmem:s23], [sflag:$0x6] =	stream.indirect.gather [hbm4b:s4+s15], $0x80, s25, s15, $0xb8;
	v63 =	vld [tilespmem:$0x0]  }
0xec: {  	_ =	swait.ge [sflag:s1], $0x2000  }
0xed: {  	[sflag:s1] =	ssyncset.done $0x0  }
0xee: {  	s25 =	simm.s32 $0x1280;
	[sflag:s1] =	ssyncadd.s32 $0xFFFFE000  }
0xef: {  	[spmem:s2] =	stream.indirect.scatter.add.f32 [tilespmem:s17], [sflag:$0x8], $0x80, s25, s15, $0xb8;
	v63 =	vld [tilespmem:$0x0]  }
0xf0: {  	_ =	swait.ge [sflag:s13], $0x2000  }
0xf1: {  	[sflag:s13] =	ssyncset.done $0x0  }
0xf2: {  	s25 =	simm.s32 $0x400;
	[sflag:s13] =	ssyncadd.s32 $0xFFFFE000  }
0xf3: {  	[tilespmem:s0], [sflag:$0x3] =	stream.indirect.gather [hbm4b:s4+s15], $0x80, s25, s15, $0xb8;
	v63 =	vld [tilespmem:$0x0]  }
0xf4: {  	_ =	swait.ge [sflag:s8], $0x2000  }
0xf5: {  	[sflag:s8] =	ssyncset.done $0x0  }
0xf6: {  	s25 =	simm.s32 $0x1300;
	[sflag:s8] =	ssyncadd.s32 $0xFFFFE000  }
0xf7: {  	[spmem:s2] =	stream.indirect.scatter.add.f32 [tilespmem:s19], [sflag:$0x9], $0x80, s25, s15, $0xb8;
	v63 =	vld [tilespmem:$0x0]  }
0xf8: {  	_ =	swait.ge [sflag:s10], $0x2000  }
0xf9: {  	[sflag:s10] =	ssyncset.done $0x0  }
0xfa: {  	s25 =	simm.s32 $0x480;
	[sflag:s10] =	ssyncadd.s32 $0xFFFFE000  }
0xfb: {  	[tilespmem:s17], [sflag:$0x4] =	stream.indirect.gather [hbm4b:s4+s15], $0x80, s25, s15, $0xb8;
	v63 =	vld [tilespmem:$0x0]  }
0xfc: {  	_ =	swait.ge [sflag:s26], $0x2000  }
0xfd: {  	[sflag:s26] =	ssyncset.done $0x0  }
0xfe: {  	s25 =	simm.s32 $0x1380;
	[sflag:s26] =	ssyncadd.s32 $0xFFFFE000  }
0xff: {  	[spmem:s2] =	stream.indirect.scatter.add.f32 [tilespmem:s23], [sflag:$0xA], $0x80, s25, s15, $0xb8;
	v63 =	vld [tilespmem:$0x0]  }
0x100: {  	_ =	swait.ge [sflag:s29], $0x2000  }
0x101: {  	[sflag:s29] =	ssyncset.done $0x0  }
0x102: {  	s25 =	simm.s32 $0x500;
	[sflag:s29] =	ssyncadd.s32 $0xFFFFE000  }
0x103: {  	[tilespmem:s19], [sflag:$0x5] =	stream.indirect.gather [hbm4b:s4+s15], $0x80, s25, s15, $0xb8;
	v63 =	vld [tilespmem:$0x0]  }
0x104: {  	_ =	swait.ge [sflag:s20], $0x2000  }
0x105: {  	[sflag:s20] =	ssyncset.done $0x0  }
0x106: {  	s25 =	simm.s32 $0x1400;
	[sflag:s20] =	ssyncadd.s32 $0xFFFFE000  }
0x107: {  	[spmem:s2] =	stream.indirect.scatter.add.f32 [tilespmem:s0], [sflag:$0x7], $0x80, s25, s15, $0xb8;
	v63 =	vld [tilespmem:$0x0]  }
0x108: {  	_ =	swait.ge [sflag:s7], $0x2000  }
0x109: {  	[sflag:s7] =	ssyncset.done $0x0  }
0x10a: {  	s25 =	simm.s32 $0x580;
	[sflag:s7] =	ssyncadd.s32 $0xFFFFE000  }
0x10b: {  	[tilespmem:s23], [sflag:$0x6] =	stream.indirect.gather [hbm4b:s4+s15], $0x80, s25, s15, $0xb8;
	v63 =	vld [tilespmem:$0x0]  }
0x10c: {  	_ =	swait.ge [sflag:s1], $0x2000  }
0x10d: {  	[sflag:s1] =	ssyncset.done $0x0  }
0x10e: {  	s25 =	simm.s32 $0x1480;
	[sflag:s1] =	ssyncadd.s32 $0xFFFFE000  }
0x10f: {  	[spmem:s2] =	stream.indirect.scatter.add.f32 [tilespmem:s17], [sflag:$0x8], $0x80, s25, s15, $0xb8;
	v63 =	vld [tilespmem:$0x0]  }
0x110: {  	_ =	swait.ge [sflag:s13], $0x2000  }
0x111: {  	[sflag:s13] =	ssyncset.done $0x0  }
0x112: {  	s25 =	simm.s32 $0x600;
	[sflag:s13] =	ssyncadd.s32 $0xFFFFE000  }
0x113: {  	[tilespmem:s0], [sflag:$0x3] =	stream.indirect.gather [hbm4b:s4+s15], $0x80, s25, s15, $0xb8;
	v63 =	vld [tilespmem:$0x0]  }
0x114: {  	_ =	swait.ge [sflag:s8], $0x2000  }
0x115: {  	[sflag:s8] =	ssyncset.done $0x0  }
0x116: {  	s25 =	simm.s32 $0x1500;
	[sflag:s8] =	ssyncadd.s32 $0xFFFFE000  }
0x117: {  	[spmem:s2] =	stream.indirect.scatter.add.f32 [tilespmem:s19], [sflag:$0x9], $0x80, s25, s15, $0xb8;
	v63 =	vld [tilespmem:$0x0]  }
0x118: {  	_ =	swait.ge [sflag:s10], $0x2000  }
0x119: {  	[sflag:s10] =	ssyncset.done $0x0  }
0x11a: {  	s25 =	simm.s32 $0x680;
	[sflag:s10] =	ssyncadd.s32 $0xFFFFE000  }
0x11b: {  	[tilespmem:s17], [sflag:$0x4] =	stream.indirect.gather [hbm4b:s4+s15], $0x80, s25, s15, $0xb8;
	v63 =	vld [tilespmem:$0x0]  }
0x11c: {  	_ =	swait.ge [sflag:s26], $0x2000  }
0x11d: {  	[sflag:s26] =	ssyncset.done $0x0  }
0x11e: {  	s25 =	simm.s32 $0x1580;
	[sflag:s26] =	ssyncadd.s32 $0xFFFFE000  }
0x11f: {  	[spmem:s2] =	stream.indirect.scatter.add.f32 [tilespmem:s23], [sflag:$0xA], $0x80, s25, s15, $0xb8;
	v63 =	vld [tilespmem:$0x0]  }
0x120: {  	_ =	swait.ge [sflag:s29], $0x2000  }
0x121: {  	[sflag:s29] =	ssyncset.done $0x0  }
0x122: {  	s25 =	simm.s32 $0x700;
	[sflag:s29] =	ssyncadd.s32 $0xFFFFE000  }
0x123: {  	[tilespmem:s19], [sflag:$0x5] =	stream.indirect.gather [hbm4b:s4+s15], $0x80, s25, s15, $0xb8;
	v63 =	vld [tilespmem:$0x0]  }
0x124: {  	_ =	swait.ge [sflag:s20], $0x2000  }
0x125: {  	[sflag:s20] =	ssyncset.done $0x0  }
0x126: {  	s25 =	simm.s32 $0x1600;
	[sflag:s20] =	ssyncadd.s32 $0xFFFFE000  }
0x127: {  	[spmem:s2] =	stream.indirect.scatter.add.f32 [tilespmem:s0], [sflag:$0x7], $0x80, s25, s15, $0xb8;
	v63 =	vld [tilespmem:$0x0]  }
0x128: {  	_ =	swait.ge [sflag:s7], $0x2000  }
0x129: {  	[sflag:s7] =	ssyncset.done $0x0  }
0x12a: {  	s25 =	simm.s32 $0x780;
	[sflag:s7] =	ssyncadd.s32 $0xFFFFE000  }
0x12b: {  	[tilespmem:s23], [sflag:$0x6] =	stream.indirect.gather [hbm4b:s4+s15], $0x80, s25, s15, $0xb8;
	v63 =	vld [tilespmem:$0x0]  }
0x12c: {  	_ =	swait.ge [sflag:s1], $0x2000  }
0x12d: {  	[sflag:s1] =	ssyncset.done $0x0  }
0x12e: {  	s25 =	simm.s32 $0x1680;
	[sflag:s1] =	ssyncadd.s32 $0xFFFFE000  }
0x12f: {  	[spmem:s2] =	stream.indirect.scatter.add.f32 [tilespmem:s17], [sflag:$0x8], $0x80, s25, s15, $0xb8;
	v63 =	vld [tilespmem:$0x0]  }
0x130: {  	_ =	swait.ge [sflag:s13], $0x2000  }
0x131: {  	[sflag:s13] =	ssyncset.done $0x0  }
0x132: {  	s25 =	simm.s32 $0x800;
	[sflag:s13] =	ssyncadd.s32 $0xFFFFE000  }
0x133: {  	[tilespmem:s0], [sflag:$0x3] =	stream.indirect.gather [hbm4b:s4+s15], $0x80, s25, s15, $0xb8;
	v63 =	vld [tilespmem:$0x0]  }
0x134: {  	_ =	swait.ge [sflag:s8], $0x2000  }
0x135: {  	[sflag:s8] =	ssyncset.done $0x0  }
0x136: {  	s25 =	simm.s32 $0x1700;
	[sflag:s8] =	ssyncadd.s32 $0xFFFFE000  }
0x137: {  	[spmem:s2] =	stream.indirect.scatter.add.f32 [tilespmem:s19], [sflag:$0x9], $0x80, s25, s15, $0xb8;
	v63 =	vld [tilespmem:$0x0]  }
0x138: {  	_ =	swait.ge [sflag:s10], $0x2000  }
0x139: {  	[sflag:s10] =	ssyncset.done $0x0  }
0x13a: {  	s25 =	simm.s32 $0x880;
	[sflag:s10] =	ssyncadd.s32 $0xFFFFE000  }
0x13b: {  	[tilespmem:s17], [sflag:$0x4] =	stream.indirect.gather [hbm4b:s4+s15], $0x80, s25, s15, $0xb8;
	v63 =	vld [tilespmem:$0x0]  }
0x13c: {  	_ =	swait.ge [sflag:s26], $0x2000  }
0x13d: {  	[sflag:s26] =	ssyncset.done $0x0  }
0x13e: {  	s25 =	simm.s32 $0x1780;
	[sflag:s26] =	ssyncadd.s32 $0xFFFFE000  }
0x13f: {  	[spmem:s2] =	stream.indirect.scatter.add.f32 [tilespmem:s23], [sflag:$0xA], $0x80, s25, s15, $0xb8;
	v63 =	vld [tilespmem:$0x0]  }
0x140: {  	_ =	swait.ge [sflag:s29], $0x2000  }
0x141: {  	[sflag:s29] =	ssyncset.done $0x0  }
0x142: {  	s25 =	simm.s32 $0x900;
	[sflag:s29] =	ssyncadd.s32 $0xFFFFE000  }
0x143: {  	[tilespmem:s19], [sflag:$0x5] =	stream.indirect.gather [hbm4b:s4+s15], $0x80, s25, s15, $0xb8;
	v63 =	vld [tilespmem:$0x0]  }
0x144: {  	_ =	swait.ge [sflag:s20], $0x2000  }
0x145: {  	[sflag:s20] =	ssyncset.done $0x0  }
0x146: {  	s25 =	simm.s32 $0x1800;
	[sflag:s20] =	ssyncadd.s32 $0xFFFFE000  }
0x147: {  	[spmem:s2] =	stream.indirect.scatter.add.f32 [tilespmem:s0], [sflag:$0x7], $0x80, s25, s15, $0xb8;
	v63 =	vld [tilespmem:$0x0]  }
0x148: {  	_ =	swait.ge [sflag:s7], $0x2000  }
0x149: {  	[sflag:s7] =	ssyncset.done $0x0  }
0x14a: {  	s25 =	simm.s32 $0x980;
	[sflag:s7] =	ssyncadd.s32 $0xFFFFE000  }
0x14b: {  	[tilespmem:s23], [sflag:$0x6] =	stream.indirect.gather [hbm4b:s4+s15], $0x80, s25, s15, $0xb8;
	v63 =	vld [tilespmem:$0x0]  }
0x14c: {  	_ =	swait.ge [sflag:s1], $0x2000  }
0x14d: {  	[sflag:s1] =	ssyncset.done $0x0  }
0x14e: {  	s25 =	simm.s32 $0x1880;
	[sflag:s1] =	ssyncadd.s32 $0xFFFFE000  }
0x14f: {  	[spmem:s2] =	stream.indirect.scatter.add.f32 [tilespmem:s17], [sflag:$0x8], $0x80, s25, s15, $0xb8;
	v63 =	vld [tilespmem:$0x0]  }
0x150: {  	_ =	swait.ge [sflag:s13], $0x2000  }
0x151: {  	[sflag:s13] =	ssyncset.done $0x0  }
0x152: {  	s25 =	simm.s32 $0xA00;
	[sflag:s13] =	ssyncadd.s32 $0xFFFFE000  }
0x153: {  	[tilespmem:s0], [sflag:$0x3] =	stream.indirect.gather [hbm4b:s4+s15], $0x80, s25, s15, $0xb8;
	v63 =	vld [tilespmem:$0x0]  }
0x154: {  	_ =	swait.ge [sflag:s8], $0x2000  }
0x155: {  	[sflag:s8] =	ssyncset.done $0x0  }
0x156: {  	s25 =	simm.s32 $0x1900;
	[sflag:s8] =	ssyncadd.s32 $0xFFFFE000  }
0x157: {  	[spmem:s2] =	stream.indirect.scatter.add.f32 [tilespmem:s19], [sflag:$0x9], $0x80, s25, s15, $0xb8;
	v63 =	vld [tilespmem:$0x0]  }
0x158: {  	_ =	swait.ge [sflag:s10], $0x2000  }
0x159: {  	[sflag:s10] =	ssyncset.done $0x0  }
0x15a: {  	s25 =	simm.s32 $0xA80;
	[sflag:s10] =	ssyncadd.s32 $0xFFFFE000  }
0x15b: {  	[tilespmem:s17], [sflag:$0x4] =	stream.indirect.gather [hbm4b:s4+s15], $0x80, s25, s15, $0xb8;
	v63 =	vld [tilespmem:$0x0]  }
0x15c: {  	_ =	swait.ge [sflag:s26], $0x2000  }
0x15d: {  	[sflag:s26] =	ssyncset.done $0x0  }
0x15e: {  	s25 =	simm.s32 $0x1980;
	[sflag:s26] =	ssyncadd.s32 $0xFFFFE000  }
0x15f: {  	[spmem:s2] =	stream.indirect.scatter.add.f32 [tilespmem:s23], [sflag:$0xA], $0x80, s25, s15, $0xb8;
	v63 =	vld [tilespmem:$0x0]  }
0x160: {  	_ =	swait.ge [sflag:s29], $0x2000  }
0x161: {  	[sflag:s29] =	ssyncset.done $0x0  }
0x162: {  	s25 =	simm.s32 $0xB00;
	[sflag:s29] =	ssyncadd.s32 $0xFFFFE000  }
0x163: {  	[tilespmem:s19], [sflag:$0x5] =	stream.indirect.gather [hbm4b:s4+s15], $0x80, s25, s15, $0xb8;
	v63 =	vld [tilespmem:$0x0]  }
0x164: {  	_ =	swait.ge [sflag:s20], $0x2000  }
0x165: {  	[sflag:s20] =	ssyncset.done $0x0  }
0x166: {  	s25 =	simm.s32 $0x1A00;
	[sflag:s20] =	ssyncadd.s32 $0xFFFFE000  }
0x167: {  	[spmem:s2] =	stream.indirect.scatter.add.f32 [tilespmem:s0], [sflag:$0x7], $0x80, s25, s15, $0xb8;
	v63 =	vld [tilespmem:$0x0]  }
0x168: {  	_ =	swait.ge [sflag:s7], $0x2000  }
0x169: {  	[sflag:s7] =	ssyncset.done $0x0  }
0x16a: {  	s25 =	simm.s32 $0xB80;
	[sflag:s7] =	ssyncadd.s32 $0xFFFFE000  }
0x16b: {  	[tilespmem:s23], [sflag:$0x6] =	stream.indirect.gather [hbm4b:s4+s15], $0x80, s25, s15, $0xb8;
	v63 =	vld [tilespmem:$0x0]  }
0x16c: {  	_ =	swait.ge [sflag:s1], $0x2000  }
0x16d: {  	[sflag:s1] =	ssyncset.done $0x0  }
0x16e: {  	s25 =	simm.s32 $0x1A80;
	[sflag:s1] =	ssyncadd.s32 $0xFFFFE000  }
0x16f: {  	[spmem:s2] =	stream.indirect.scatter.add.f32 [tilespmem:s17], [sflag:$0x8], $0x80, s25, s15, $0xb8;
	v63 =	vld [tilespmem:$0x0]  }
0x170: {  	_ =	swait.ge [sflag:s13], $0x2000  }
0x171: {  	[sflag:s13] =	ssyncset.done $0x0  }
0x172: {  	s25 =	simm.s32 $0xC00;
	[sflag:s13] =	ssyncadd.s32 $0xFFFFE000  }
0x173: {  	[tilespmem:s0], [sflag:$0x3] =	stream.indirect.gather [hbm4b:s4+s15], $0x80, s25, s15, $0xb8;
	v63 =	vld [tilespmem:$0x0]  }
0x174: {  	_ =	swait.ge [sflag:s8], $0x2000  }
0x175: {  	[sflag:s8] =	ssyncset.done $0x0  }
0x176: {  	s25 =	simm.s32 $0x1B00;
	[sflag:s8] =	ssyncadd.s32 $0xFFFFE000  }
0x177: {  	[spmem:s2] =	stream.indirect.scatter.add.f32 [tilespmem:s19], [sflag:$0x9], $0x80, s25, s15, $0xb8;
	v63 =	vld [tilespmem:$0x0]  }
0x178: {  	_ =	swait.ge [sflag:s10], $0x2000  }
0x179: {  	[sflag:s10] =	ssyncset.done $0x0  }
0x17a: {  	s25 =	simm.s32 $0xC80;
	[sflag:s10] =	ssyncadd.s32 $0xFFFFE000  }
0x17b: {  	[tilespmem:s17], [sflag:$0x4] =	stream.indirect.gather [hbm4b:s4+s15], $0x80, s25, s15, $0xb8;
	v63 =	vld [tilespmem:$0x0]  }
0x17c: {  	_ =	swait.ge [sflag:s26], $0x2000  }
0x17d: {  	[sflag:s26] =	ssyncset.done $0x0  }
0x17e: {  	s25 =	simm.s32 $0x1B80;
	[sflag:s26] =	ssyncadd.s32 $0xFFFFE000  }
0x17f: {  	[spmem:s2] =	stream.indirect.scatter.add.f32 [tilespmem:s23], [sflag:$0xA], $0x80, s25, s15, $0xb8;
	v63 =	vld [tilespmem:$0x0]  }
0x180: {  	_ =	swait.ge [sflag:s29], $0x2000  }
0x181: {  	[sflag:s29] =	ssyncset.done $0x0  }
0x182: {  	s25 =	simm.s32 $0xD00;
	[sflag:s29] =	ssyncadd.s32 $0xFFFFE000  }
0x183: {  	[tilespmem:s19], [sflag:$0x5] =	stream.indirect.gather [hbm4b:s4+s15], $0x80, s25, s15, $0xb8;
	v63 =	vld [tilespmem:$0x0]  }
0x184: {  	_ =	swait.ge [sflag:s20], $0x2000  }
0x185: {  	[sflag:s20] =	ssyncset.done $0x0  }
0x186: {  	s25 =	simm.s32 $0x1C00;
	[sflag:s20] =	ssyncadd.s32 $0xFFFFE000  }
0x187: {  	[spmem:s2] =	stream.indirect.scatter.add.f32 [tilespmem:s0], [sflag:$0x7], $0x80, s25, s15, $0xb8;
	v63 =	vld [tilespmem:$0x0]  }
0x188: {  	_ =	swait.ge [sflag:s7], $0x2000  }
0x189: {  	[sflag:s7] =	ssyncset.done $0x0  }
0x18a: {  	s25 =	simm.s32 $0xD80;
	[sflag:s7] =	ssyncadd.s32 $0xFFFFE000  }
0x18b: {  	[tilespmem:s23], [sflag:$0x6] =	stream.indirect.gather [hbm4b:s4+s15], $0x80, s25, s15, $0xb8;
	v63 =	vld [tilespmem:$0x0]  }
0x18c: {  	_ =	swait.ge [sflag:s1], $0x2000  }
0x18d: {  	[sflag:s1] =	ssyncset.done $0x0  }
0x18e: {  	s25 =	simm.s32 $0x1C80;
	[sflag:s1] =	ssyncadd.s32 $0xFFFFE000  }
0x18f: {  	[spmem:s2] =	stream.indirect.scatter.add.f32 [tilespmem:s17], [sflag:$0x8], $0x80, s25, s15, $0xb8;
	v63 =	vld [tilespmem:$0x0]  }
0x190: {  	_ =	swait.ge [sflag:s13], $0x2000  }
0x191: {  	[sflag:s13] =	ssyncset.done $0x0  }
0x192: {  	s25 =	simm.s32 $0xE00;
	[sflag:s13] =	ssyncadd.s32 $0xFFFFE000  }
0x193: {  	[tilespmem:s0], [sflag:$0x3] =	stream.indirect.gather [hbm4b:s4+s15], $0x80, s25, s15, $0xb8;
	v63 =	vld [tilespmem:$0x0]  }
0x194: {  	_ =	swait.ge [sflag:s8], $0x2000  }
0x195: {  	[sflag:s8] =	ssyncset.done $0x0  }
0x196: {  	s25 =	simm.s32 $0x1D00;
	[sflag:s8] =	ssyncadd.s32 $0xFFFFE000  }
0x197: {  	[spmem:s2] =	stream.indirect.scatter.add.f32 [tilespmem:s19], [sflag:$0x9], $0x80, s25, s15, $0xb8;
	v63 =	vld [tilespmem:$0x0]  }
0x198: {  	_ =	swait.ge [sflag:s10], $0x2000  }
0x199: {  	[sflag:s10] =	ssyncset.done $0x0  }
0x19a: {  	s25 =	simm.s32 $0xE80;
	[sflag:s10] =	ssyncadd.s32 $0xFFFFE000  }
0x19b: {  	[tilespmem:s17], [sflag:$0x4] =	stream.indirect.gather [hbm4b:s4+s15], $0x80, s25, s15, $0xb8;
	v63 =	vld [tilespmem:$0x0]  }
0x19c: {  	_ =	swait.ge [sflag:s26], $0x2000  }
0x19d: {  	[sflag:s26] =	ssyncset.done $0x0  }
0x19e: {  	s25 =	simm.s32 $0x1D80;
	[sflag:s26] =	ssyncadd.s32 $0xFFFFE000  }
0x19f: {  	[spmem:s2] =	stream.indirect.scatter.add.f32 [tilespmem:s23], [sflag:$0xA], $0x80, s25, s15, $0xb8;
	v63 =	vld [tilespmem:$0x0]  }
0x1a0: {  	_ =	swait.ge [sflag:s29], $0x2000  }
0x1a1: {  	[sflag:s29] =	ssyncset.done $0x0  }
0x1a2: {  	s25 =	simm.s32 $0xF00;
	[sflag:s29] =	ssyncadd.s32 $0xFFFFE000  }
0x1a3: {  	[tilespmem:s19], [sflag:$0x5] =	stream.indirect.gather [hbm4b:s4+s15], $0x80, s25, s15, $0xb8;
	v63 =	vld [tilespmem:$0x0]  }
0x1a4: {  	_ =	swait.ge [sflag:s20], $0x2000  }
0x1a5: {  	[sflag:s20] =	ssyncset.done $0x0  }
0x1a6: {  	s25 =	simm.s32 $0x1E00;
	[sflag:s20] =	ssyncadd.s32 $0xFFFFE000  }
0x1a7: {  	[spmem:s2] =	stream.indirect.scatter.add.f32 [tilespmem:s0], [sflag:$0x7], $0x80, s25, s15, $0xb8;
	v63 =	vld [tilespmem:$0x0]  }
0x1a8: {  	_ =	swait.ge [sflag:s7], $0x2000  }
0x1a9: {  	[sflag:s7] =	ssyncset.done $0x0  }
0x1aa: {  	s25 =	simm.s32 $0xF80;
	[sflag:s7] =	ssyncadd.s32 $0xFFFFE000  }
0x1ab: {  	[tilespmem:s23], [sflag:$0x6] =	stream.indirect.gather [hbm4b:s4+s15], $0x80, s25, s15, $0xb8;
	v63 =	vld [tilespmem:$0x0]  }
0x1ac: {  	_ =	swait.ge [sflag:s1], $0x2000  }
0x1ad: {  	[sflag:s1] =	ssyncset.done $0x0  }
0x1ae: {  	s25 =	simm.s32 $0x1E80;
	[sflag:s1] =	ssyncadd.s32 $0xFFFFE000  }
0x1af: {  	[spmem:s2] =	stream.indirect.scatter.add.f32 [tilespmem:s17], [sflag:$0x8], $0x80, s25, s15, $0xb8;
	v63 =	vld [tilespmem:$0x0]  }
0x1b0: {  	_ =	swait.ge [sflag:s8], $0x2000  }
0x1b1: {  	[sflag:s8] =	ssyncset.done $0x0  }
0x1b2: {  	s25 =	simm.s32 $0x1F00;
	[sflag:s8] =	ssyncadd.s32 $0xFFFFE000  }
0x1b3: {  	[spmem:s2] =	stream.indirect.scatter.add.f32 [tilespmem:s19], [sflag:$0x9], $0x80, s25, s15, $0xb8;
	v63 =	vld [tilespmem:$0x0]  }
0x1b4: {  	_ =	swait.ge [sflag:s26], $0x2000  }
0x1b5: {  	[sflag:s26] =	ssyncset.done $0x0  }
0x1b6: {  	s25 =	simm.s32 $0x1F80;
	[sflag:s26] =	ssyncadd.s32 $0xFFFFE000  }
0x1b7: {  	[spmem:s2] =	stream.indirect.scatter.add.f32 [tilespmem:s23], [sflag:$0xA], $0x80, s25, s15, $0xb8;
	v63 =	vld [tilespmem:$0x0]  }
0x1b8: {  	_ =	swait.ge [sflag:s13], $0x2000  }
0x1b9: {  	[sflag:s13] =	ssyncset.done $0x0  }
0x1ba: {  	[sflag:s13] =	ssyncadd.s32 $0xFFFFE000  }
0x1bb: {  	_ =	swait.ge [sflag:s10], $0x2000  }
0x1bc: {  	[sflag:s10] =	ssyncset.done $0x0  }
0x1bd: {  	[sflag:s10] =	ssyncadd.s32 $0xFFFFE000  }
0x1be: {  	_ =	swait.ge [sflag:s29], $0x2000  }
0x1bf: {  	[sflag:s29] =	ssyncset.done $0x0  }
0x1c0: {  	[sflag:s29] =	ssyncadd.s32 $0xFFFFE000  }
0x1c1: {  	p0 =	seq.s32 s18, $0x2000;
	_ =	swait.ge [sflag:s7], $0x2000  }
0x1c2: {  	s21 =	sshrl.u32 @!p0 s16, $0x3;
	[sflag:s7] =	ssyncset.done $0x0  }
0x1c3: {  	s21 =	sadd.s32 @!p0 s5, s21;
	s25 =	simm.s32 @!p0 $0x0;
	[sflag:s7] =	ssyncadd.s32 $0xFFFFE000  }
0x1c4: {  	[tilespmem:s25], [sflag:$0x1] =	stream.linear.gather @!p0 [hbm4b:s21+s25], $0x2000, $0x38;
	v63 =	vld [tilespmem:$0x0]  }
0x1c5: {  	_ =	swait.ge [sflag:s22], $0x2000  }
0x1c6: {  	[sflag:s22] =	ssyncset.done $0x0  }
0x1c7: {  	[sflag:s22] =	ssyncadd.s32 $0xFFFFE000  }
0x1c8: {  	[tilespmem:s0], [sflag:$0x3] =	stream.indirect.gather [hbm4b:s4+s15], $0x80, s14, s15, $0xb8;
	v63 =	vld [tilespmem:$0x0]  }
0x1c9: {  	s25 =	simm.s32 $0x2080  }
0x1ca: {  	[tilespmem:s17], [sflag:$0x4] =	stream.indirect.gather [hbm4b:s4+s15], $0x80, s25, s15, $0xb8;
	v63 =	vld [tilespmem:$0x0]  }
0x1cb: {  	s25 =	simm.s32 $0x2100  }
0x1cc: {  	[tilespmem:s19], [sflag:$0x5] =	stream.indirect.gather [hbm4b:s4+s15], $0x80, s25, s15, $0xb8;
	v63 =	vld [tilespmem:$0x0]  }
0x1cd: {  	_ =	swait.ge [sflag:s20], $0x2000  }
0x1ce: {  	[sflag:s20] =	ssyncset.done $0x0  }
0x1cf: {  	s25 =	simm.s32 $0x3000;
	[sflag:s20] =	ssyncadd.s32 $0xFFFFE000  }
0x1d0: {  	[spmem:s2] =	stream.indirect.scatter.add.f32 [tilespmem:s0], [sflag:$0x7], $0x80, s25, s15, $0xb8;
	v63 =	vld [tilespmem:$0x0]  }
0x1d1: {  	s25 =	simm.s32 $0x2180  }
0x1d2: {  	[tilespmem:s23], [sflag:$0x6] =	stream.indirect.gather [hbm4b:s4+s15], $0x80, s25, s15, $0xb8;
	v63 =	vld [tilespmem:$0x0]  }
0x1d3: {  	_ =	swait.ge [sflag:s1], $0x2000  }
0x1d4: {  	[sflag:s1] =	ssyncset.done $0x0  }
0x1d5: {  	s25 =	simm.s32 $0x3080;
	[sflag:s1] =	ssyncadd.s32 $0xFFFFE000  }
0x1d6: {  	[spmem:s2] =	stream.indirect.scatter.add.f32 [tilespmem:s17], [sflag:$0x8], $0x80, s25, s15, $0xb8;
	v63 =	vld [tilespmem:$0x0]  }
0x1d7: {  	_ =	swait.ge [sflag:s13], $0x2000  }
0x1d8: {  	[sflag:s13] =	ssyncset.done $0x0  }
0x1d9: {  	s25 =	simm.s32 $0x2200;
	[sflag:s13] =	ssyncadd.s32 $0xFFFFE000  }
0x1da: {  	[tilespmem:s0], [sflag:$0x3] =	stream.indirect.gather [hbm4b:s4+s15], $0x80, s25, s15, $0xb8;
	v63 =	vld [tilespmem:$0x0]  }
0x1db: {  	_ =	swait.ge [sflag:s8], $0x2000  }
0x1dc: {  	[sflag:s8] =	ssyncset.done $0x0  }
0x1dd: {  	s25 =	simm.s32 $0x3100;
	[sflag:s8] =	ssyncadd.s32 $0xFFFFE000  }
0x1de: {  	[spmem:s2] =	stream.indirect.scatter.add.f32 [tilespmem:s19], [sflag:$0x9], $0x80, s25, s15, $0xb8;
	v63 =	vld [tilespmem:$0x0]  }
0x1df: {  	_ =	swait.ge [sflag:s10], $0x2000  }
0x1e0: {  	[sflag:s10] =	ssyncset.done $0x0  }
0x1e1: {  	s25 =	simm.s32 $0x2280;
	[sflag:s10] =	ssyncadd.s32 $0xFFFFE000  }
0x1e2: {  	[tilespmem:s17], [sflag:$0x4] =	stream.indirect.gather [hbm4b:s4+s15], $0x80, s25, s15, $0xb8;
	v63 =	vld [tilespmem:$0x0]  }
0x1e3: {  	_ =	swait.ge [sflag:s26], $0x2000  }
0x1e4: {  	[sflag:s26] =	ssyncset.done $0x0  }
0x1e5: {  	s25 =	simm.s32 $0x3180;
	[sflag:s26] =	ssyncadd.s32 $0xFFFFE000  }
0x1e6: {  	[spmem:s2] =	stream.indirect.scatter.add.f32 [tilespmem:s23], [sflag:$0xA], $0x80, s25, s15, $0xb8;
	v63 =	vld [tilespmem:$0x0]  }
0x1e7: {  	_ =	swait.ge [sflag:s29], $0x2000  }
0x1e8: {  	[sflag:s29] =	ssyncset.done $0x0  }
0x1e9: {  	s25 =	simm.s32 $0x2300;
	[sflag:s29] =	ssyncadd.s32 $0xFFFFE000  }
0x1ea: {  	[tilespmem:s19], [sflag:$0x5] =	stream.indirect.gather [hbm4b:s4+s15], $0x80, s25, s15, $0xb8;
	v63 =	vld [tilespmem:$0x0]  }
0x1eb: {  	_ =	swait.ge [sflag:s20], $0x2000  }
0x1ec: {  	[sflag:s20] =	ssyncset.done $0x0  }
0x1ed: {  	s25 =	simm.s32 $0x3200;
	[sflag:s20] =	ssyncadd.s32 $0xFFFFE000  }
0x1ee: {  	[spmem:s2] =	stream.indirect.scatter.add.f32 [tilespmem:s0], [sflag:$0x7], $0x80, s25, s15, $0xb8;
	v63 =	vld [tilespmem:$0x0]  }
0x1ef: {  	_ =	swait.ge [sflag:s7], $0x2000  }
0x1f0: {  	[sflag:s7] =	ssyncset.done $0x0  }
0x1f1: {  	s25 =	simm.s32 $0x2380;
	[sflag:s7] =	ssyncadd.s32 $0xFFFFE000  }
0x1f2: {  	[tilespmem:s23], [sflag:$0x6] =	stream.indirect.gather [hbm4b:s4+s15], $0x80, s25, s15, $0xb8;
	v63 =	vld [tilespmem:$0x0]  }
0x1f3: {  	_ =	swait.ge [sflag:s1], $0x2000  }
0x1f4: {  	[sflag:s1] =	ssyncset.done $0x0  }
0x1f5: {  	s25 =	simm.s32 $0x3280;
	[sflag:s1] =	ssyncadd.s32 $0xFFFFE000  }
0x1f6: {  	[spmem:s2] =	stream.indirect.scatter.add.f32 [tilespmem:s17], [sflag:$0x8], $0x80, s25, s15, $0xb8;
	v63 =	vld [tilespmem:$0x0]  }
0x1f7: {  	_ =	swait.ge [sflag:s13], $0x2000  }
0x1f8: {  	[sflag:s13] =	ssyncset.done $0x0  }
0x1f9: {  	s25 =	simm.s32 $0x2400;
	[sflag:s13] =	ssyncadd.s32 $0xFFFFE000  }
0x1fa: {  	[tilespmem:s0], [sflag:$0x3] =	stream.indirect.gather [hbm4b:s4+s15], $0x80, s25, s15, $0xb8;
	v63 =	vld [tilespmem:$0x0]  }
0x1fb: {  	_ =	swait.ge [sflag:s8], $0x2000  }
0x1fc: {  	[sflag:s8] =	ssyncset.done $0x0  }
0x1fd: {  	s25 =	simm.s32 $0x3300;
	[sflag:s8] =	ssyncadd.s32 $0xFFFFE000  }
0x1fe: {  	[spmem:s2] =	stream.indirect.scatter.add.f32 [tilespmem:s19], [sflag:$0x9], $0x80, s25, s15, $0xb8;
	v63 =	vld [tilespmem:$0x0]  }
0x1ff: {  	_ =	swait.ge [sflag:s10], $0x2000  }
0x200: {  	[sflag:s10] =	ssyncset.done $0x0  }
0x201: {  	s25 =	simm.s32 $0x2480;
	[sflag:s10] =	ssyncadd.s32 $0xFFFFE000  }
0x202: {  	[tilespmem:s17], [sflag:$0x4] =	stream.indirect.gather [hbm4b:s4+s15], $0x80, s25, s15, $0xb8;
	v63 =	vld [tilespmem:$0x0]  }
0x203: {  	_ =	swait.ge [sflag:s26], $0x2000  }
0x204: {  	[sflag:s26] =	ssyncset.done $0x0  }
0x205: {  	s25 =	simm.s32 $0x3380;
	[sflag:s26] =	ssyncadd.s32 $0xFFFFE000  }
0x206: {  	[spmem:s2] =	stream.indirect.scatter.add.f32 [tilespmem:s23], [sflag:$0xA], $0x80, s25, s15, $0xb8;
	v63 =	vld [tilespmem:$0x0]  }
0x207: {  	_ =	swait.ge [sflag:s29], $0x2000  }
0x208: {  	[sflag:s29] =	ssyncset.done $0x0  }
0x209: {  	s25 =	simm.s32 $0x2500;
	[sflag:s29] =	ssyncadd.s32 $0xFFFFE000  }
0x20a: {  	[tilespmem:s19], [sflag:$0x5] =	stream.indirect.gather [hbm4b:s4+s15], $0x80, s25, s15, $0xb8;
	v63 =	vld [tilespmem:$0x0]  }
0x20b: {  	_ =	swait.ge [sflag:s20], $0x2000  }
0x20c: {  	[sflag:s20] =	ssyncset.done $0x0  }
0x20d: {  	s25 =	simm.s32 $0x3400;
	[sflag:s20] =	ssyncadd.s32 $0xFFFFE000  }
0x20e: {  	[spmem:s2] =	stream.indirect.scatter.add.f32 [tilespmem:s0], [sflag:$0x7], $0x80, s25, s15, $0xb8;
	v63 =	vld [tilespmem:$0x0]  }
0x20f: {  	_ =	swait.ge [sflag:s7], $0x2000  }
0x210: {  	[sflag:s7] =	ssyncset.done $0x0  }
0x211: {  	s25 =	simm.s32 $0x2580;
	[sflag:s7] =	ssyncadd.s32 $0xFFFFE000  }
0x212: {  	[tilespmem:s23], [sflag:$0x6] =	stream.indirect.gather [hbm4b:s4+s15], $0x80, s25, s15, $0xb8;
	v63 =	vld [tilespmem:$0x0]  }
0x213: {  	_ =	swait.ge [sflag:s1], $0x2000  }
0x214: {  	[sflag:s1] =	ssyncset.done $0x0  }
0x215: {  	s25 =	simm.s32 $0x3480;
	[sflag:s1] =	ssyncadd.s32 $0xFFFFE000  }
0x216: {  	[spmem:s2] =	stream.indirect.scatter.add.f32 [tilespmem:s17], [sflag:$0x8], $0x80, s25, s15, $0xb8;
	v63 =	vld [tilespmem:$0x0]  }
0x217: {  	_ =	swait.ge [sflag:s13], $0x2000  }
0x218: {  	[sflag:s13] =	ssyncset.done $0x0  }
0x219: {  	s25 =	simm.s32 $0x2600;
	[sflag:s13] =	ssyncadd.s32 $0xFFFFE000  }
0x21a: {  	[tilespmem:s0], [sflag:$0x3] =	stream.indirect.gather [hbm4b:s4+s15], $0x80, s25, s15, $0xb8;
	v63 =	vld [tilespmem:$0x0]  }
0x21b: {  	_ =	swait.ge [sflag:s8], $0x2000  }
0x21c: {  	[sflag:s8] =	ssyncset.done $0x0  }
0x21d: {  	s25 =	simm.s32 $0x3500;
	[sflag:s8] =	ssyncadd.s32 $0xFFFFE000  }
0x21e: {  	[spmem:s2] =	stream.indirect.scatter.add.f32 [tilespmem:s19], [sflag:$0x9], $0x80, s25, s15, $0xb8;
	v63 =	vld [tilespmem:$0x0]  }
0x21f: {  	_ =	swait.ge [sflag:s10], $0x2000  }
0x220: {  	[sflag:s10] =	ssyncset.done $0x0  }
0x221: {  	s25 =	simm.s32 $0x2680;
	[sflag:s10] =	ssyncadd.s32 $0xFFFFE000  }
0x222: {  	[tilespmem:s17], [sflag:$0x4] =	stream.indirect.gather [hbm4b:s4+s15], $0x80, s25, s15, $0xb8;
	v63 =	vld [tilespmem:$0x0]  }
0x223: {  	_ =	swait.ge [sflag:s26], $0x2000  }
0x224: {  	[sflag:s26] =	ssyncset.done $0x0  }
0x225: {  	s25 =	simm.s32 $0x3580;
	[sflag:s26] =	ssyncadd.s32 $0xFFFFE000  }
0x226: {  	[spmem:s2] =	stream.indirect.scatter.add.f32 [tilespmem:s23], [sflag:$0xA], $0x80, s25, s15, $0xb8;
	v63 =	vld [tilespmem:$0x0]  }
0x227: {  	_ =	swait.ge [sflag:s29], $0x2000  }
0x228: {  	[sflag:s29] =	ssyncset.done $0x0  }
0x229: {  	s25 =	simm.s32 $0x2700;
	[sflag:s29] =	ssyncadd.s32 $0xFFFFE000  }
0x22a: {  	[tilespmem:s19], [sflag:$0x5] =	stream.indirect.gather [hbm4b:s4+s15], $0x80, s25, s15, $0xb8;
	v63 =	vld [tilespmem:$0x0]  }
0x22b: {  	_ =	swait.ge [sflag:s20], $0x2000  }
0x22c: {  	[sflag:s20] =	ssyncset.done $0x0  }
0x22d: {  	s25 =	simm.s32 $0x3600;
	[sflag:s20] =	ssyncadd.s32 $0xFFFFE000  }
0x22e: {  	[spmem:s2] =	stream.indirect.scatter.add.f32 [tilespmem:s0], [sflag:$0x7], $0x80, s25, s15, $0xb8;
	v63 =	vld [tilespmem:$0x0]  }
0x22f: {  	_ =	swait.ge [sflag:s7], $0x2000  }
0x230: {  	[sflag:s7] =	ssyncset.done $0x0  }
0x231: {  	s25 =	simm.s32 $0x2780;
	[sflag:s7] =	ssyncadd.s32 $0xFFFFE000  }
0x232: {  	[tilespmem:s23], [sflag:$0x6] =	stream.indirect.gather [hbm4b:s4+s15], $0x80, s25, s15, $0xb8;
	v63 =	vld [tilespmem:$0x0]  }
0x233: {  	_ =	swait.ge [sflag:s1], $0x2000  }
0x234: {  	[sflag:s1] =	ssyncset.done $0x0  }
0x235: {  	s25 =	simm.s32 $0x3680;
	[sflag:s1] =	ssyncadd.s32 $0xFFFFE000  }
0x236: {  	[spmem:s2] =	stream.indirect.scatter.add.f32 [tilespmem:s17], [sflag:$0x8], $0x80, s25, s15, $0xb8;
	v63 =	vld [tilespmem:$0x0]  }
0x237: {  	_ =	swait.ge [sflag:s13], $0x2000  }
0x238: {  	[sflag:s13] =	ssyncset.done $0x0  }
0x239: {  	s25 =	simm.s32 $0x2800;
	[sflag:s13] =	ssyncadd.s32 $0xFFFFE000  }
0x23a: {  	[tilespmem:s0], [sflag:$0x3] =	stream.indirect.gather [hbm4b:s4+s15], $0x80, s25, s15, $0xb8;
	v63 =	vld [tilespmem:$0x0]  }
0x23b: {  	_ =	swait.ge [sflag:s8], $0x2000  }
0x23c: {  	[sflag:s8] =	ssyncset.done $0x0  }
0x23d: {  	s25 =	simm.s32 $0x3700;
	[sflag:s8] =	ssyncadd.s32 $0xFFFFE000  }
0x23e: {  	[spmem:s2] =	stream.indirect.scatter.add.f32 [tilespmem:s19], [sflag:$0x9], $0x80, s25, s15, $0xb8;
	v63 =	vld [tilespmem:$0x0]  }
0x23f: {  	_ =	swait.ge [sflag:s10], $0x2000  }
0x240: {  	[sflag:s10] =	ssyncset.done $0x0  }
0x241: {  	s25 =	simm.s32 $0x2880;
	[sflag:s10] =	ssyncadd.s32 $0xFFFFE000  }
0x242: {  	[tilespmem:s17], [sflag:$0x4] =	stream.indirect.gather [hbm4b:s4+s15], $0x80, s25, s15, $0xb8;
	v63 =	vld [tilespmem:$0x0]  }
0x243: {  	_ =	swait.ge [sflag:s26], $0x2000  }
0x244: {  	[sflag:s26] =	ssyncset.done $0x0  }
0x245: {  	s25 =	simm.s32 $0x3780;
	[sflag:s26] =	ssyncadd.s32 $0xFFFFE000  }
0x246: {  	[spmem:s2] =	stream.indirect.scatter.add.f32 [tilespmem:s23], [sflag:$0xA], $0x80, s25, s15, $0xb8;
	v63 =	vld [tilespmem:$0x0]  }
0x247: {  	_ =	swait.ge [sflag:s29], $0x2000  }
0x248: {  	[sflag:s29] =	ssyncset.done $0x0  }
0x249: {  	s25 =	simm.s32 $0x2900;
	[sflag:s29] =	ssyncadd.s32 $0xFFFFE000  }
0x24a: {  	[tilespmem:s19], [sflag:$0x5] =	stream.indirect.gather [hbm4b:s4+s15], $0x80, s25, s15, $0xb8;
	v63 =	vld [tilespmem:$0x0]  }
0x24b: {  	_ =	swait.ge [sflag:s20], $0x2000  }
0x24c: {  	[sflag:s20] =	ssyncset.done $0x0  }
0x24d: {  	s25 =	simm.s32 $0x3800;
	[sflag:s20] =	ssyncadd.s32 $0xFFFFE000  }
0x24e: {  	[spmem:s2] =	stream.indirect.scatter.add.f32 [tilespmem:s0], [sflag:$0x7], $0x80, s25, s15, $0xb8;
	v63 =	vld [tilespmem:$0x0]  }
0x24f: {  	_ =	swait.ge [sflag:s7], $0x2000  }
0x250: {  	[sflag:s7] =	ssyncset.done $0x0  }
0x251: {  	s25 =	simm.s32 $0x2980;
	[sflag:s7] =	ssyncadd.s32 $0xFFFFE000  }
0x252: {  	[tilespmem:s23], [sflag:$0x6] =	stream.indirect.gather [hbm4b:s4+s15], $0x80, s25, s15, $0xb8;
	v63 =	vld [tilespmem:$0x0]  }
0x253: {  	_ =	swait.ge [sflag:s1], $0x2000  }
0x254: {  	[sflag:s1] =	ssyncset.done $0x0  }
0x255: {  	s25 =	simm.s32 $0x3880;
	[sflag:s1] =	ssyncadd.s32 $0xFFFFE000  }
0x256: {  	[spmem:s2] =	stream.indirect.scatter.add.f32 [tilespmem:s17], [sflag:$0x8], $0x80, s25, s15, $0xb8;
	v63 =	vld [tilespmem:$0x0]  }
0x257: {  	_ =	swait.ge [sflag:s13], $0x2000  }
0x258: {  	[sflag:s13] =	ssyncset.done $0x0  }
0x259: {  	s25 =	simm.s32 $0x2A00;
	[sflag:s13] =	ssyncadd.s32 $0xFFFFE000  }
0x25a: {  	[tilespmem:s0], [sflag:$0x3] =	stream.indirect.gather [hbm4b:s4+s15], $0x80, s25, s15, $0xb8;
	v63 =	vld [tilespmem:$0x0]  }
0x25b: {  	_ =	swait.ge [sflag:s8], $0x2000  }
0x25c: {  	[sflag:s8] =	ssyncset.done $0x0  }
0x25d: {  	s25 =	simm.s32 $0x3900;
	[sflag:s8] =	ssyncadd.s32 $0xFFFFE000  }
0x25e: {  	[spmem:s2] =	stream.indirect.scatter.add.f32 [tilespmem:s19], [sflag:$0x9], $0x80, s25, s15, $0xb8;
	v63 =	vld [tilespmem:$0x0]  }
0x25f: {  	_ =	swait.ge [sflag:s10], $0x2000  }
0x260: {  	[sflag:s10] =	ssyncset.done $0x0  }
0x261: {  	s25 =	simm.s32 $0x2A80;
	[sflag:s10] =	ssyncadd.s32 $0xFFFFE000  }
0x262: {  	[tilespmem:s17], [sflag:$0x4] =	stream.indirect.gather [hbm4b:s4+s15], $0x80, s25, s15, $0xb8;
	v63 =	vld [tilespmem:$0x0]  }
0x263: {  	_ =	swait.ge [sflag:s26], $0x2000  }
0x264: {  	[sflag:s26] =	ssyncset.done $0x0  }
0x265: {  	s25 =	simm.s32 $0x3980;
	[sflag:s26] =	ssyncadd.s32 $0xFFFFE000  }
0x266: {  	[spmem:s2] =	stream.indirect.scatter.add.f32 [tilespmem:s23], [sflag:$0xA], $0x80, s25, s15, $0xb8;
	v63 =	vld [tilespmem:$0x0]  }
0x267: {  	_ =	swait.ge [sflag:s29], $0x2000  }
0x268: {  	[sflag:s29] =	ssyncset.done $0x0  }
0x269: {  	s25 =	simm.s32 $0x2B00;
	[sflag:s29] =	ssyncadd.s32 $0xFFFFE000  }
0x26a: {  	[tilespmem:s19], [sflag:$0x5] =	stream.indirect.gather [hbm4b:s4+s15], $0x80, s25, s15, $0xb8;
	v63 =	vld [tilespmem:$0x0]  }
0x26b: {  	_ =	swait.ge [sflag:s20], $0x2000  }
0x26c: {  	[sflag:s20] =	ssyncset.done $0x0  }
0x26d: {  	s25 =	simm.s32 $0x3A00;
	[sflag:s20] =	ssyncadd.s32 $0xFFFFE000  }
0x26e: {  	[spmem:s2] =	stream.indirect.scatter.add.f32 [tilespmem:s0], [sflag:$0x7], $0x80, s25, s15, $0xb8;
	v63 =	vld [tilespmem:$0x0]  }
0x26f: {  	_ =	swait.ge [sflag:s7], $0x2000  }
0x270: {  	[sflag:s7] =	ssyncset.done $0x0  }
0x271: {  	s25 =	simm.s32 $0x2B80;
	[sflag:s7] =	ssyncadd.s32 $0xFFFFE000  }
0x272: {  	[tilespmem:s23], [sflag:$0x6] =	stream.indirect.gather [hbm4b:s4+s15], $0x80, s25, s15, $0xb8;
	v63 =	vld [tilespmem:$0x0]  }
0x273: {  	_ =	swait.ge [sflag:s1], $0x2000  }
0x274: {  	[sflag:s1] =	ssyncset.done $0x0  }
0x275: {  	s25 =	simm.s32 $0x3A80;
	[sflag:s1] =	ssyncadd.s32 $0xFFFFE000  }
0x276: {  	[spmem:s2] =	stream.indirect.scatter.add.f32 [tilespmem:s17], [sflag:$0x8], $0x80, s25, s15, $0xb8;
	v63 =	vld [tilespmem:$0x0]  }
0x277: {  	_ =	swait.ge [sflag:s13], $0x2000  }
0x278: {  	[sflag:s13] =	ssyncset.done $0x0  }
0x279: {  	s25 =	simm.s32 $0x2C00;
	[sflag:s13] =	ssyncadd.s32 $0xFFFFE000  }
0x27a: {  	[tilespmem:s0], [sflag:$0x3] =	stream.indirect.gather [hbm4b:s4+s15], $0x80, s25, s15, $0xb8;
	v63 =	vld [tilespmem:$0x0]  }
0x27b: {  	_ =	swait.ge [sflag:s8], $0x2000  }
0x27c: {  	[sflag:s8] =	ssyncset.done $0x0  }
0x27d: {  	s25 =	simm.s32 $0x3B00;
	[sflag:s8] =	ssyncadd.s32 $0xFFFFE000  }
0x27e: {  	[spmem:s2] =	stream.indirect.scatter.add.f32 [tilespmem:s19], [sflag:$0x9], $0x80, s25, s15, $0xb8;
	v63 =	vld [tilespmem:$0x0]  }
0x27f: {  	_ =	swait.ge [sflag:s10], $0x2000  }
0x280: {  	[sflag:s10] =	ssyncset.done $0x0  }
0x281: {  	s25 =	simm.s32 $0x2C80;
	[sflag:s10] =	ssyncadd.s32 $0xFFFFE000  }
0x282: {  	[tilespmem:s17], [sflag:$0x4] =	stream.indirect.gather [hbm4b:s4+s15], $0x80, s25, s15, $0xb8;
	v63 =	vld [tilespmem:$0x0]  }
0x283: {  	_ =	swait.ge [sflag:s26], $0x2000  }
0x284: {  	[sflag:s26] =	ssyncset.done $0x0  }
0x285: {  	s25 =	simm.s32 $0x3B80;
	[sflag:s26] =	ssyncadd.s32 $0xFFFFE000  }
0x286: {  	[spmem:s2] =	stream.indirect.scatter.add.f32 [tilespmem:s23], [sflag:$0xA], $0x80, s25, s15, $0xb8;
	v63 =	vld [tilespmem:$0x0]  }
0x287: {  	_ =	swait.ge [sflag:s29], $0x2000  }
0x288: {  	[sflag:s29] =	ssyncset.done $0x0  }
0x289: {  	s25 =	simm.s32 $0x2D00;
	[sflag:s29] =	ssyncadd.s32 $0xFFFFE000  }
0x28a: {  	[tilespmem:s19], [sflag:$0x5] =	stream.indirect.gather [hbm4b:s4+s15], $0x80, s25, s15, $0xb8;
	v63 =	vld [tilespmem:$0x0]  }
0x28b: {  	_ =	swait.ge [sflag:s20], $0x2000  }
0x28c: {  	[sflag:s20] =	ssyncset.done $0x0  }
0x28d: {  	s25 =	simm.s32 $0x3C00;
	[sflag:s20] =	ssyncadd.s32 $0xFFFFE000  }
0x28e: {  	[spmem:s2] =	stream.indirect.scatter.add.f32 [tilespmem:s0], [sflag:$0x7], $0x80, s25, s15, $0xb8;
	v63 =	vld [tilespmem:$0x0]  }
0x28f: {  	_ =	swait.ge [sflag:s7], $0x2000  }
0x290: {  	[sflag:s7] =	ssyncset.done $0x0  }
0x291: {  	s25 =	simm.s32 $0x2D80;
	[sflag:s7] =	ssyncadd.s32 $0xFFFFE000  }
0x292: {  	[tilespmem:s23], [sflag:$0x6] =	stream.indirect.gather [hbm4b:s4+s15], $0x80, s25, s15, $0xb8;
	v63 =	vld [tilespmem:$0x0]  }
0x293: {  	_ =	swait.ge [sflag:s1], $0x2000  }
0x294: {  	[sflag:s1] =	ssyncset.done $0x0  }
0x295: {  	s25 =	simm.s32 $0x3C80;
	[sflag:s1] =	ssyncadd.s32 $0xFFFFE000  }
0x296: {  	[spmem:s2] =	stream.indirect.scatter.add.f32 [tilespmem:s17], [sflag:$0x8], $0x80, s25, s15, $0xb8;
	v63 =	vld [tilespmem:$0x0]  }
0x297: {  	_ =	swait.ge [sflag:s13], $0x2000  }
0x298: {  	[sflag:s13] =	ssyncset.done $0x0  }
0x299: {  	s25 =	simm.s32 $0x2E00;
	[sflag:s13] =	ssyncadd.s32 $0xFFFFE000  }
0x29a: {  	[tilespmem:s0], [sflag:$0x3] =	stream.indirect.gather [hbm4b:s4+s15], $0x80, s25, s15, $0xb8;
	v63 =	vld [tilespmem:$0x0]  }
0x29b: {  	_ =	swait.ge [sflag:s8], $0x2000  }
0x29c: {  	[sflag:s8] =	ssyncset.done $0x0  }
0x29d: {  	s25 =	simm.s32 $0x3D00;
	[sflag:s8] =	ssyncadd.s32 $0xFFFFE000  }
0x29e: {  	[spmem:s2] =	stream.indirect.scatter.add.f32 [tilespmem:s19], [sflag:$0x9], $0x80, s25, s15, $0xb8;
	v63 =	vld [tilespmem:$0x0]  }
0x29f: {  	_ =	swait.ge [sflag:s10], $0x2000  }
0x2a0: {  	[sflag:s10] =	ssyncset.done $0x0  }
0x2a1: {  	s25 =	simm.s32 $0x2E80;
	[sflag:s10] =	ssyncadd.s32 $0xFFFFE000  }
0x2a2: {  	[tilespmem:s17], [sflag:$0x4] =	stream.indirect.gather [hbm4b:s4+s15], $0x80, s25, s15, $0xb8;
	v63 =	vld [tilespmem:$0x0]  }
0x2a3: {  	_ =	swait.ge [sflag:s26], $0x2000  }
0x2a4: {  	[sflag:s26] =	ssyncset.done $0x0  }
0x2a5: {  	s25 =	simm.s32 $0x3D80;
	[sflag:s26] =	ssyncadd.s32 $0xFFFFE000  }
0x2a6: {  	[spmem:s2] =	stream.indirect.scatter.add.f32 [tilespmem:s23], [sflag:$0xA], $0x80, s25, s15, $0xb8;
	v63 =	vld [tilespmem:$0x0]  }
0x2a7: {  	_ =	swait.ge [sflag:s29], $0x2000  }
0x2a8: {  	[sflag:s29] =	ssyncset.done $0x0  }
0x2a9: {  	s25 =	simm.s32 $0x2F00;
	[sflag:s29] =	ssyncadd.s32 $0xFFFFE000  }
0x2aa: {  	[tilespmem:s19], [sflag:$0x5] =	stream.indirect.gather [hbm4b:s4+s15], $0x80, s25, s15, $0xb8;
	v63 =	vld [tilespmem:$0x0]  }
0x2ab: {  	_ =	swait.ge [sflag:s20], $0x2000  }
0x2ac: {  	[sflag:s20] =	ssyncset.done $0x0  }
0x2ad: {  	s25 =	simm.s32 $0x3E00;
	[sflag:s20] =	ssyncadd.s32 $0xFFFFE000  }
0x2ae: {  	[spmem:s2] =	stream.indirect.scatter.add.f32 [tilespmem:s0], [sflag:$0x7], $0x80, s25, s15, $0xb8;
	v63 =	vld [tilespmem:$0x0]  }
0x2af: {  	_ =	swait.ge [sflag:s7], $0x2000  }
0x2b0: {  	[sflag:s7] =	ssyncset.done $0x0  }
0x2b1: {  	s25 =	simm.s32 $0x2F80;
	[sflag:s7] =	ssyncadd.s32 $0xFFFFE000  }
0x2b2: {  	[tilespmem:s23], [sflag:$0x6] =	stream.indirect.gather [hbm4b:s4+s15], $0x80, s25, s15, $0xb8;
	v63 =	vld [tilespmem:$0x0]  }
0x2b3: {  	_ =	swait.ge [sflag:s1], $0x2000  }
0x2b4: {  	[sflag:s1] =	ssyncset.done $0x0  }
0x2b5: {  	[sflag:s1] =	ssyncadd.s32 $0xFFFFE000  }
0x2b6: {  	[spmem:s2] =	stream.indirect.scatter.add.f32 [tilespmem:s17], [sflag:$0x8], $0x80, s30, s15, $0xb8;
	v63 =	vld [tilespmem:$0x0]  }
0x2b7: {  	_ =	swait.ge [sflag:s8], $0x2000  }
0x2b8: {  	[sflag:s8] =	ssyncset.done $0x0  }
0x2b9: {  	[sflag:s8] =	ssyncadd.s32 $0xFFFFE000  }
0x2ba: {  	[spmem:s2] =	stream.indirect.scatter.add.f32 [tilespmem:s19], [sflag:$0x9], $0x80, s31, s15, $0xb8;
	v63 =	vld [tilespmem:$0x0]  }
0x2bb: {  	_ =	swait.ge [sflag:s26], $0x2000  }
0x2bc: {  	[sflag:s26] =	ssyncset.done $0x0  }
0x2bd: {  	[sflag:s26] =	ssyncadd.s32 $0xFFFFE000  }
0x2be: {  	[spmem:s2] =	stream.indirect.scatter.add.f32 [tilespmem:s23], [sflag:$0xA], $0x80, s6, s15, $0xb8;
	v63 =	vld [tilespmem:$0x0]  }
0x2bf: {  	_ =	swait.ge [sflag:s13], $0x2000  }
0x2c0: {  	[sflag:s13] =	ssyncset.done $0x0  }
0x2c1: {  	[sflag:s13] =	ssyncadd.s32 $0xFFFFE000  }
0x2c2: {  	_ =	swait.ge [sflag:s10], $0x2000  }
0x2c3: {  	[sflag:s10] =	ssyncset.done $0x0  }
0x2c4: {  	[sflag:s10] =	ssyncadd.s32 $0xFFFFE000  }
0x2c5: {  	_ =	swait.ge [sflag:s29], $0x2000  }
.Ltmp2:
0x2c6: {  	[sflag:s29] =	ssyncset.done $0x0;
	(pc) =	sbr.rel @p0 .LBB2_4-.Ltmp2, $4  }
0x2c7: {  	[sflag:s29] =	ssyncadd.s32 $0xFFFFE000  }
0x2c8: {  	_ =	swait.ge [sflag:s7], $0x2000  }
0x2c9: {  	[sflag:s7] =	ssyncset.done $0x0  }
0x2ca: {  	[sflag:s7] =	ssyncadd.s32 $0xFFFFE000  }
.Ltmp3:
0x2cb: {  	(pc) =	sbr.rel .LBB2_2-.Ltmp3, $3  }
0x2cc: {  	_ =	sdelay $0x1  }
0x2cd: {  	s21 =	sadd.s32 s18, s24;
	s18 =	sadd.s32 $0x800, s18;
	s16 =	sadd.s32 $0x4000, s16  }
0x2ce: {  	[tilespmem:s14], [sflag:$0x2] =	stream.linear.gather [hbm4b:s21+s3], $0x2000, $0x38;
	v63 =	vld [tilespmem:$0x0]  }
.LBB2_5:
0x2cf: {  	_ =	sfence.sel $0x180000  }
0x2d0: {  	[bflag:$0x0] =	sbarrier.arrive $0xFFFF  }
0x2d1: {  	_ =	strace $0x9000004D  }
0x2d2: {  	s0 =	stileid.u32;
	[bflag:$0x2] =	sbarrier.arrive $0xFFFF  }
0x2d3: {  	p0 =	sne.s32 s0, $0x0;
	s0 =	rddreg [dreg:$0x2]  }
0x2d4: {  	s0 =	sadd.s32 @!p0 $0x100000, s0  }
0x2d5: {  	[sflag:s0] =	ssyncadd.tile.s32 @!p0 $0x1;
	_ =	shalt  }
.Lfunc_end2:
_tile_overlayer_lowered:
.L_overlay_start_2:
0x2d6: {  	(tag) =	ssettag $0x2  }
0x2d7: {  	s0 =	rddreg [dreg:$0x0];
	s2 =	stileid.u32  }
0x2d8: {  	s1 =	rddreg [dreg:$0x1];
	p0 =	sne.s32 s2, $0x0  }
0x2d9: {  	s3 =	rddreg [dreg:$0x2];
	[bflag:$0x3] =	sbarrier.arrive $0xFFFF;
	s2 =	simm.s32 @!p0 $0x1C0B  }
0x2da: {  	[timem:s3], [sflag:s2] =	dma.local @!p0 [hbm:s0], s1  }
0x2db: {  	s0 =	simm.s32 @!p0 $0xB  }
0x2dc: {  	_ =	swait.ge @!p0 [sflag:s0], s1  }
0x2dd: {  	s1 =	ssub.s32 @!p0 $0x0, s1;
	[sflag:s0] =	ssyncset.done @!p0 $0x0  }
0x2de: {  	[sflag:s0] =	ssyncadd.s32 @!p0 s1  }
0x2df: {  	[bflag:$0x3] =	sbarrier.arrive $0xFFFF  }
0x2e0: {  	_ =	shalt  }

</sc_bundles>
